<compile_context>
chip_gen: v7x
topology: tpu7x:2x2x1
jax: 0.10.2.dev20260603
libtpu: 0.0.44.dev20260713+nightly
codegen_flags: <defaults>
</compile_context>

<pallas_src>
import jax
import jax.numpy as jnp
from jax import lax
from jax.experimental import pallas as pl
from jax.experimental.pallas import tpu as pltpu
from jax.experimental.pallas import tpu_sc as plsc

NC = 2
NS = 16
L = 16
HG = 8
NW = NC * NS

BATCH = 16384
EMBED_K = 16
TILE_N = 128
B_PER_W = BATCH // NW
N_HG = B_PER_W // HG
N_PAIRS = N_HG // 2


def _sc_body(uix_hbm, vix_hbm, wt_hbm, ht_hbm, out_hbm,
             uidx_v, vidx_v, wblk_a, hblk_a, wblk_b, hblk_b, out_v,
             sem_a, sem_b):
    wid = lax.axis_index("s") * NC + lax.axis_index("c")
    base = wid * B_PER_W

    pltpu.sync_copy(uix_hbm.at[pl.ds(base, B_PER_W)], uidx_v.at[pl.ds(0, B_PER_W)])
    pltpu.sync_copy(vix_hbm.at[pl.ds(base, B_PER_W)], vidx_v.at[pl.ds(0, B_PER_W)])

    iota = lax.iota(jnp.int32, L)
    lidx = lax.rem(iota, jnp.full((L,), HG, jnp.int32))
    lane_ok = iota < jnp.full((L,), HG, jnp.int32)
    c128 = jnp.full((L,), TILE_N, jnp.int32)

    def fire(g, wblk, hblk, sem):
        uvec = uidx_v[pl.ds(g * HG, L)]
        vvec = vidx_v[pl.ds(g * HG, L)]
        for l in range(HG):
            ub = pl.multiple_of((uvec[l] // TILE_N) * TILE_N, TILE_N)
            vb = pl.multiple_of((vvec[l] // TILE_N) * TILE_N, TILE_N)
            pltpu.async_copy(wt_hbm.at[:, pl.ds(ub, TILE_N)], wblk.at[l], sem)
            pltpu.async_copy(ht_hbm.at[:, pl.ds(vb, TILE_N)], hblk.at[l], sem)

    def drain(wblk, hblk, sem):
        for l in range(HG):
            pltpu.make_async_copy(wt_hbm.at[:, pl.ds(0, TILE_N)], wblk.at[l], sem).wait()
            pltpu.make_async_copy(ht_hbm.at[:, pl.ds(0, TILE_N)], hblk.at[l], sem).wait()

    def compute(g, wblk, hblk):
        uvec = uidx_v[pl.ds(g * HG, L)]
        vvec = vidx_v[pl.ds(g * HG, L)]
        uu = lax.rem(uvec, c128)
        vv = lax.rem(vvec, c128)
        acc = jnp.zeros((L,), jnp.float32)
        for k in range(EMBED_K):
            kf = jnp.full((L,), k, jnp.int32)
            wk = plsc.load_gather(wblk, [lidx, kf, uu])
            hk = plsc.load_gather(hblk, [lidx, kf, vv])
            acc = acc + wk * hk
        sig = 1.0 / (1.0 + jnp.exp(-acc))
        pos = jnp.full((L,), g * HG, jnp.int32) + iota
        plsc.store_scatter(out_v, [pos], sig, mask=lane_ok)

    fire(0, wblk_a, hblk_a, sem_a)

    def pair(i, _):
        ga = 2 * i
        gb = 2 * i + 1
        fire(gb, wblk_b, hblk_b, sem_b)
        drain(wblk_a, hblk_a, sem_a)
        compute(ga, wblk_a, hblk_a)

        @pl.when(i < N_PAIRS - 1)
        def _():
            fire(gb + 1, wblk_a, hblk_a, sem_a)

        drain(wblk_b, hblk_b, sem_b)
        compute(gb, wblk_b, hblk_b)
        return _

    lax.fori_loop(0, N_PAIRS, pair, None)

    pltpu.sync_copy(out_v, out_hbm.at[pl.ds(base, B_PER_W)])


@jax.jit
def kernel(x, W, H):
    u_idx = x[:, 0].astype(jnp.int32)
    v_idx = x[:, 1].astype(jnp.int32)
    mesh = plsc.VectorSubcoreMesh(core_axis_name="c", subcore_axis_name="s")
    blk = pltpu.VMEM((HG, EMBED_K, TILE_N), jnp.float32)
    run = pl.kernel(
        _sc_body,
        out_type=jax.ShapeDtypeStruct((BATCH,), jnp.float32),
        mesh=mesh,
        compiler_params=pltpu.CompilerParams(
            use_tc_tiling_on_sc=True, needs_layout_passes=False),
        scratch_types=[
            pltpu.VMEM((B_PER_W + L,), jnp.int32),
            pltpu.VMEM((B_PER_W + L,), jnp.int32),
            blk, blk, blk, blk,
            pltpu.VMEM((B_PER_W,), jnp.float32),
            pltpu.SemaphoreType.DMA,
            pltpu.SemaphoreType.DMA,
        ],
    )
    return run(u_idx, v_idx, W.T, H.T)

# --- scband reference (transcript-rebuilt; emitter-appended) ---
"""Pipeline reference for scband-mf-n-dr-jl-7808250544654 (READ-ONLY COPY).

The authoritative reference and input builder live on the scoring server;
editing this copy changes nothing except your own understanding.
"""

import jax, jax.numpy as jnp
import numpy as np

NUM_USERS = 1000000
NUM_ITEMS = 1000000
EMBED_K = 16
BATCH = 16384

def setup_inputs(seed: int = 0) -> dict:
    key = jax.random.key(seed)
    k1, k2, k3 = jax.random.split(key, 3)
    x = jax.random.randint(k1, (BATCH, 2), 0, NUM_USERS, dtype=jnp.int64) if jax.config.jax_enable_x64 else jax.random.randint(k1, (BATCH, 2), 0, NUM_USERS, dtype=jnp.int32)
    # Embedding tables of the prediction model (torch.nn.Embedding default init ~ N(0,1))
    W = jax.random.normal(k2, (NUM_USERS, EMBED_K), dtype=jnp.float32)
    H = jax.random.normal(k3, (NUM_ITEMS, EMBED_K), dtype=jnp.float32)
    return {"x": x, "W": W, "H": H}

def reference(x, W, H):
    # MF_N_DR_JL inference path == prediction_model (MF_BaseModel) forward:
    #   U_emb = W[user_idx]; V_emb = H[item_idx]
    #   out = sigmoid(sum(U_emb * V_emb, axis=1))
    user_idx = x[:, 0]
    item_idx = x[:, 1]
    U_emb = jnp.take(W, user_idx, axis=0)
    V_emb = jnp.take(H, item_idx, axis=0)
    out = jax.nn.sigmoid(jnp.sum(U_emb * V_emb, axis=1))
    return out

if __name__ == "__main__":
    import jax
    _d = setup_inputs()
    print(jax.jit(kernel)(*tuple(_d.values())))

</pallas_src>

<mosaic_0001>
#map = affine_map<(d0, d1) -> (0)>
#map1 = affine_map<(d0, d1) -> (0, 0)>
module attributes {stable_mosaic.version = 14 : i64} {
  func.func @_sc_body(%arg0: i32, %arg1: i32, %arg2: memref<16384xi32, #tpu.memory_space<hbm>>, %arg3: memref<16384xi32, #tpu.memory_space<hbm>>, %arg4: memref<16x1000000xf32, #tpu.memory_space<hbm>>, %arg5: memref<16x1000000xf32, #tpu.memory_space<hbm>>, %arg6: memref<16384xf32, #tpu.memory_space<hbm>>, %arg7: memref<528xi32, #tpu.memory_space<vmem>>, %arg8: memref<528xi32, #tpu.memory_space<vmem>>, %arg9: memref<8x16x128xf32, #tpu.memory_space<vmem>>, %arg10: memref<8x16x128xf32, #tpu.memory_space<vmem>>, %arg11: memref<8x16x128xf32, #tpu.memory_space<vmem>>, %arg12: memref<8x16x128xf32, #tpu.memory_space<vmem>>, %arg13: memref<512xf32, #tpu.memory_space<vmem>>, %arg14: memref<!tpu.dma_semaphore, #tpu.memory_space<semaphore_mem>>, %arg15: memref<!tpu.dma_semaphore, #tpu.memory_space<semaphore_mem>>) attributes {dimension_semantics = [#tpu.dimension_semantics<core_parallel>, #tpu.dimension_semantics<subcore_parallel>], iteration_bounds = array<i64: 2, 16>, scalar_prefetch = 0 : i64, scratch_operands = 9 : i64, tpu.core_type = #tpu.core_type<sc_vector_subcore>, window_params = [{transform_indices = #map}, {transform_indices = #map}, {transform_indices = #map1}, {transform_indices = #map1}, {transform_indices = #map}]} {
    %mul3A = arith.constant 2 : i32
    %mul3A_0 = arith.muli %arg1, %mul3A : i32
    %add3A = arith.addi %mul3A_0, %arg0 : i32
    %mul3A_1 = arith.constant 512 : i32
    %mul3A_2 = arith.muli %add3A, %mul3A_1 : i32
    "tpu.region"() ({
      %run_scoped3A = tpu.sem_alloc : memref<!tpu.dma_semaphore, #tpu.memory_space<semaphore_mem>>
      %dma_start3A_676 = arith.constant 0 : i32
      %dma_start3A_677 = tpu.memref_slice %arg7[%dma_start3A_676] : memref<528xi32, #tpu.memory_space<vmem>> -> memref<512xi32, #tpu.memory_space<vmem>>
      %dma_start3A_678 = tpu.memref_slice %arg2[%mul3A_2] : memref<16384xi32, #tpu.memory_space<hbm>> -> memref<512xi32, #tpu.memory_space<hbm>>
      %dma_start3A_679 = arith.constant 0 : i32
      %dma_start3A_680 = tpu.memref_slice %arg7[%dma_start3A_679] : memref<528xi32, #tpu.memory_space<vmem>> -> memref<512xi32, #tpu.memory_space<vmem>>
      %dma_start3A_681 = tpu.memref_slice %arg2[%mul3A_2] : memref<16384xi32, #tpu.memory_space<hbm>> -> memref<512xi32, #tpu.memory_space<hbm>>
      tpu.enqueue_dma source(%dma_start3A_681 : memref<512xi32, #tpu.memory_space<hbm>>) target(%dma_start3A_680 : memref<512xi32, #tpu.memory_space<vmem>>) target_semaphore(%run_scoped3A : memref<!tpu.dma_semaphore, #tpu.memory_space<semaphore_mem>>)
      %dma_wait3A = arith.constant 0 : i32
      %dma_wait3A_682 = tpu.memref_slice %arg7[%dma_wait3A] : memref<528xi32, #tpu.memory_space<vmem>> -> memref<512xi32, #tpu.memory_space<vmem>>
      %dma_wait3A_683 = tpu.memref_slice %arg2[%mul3A_2] : memref<16384xi32, #tpu.memory_space<hbm>> -> memref<512xi32, #tpu.memory_space<hbm>>
      %dma_wait3A_684 = arith.constant 0 : i32
      %dma_wait3A_685 = tpu.memref_slice %arg7[%dma_wait3A_684] : memref<528xi32, #tpu.memory_space<vmem>> -> memref<512xi32, #tpu.memory_space<vmem>>
      %dma_wait3A_686 = tpu.memref_slice %arg2[%mul3A_2] : memref<16384xi32, #tpu.memory_space<hbm>> -> memref<512xi32, #tpu.memory_space<hbm>>
      tpu.wait_dma2 semaphore(%run_scoped3A : memref<!tpu.dma_semaphore, #tpu.memory_space<semaphore_mem>>) src(%dma_wait3A_686 : memref<512xi32, #tpu.memory_space<hbm>>) dst(%dma_wait3A_685 : memref<512xi32, #tpu.memory_space<vmem>>)
      tpu.yield
    }) : () -> ()
    "tpu.region"() ({
      %run_scoped3A = tpu.sem_alloc : memref<!tpu.dma_semaphore, #tpu.memory_space<semaphore_mem>>
      %dma_start3A_676 = arith.constant 0 : i32
      %dma_start3A_677 = tpu.memref_slice %arg8[%dma_start3A_676] : memref<528xi32, #tpu.memory_space<vmem>> -> memref<512xi32, #tpu.memory_space<vmem>>
      %dma_start3A_678 = tpu.memref_slice %arg3[%mul3A_2] : memref<16384xi32, #tpu.memory_space<hbm>> -> memref<512xi32, #tpu.memory_space<hbm>>
      %dma_start3A_679 = arith.constant 0 : i32
      %dma_start3A_680 = tpu.memref_slice %arg8[%dma_start3A_679] : memref<528xi32, #tpu.memory_space<vmem>> -> memref<512xi32, #tpu.memory_space<vmem>>
      %dma_start3A_681 = tpu.memref_slice %arg3[%mul3A_2] : memref<16384xi32, #tpu.memory_space<hbm>> -> memref<512xi32, #tpu.memory_space<hbm>>
      tpu.enqueue_dma source(%dma_start3A_681 : memref<512xi32, #tpu.memory_space<hbm>>) target(%dma_start3A_680 : memref<512xi32, #tpu.memory_space<vmem>>) target_semaphore(%run_scoped3A : memref<!tpu.dma_semaphore, #tpu.memory_space<semaphore_mem>>)
      %dma_wait3A = arith.constant 0 : i32
      %dma_wait3A_682 = tpu.memref_slice %arg8[%dma_wait3A] : memref<528xi32, #tpu.memory_space<vmem>> -> memref<512xi32, #tpu.memory_space<vmem>>
      %dma_wait3A_683 = tpu.memref_slice %arg3[%mul3A_2] : memref<16384xi32, #tpu.memory_space<hbm>> -> memref<512xi32, #tpu.memory_space<hbm>>
      %dma_wait3A_684 = arith.constant 0 : i32
      %dma_wait3A_685 = tpu.memref_slice %arg8[%dma_wait3A_684] : memref<528xi32, #tpu.memory_space<vmem>> -> memref<512xi32, #tpu.memory_space<vmem>>
      %dma_wait3A_686 = tpu.memref_slice %arg3[%mul3A_2] : memref<16384xi32, #tpu.memory_space<hbm>> -> memref<512xi32, #tpu.memory_space<hbm>>
      tpu.wait_dma2 semaphore(%run_scoped3A : memref<!tpu.dma_semaphore, #tpu.memory_space<semaphore_mem>>) src(%dma_wait3A_686 : memref<512xi32, #tpu.memory_space<hbm>>) dst(%dma_wait3A_685 : memref<512xi32, #tpu.memory_space<vmem>>)
      tpu.yield
    }) : () -> ()
    %iota3A = tpu.iota {dimensions = array<i32: 0>} : vector<16xi32>
    %broadcast_in_dim3A = arith.constant 8 : i32
    %broadcast_in_dim3A_3 = vector.broadcast %broadcast_in_dim3A : i32 to vector<16xi32>
    %rem3A = arith.remsi %iota3A, %broadcast_in_dim3A_3 : vector<16xi32>
    %broadcast_in_dim3A_4 = arith.constant 8 : i32
    %broadcast_in_dim3A_5 = vector.broadcast %broadcast_in_dim3A_4 : i32 to vector<16xi32>
    %lt3A = arith.cmpi slt, %iota3A, %broadcast_in_dim3A_5 : vector<16xi32>
    %broadcast_in_dim3A_6 = arith.constant 128 : i32
    %broadcast_in_dim3A_7 = vector.broadcast %broadcast_in_dim3A_6 : i32 to vector<16xi32>
    %get3A = arith.constant 0 : index
    %get3A_8 = tpu.vector_load %arg7[%get3A] {strides = array<i32>} : memref<528xi32, #tpu.memory_space<vmem>>, vector<16xi32>,
    %get3A_9 = arith.constant 0 : index
    %get3A_10 = tpu.vector_load %arg8[%get3A_9] {strides = array<i32>} : memref<528xi32, #tpu.memory_space<vmem>>, vector<16xi32>,
    %slice3A = vector.extract_strided_slice %get3A_8 {offsets = [0], sizes = [1], strides = [1]} : vector<16xi32> to vector<1xi32>
    %squeeze3A = vector.extract %slice3A[0] : i32 from vector<1xi32>
    %jit3A = arith.constant 128 : i32
    %div3A = arith.divsi %squeeze3A, %jit3A : i32
    %sign3A = arith.constant 0 : i32
    %sign3A_11 = arith.cmpi sgt, %squeeze3A, %sign3A : i32
    %sign3A_12 = arith.extui %sign3A_11 : i1 to i32
    %sign3A_13 = arith.constant 0 : i32
    %sign3A_14 = arith.cmpi slt, %squeeze3A, %sign3A_13 : i32
    %sign3A_15 = arith.extui %sign3A_14 : i1 to i32
    %sign3A_16 = arith.subi %sign3A_12, %sign3A_15 : i32
    %sign3A_17 = arith.constant 0 : i32
    %sign3A_18 = arith.cmpi sgt, %jit3A, %sign3A_17 : i32
    %sign3A_19 = arith.extui %sign3A_18 : i1 to i32
    %sign3A_20 = arith.constant 0 : i32
    %sign3A_21 = arith.cmpi slt, %jit3A, %sign3A_20 : i32
    %sign3A_22 = arith.extui %sign3A_21 : i1 to i32
    %sign3A_23 = arith.subi %sign3A_19, %sign3A_22 : i32
    %ne3A = arith.cmpi ne, %sign3A_16, %sign3A_23 : i32
    %rem3A_24 = arith.remsi %squeeze3A, %jit3A : i32
    %ne3A_25 = arith.constant 0 : i32
    %ne3A_26 = arith.cmpi ne, %rem3A_24, %ne3A_25 : i32
    %and3A = arith.andi %ne3A, %ne3A_26 : i1
    %sub3A = arith.constant 1 : i32
    %sub3A_27 = arith.subi %div3A, %sub3A : i32
    %select_n3A = arith.select %and3A, %sub3A_27, %div3A : i32
    %mul3A_28 = arith.constant 128 : i32
    %mul3A_29 = arith.muli %select_n3A, %mul3A_28 : i32
    %multiple_of3A = tpu.assume_multiple %mul3A_29, 128 : i32
    %slice3A_30 = vector.extract_strided_slice %get3A_10 {offsets = [0], sizes = [1], strides = [1]} : vector<16xi32> to vector<1xi32>
    %squeeze3A_31 = vector.extract %slice3A_30[0] : i32 from vector<1xi32>
    %jit3A_32 = arith.constant 128 : i32
    %div3A_33 = arith.divsi %squeeze3A_31, %jit3A_32 : i32
    %sign3A_34 = arith.constant 0 : i32
    %sign3A_35 = arith.cmpi sgt, %squeeze3A_31, %sign3A_34 : i32
    %sign3A_36 = arith.extui %sign3A_35 : i1 to i32
    %sign3A_37 = arith.constant 0 : i32
    %sign3A_38 = arith.cmpi slt, %squeeze3A_31, %sign3A_37 : i32
    %sign3A_39 = arith.extui %sign3A_38 : i1 to i32
    %sign3A_40 = arith.subi %sign3A_36, %sign3A_39 : i32
    %sign3A_41 = arith.constant 0 : i32
    %sign3A_42 = arith.cmpi sgt, %jit3A_32, %sign3A_41 : i32
    %sign3A_43 = arith.extui %sign3A_42 : i1 to i32
    %sign3A_44 = arith.constant 0 : i32
    %sign3A_45 = arith.cmpi slt, %jit3A_32, %sign3A_44 : i32
    %sign3A_46 = arith.extui %sign3A_45 : i1 to i32
    %sign3A_47 = arith.subi %sign3A_43, %sign3A_46 : i32
    %ne3A_48 = arith.cmpi ne, %sign3A_40, %sign3A_47 : i32
    %rem3A_49 = arith.remsi %squeeze3A_31, %jit3A_32 : i32
    %ne3A_50 = arith.constant 0 : i32
    %ne3A_51 = arith.cmpi ne, %rem3A_49, %ne3A_50 : i32
    %and3A_52 = arith.andi %ne3A_48, %ne3A_51 : i1
    %sub3A_53 = arith.constant 1 : i32
    %sub3A_54 = arith.subi %div3A_33, %sub3A_53 : i32
    %select_n3A_55 = arith.select %and3A_52, %sub3A_54, %div3A_33 : i32
    %mul3A_56 = arith.constant 128 : i32
    %mul3A_57 = arith.muli %select_n3A_55, %mul3A_56 : i32
    %multiple_of3A_58 = tpu.assume_multiple %mul3A_57, 128 : i32
    %dma_start3A = arith.constant 0 : i32
    %dma_start3A_59 = arith.constant 0 : i32
    %dma_start3A_60 = arith.constant 0 : i32
    %dma_start3A_61 = tpu.memref_slice %arg9[%dma_start3A, %dma_start3A_59, %dma_start3A_60] : memref<8x16x128xf32, #tpu.memory_space<vmem>> -> memref<1x16x128xf32, #tpu.memory_space<vmem>>
    %dma_start3A_62 = tpu.memref_squeeze %dma_start3A_61 : memref<1x16x128xf32, #tpu.memory_space<vmem>> -> memref<16x128xf32, #tpu.memory_space<vmem>>
    %dma_start3A_63 = arith.constant 0 : i32
    %dma_start3A_64 = tpu.memref_slice %arg4[%dma_start3A_63, %multiple_of3A] : memref<16x1000000xf32, #tpu.memory_space<hbm>> -> memref<16x128xf32, #tpu.memory_space<hbm>>
    %dma_start3A_65 = arith.constant 0 : i32
    %dma_start3A_66 = arith.constant 0 : i32
    %dma_start3A_67 = tpu.memref_slice %arg9[%dma_start3A, %dma_start3A_65, %dma_start3A_66] : memref<8x16x128xf32, #tpu.memory_space<vmem>> -> memref<1x16x128xf32, #tpu.memory_space<vmem>>
    %dma_start3A_68 = tpu.memref_squeeze %dma_start3A_67 : memref<1x16x128xf32, #tpu.memory_space<vmem>> -> memref<16x128xf32, #tpu.memory_space<vmem>>
    %dma_start3A_69 = arith.constant 0 : i32
    %dma_start3A_70 = tpu.memref_slice %arg4[%dma_start3A_69, %multiple_of3A] : memref<16x1000000xf32, #tpu.memory_space<hbm>> -> memref<16x128xf32, #tpu.memory_space<hbm>>
    tpu.enqueue_dma source(%dma_start3A_70 : memref<16x128xf32, #tpu.memory_space<hbm>>) target(%dma_start3A_68 : memref<16x128xf32, #tpu.memory_space<vmem>>) target_semaphore(%arg14 : memref<!tpu.dma_semaphore, #tpu.memory_space<semaphore_mem>>)
    %dma_start3A_71 = arith.constant 0 : i32
    %dma_start3A_72 = arith.constant 0 : i32
    %dma_start3A_73 = arith.constant 0 : i32
    %dma_start3A_74 = tpu.memref_slice %arg10[%dma_start3A_71, %dma_start3A_72, %dma_start3A_73] : memref<8x16x128xf32, #tpu.memory_space<vmem>> -> memref<1x16x128xf32, #tpu.memory_space<vmem>>
    %dma_start3A_75 = tpu.memref_squeeze %dma_start3A_74 : memref<1x16x128xf32, #tpu.memory_space<vmem>> -> memref<16x128xf32, #tpu.memory_space<vmem>>
    %dma_start3A_76 = arith.constant 0 : i32
    %dma_start3A_77 = tpu.memref_slice %arg5[%dma_start3A_76, %multiple_of3A_58] : memref<16x1000000xf32, #tpu.memory_space<hbm>> -> memref<16x128xf32, #tpu.memory_space<hbm>>
    %dma_start3A_78 = arith.constant 0 : i32
    %dma_start3A_79 = arith.constant 0 : i32
    %dma_start3A_80 = tpu.memref_slice %arg10[%dma_start3A_71, %dma_start3A_78, %dma_start3A_79] : memref<8x16x128xf32, #tpu.memory_space<vmem>> -> memref<1x16x128xf32, #tpu.memory_space<vmem>>
    %dma_start3A_81 = tpu.memref_squeeze %dma_start3A_80 : memref<1x16x128xf32, #tpu.memory_space<vmem>> -> memref<16x128xf32, #tpu.memory_space<vmem>>
    %dma_start3A_82 = arith.constant 0 : i32
    %dma_start3A_83 = tpu.memref_slice %arg5[%dma_start3A_82, %multiple_of3A_58] : memref<16x1000000xf32, #tpu.memory_space<hbm>> -> memref<16x128xf32, #tpu.memory_space<hbm>>
    tpu.enqueue_dma source(%dma_start3A_83 : memref<16x128xf32, #tpu.memory_space<hbm>>) target(%dma_start3A_81 : memref<16x128xf32, #tpu.memory_space<vmem>>) target_semaphore(%arg14 : memref<!tpu.dma_semaphore, #tpu.memory_space<semaphore_mem>>)
    %slice3A_84 = vector.extract_strided_slice %get3A_8 {offsets = [1], sizes = [1], strides = [1]} : vector<16xi32> to vector<1xi32>
    %squeeze3A_85 = vector.extract %slice3A_84[0] : i32 from vector<1xi32>
    %jit3A_86 = arith.constant 128 : i32
    %div3A_87 = arith.divsi %squeeze3A_85, %jit3A_86 : i32
    %sign3A_88 = arith.constant 0 : i32
    %sign3A_89 = arith.cmpi sgt, %squeeze3A_85, %sign3A_88 : i32
    %sign3A_90 = arith.extui %sign3A_89 : i1 to i32
    %sign3A_91 = arith.constant 0 : i32
    %sign3A_92 = arith.cmpi slt, %squeeze3A_85, %sign3A_91 : i32
    %sign3A_93 = arith.extui %sign3A_92 : i1 to i32
    %sign3A_94 = arith.subi %sign3A_90, %sign3A_93 : i32
    %sign3A_95 = arith.constant 0 : i32
    %sign3A_96 = arith.cmpi sgt, %jit3A_86, %sign3A_95 : i32
    %sign3A_97 = arith.extui %sign3A_96 : i1 to i32
    %sign3A_98 = arith.constant 0 : i32
    %sign3A_99 = arith.cmpi slt, %jit3A_86, %sign3A_98 : i32
    %sign3A_100 = arith.extui %sign3A_99 : i1 to i32
    %sign3A_101 = arith.subi %sign3A_97, %sign3A_100 : i32
    %ne3A_102 = arith.cmpi ne, %sign3A_94, %sign3A_101 : i32
    %rem3A_103 = arith.remsi %squeeze3A_85, %jit3A_86 : i32
    %ne3A_104 = arith.constant 0 : i32
    %ne3A_105 = arith.cmpi ne, %rem3A_103, %ne3A_104 : i32
    %and3A_106 = arith.andi %ne3A_102, %ne3A_105 : i1
    %sub3A_107 = arith.constant 1 : i32
    %sub3A_108 = arith.subi %div3A_87, %sub3A_107 : i32
    %select_n3A_109 = arith.select %and3A_106, %sub3A_108, %div3A_87 : i32
    %mul3A_110 = arith.constant 128 : i32
    %mul3A_111 = arith.muli %select_n3A_109, %mul3A_110 : i32
    %multiple_of3A_112 = tpu.assume_multiple %mul3A_111, 128 : i32
    %slice3A_113 = vector.extract_strided_slice %get3A_10 {offsets = [1], sizes = [1], strides = [1]} : vector<16xi32> to vector<1xi32>
    %squeeze3A_114 = vector.extract %slice3A_113[0] : i32 from vector<1xi32>
    %jit3A_115 = arith.constant 128 : i32
    %div3A_116 = arith.divsi %squeeze3A_114, %jit3A_115 : i32
    %sign3A_117 = arith.constant 0 : i32
    %sign3A_118 = arith.cmpi sgt, %squeeze3A_114, %sign3A_117 : i32
    %sign3A_119 = arith.extui %sign3A_118 : i1 to i32
    %sign3A_120 = arith.constant 0 : i32
    %sign3A_121 = arith.cmpi slt, %squeeze3A_114, %sign3A_120 : i32
    %sign3A_122 = arith.extui %sign3A_121 : i1 to i32
    %sign3A_123 = arith.subi %sign3A_119, %sign3A_122 : i32
    %sign3A_124 = arith.constant 0 : i32
    %sign3A_125 = arith.cmpi sgt, %jit3A_115, %sign3A_124 : i32
    %sign3A_126 = arith.extui %sign3A_125 : i1 to i32
    %sign3A_127 = arith.constant 0 : i32
    %sign3A_128 = arith.cmpi slt, %jit3A_115, %sign3A_127 : i32
    %sign3A_129 = arith.extui %sign3A_128 : i1 to i32
    %sign3A_130 = arith.subi %sign3A_126, %sign3A_129 : i32
    %ne3A_131 = arith.cmpi ne, %sign3A_123, %sign3A_130 : i32
    %rem3A_132 = arith.remsi %squeeze3A_114, %jit3A_115 : i32
    %ne3A_133 = arith.constant 0 : i32
    %ne3A_134 = arith.cmpi ne, %rem3A_132, %ne3A_133 : i32
    %and3A_135 = arith.andi %ne3A_131, %ne3A_134 : i1
    %sub3A_136 = arith.constant 1 : i32
    %sub3A_137 = arith.subi %div3A_116, %sub3A_136 : i32
    %select_n3A_138 = arith.select %and3A_135, %sub3A_137, %div3A_116 : i32
    %mul3A_139 = arith.constant 128 : i32
    %mul3A_140 = arith.muli %select_n3A_138, %mul3A_139 : i32
    %multiple_of3A_141 = tpu.assume_multiple %mul3A_140, 128 : i32
    %dma_start3A_142 = arith.constant 1 : i32
    %dma_start3A_143 = arith.constant 0 : i32
    %dma_start3A_144 = arith.constant 0 : i32
    %dma_start3A_145 = tpu.memref_slice %arg9[%dma_start3A_142, %dma_start3A_143, %dma_start3A_144] : memref<8x16x128xf32, #tpu.memory_space<vmem>> -> memref<1x16x128xf32, #tpu.memory_space<vmem>>
    %dma_start3A_146 = tpu.memref_squeeze %dma_start3A_145 : memref<1x16x128xf32, #tpu.memory_space<vmem>> -> memref<16x128xf32, #tpu.memory_space<vmem>>
    %dma_start3A_147 = arith.constant 0 : i32
    %dma_start3A_148 = tpu.memref_slice %arg4[%dma_start3A_147, %multiple_of3A_112] : memref<16x1000000xf32, #tpu.memory_space<hbm>> -> memref<16x128xf32, #tpu.memory_space<hbm>>
    %dma_start3A_149 = arith.constant 0 : i32
    %dma_start3A_150 = arith.constant 0 : i32
    %dma_start3A_151 = tpu.memref_slice %arg9[%dma_start3A_142, %dma_start3A_149, %dma_start3A_150] : memref<8x16x128xf32, #tpu.memory_space<vmem>> -> memref<1x16x128xf32, #tpu.memory_space<vmem>>
    %dma_start3A_152 = tpu.memref_squeeze %dma_start3A_151 : memref<1x16x128xf32, #tpu.memory_space<vmem>> -> memref<16x128xf32, #tpu.memory_space<vmem>>
    %dma_start3A_153 = arith.constant 0 : i32
    %dma_start3A_154 = tpu.memref_slice %arg4[%dma_start3A_153, %multiple_of3A_112] : memref<16x1000000xf32, #tpu.memory_space<hbm>> -> memref<16x128xf32, #tpu.memory_space<hbm>>
    tpu.enqueue_dma source(%dma_start3A_154 : memref<16x128xf32, #tpu.memory_space<hbm>>) target(%dma_start3A_152 : memref<16x128xf32, #tpu.memory_space<vmem>>) target_semaphore(%arg14 : memref<!tpu.dma_semaphore, #tpu.memory_space<semaphore_mem>>)
    %dma_start3A_155 = arith.constant 1 : i32
    %dma_start3A_156 = arith.constant 0 : i32
    %dma_start3A_157 = arith.constant 0 : i32
    %dma_start3A_158 = tpu.memref_slice %arg10[%dma_start3A_155, %dma_start3A_156, %dma_start3A_157] : memref<8x16x128xf32, #tpu.memory_space<vmem>> -> memref<1x16x128xf32, #tpu.memory_space<vmem>>
    %dma_start3A_159 = tpu.memref_squeeze %dma_start3A_158 : memref<1x16x128xf32, #tpu.memory_space<vmem>> -> memref<16x128xf32, #tpu.memory_space<vmem>>
    %dma_start3A_160 = arith.constant 0 : i32
    %dma_start3A_161 = tpu.memref_slice %arg5[%dma_start3A_160, %multiple_of3A_141] : memref<16x1000000xf32, #tpu.memory_space<hbm>> -> memref<16x128xf32, #tpu.memory_space<hbm>>
    %dma_start3A_162 = arith.constant 0 : i32
    %dma_start3A_163 = arith.constant 0 : i32
    %dma_start3A_164 = tpu.memref_slice %arg10[%dma_start3A_155, %dma_start3A_162, %dma_start3A_163] : memref<8x16x128xf32, #tpu.memory_space<vmem>> -> memref<1x16x128xf32, #tpu.memory_space<vmem>>
    %dma_start3A_165 = tpu.memref_squeeze %dma_start3A_164 : memref<1x16x128xf32, #tpu.memory_space<vmem>> -> memref<16x128xf32, #tpu.memory_space<vmem>>
    %dma_start3A_166 = arith.constant 0 : i32
    %dma_start3A_167 = tpu.memref_slice %arg5[%dma_start3A_166, %multiple_of3A_141] : memref<16x1000000xf32, #tpu.memory_space<hbm>> -> memref<16x128xf32, #tpu.memory_space<hbm>>
    tpu.enqueue_dma source(%dma_start3A_167 : memref<16x128xf32, #tpu.memory_space<hbm>>) target(%dma_start3A_165 : memref<16x128xf32, #tpu.memory_space<vmem>>) target_semaphore(%arg14 : memref<!tpu.dma_semaphore, #tpu.memory_space<semaphore_mem>>)
    %slice3A_168 = vector.extract_strided_slice %get3A_8 {offsets = [2], sizes = [1], strides = [1]} : vector<16xi32> to vector<1xi32>
    %squeeze3A_169 = vector.extract %slice3A_168[0] : i32 from vector<1xi32>
    %jit3A_170 = arith.constant 128 : i32
    %div3A_171 = arith.divsi %squeeze3A_169, %jit3A_170 : i32
    %sign3A_172 = arith.constant 0 : i32
    %sign3A_173 = arith.cmpi sgt, %squeeze3A_169, %sign3A_172 : i32
    %sign3A_174 = arith.extui %sign3A_173 : i1 to i32
    %sign3A_175 = arith.constant 0 : i32
    %sign3A_176 = arith.cmpi slt, %squeeze3A_169, %sign3A_175 : i32
    %sign3A_177 = arith.extui %sign3A_176 : i1 to i32
    %sign3A_178 = arith.subi %sign3A_174, %sign3A_177 : i32
    %sign3A_179 = arith.constant 0 : i32
    %sign3A_180 = arith.cmpi sgt, %jit3A_170, %sign3A_179 : i32
    %sign3A_181 = arith.extui %sign3A_180 : i1 to i32
    %sign3A_182 = arith.constant 0 : i32
    %sign3A_183 = arith.cmpi slt, %jit3A_170, %sign3A_182 : i32
    %sign3A_184 = arith.extui %sign3A_183 : i1 to i32
    %sign3A_185 = arith.subi %sign3A_181, %sign3A_184 : i32
    %ne3A_186 = arith.cmpi ne, %sign3A_178, %sign3A_185 : i32
    %rem3A_187 = arith.remsi %squeeze3A_169, %jit3A_170 : i32
    %ne3A_188 = arith.constant 0 : i32
    %ne3A_189 = arith.cmpi ne, %rem3A_187, %ne3A_188 : i32
    %and3A_190 = arith.andi %ne3A_186, %ne3A_189 : i1
    %sub3A_191 = arith.constant 1 : i32
    %sub3A_192 = arith.subi %div3A_171, %sub3A_191 : i32
    %select_n3A_193 = arith.select %and3A_190, %sub3A_192, %div3A_171 : i32
    %mul3A_194 = arith.constant 128 : i32
    %mul3A_195 = arith.muli %select_n3A_193, %mul3A_194 : i32
    %multiple_of3A_196 = tpu.assume_multiple %mul3A_195, 128 : i32
    %slice3A_197 = vector.extract_strided_slice %get3A_10 {offsets = [2], sizes = [1], strides = [1]} : vector<16xi32> to vector<1xi32>
    %squeeze3A_198 = vector.extract %slice3A_197[0] : i32 from vector<1xi32>
    %jit3A_199 = arith.constant 128 : i32
    %div3A_200 = arith.divsi %squeeze3A_198, %jit3A_199 : i32
    %sign3A_201 = arith.constant 0 : i32
    %sign3A_202 = arith.cmpi sgt, %squeeze3A_198, %sign3A_201 : i32
    %sign3A_203 = arith.extui %sign3A_202 : i1 to i32
    %sign3A_204 = arith.constant 0 : i32
    %sign3A_205 = arith.cmpi slt, %squeeze3A_198, %sign3A_204 : i32
    %sign3A_206 = arith.extui %sign3A_205 : i1 to i32
    %sign3A_207 = arith.subi %sign3A_203, %sign3A_206 : i32
    %sign3A_208 = arith.constant 0 : i32
    %sign3A_209 = arith.cmpi sgt, %jit3A_199, %sign3A_208 : i32
    %sign3A_210 = arith.extui %sign3A_209 : i1 to i32
    %sign3A_211 = arith.constant 0 : i32
    %sign3A_212 = arith.cmpi slt, %jit3A_199, %sign3A_211 : i32
    %sign3A_213 = arith.extui %sign3A_212 : i1 to i32
    %sign3A_214 = arith.subi %sign3A_210, %sign3A_213 : i32
    %ne3A_215 = arith.cmpi ne, %sign3A_207, %sign3A_214 : i32
    %rem3A_216 = arith.remsi %squeeze3A_198, %jit3A_199 : i32
    %ne3A_217 = arith.constant 0 : i32
    %ne3A_218 = arith.cmpi ne, %rem3A_216, %ne3A_217 : i32
    %and3A_219 = arith.andi %ne3A_215, %ne3A_218 : i1
    %sub3A_220 = arith.constant 1 : i32
    %sub3A_221 = arith.subi %div3A_200, %sub3A_220 : i32
    %select_n3A_222 = arith.select %and3A_219, %sub3A_221, %div3A_200 : i32
    %mul3A_223 = arith.constant 128 : i32
    %mul3A_224 = arith.muli %select_n3A_222, %mul3A_223 : i32
    %multiple_of3A_225 = tpu.assume_multiple %mul3A_224, 128 : i32
    %dma_start3A_226 = arith.constant 2 : i32
    %dma_start3A_227 = arith.constant 0 : i32
    %dma_start3A_228 = arith.constant 0 : i32
    %dma_start3A_229 = tpu.memref_slice %arg9[%dma_start3A_226, %dma_start3A_227, %dma_start3A_228] : memref<8x16x128xf32, #tpu.memory_space<vmem>> -> memref<1x16x128xf32, #tpu.memory_space<vmem>>
    %dma_start3A_230 = tpu.memref_squeeze %dma_start3A_229 : memref<1x16x128xf32, #tpu.memory_space<vmem>> -> memref<16x128xf32, #tpu.memory_space<vmem>>
    %dma_start3A_231 = arith.constant 0 : i32
    %dma_start3A_232 = tpu.memref_slice %arg4[%dma_start3A_231, %multiple_of3A_196] : memref<16x1000000xf32, #tpu.memory_space<hbm>> -> memref<16x128xf32, #tpu.memory_space<hbm>>
    %dma_start3A_233 = arith.constant 0 : i32
    %dma_start3A_234 = arith.constant 0 : i32
    %dma_start3A_235 = tpu.memref_slice %arg9[%dma_start3A_226, %dma_start3A_233, %dma_start3A_234] : memref<8x16x128xf32, #tpu.memory_space<vmem>> -> memref<1x16x128xf32, #tpu.memory_space<vmem>>
    %dma_start3A_236 = tpu.memref_squeeze %dma_start3A_235 : memref<1x16x128xf32, #tpu.memory_space<vmem>> -> memref<16x128xf32, #tpu.memory_space<vmem>>
    %dma_start3A_237 = arith.constant 0 : i32
    %dma_start3A_238 = tpu.memref_slice %arg4[%dma_start3A_237, %multiple_of3A_196] : memref<16x1000000xf32, #tpu.memory_space<hbm>> -> memref<16x128xf32, #tpu.memory_space<hbm>>
    tpu.enqueue_dma source(%dma_start3A_238 : memref<16x128xf32, #tpu.memory_space<hbm>>) target(%dma_start3A_236 : memref<16x128xf32, #tpu.memory_space<vmem>>) target_semaphore(%arg14 : memref<!tpu.dma_semaphore, #tpu.memory_space<semaphore_mem>>)
    %dma_start3A_239 = arith.constant 2 : i32
    %dma_start3A_240 = arith.constant 0 : i32
    %dma_start3A_241 = arith.constant 0 : i32
    %dma_start3A_242 = tpu.memref_slice %arg10[%dma_start3A_239, %dma_start3A_240, %dma_start3A_241] : memref<8x16x128xf32, #tpu.memory_space<vmem>> -> memref<1x16x128xf32, #tpu.memory_space<vmem>>
    %dma_start3A_243 = tpu.memref_squeeze %dma_start3A_242 : memref<1x16x128xf32, #tpu.memory_space<vmem>> -> memref<16x128xf32, #tpu.memory_space<vmem>>
    %dma_start3A_244 = arith.constant 0 : i32
    %dma_start3A_245 = tpu.memref_slice %arg5[%dma_start3A_244, %multiple_of3A_225] : memref<16x1000000xf32, #tpu.memory_space<hbm>> -> memref<16x128xf32, #tpu.memory_space<hbm>>
    %dma_start3A_246 = arith.constant 0 : i32
    %dma_start3A_247 = arith.constant 0 : i32
    %dma_start3A_248 = tpu.memref_slice %arg10[%dma_start3A_239, %dma_start3A_246, %dma_start3A_247] : memref<8x16x128xf32, #tpu.memory_space<vmem>> -> memref<1x16x128xf32, #tpu.memory_space<vmem>>
    %dma_start3A_249 = tpu.memref_squeeze %dma_start3A_248 : memref<1x16x128xf32, #tpu.memory_space<vmem>> -> memref<16x128xf32, #tpu.memory_space<vmem>>
    %dma_start3A_250 = arith.constant 0 : i32
    %dma_start3A_251 = tpu.memref_slice %arg5[%dma_start3A_250, %multiple_of3A_225] : memref<16x1000000xf32, #tpu.memory_space<hbm>> -> memref<16x128xf32, #tpu.memory_space<hbm>>
    tpu.enqueue_dma source(%dma_start3A_251 : memref<16x128xf32, #tpu.memory_space<hbm>>) target(%dma_start3A_249 : memref<16x128xf32, #tpu.memory_space<vmem>>) target_semaphore(%arg14 : memref<!tpu.dma_semaphore, #tpu.memory_space<semaphore_mem>>)
    %slice3A_252 = vector.extract_strided_slice %get3A_8 {offsets = [3], sizes = [1], strides = [1]} : vector<16xi32> to vector<1xi32>
    %squeeze3A_253 = vector.extract %slice3A_252[0] : i32 from vector<1xi32>
    %jit3A_254 = arith.constant 128 : i32
    %div3A_255 = arith.divsi %squeeze3A_253, %jit3A_254 : i32
    %sign3A_256 = arith.constant 0 : i32
    %sign3A_257 = arith.cmpi sgt, %squeeze3A_253, %sign3A_256 : i32
    %sign3A_258 = arith.extui %sign3A_257 : i1 to i32
    %sign3A_259 = arith.constant 0 : i32
    %sign3A_260 = arith.cmpi slt, %squeeze3A_253, %sign3A_259 : i32
    %sign3A_261 = arith.extui %sign3A_260 : i1 to i32
    %sign3A_262 = arith.subi %sign3A_258, %sign3A_261 : i32
    %sign3A_263 = arith.constant 0 : i32
    %sign3A_264 = arith.cmpi sgt, %jit3A_254, %sign3A_263 : i32
    %sign3A_265 = arith.extui %sign3A_264 : i1 to i32
    %sign3A_266 = arith.constant 0 : i32
    %sign3A_267 = arith.cmpi slt, %jit3A_254, %sign3A_266 : i32
    %sign3A_268 = arith.extui %sign3A_267 : i1 to i32
    %sign3A_269 = arith.subi %sign3A_265, %sign3A_268 : i32
    %ne3A_270 = arith.cmpi ne, %sign3A_262, %sign3A_269 : i32
    %rem3A_271 = arith.remsi %squeeze3A_253, %jit3A_254 : i32
    %ne3A_272 = arith.constant 0 : i32
    %ne3A_273 = arith.cmpi ne, %rem3A_271, %ne3A_272 : i32
    %and3A_274 = arith.andi %ne3A_270, %ne3A_273 : i1
    %sub3A_275 = arith.constant 1 : i32
    %sub3A_276 = arith.subi %div3A_255, %sub3A_275 : i32
    %select_n3A_277 = arith.select %and3A_274, %sub3A_276, %div3A_255 : i32
    %mul3A_278 = arith.constant 128 : i32
    %mul3A_279 = arith.muli %select_n3A_277, %mul3A_278 : i32
    %multiple_of3A_280 = tpu.assume_multiple %mul3A_279, 128 : i32
    %slice3A_281 = vector.extract_strided_slice %get3A_10 {offsets = [3], sizes = [1], strides = [1]} : vector<16xi32> to vector<1xi32>
    %squeeze3A_282 = vector.extract %slice3A_281[0] : i32 from vector<1xi32>
    %jit3A_283 = arith.constant 128 : i32
    %div3A_284 = arith.divsi %squeeze3A_282, %jit3A_283 : i32
    %sign3A_285 = arith.constant 0 : i32
    %sign3A_286 = arith.cmpi sgt, %squeeze3A_282, %sign3A_285 : i32
    %sign3A_287 = arith.extui %sign3A_286 : i1 to i32
    %sign3A_288 = arith.constant 0 : i32
    %sign3A_289 = arith.cmpi slt, %squeeze3A_282, %sign3A_288 : i32
    %sign3A_290 = arith.extui %sign3A_289 : i1 to i32
    %sign3A_291 = arith.subi %sign3A_287, %sign3A_290 : i32
    %sign3A_292 = arith.constant 0 : i32
    %sign3A_293 = arith.cmpi sgt, %jit3A_283, %sign3A_292 : i32
    %sign3A_294 = arith.extui %sign3A_293 : i1 to i32
    %sign3A_295 = arith.constant 0 : i32
    %sign3A_296 = arith.cmpi slt, %jit3A_283, %sign3A_295 : i32
    %sign3A_297 = arith.extui %sign3A_296 : i1 to i32
    %sign3A_298 = arith.subi %sign3A_294, %sign3A_297 : i32
    %ne3A_299 = arith.cmpi ne, %sign3A_291, %sign3A_298 : i32
    %rem3A_300 = arith.remsi %squeeze3A_282, %jit3A_283 : i32
    %ne3A_301 = arith.constant 0 : i32
    %ne3A_302 = arith.cmpi ne, %rem3A_300, %ne3A_301 : i32
    %and3A_303 = arith.andi %ne3A_299, %ne3A_302 : i1
    %sub3A_304 = arith.constant 1 : i32
    %sub3A_305 = arith.subi %div3A_284, %sub3A_304 : i32
    %select_n3A_306 = arith.select %and3A_303, %sub3A_305, %div3A_284 : i32
    %mul3A_307 = arith.constant 128 : i32
    %mul3A_308 = arith.muli %select_n3A_306, %mul3A_307 : i32
    %multiple_of3A_309 = tpu.assume_multiple %mul3A_308, 128 : i32
    %dma_start3A_310 = arith.constant 3 : i32
    %dma_start3A_311 = arith.constant 0 : i32
    %dma_start3A_312 = arith.constant 0 : i32
    %dma_start3A_313 = tpu.memref_slice %arg9[%dma_start3A_310, %dma_start3A_311, %dma_start3A_312] : memref<8x16x128xf32, #tpu.memory_space<vmem>> -> memref<1x16x128xf32, #tpu.memory_space<vmem>>
    %dma_start3A_314 = tpu.memref_squeeze %dma_start3A_313 : memref<1x16x128xf32, #tpu.memory_space<vmem>> -> memref<16x128xf32, #tpu.memory_space<vmem>>
    %dma_start3A_315 = arith.constant 0 : i32
    %dma_start3A_316 = tpu.memref_slice %arg4[%dma_start3A_315, %multiple_of3A_280] : memref<16x1000000xf32, #tpu.memory_space<hbm>> -> memref<16x128xf32, #tpu.memory_space<hbm>>
    %dma_start3A_317 = arith.constant 0 : i32
    %dma_start3A_318 = arith.constant 0 : i32
    %dma_start3A_319 = tpu.memref_slice %arg9[%dma_start3A_310, %dma_start3A_317, %dma_start3A_318] : memref<8x16x128xf32, #tpu.memory_space<vmem>> -> memref<1x16x128xf32, #tpu.memory_space<vmem>>
    %dma_start3A_320 = tpu.memref_squeeze %dma_start3A_319 : memref<1x16x128xf32, #tpu.memory_space<vmem>> -> memref<16x128xf32, #tpu.memory_space<vmem>>
    %dma_start3A_321 = arith.constant 0 : i32
    %dma_start3A_322 = tpu.memref_slice %arg4[%dma_start3A_321, %multiple_of3A_280] : memref<16x1000000xf32, #tpu.memory_space<hbm>> -> memref<16x128xf32, #tpu.memory_space<hbm>>
    tpu.enqueue_dma source(%dma_start3A_322 : memref<16x128xf32, #tpu.memory_space<hbm>>) target(%dma_start3A_320 : memref<16x128xf32, #tpu.memory_space<vmem>>) target_semaphore(%arg14 : memref<!tpu.dma_semaphore, #tpu.memory_space<semaphore_mem>>)
    %dma_start3A_323 = arith.constant 3 : i32
    %dma_start3A_324 = arith.constant 0 : i32
    %dma_start3A_325 = arith.constant 0 : i32
    %dma_start3A_326 = tpu.memref_slice %arg10[%dma_start3A_323, %dma_start3A_324, %dma_start3A_325] : memref<8x16x128xf32, #tpu.memory_space<vmem>> -> memref<1x16x128xf32, #tpu.memory_space<vmem>>
    %dma_start3A_327 = tpu.memref_squeeze %dma_start3A_326 : memref<1x16x128xf32, #tpu.memory_space<vmem>> -> memref<16x128xf32, #tpu.memory_space<vmem>>
    %dma_start3A_328 = arith.constant 0 : i32
    %dma_start3A_329 = tpu.memref_slice %arg5[%dma_start3A_328, %multiple_of3A_309] : memref<16x1000000xf32, #tpu.memory_space<hbm>> -> memref<16x128xf32, #tpu.memory_space<hbm>>
    %dma_start3A_330 = arith.constant 0 : i32
    %dma_start3A_331 = arith.constant 0 : i32
    %dma_start3A_332 = tpu.memref_slice %arg10[%dma_start3A_323, %dma_start3A_330, %dma_start3A_331] : memref<8x16x128xf32, #tpu.memory_space<vmem>> -> memref<1x16x128xf32, #tpu.memory_space<vmem>>
    %dma_start3A_333 = tpu.memref_squeeze %dma_start3A_332 : memref<1x16x128xf32, #tpu.memory_space<vmem>> -> memref<16x128xf32, #tpu.memory_space<vmem>>
    %dma_start3A_334 = arith.constant 0 : i32
    %dma_start3A_335 = tpu.memref_slice %arg5[%dma_start3A_334, %multiple_of3A_309] : memref<16x1000000xf32, #tpu.memory_space<hbm>> -> memref<16x128xf32, #tpu.memory_space<hbm>>
    tpu.enqueue_dma source(%dma_start3A_335 : memref<16x128xf32, #tpu.memory_space<hbm>>) target(%dma_start3A_333 : memref<16x128xf32, #tpu.memory_space<vmem>>) target_semaphore(%arg14 : memref<!tpu.dma_semaphore, #tpu.memory_space<semaphore_mem>>)
    %slice3A_336 = vector.extract_strided_slice %get3A_8 {offsets = [4], sizes = [1], strides = [1]} : vector<16xi32> to vector<1xi32>
    %squeeze3A_337 = vector.extract %slice3A_336[0] : i32 from vector<1xi32>
    %jit3A_338 = arith.constant 128 : i32
    %div3A_339 = arith.divsi %squeeze3A_337, %jit3A_338 : i32
    %sign3A_340 = arith.constant 0 : i32
    %sign3A_341 = arith.cmpi sgt, %squeeze3A_337, %sign3A_340 : i32
    %sign3A_342 = arith.extui %sign3A_341 : i1 to i32
    %sign3A_343 = arith.constant 0 : i32
    %sign3A_344 = arith.cmpi slt, %squeeze3A_337, %sign3A_343 : i32
    %sign3A_345 = arith.extui %sign3A_344 : i1 to i32
    %sign3A_346 = arith.subi %sign3A_342, %sign3A_345 : i32
    %sign3A_347 = arith.constant 0 : i32
    %sign3A_348 = arith.cmpi sgt, %jit3A_338, %sign3A_347 : i32
    %sign3A_349 = arith.extui %sign3A_348 : i1 to i32
    %sign3A_350 = arith.constant 0 : i32
    %sign3A_351 = arith.cmpi slt, %jit3A_338, %sign3A_350 : i32
    %sign3A_352 = arith.extui %sign3A_351 : i1 to i32
    %sign3A_353 = arith.subi %sign3A_349, %sign3A_352 : i32
    %ne3A_354 = arith.cmpi ne, %sign3A_346, %sign3A_353 : i32
    %rem3A_355 = arith.remsi %squeeze3A_337, %jit3A_338 : i32
    %ne3A_356 = arith.constant 0 : i32
    %ne3A_357 = arith.cmpi ne, %rem3A_355, %ne3A_356 : i32
    %and3A_358 = arith.andi %ne3A_354, %ne3A_357 : i1
    %sub3A_359 = arith.constant 1 : i32
    %sub3A_360 = arith.subi %div3A_339, %sub3A_359 : i32
    %select_n3A_361 = arith.select %and3A_358, %sub3A_360, %div3A_339 : i32
    %mul3A_362 = arith.constant 128 : i32
    %mul3A_363 = arith.muli %select_n3A_361, %mul3A_362 : i32
    %multiple_of3A_364 = tpu.assume_multiple %mul3A_363, 128 : i32
    %slice3A_365 = vector.extract_strided_slice %get3A_10 {offsets = [4], sizes = [1], strides = [1]} : vector<16xi32> to vector<1xi32>
    %squeeze3A_366 = vector.extract %slice3A_365[0] : i32 from vector<1xi32>
    %jit3A_367 = arith.constant 128 : i32
    %div3A_368 = arith.divsi %squeeze3A_366, %jit3A_367 : i32
    %sign3A_369 = arith.constant 0 : i32
    %sign3A_370 = arith.cmpi sgt, %squeeze3A_366, %sign3A_369 : i32
    %sign3A_371 = arith.extui %sign3A_370 : i1 to i32
    %sign3A_372 = arith.constant 0 : i32
    %sign3A_373 = arith.cmpi slt, %squeeze3A_366, %sign3A_372 : i32
    %sign3A_374 = arith.extui %sign3A_373 : i1 to i32
    %sign3A_375 = arith.subi %sign3A_371, %sign3A_374 : i32
    %sign3A_376 = arith.constant 0 : i32
    %sign3A_377 = arith.cmpi sgt, %jit3A_367, %sign3A_376 : i32
    %sign3A_378 = arith.extui %sign3A_377 : i1 to i32
    %sign3A_379 = arith.constant 0 : i32
    %sign3A_380 = arith.cmpi slt, %jit3A_367, %sign3A_379 : i32
    %sign3A_381 = arith.extui %sign3A_380 : i1 to i32
    %sign3A_382 = arith.subi %sign3A_378, %sign3A_381 : i32
    %ne3A_383 = arith.cmpi ne, %sign3A_375, %sign3A_382 : i32
    %rem3A_384 = arith.remsi %squeeze3A_366, %jit3A_367 : i32
    %ne3A_385 = arith.constant 0 : i32
    %ne3A_386 = arith.cmpi ne, %rem3A_384, %ne3A_385 : i32
    %and3A_387 = arith.andi %ne3A_383, %ne3A_386 : i1
    %sub3A_388 = arith.constant 1 : i32
    %sub3A_389 = arith.subi %div3A_368, %sub3A_388 : i32
    %select_n3A_390 = arith.select %and3A_387, %sub3A_389, %div3A_368 : i32
    %mul3A_391 = arith.constant 128 : i32
    %mul3A_392 = arith.muli %select_n3A_390, %mul3A_391 : i32
    %multiple_of3A_393 = tpu.assume_multiple %mul3A_392, 128 : i32
    %dma_start3A_394 = arith.constant 4 : i32
    %dma_start3A_395 = arith.constant 0 : i32
    %dma_start3A_396 = arith.constant 0 : i32
    %dma_start3A_397 = tpu.memref_slice %arg9[%dma_start3A_394, %dma_start3A_395, %dma_start3A_396] : memref<8x16x128xf32, #tpu.memory_space<vmem>> -> memref<1x16x128xf32, #tpu.memory_space<vmem>>
    %dma_start3A_398 = tpu.memref_squeeze %dma_start3A_397 : memref<1x16x128xf32, #tpu.memory_space<vmem>> -> memref<16x128xf32, #tpu.memory_space<vmem>>
    %dma_start3A_399 = arith.constant 0 : i32
    %dma_start3A_400 = tpu.memref_slice %arg4[%dma_start3A_399, %multiple_of3A_364] : memref<16x1000000xf32, #tpu.memory_space<hbm>> -> memref<16x128xf32, #tpu.memory_space<hbm>>
    %dma_start3A_401 = arith.constant 0 : i32
    %dma_start3A_402 = arith.constant 0 : i32
    %dma_start3A_403 = tpu.memref_slice %arg9[%dma_start3A_394, %dma_start3A_401, %dma_start3A_402] : memref<8x16x128xf32, #tpu.memory_space<vmem>> -> memref<1x16x128xf32, #tpu.memory_space<vmem>>
    %dma_start3A_404 = tpu.memref_squeeze %dma_start3A_403 : memref<1x16x128xf32, #tpu.memory_space<vmem>> -> memref<16x128xf32, #tpu.memory_space<vmem>>
    %dma_start3A_405 = arith.constant 0 : i32
    %dma_start3A_406 = tpu.memref_slice %arg4[%dma_start3A_405, %multiple_of3A_364] : memref<16x1000000xf32, #tpu.memory_space<hbm>> -> memref<16x128xf32, #tpu.memory_space<hbm>>
    tpu.enqueue_dma source(%dma_start3A_406 : memref<16x128xf32, #tpu.memory_space<hbm>>) target(%dma_start3A_404 : memref<16x128xf32, #tpu.memory_space<vmem>>) target_semaphore(%arg14 : memref<!tpu.dma_semaphore, #tpu.memory_space<semaphore_mem>>)
    %dma_start3A_407 = arith.constant 4 : i32
    %dma_start3A_408 = arith.constant 0 : i32
    %dma_start3A_409 = arith.constant 0 : i32
    %dma_start3A_410 = tpu.memref_slice %arg10[%dma_start3A_407, %dma_start3A_408, %dma_start3A_409] : memref<8x16x128xf32, #tpu.memory_space<vmem>> -> memref<1x16x128xf32, #tpu.memory_space<vmem>>
    %dma_start3A_411 = tpu.memref_squeeze %dma_start3A_410 : memref<1x16x128xf32, #tpu.memory_space<vmem>> -> memref<16x128xf32, #tpu.memory_space<vmem>>
    %dma_start3A_412 = arith.constant 0 : i32
    %dma_start3A_413 = tpu.memref_slice %arg5[%dma_start3A_412, %multiple_of3A_393] : memref<16x1000000xf32, #tpu.memory_space<hbm>> -> memref<16x128xf32, #tpu.memory_space<hbm>>
    %dma_start3A_414 = arith.constant 0 : i32
    %dma_start3A_415 = arith.constant 0 : i32
    %dma_start3A_416 = tpu.memref_slice %arg10[%dma_start3A_407, %dma_start3A_414, %dma_start3A_415] : memref<8x16x128xf32, #tpu.memory_space<vmem>> -> memref<1x16x128xf32, #tpu.memory_space<vmem>>
    %dma_start3A_417 = tpu.memref_squeeze %dma_start3A_416 : memref<1x16x128xf32, #tpu.memory_space<vmem>> -> memref<16x128xf32, #tpu.memory_space<vmem>>
    %dma_start3A_418 = arith.constant 0 : i32
    %dma_start3A_419 = tpu.memref_slice %arg5[%dma_start3A_418, %multiple_of3A_393] : memref<16x1000000xf32, #tpu.memory_space<hbm>> -> memref<16x128xf32, #tpu.memory_space<hbm>>
    tpu.enqueue_dma source(%dma_start3A_419 : memref<16x128xf32, #tpu.memory_space<hbm>>) target(%dma_start3A_417 : memref<16x128xf32, #tpu.memory_space<vmem>>) target_semaphore(%arg14 : memref<!tpu.dma_semaphore, #tpu.memory_space<semaphore_mem>>)
    %slice3A_420 = vector.extract_strided_slice %get3A_8 {offsets = [5], sizes = [1], strides = [1]} : vector<16xi32> to vector<1xi32>
    %squeeze3A_421 = vector.extract %slice3A_420[0] : i32 from vector<1xi32>
    %jit3A_422 = arith.constant 128 : i32
    %div3A_423 = arith.divsi %squeeze3A_421, %jit3A_422 : i32
    %sign3A_424 = arith.constant 0 : i32
    %sign3A_425 = arith.cmpi sgt, %squeeze3A_421, %sign3A_424 : i32
    %sign3A_426 = arith.extui %sign3A_425 : i1 to i32
    %sign3A_427 = arith.constant 0 : i32
    %sign3A_428 = arith.cmpi slt, %squeeze3A_421, %sign3A_427 : i32
    %sign3A_429 = arith.extui %sign3A_428 : i1 to i32
    %sign3A_430 = arith.subi %sign3A_426, %sign3A_429 : i32
    %sign3A_431 = arith.constant 0 : i32
    %sign3A_432 = arith.cmpi sgt, %jit3A_422, %sign3A_431 : i32
    %sign3A_433 = arith.extui %sign3A_432 : i1 to i32
    %sign3A_434 = arith.constant 0 : i32
    %sign3A_435 = arith.cmpi slt, %jit3A_422, %sign3A_434 : i32
    %sign3A_436 = arith.extui %sign3A_435 : i1 to i32
    %sign3A_437 = arith.subi %sign3A_433, %sign3A_436 : i32
    %ne3A_438 = arith.cmpi ne, %sign3A_430, %sign3A_437 : i32
    %rem3A_439 = arith.remsi %squeeze3A_421, %jit3A_422 : i32
    %ne3A_440 = arith.constant 0 : i32
    %ne3A_441 = arith.cmpi ne, %rem3A_439, %ne3A_440 : i32
    %and3A_442 = arith.andi %ne3A_438, %ne3A_441 : i1
    %sub3A_443 = arith.constant 1 : i32
    %sub3A_444 = arith.subi %div3A_423, %sub3A_443 : i32
    %select_n3A_445 = arith.select %and3A_442, %sub3A_444, %div3A_423 : i32
    %mul3A_446 = arith.constant 128 : i32
    %mul3A_447 = arith.muli %select_n3A_445, %mul3A_446 : i32
    %multiple_of3A_448 = tpu.assume_multiple %mul3A_447, 128 : i32
    %slice3A_449 = vector.extract_strided_slice %get3A_10 {offsets = [5], sizes = [1], strides = [1]} : vector<16xi32> to vector<1xi32>
    %squeeze3A_450 = vector.extract %slice3A_449[0] : i32 from vector<1xi32>
    %jit3A_451 = arith.constant 128 : i32
    %div3A_452 = arith.divsi %squeeze3A_450, %jit3A_451 : i32
    %sign3A_453 = arith.constant 0 : i32
    %sign3A_454 = arith.cmpi sgt, %squeeze3A_450, %sign3A_453 : i32
    %sign3A_455 = arith.extui %sign3A_454 : i1 to i32
    %sign3A_456 = arith.constant 0 : i32
    %sign3A_457 = arith.cmpi slt, %squeeze3A_450, %sign3A_456 : i32
    %sign3A_458 = arith.extui %sign3A_457 : i1 to i32
    %sign3A_459 = arith.subi %sign3A_455, %sign3A_458 : i32
    %sign3A_460 = arith.constant 0 : i32
    %sign3A_461 = arith.cmpi sgt, %jit3A_451, %sign3A_460 : i32
    %sign3A_462 = arith.extui %sign3A_461 : i1 to i32
    %sign3A_463 = arith.constant 0 : i32
    %sign3A_464 = arith.cmpi slt, %jit3A_451, %sign3A_463 : i32
    %sign3A_465 = arith.extui %sign3A_464 : i1 to i32
    %sign3A_466 = arith.subi %sign3A_462, %sign3A_465 : i32
    %ne3A_467 = arith.cmpi ne, %sign3A_459, %sign3A_466 : i32
    %rem3A_468 = arith.remsi %squeeze3A_450, %jit3A_451 : i32
    %ne3A_469 = arith.constant 0 : i32
    %ne3A_470 = arith.cmpi ne, %rem3A_468, %ne3A_469 : i32
    %and3A_471 = arith.andi %ne3A_467, %ne3A_470 : i1
    %sub3A_472 = arith.constant 1 : i32
    %sub3A_473 = arith.subi %div3A_452, %sub3A_472 : i32
    %select_n3A_474 = arith.select %and3A_471, %sub3A_473, %div3A_452 : i32
    %mul3A_475 = arith.constant 128 : i32
    %mul3A_476 = arith.muli %select_n3A_474, %mul3A_475 : i32
    %multiple_of3A_477 = tpu.assume_multiple %mul3A_476, 128 : i32
    %dma_start3A_478 = arith.constant 5 : i32
    %dma_start3A_479 = arith.constant 0 : i32
    %dma_start3A_480 = arith.constant 0 : i32
    %dma_start3A_481 = tpu.memref_slice %arg9[%dma_start3A_478, %dma_start3A_479, %dma_start3A_480] : memref<8x16x128xf32, #tpu.memory_space<vmem>> -> memref<1x16x128xf32, #tpu.memory_space<vmem>>
    %dma_start3A_482 = tpu.memref_squeeze %dma_start3A_481 : memref<1x16x128xf32, #tpu.memory_space<vmem>> -> memref<16x128xf32, #tpu.memory_space<vmem>>
    %dma_start3A_483 = arith.constant 0 : i32
    %dma_start3A_484 = tpu.memref_slice %arg4[%dma_start3A_483, %multiple_of3A_448] : memref<16x1000000xf32, #tpu.memory_space<hbm>> -> memref<16x128xf32, #tpu.memory_space<hbm>>
    %dma_start3A_485 = arith.constant 0 : i32
    %dma_start3A_486 = arith.constant 0 : i32
    %dma_start3A_487 = tpu.memref_slice %arg9[%dma_start3A_478, %dma_start3A_485, %dma_start3A_486] : memref<8x16x128xf32, #tpu.memory_space<vmem>> -> memref<1x16x128xf32, #tpu.memory_space<vmem>>
    %dma_start3A_488 = tpu.memref_squeeze %dma_start3A_487 : memref<1x16x128xf32, #tpu.memory_space<vmem>> -> memref<16x128xf32, #tpu.memory_space<vmem>>
    %dma_start3A_489 = arith.constant 0 : i32
    %dma_start3A_490 = tpu.memref_slice %arg4[%dma_start3A_489, %multiple_of3A_448] : memref<16x1000000xf32, #tpu.memory_space<hbm>> -> memref<16x128xf32, #tpu.memory_space<hbm>>
    tpu.enqueue_dma source(%dma_start3A_490 : memref<16x128xf32, #tpu.memory_space<hbm>>) target(%dma_start3A_488 : memref<16x128xf32, #tpu.memory_space<vmem>>) target_semaphore(%arg14 : memref<!tpu.dma_semaphore, #tpu.memory_space<semaphore_mem>>)
    %dma_start3A_491 = arith.constant 5 : i32
    %dma_start3A_492 = arith.constant 0 : i32
    %dma_start3A_493 = arith.constant 0 : i32
    %dma_start3A_494 = tpu.memref_slice %arg10[%dma_start3A_491, %dma_start3A_492, %dma_start3A_493] : memref<8x16x128xf32, #tpu.memory_space<vmem>> -> memref<1x16x128xf32, #tpu.memory_space<vmem>>
    %dma_start3A_495 = tpu.memref_squeeze %dma_start3A_494 : memref<1x16x128xf32, #tpu.memory_space<vmem>> -> memref<16x128xf32, #tpu.memory_space<vmem>>
    %dma_start3A_496 = arith.constant 0 : i32
    %dma_start3A_497 = tpu.memref_slice %arg5[%dma_start3A_496, %multiple_of3A_477] : memref<16x1000000xf32, #tpu.memory_space<hbm>> -> memref<16x128xf32, #tpu.memory_space<hbm>>
    %dma_start3A_498 = arith.constant 0 : i32
    %dma_start3A_499 = arith.constant 0 : i32
    %dma_start3A_500 = tpu.memref_slice %arg10[%dma_start3A_491, %dma_start3A_498, %dma_start3A_499] : memref<8x16x128xf32, #tpu.memory_space<vmem>> -> memref<1x16x128xf32, #tpu.memory_space<vmem>>
    %dma_start3A_501 = tpu.memref_squeeze %dma_start3A_500 : memref<1x16x128xf32, #tpu.memory_space<vmem>> -> memref<16x128xf32, #tpu.memory_space<vmem>>
    %dma_start3A_502 = arith.constant 0 : i32
    %dma_start3A_503 = tpu.memref_slice %arg5[%dma_start3A_502, %multiple_of3A_477] : memref<16x1000000xf32, #tpu.memory_space<hbm>> -> memref<16x128xf32, #tpu.memory_space<hbm>>
    tpu.enqueue_dma source(%dma_start3A_503 : memref<16x128xf32, #tpu.memory_space<hbm>>) target(%dma_start3A_501 : memref<16x128xf32, #tpu.memory_space<vmem>>) target_semaphore(%arg14 : memref<!tpu.dma_semaphore, #tpu.memory_space<semaphore_mem>>)
    %slice3A_504 = vector.extract_strided_slice %get3A_8 {offsets = [6], sizes = [1], strides = [1]} : vector<16xi32> to vector<1xi32>
    %squeeze3A_505 = vector.extract %slice3A_504[0] : i32 from vector<1xi32>
    %jit3A_506 = arith.constant 128 : i32
    %div3A_507 = arith.divsi %squeeze3A_505, %jit3A_506 : i32
    %sign3A_508 = arith.constant 0 : i32
    %sign3A_509 = arith.cmpi sgt, %squeeze3A_505, %sign3A_508 : i32
    %sign3A_510 = arith.extui %sign3A_509 : i1 to i32
    %sign3A_511 = arith.constant 0 : i32
    %sign3A_512 = arith.cmpi slt, %squeeze3A_505, %sign3A_511 : i32
    %sign3A_513 = arith.extui %sign3A_512 : i1 to i32
    %sign3A_514 = arith.subi %sign3A_510, %sign3A_513 : i32
    %sign3A_515 = arith.constant 0 : i32
    %sign3A_516 = arith.cmpi sgt, %jit3A_506, %sign3A_515 : i32
    %sign3A_517 = arith.extui %sign3A_516 : i1 to i32
    %sign3A_518 = arith.constant 0 : i32
    %sign3A_519 = arith.cmpi slt, %jit3A_506, %sign3A_518 : i32
    %sign3A_520 = arith.extui %sign3A_519 : i1 to i32
    %sign3A_521 = arith.subi %sign3A_517, %sign3A_520 : i32
    %ne3A_522 = arith.cmpi ne, %sign3A_514, %sign3A_521 : i32
    %rem3A_523 = arith.remsi %squeeze3A_505, %jit3A_506 : i32
    %ne3A_524 = arith.constant 0 : i32
    %ne3A_525 = arith.cmpi ne, %rem3A_523, %ne3A_524 : i32
    %and3A_526 = arith.andi %ne3A_522, %ne3A_525 : i1
    %sub3A_527 = arith.constant 1 : i32
    %sub3A_528 = arith.subi %div3A_507, %sub3A_527 : i32
    %select_n3A_529 = arith.select %and3A_526, %sub3A_528, %div3A_507 : i32
    %mul3A_530 = arith.constant 128 : i32
    %mul3A_531 = arith.muli %select_n3A_529, %mul3A_530 : i32
    %multiple_of3A_532 = tpu.assume_multiple %mul3A_531, 128 : i32
    %slice3A_533 = vector.extract_strided_slice %get3A_10 {offsets = [6], sizes = [1], strides = [1]} : vector<16xi32> to vector<1xi32>
    %squeeze3A_534 = vector.extract %slice3A_533[0] : i32 from vector<1xi32>
    %jit3A_535 = arith.constant 128 : i32
    %div3A_536 = arith.divsi %squeeze3A_534, %jit3A_535 : i32
    %sign3A_537 = arith.constant 0 : i32
    %sign3A_538 = arith.cmpi sgt, %squeeze3A_534, %sign3A_537 : i32
    %sign3A_539 = arith.extui %sign3A_538 : i1 to i32
    %sign3A_540 = arith.constant 0 : i32
    %sign3A_541 = arith.cmpi slt, %squeeze3A_534, %sign3A_540 : i32
    %sign3A_542 = arith.extui %sign3A_541 : i1 to i32
    %sign3A_543 = arith.subi %sign3A_539, %sign3A_542 : i32
    %sign3A_544 = arith.constant 0 : i32
    %sign3A_545 = arith.cmpi sgt, %jit3A_535, %sign3A_544 : i32
    %sign3A_546 = arith.extui %sign3A_545 : i1 to i32
    %sign3A_547 = arith.constant 0 : i32
    %sign3A_548 = arith.cmpi slt, %jit3A_535, %sign3A_547 : i32
    %sign3A_549 = arith.extui %sign3A_548 : i1 to i32
    %sign3A_550 = arith.subi %sign3A_546, %sign3A_549 : i32
    %ne3A_551 = arith.cmpi ne, %sign3A_543, %sign3A_550 : i32
    %rem3A_552 = arith.remsi %squeeze3A_534, %jit3A_535 : i32
    %ne3A_553 = arith.constant 0 : i32
    %ne3A_554 = arith.cmpi ne, %rem3A_552, %ne3A_553 : i32
    %and3A_555 = arith.andi %ne3A_551, %ne3A_554 : i1
    %sub3A_556 = arith.constant 1 : i32
    %sub3A_557 = arith.subi %div3A_536, %sub3A_556 : i32
    %select_n3A_558 = arith.select %and3A_555, %sub3A_557, %div3A_536 : i32
    %mul3A_559 = arith.constant 128 : i32
    %mul3A_560 = arith.muli %select_n3A_558, %mul3A_559 : i32
    %multiple_of3A_561 = tpu.assume_multiple %mul3A_560, 128 : i32
    %dma_start3A_562 = arith.constant 6 : i32
    %dma_start3A_563 = arith.constant 0 : i32
    %dma_start3A_564 = arith.constant 0 : i32
    %dma_start3A_565 = tpu.memref_slice %arg9[%dma_start3A_562, %dma_start3A_563, %dma_start3A_564] : memref<8x16x128xf32, #tpu.memory_space<vmem>> -> memref<1x16x128xf32, #tpu.memory_space<vmem>>
    %dma_start3A_566 = tpu.memref_squeeze %dma_start3A_565 : memref<1x16x128xf32, #tpu.memory_space<vmem>> -> memref<16x128xf32, #tpu.memory_space<vmem>>
    %dma_start3A_567 = arith.constant 0 : i32
    %dma_start3A_568 = tpu.memref_slice %arg4[%dma_start3A_567, %multiple_of3A_532] : memref<16x1000000xf32, #tpu.memory_space<hbm>> -> memref<16x128xf32, #tpu.memory_space<hbm>>
    %dma_start3A_569 = arith.constant 0 : i32
    %dma_start3A_570 = arith.constant 0 : i32
    %dma_start3A_571 = tpu.memref_slice %arg9[%dma_start3A_562, %dma_start3A_569, %dma_start3A_570] : memref<8x16x128xf32, #tpu.memory_space<vmem>> -> memref<1x16x128xf32, #tpu.memory_space<vmem>>
    %dma_start3A_572 = tpu.memref_squeeze %dma_start3A_571 : memref<1x16x128xf32, #tpu.memory_space<vmem>> -> memref<16x128xf32, #tpu.memory_space<vmem>>
    %dma_start3A_573 = arith.constant 0 : i32
    %dma_start3A_574 = tpu.memref_slice %arg4[%dma_start3A_573, %multiple_of3A_532] : memref<16x1000000xf32, #tpu.memory_space<hbm>> -> memref<16x128xf32, #tpu.memory_space<hbm>>
    tpu.enqueue_dma source(%dma_start3A_574 : memref<16x128xf32, #tpu.memory_space<hbm>>) target(%dma_start3A_572 : memref<16x128xf32, #tpu.memory_space<vmem>>) target_semaphore(%arg14 : memref<!tpu.dma_semaphore, #tpu.memory_space<semaphore_mem>>)
    %dma_start3A_575 = arith.constant 6 : i32
    %dma_start3A_576 = arith.constant 0 : i32
    %dma_start3A_577 = arith.constant 0 : i32
    %dma_start3A_578 = tpu.memref_slice %arg10[%dma_start3A_575, %dma_start3A_576, %dma_start3A_577] : memref<8x16x128xf32, #tpu.memory_space<vmem>> -> memref<1x16x128xf32, #tpu.memory_space<vmem>>
    %dma_start3A_579 = tpu.memref_squeeze %dma_start3A_578 : memref<1x16x128xf32, #tpu.memory_space<vmem>> -> memref<16x128xf32, #tpu.memory_space<vmem>>
    %dma_start3A_580 = arith.constant 0 : i32
    %dma_start3A_581 = tpu.memref_slice %arg5[%dma_start3A_580, %multiple_of3A_561] : memref<16x1000000xf32, #tpu.memory_space<hbm>> -> memref<16x128xf32, #tpu.memory_space<hbm>>
    %dma_start3A_582 = arith.constant 0 : i32
    %dma_start3A_583 = arith.constant 0 : i32
    %dma_start3A_584 = tpu.memref_slice %arg10[%dma_start3A_575, %dma_start3A_582, %dma_start3A_583] : memref<8x16x128xf32, #tpu.memory_space<vmem>> -> memref<1x16x128xf32, #tpu.memory_space<vmem>>
    %dma_start3A_585 = tpu.memref_squeeze %dma_start3A_584 : memref<1x16x128xf32, #tpu.memory_space<vmem>> -> memref<16x128xf32, #tpu.memory_space<vmem>>
    %dma_start3A_586 = arith.constant 0 : i32
    %dma_start3A_587 = tpu.memref_slice %arg5[%dma_start3A_586, %multiple_of3A_561] : memref<16x1000000xf32, #tpu.memory_space<hbm>> -> memref<16x128xf32, #tpu.memory_space<hbm>>
    tpu.enqueue_dma source(%dma_start3A_587 : memref<16x128xf32, #tpu.memory_space<hbm>>) target(%dma_start3A_585 : memref<16x128xf32, #tpu.memory_space<vmem>>) target_semaphore(%arg14 : memref<!tpu.dma_semaphore, #tpu.memory_space<semaphore_mem>>)
    %slice3A_588 = vector.extract_strided_slice %get3A_8 {offsets = [7], sizes = [1], strides = [1]} : vector<16xi32> to vector<1xi32>
    %squeeze3A_589 = vector.extract %slice3A_588[0] : i32 from vector<1xi32>
    %jit3A_590 = arith.constant 128 : i32
    %div3A_591 = arith.divsi %squeeze3A_589, %jit3A_590 : i32
    %sign3A_592 = arith.constant 0 : i32
    %sign3A_593 = arith.cmpi sgt, %squeeze3A_589, %sign3A_592 : i32
    %sign3A_594 = arith.extui %sign3A_593 : i1 to i32
    %sign3A_595 = arith.constant 0 : i32
    %sign3A_596 = arith.cmpi slt, %squeeze3A_589, %sign3A_595 : i32
    %sign3A_597 = arith.extui %sign3A_596 : i1 to i32
    %sign3A_598 = arith.subi %sign3A_594, %sign3A_597 : i32
    %sign3A_599 = arith.constant 0 : i32
    %sign3A_600 = arith.cmpi sgt, %jit3A_590, %sign3A_599 : i32
    %sign3A_601 = arith.extui %sign3A_600 : i1 to i32
    %sign3A_602 = arith.constant 0 : i32
    %sign3A_603 = arith.cmpi slt, %jit3A_590, %sign3A_602 : i32
    %sign3A_604 = arith.extui %sign3A_603 : i1 to i32
    %sign3A_605 = arith.subi %sign3A_601, %sign3A_604 : i32
    %ne3A_606 = arith.cmpi ne, %sign3A_598, %sign3A_605 : i32
    %rem3A_607 = arith.remsi %squeeze3A_589, %jit3A_590 : i32
    %ne3A_608 = arith.constant 0 : i32
    %ne3A_609 = arith.cmpi ne, %rem3A_607, %ne3A_608 : i32
    %and3A_610 = arith.andi %ne3A_606, %ne3A_609 : i1
    %sub3A_611 = arith.constant 1 : i32
    %sub3A_612 = arith.subi %div3A_591, %sub3A_611 : i32
    %select_n3A_613 = arith.select %and3A_610, %sub3A_612, %div3A_591 : i32
    %mul3A_614 = arith.constant 128 : i32
    %mul3A_615 = arith.muli %select_n3A_613, %mul3A_614 : i32
    %multiple_of3A_616 = tpu.assume_multiple %mul3A_615, 128 : i32
    %slice3A_617 = vector.extract_strided_slice %get3A_10 {offsets = [7], sizes = [1], strides = [1]} : vector<16xi32> to vector<1xi32>
    %squeeze3A_618 = vector.extract %slice3A_617[0] : i32 from vector<1xi32>
    %jit3A_619 = arith.constant 128 : i32
    %div3A_620 = arith.divsi %squeeze3A_618, %jit3A_619 : i32
    %sign3A_621 = arith.constant 0 : i32
    %sign3A_622 = arith.cmpi sgt, %squeeze3A_618, %sign3A_621 : i32
    %sign3A_623 = arith.extui %sign3A_622 : i1 to i32
    %sign3A_624 = arith.constant 0 : i32
    %sign3A_625 = arith.cmpi slt, %squeeze3A_618, %sign3A_624 : i32
    %sign3A_626 = arith.extui %sign3A_625 : i1 to i32
    %sign3A_627 = arith.subi %sign3A_623, %sign3A_626 : i32
    %sign3A_628 = arith.constant 0 : i32
    %sign3A_629 = arith.cmpi sgt, %jit3A_619, %sign3A_628 : i32
    %sign3A_630 = arith.extui %sign3A_629 : i1 to i32
    %sign3A_631 = arith.constant 0 : i32
    %sign3A_632 = arith.cmpi slt, %jit3A_619, %sign3A_631 : i32
    %sign3A_633 = arith.extui %sign3A_632 : i1 to i32
    %sign3A_634 = arith.subi %sign3A_630, %sign3A_633 : i32
    %ne3A_635 = arith.cmpi ne, %sign3A_627, %sign3A_634 : i32
    %rem3A_636 = arith.remsi %squeeze3A_618, %jit3A_619 : i32
    %ne3A_637 = arith.constant 0 : i32
    %ne3A_638 = arith.cmpi ne, %rem3A_636, %ne3A_637 : i32
    %and3A_639 = arith.andi %ne3A_635, %ne3A_638 : i1
    %sub3A_640 = arith.constant 1 : i32
    %sub3A_641 = arith.subi %div3A_620, %sub3A_640 : i32
    %select_n3A_642 = arith.select %and3A_639, %sub3A_641, %div3A_620 : i32
    %mul3A_643 = arith.constant 128 : i32
    %mul3A_644 = arith.muli %select_n3A_642, %mul3A_643 : i32
    %multiple_of3A_645 = tpu.assume_multiple %mul3A_644, 128 : i32
    %dma_start3A_646 = arith.constant 7 : i32
    %dma_start3A_647 = arith.constant 0 : i32
    %dma_start3A_648 = arith.constant 0 : i32
    %dma_start3A_649 = tpu.memref_slice %arg9[%dma_start3A_646, %dma_start3A_647, %dma_start3A_648] : memref<8x16x128xf32, #tpu.memory_space<vmem>> -> memref<1x16x128xf32, #tpu.memory_space<vmem>>
    %dma_start3A_650 = tpu.memref_squeeze %dma_start3A_649 : memref<1x16x128xf32, #tpu.memory_space<vmem>> -> memref<16x128xf32, #tpu.memory_space<vmem>>
    %dma_start3A_651 = arith.constant 0 : i32
    %dma_start3A_652 = tpu.memref_slice %arg4[%dma_start3A_651, %multiple_of3A_616] : memref<16x1000000xf32, #tpu.memory_space<hbm>> -> memref<16x128xf32, #tpu.memory_space<hbm>>
    %dma_start3A_653 = arith.constant 0 : i32
    %dma_start3A_654 = arith.constant 0 : i32
    %dma_start3A_655 = tpu.memref_slice %arg9[%dma_start3A_646, %dma_start3A_653, %dma_start3A_654] : memref<8x16x128xf32, #tpu.memory_space<vmem>> -> memref<1x16x128xf32, #tpu.memory_space<vmem>>
    %dma_start3A_656 = tpu.memref_squeeze %dma_start3A_655 : memref<1x16x128xf32, #tpu.memory_space<vmem>> -> memref<16x128xf32, #tpu.memory_space<vmem>>
    %dma_start3A_657 = arith.constant 0 : i32
    %dma_start3A_658 = tpu.memref_slice %arg4[%dma_start3A_657, %multiple_of3A_616] : memref<16x1000000xf32, #tpu.memory_space<hbm>> -> memref<16x128xf32, #tpu.memory_space<hbm>>
    tpu.enqueue_dma source(%dma_start3A_658 : memref<16x128xf32, #tpu.memory_space<hbm>>) target(%dma_start3A_656 : memref<16x128xf32, #tpu.memory_space<vmem>>) target_semaphore(%arg14 : memref<!tpu.dma_semaphore, #tpu.memory_space<semaphore_mem>>)
    %dma_start3A_659 = arith.constant 7 : i32
    %dma_start3A_660 = arith.constant 0 : i32
    %dma_start3A_661 = arith.constant 0 : i32
    %dma_start3A_662 = tpu.memref_slice %arg10[%dma_start3A_659, %dma_start3A_660, %dma_start3A_661] : memref<8x16x128xf32, #tpu.memory_space<vmem>> -> memref<1x16x128xf32, #tpu.memory_space<vmem>>
    %dma_start3A_663 = tpu.memref_squeeze %dma_start3A_662 : memref<1x16x128xf32, #tpu.memory_space<vmem>> -> memref<16x128xf32, #tpu.memory_space<vmem>>
    %dma_start3A_664 = arith.constant 0 : i32
    %dma_start3A_665 = tpu.memref_slice %arg5[%dma_start3A_664, %multiple_of3A_645] : memref<16x1000000xf32, #tpu.memory_space<hbm>> -> memref<16x128xf32, #tpu.memory_space<hbm>>
    %dma_start3A_666 = arith.constant 0 : i32
    %dma_start3A_667 = arith.constant 0 : i32
    %dma_start3A_668 = tpu.memref_slice %arg10[%dma_start3A_659, %dma_start3A_666, %dma_start3A_667] : memref<8x16x128xf32, #tpu.memory_space<vmem>> -> memref<1x16x128xf32, #tpu.memory_space<vmem>>
    %dma_start3A_669 = tpu.memref_squeeze %dma_start3A_668 : memref<1x16x128xf32, #tpu.memory_space<vmem>> -> memref<16x128xf32, #tpu.memory_space<vmem>>
    %dma_start3A_670 = arith.constant 0 : i32
    %dma_start3A_671 = tpu.memref_slice %arg5[%dma_start3A_670, %multiple_of3A_645] : memref<16x1000000xf32, #tpu.memory_space<hbm>> -> memref<16x128xf32, #tpu.memory_space<hbm>>
    tpu.enqueue_dma source(%dma_start3A_671 : memref<16x128xf32, #tpu.memory_space<hbm>>) target(%dma_start3A_669 : memref<16x128xf32, #tpu.memory_space<vmem>>) target_semaphore(%arg14 : memref<!tpu.dma_semaphore, #tpu.memory_space<semaphore_mem>>)
    %scan3A = arith.constant 0 : i32
    %scan3A_672 = arith.constant 32 : i32
    %scan3A_673 = arith.addi %scan3A, %scan3A_672 : i32
    %scan3A_674 = arith.constant 1 : i32
    scf.for %scan3A_676 = %scan3A to %scan3A_673 step %scan3A_674  : i32 {
      %mul3A_677 = arith.constant 2 : i32
      %mul3A_678 = arith.muli %mul3A_677, %scan3A_676 : i32
      %mul3A_679 = arith.constant 2 : i32
      %mul3A_680 = arith.muli %mul3A_679, %scan3A_676 : i32
      %add3A_681 = arith.constant 1 : i32
      %add3A_682 = arith.addi %mul3A_680, %add3A_681 : i32
      %mul3A_683 = arith.constant 8 : i32
      %mul3A_684 = arith.muli %add3A_682, %mul3A_683 : i32
      %get3A_685 = arith.index_cast %mul3A_684 : i32 to index
      %get3A_686 = tpu.vector_load %arg7[%get3A_685] {strides = array<i32>} : memref<528xi32, #tpu.memory_space<vmem>>, vector<16xi32>,
      %mul3A_687 = arith.constant 8 : i32
      %mul3A_688 = arith.muli %add3A_682, %mul3A_687 : i32
      %get3A_689 = arith.index_cast %mul3A_688 : i32 to index
      %get3A_690 = tpu.vector_load %arg8[%get3A_689] {strides = array<i32>} : memref<528xi32, #tpu.memory_space<vmem>>, vector<16xi32>,
      %slice3A_691 = vector.extract_strided_slice %get3A_686 {offsets = [0], sizes = [1], strides = [1]} : vector<16xi32> to vector<1xi32>
      %squeeze3A_692 = vector.extract %slice3A_691[0] : i32 from vector<1xi32>
      %jit3A_693 = arith.constant 128 : i32
      %div3A_694 = arith.divsi %squeeze3A_692, %jit3A_693 : i32
      %sign3A_695 = arith.constant 0 : i32
      %sign3A_696 = arith.cmpi sgt, %squeeze3A_692, %sign3A_695 : i32
      %sign3A_697 = arith.extui %sign3A_696 : i1 to i32
      %sign3A_698 = arith.constant 0 : i32
      %sign3A_699 = arith.cmpi slt, %squeeze3A_692, %sign3A_698 : i32
      %sign3A_700 = arith.extui %sign3A_699 : i1 to i32
      %sign3A_701 = arith.subi %sign3A_697, %sign3A_700 : i32
      %sign3A_702 = arith.constant 0 : i32
      %sign3A_703 = arith.cmpi sgt, %jit3A_693, %sign3A_702 : i32
      %sign3A_704 = arith.extui %sign3A_703 : i1 to i32
      %sign3A_705 = arith.constant 0 : i32
      %sign3A_706 = arith.cmpi slt, %jit3A_693, %sign3A_705 : i32
      %sign3A_707 = arith.extui %sign3A_706 : i1 to i32
      %sign3A_708 = arith.subi %sign3A_704, %sign3A_707 : i32
      %ne3A_709 = arith.cmpi ne, %sign3A_701, %sign3A_708 : i32
      %rem3A_710 = arith.remsi %squeeze3A_692, %jit3A_693 : i32
      %ne3A_711 = arith.constant 0 : i32
      %ne3A_712 = arith.cmpi ne, %rem3A_710, %ne3A_711 : i32
      %and3A_713 = arith.andi %ne3A_709, %ne3A_712 : i1
      %sub3A_714 = arith.constant 1 : i32
      %sub3A_715 = arith.subi %div3A_694, %sub3A_714 : i32
      %select_n3A_716 = arith.select %and3A_713, %sub3A_715, %div3A_694 : i32
      %mul3A_717 = arith.constant 128 : i32
      %mul3A_718 = arith.muli %select_n3A_716, %mul3A_717 : i32
      %multiple_of3A_719 = tpu.assume_multiple %mul3A_718, 128 : i32
      %slice3A_720 = vector.extract_strided_slice %get3A_690 {offsets = [0], sizes = [1], strides = [1]} : vector<16xi32> to vector<1xi32>
      %squeeze3A_721 = vector.extract %slice3A_720[0] : i32 from vector<1xi32>
      %jit3A_722 = arith.constant 128 : i32
      %div3A_723 = arith.divsi %squeeze3A_721, %jit3A_722 : i32
      %sign3A_724 = arith.constant 0 : i32
      %sign3A_725 = arith.cmpi sgt, %squeeze3A_721, %sign3A_724 : i32
      %sign3A_726 = arith.extui %sign3A_725 : i1 to i32
      %sign3A_727 = arith.constant 0 : i32
      %sign3A_728 = arith.cmpi slt, %squeeze3A_721, %sign3A_727 : i32
      %sign3A_729 = arith.extui %sign3A_728 : i1 to i32
      %sign3A_730 = arith.subi %sign3A_726, %sign3A_729 : i32
      %sign3A_731 = arith.constant 0 : i32
      %sign3A_732 = arith.cmpi sgt, %jit3A_722, %sign3A_731 : i32
      %sign3A_733 = arith.extui %sign3A_732 : i1 to i32
      %sign3A_734 = arith.constant 0 : i32
      %sign3A_735 = arith.cmpi slt, %jit3A_722, %sign3A_734 : i32
      %sign3A_736 = arith.extui %sign3A_735 : i1 to i32
      %sign3A_737 = arith.subi %sign3A_733, %sign3A_736 : i32
      %ne3A_738 = arith.cmpi ne, %sign3A_730, %sign3A_737 : i32
      %rem3A_739 = arith.remsi %squeeze3A_721, %jit3A_722 : i32
      %ne3A_740 = arith.constant 0 : i32
      %ne3A_741 = arith.cmpi ne, %rem3A_739, %ne3A_740 : i32
      %and3A_742 = arith.andi %ne3A_738, %ne3A_741 : i1
      %sub3A_743 = arith.constant 1 : i32
      %sub3A_744 = arith.subi %div3A_723, %sub3A_743 : i32
      %select_n3A_745 = arith.select %and3A_742, %sub3A_744, %div3A_723 : i32
      %mul3A_746 = arith.constant 128 : i32
      %mul3A_747 = arith.muli %select_n3A_745, %mul3A_746 : i32
      %multiple_of3A_748 = tpu.assume_multiple %mul3A_747, 128 : i32
      %dma_start3A_749 = arith.constant 0 : i32
      %dma_start3A_750 = arith.constant 0 : i32
      %dma_start3A_751 = arith.constant 0 : i32
      %dma_start3A_752 = tpu.memref_slice %arg11[%dma_start3A_749, %dma_start3A_750, %dma_start3A_751] : memref<8x16x128xf32, #tpu.memory_space<vmem>> -> memref<1x16x128xf32, #tpu.memory_space<vmem>>
      %dma_start3A_753 = tpu.memref_squeeze %dma_start3A_752 : memref<1x16x128xf32, #tpu.memory_space<vmem>> -> memref<16x128xf32, #tpu.memory_space<vmem>>
      %dma_start3A_754 = arith.constant 0 : i32
      %dma_start3A_755 = tpu.memref_slice %arg4[%dma_start3A_754, %multiple_of3A_719] : memref<16x1000000xf32, #tpu.memory_space<hbm>> -> memref<16x128xf32, #tpu.memory_space<hbm>>
      %dma_start3A_756 = arith.constant 0 : i32
      %dma_start3A_757 = arith.constant 0 : i32
      %dma_start3A_758 = tpu.memref_slice %arg11[%dma_start3A_749, %dma_start3A_756, %dma_start3A_757] : memref<8x16x128xf32, #tpu.memory_space<vmem>> -> memref<1x16x128xf32, #tpu.memory_space<vmem>>
      %dma_start3A_759 = tpu.memref_squeeze %dma_start3A_758 : memref<1x16x128xf32, #tpu.memory_space<vmem>> -> memref<16x128xf32, #tpu.memory_space<vmem>>
      %dma_start3A_760 = arith.constant 0 : i32
      %dma_start3A_761 = tpu.memref_slice %arg4[%dma_start3A_760, %multiple_of3A_719] : memref<16x1000000xf32, #tpu.memory_space<hbm>> -> memref<16x128xf32, #tpu.memory_space<hbm>>
      tpu.enqueue_dma source(%dma_start3A_761 : memref<16x128xf32, #tpu.memory_space<hbm>>) target(%dma_start3A_759 : memref<16x128xf32, #tpu.memory_space<vmem>>) target_semaphore(%arg15 : memref<!tpu.dma_semaphore, #tpu.memory_space<semaphore_mem>>)
      %dma_start3A_762 = arith.constant 0 : i32
      %dma_start3A_763 = arith.constant 0 : i32
      %dma_start3A_764 = arith.constant 0 : i32
      %dma_start3A_765 = tpu.memref_slice %arg12[%dma_start3A_762, %dma_start3A_763, %dma_start3A_764] : memref<8x16x128xf32, #tpu.memory_space<vmem>> -> memref<1x16x128xf32, #tpu.memory_space<vmem>>
      %dma_start3A_766 = tpu.memref_squeeze %dma_start3A_765 : memref<1x16x128xf32, #tpu.memory_space<vmem>> -> memref<16x128xf32, #tpu.memory_space<vmem>>
      %dma_start3A_767 = arith.constant 0 : i32
      %dma_start3A_768 = tpu.memref_slice %arg5[%dma_start3A_767, %multiple_of3A_748] : memref<16x1000000xf32, #tpu.memory_space<hbm>> -> memref<16x128xf32, #tpu.memory_space<hbm>>
      %dma_start3A_769 = arith.constant 0 : i32
      %dma_start3A_770 = arith.constant 0 : i32
      %dma_start3A_771 = tpu.memref_slice %arg12[%dma_start3A_762, %dma_start3A_769, %dma_start3A_770] : memref<8x16x128xf32, #tpu.memory_space<vmem>> -> memref<1x16x128xf32, #tpu.memory_space<vmem>>
      %dma_start3A_772 = tpu.memref_squeeze %dma_start3A_771 : memref<1x16x128xf32, #tpu.memory_space<vmem>> -> memref<16x128xf32, #tpu.memory_space<vmem>>
      %dma_start3A_773 = arith.constant 0 : i32
      %dma_start3A_774 = tpu.memref_slice %arg5[%dma_start3A_773, %multiple_of3A_748] : memref<16x1000000xf32, #tpu.memory_space<hbm>> -> memref<16x128xf32, #tpu.memory_space<hbm>>
      tpu.enqueue_dma source(%dma_start3A_774 : memref<16x128xf32, #tpu.memory_space<hbm>>) target(%dma_start3A_772 : memref<16x128xf32, #tpu.memory_space<vmem>>) target_semaphore(%arg15 : memref<!tpu.dma_semaphore, #tpu.memory_space<semaphore_mem>>)
      %slice3A_775 = vector.extract_strided_slice %get3A_686 {offsets = [1], sizes = [1], strides = [1]} : vector<16xi32> to vector<1xi32>
      %squeeze3A_776 = vector.extract %slice3A_775[0] : i32 from vector<1xi32>
      %jit3A_777 = arith.constant 128 : i32
      %div3A_778 = arith.divsi %squeeze3A_776, %jit3A_777 : i32
      %sign3A_779 = arith.constant 0 : i32
      %sign3A_780 = arith.cmpi sgt, %squeeze3A_776, %sign3A_779 : i32
      %sign3A_781 = arith.extui %sign3A_780 : i1 to i32
      %sign3A_782 = arith.constant 0 : i32
      %sign3A_783 = arith.cmpi slt, %squeeze3A_776, %sign3A_782 : i32
      %sign3A_784 = arith.extui %sign3A_783 : i1 to i32
      %sign3A_785 = arith.subi %sign3A_781, %sign3A_784 : i32
      %sign3A_786 = arith.constant 0 : i32
      %sign3A_787 = arith.cmpi sgt, %jit3A_777, %sign3A_786 : i32
      %sign3A_788 = arith.extui %sign3A_787 : i1 to i32
      %sign3A_789 = arith.constant 0 : i32
      %sign3A_790 = arith.cmpi slt, %jit3A_777, %sign3A_789 : i32
      %sign3A_791 = arith.extui %sign3A_790 : i1 to i32
      %sign3A_792 = arith.subi %sign3A_788, %sign3A_791 : i32
      %ne3A_793 = arith.cmpi ne, %sign3A_785, %sign3A_792 : i32
      %rem3A_794 = arith.remsi %squeeze3A_776, %jit3A_777 : i32
      %ne3A_795 = arith.constant 0 : i32
      %ne3A_796 = arith.cmpi ne, %rem3A_794, %ne3A_795 : i32
      %and3A_797 = arith.andi %ne3A_793, %ne3A_796 : i1
      %sub3A_798 = arith.constant 1 : i32
      %sub3A_799 = arith.subi %div3A_778, %sub3A_798 : i32
      %select_n3A_800 = arith.select %and3A_797, %sub3A_799, %div3A_778 : i32
      %mul3A_801 = arith.constant 128 : i32
      %mul3A_802 = arith.muli %select_n3A_800, %mul3A_801 : i32
      %multiple_of3A_803 = tpu.assume_multiple %mul3A_802, 128 : i32
      %slice3A_804 = vector.extract_strided_slice %get3A_690 {offsets = [1], sizes = [1], strides = [1]} : vector<16xi32> to vector<1xi32>
      %squeeze3A_805 = vector.extract %slice3A_804[0] : i32 from vector<1xi32>
      %jit3A_806 = arith.constant 128 : i32
      %div3A_807 = arith.divsi %squeeze3A_805, %jit3A_806 : i32
      %sign3A_808 = arith.constant 0 : i32
      %sign3A_809 = arith.cmpi sgt, %squeeze3A_805, %sign3A_808 : i32
      %sign3A_810 = arith.extui %sign3A_809 : i1 to i32
      %sign3A_811 = arith.constant 0 : i32
      %sign3A_812 = arith.cmpi slt, %squeeze3A_805, %sign3A_811 : i32
      %sign3A_813 = arith.extui %sign3A_812 : i1 to i32
      %sign3A_814 = arith.subi %sign3A_810, %sign3A_813 : i32
      %sign3A_815 = arith.constant 0 : i32
      %sign3A_816 = arith.cmpi sgt, %jit3A_806, %sign3A_815 : i32
      %sign3A_817 = arith.extui %sign3A_816 : i1 to i32
      %sign3A_818 = arith.constant 0 : i32
      %sign3A_819 = arith.cmpi slt, %jit3A_806, %sign3A_818 : i32
      %sign3A_820 = arith.extui %sign3A_819 : i1 to i32
      %sign3A_821 = arith.subi %sign3A_817, %sign3A_820 : i32
      %ne3A_822 = arith.cmpi ne, %sign3A_814, %sign3A_821 : i32
      %rem3A_823 = arith.remsi %squeeze3A_805, %jit3A_806 : i32
      %ne3A_824 = arith.constant 0 : i32
      %ne3A_825 = arith.cmpi ne, %rem3A_823, %ne3A_824 : i32
      %and3A_826 = arith.andi %ne3A_822, %ne3A_825 : i1
      %sub3A_827 = arith.constant 1 : i32
      %sub3A_828 = arith.subi %div3A_807, %sub3A_827 : i32
      %select_n3A_829 = arith.select %and3A_826, %sub3A_828, %div3A_807 : i32
      %mul3A_830 = arith.constant 128 : i32
      %mul3A_831 = arith.muli %select_n3A_829, %mul3A_830 : i32
      %multiple_of3A_832 = tpu.assume_multiple %mul3A_831, 128 : i32
      %dma_start3A_833 = arith.constant 1 : i32
      %dma_start3A_834 = arith.constant 0 : i32
      %dma_start3A_835 = arith.constant 0 : i32
      %dma_start3A_836 = tpu.memref_slice %arg11[%dma_start3A_833, %dma_start3A_834, %dma_start3A_835] : memref<8x16x128xf32, #tpu.memory_space<vmem>> -> memref<1x16x128xf32, #tpu.memory_space<vmem>>
      %dma_start3A_837 = tpu.memref_squeeze %dma_start3A_836 : memref<1x16x128xf32, #tpu.memory_space<vmem>> -> memref<16x128xf32, #tpu.memory_space<vmem>>
      %dma_start3A_838 = arith.constant 0 : i32
      %dma_start3A_839 = tpu.memref_slice %arg4[%dma_start3A_838, %multiple_of3A_803] : memref<16x1000000xf32, #tpu.memory_space<hbm>> -> memref<16x128xf32, #tpu.memory_space<hbm>>
      %dma_start3A_840 = arith.constant 0 : i32
      %dma_start3A_841 = arith.constant 0 : i32
      %dma_start3A_842 = tpu.memref_slice %arg11[%dma_start3A_833, %dma_start3A_840, %dma_start3A_841] : memref<8x16x128xf32, #tpu.memory_space<vmem>> -> memref<1x16x128xf32, #tpu.memory_space<vmem>>
      %dma_start3A_843 = tpu.memref_squeeze %dma_start3A_842 : memref<1x16x128xf32, #tpu.memory_space<vmem>> -> memref<16x128xf32, #tpu.memory_space<vmem>>
      %dma_start3A_844 = arith.constant 0 : i32
      %dma_start3A_845 = tpu.memref_slice %arg4[%dma_start3A_844, %multiple_of3A_803] : memref<16x1000000xf32, #tpu.memory_space<hbm>> -> memref<16x128xf32, #tpu.memory_space<hbm>>
      tpu.enqueue_dma source(%dma_start3A_845 : memref<16x128xf32, #tpu.memory_space<hbm>>) target(%dma_start3A_843 : memref<16x128xf32, #tpu.memory_space<vmem>>) target_semaphore(%arg15 : memref<!tpu.dma_semaphore, #tpu.memory_space<semaphore_mem>>)
      %dma_start3A_846 = arith.constant 1 : i32
      %dma_start3A_847 = arith.constant 0 : i32
      %dma_start3A_848 = arith.constant 0 : i32
      %dma_start3A_849 = tpu.memref_slice %arg12[%dma_start3A_846, %dma_start3A_847, %dma_start3A_848] : memref<8x16x128xf32, #tpu.memory_space<vmem>> -> memref<1x16x128xf32, #tpu.memory_space<vmem>>
      %dma_start3A_850 = tpu.memref_squeeze %dma_start3A_849 : memref<1x16x128xf32, #tpu.memory_space<vmem>> -> memref<16x128xf32, #tpu.memory_space<vmem>>
      %dma_start3A_851 = arith.constant 0 : i32
      %dma_start3A_852 = tpu.memref_slice %arg5[%dma_start3A_851, %multiple_of3A_832] : memref<16x1000000xf32, #tpu.memory_space<hbm>> -> memref<16x128xf32, #tpu.memory_space<hbm>>
      %dma_start3A_853 = arith.constant 0 : i32
      %dma_start3A_854 = arith.constant 0 : i32
      %dma_start3A_855 = tpu.memref_slice %arg12[%dma_start3A_846, %dma_start3A_853, %dma_start3A_854] : memref<8x16x128xf32, #tpu.memory_space<vmem>> -> memref<1x16x128xf32, #tpu.memory_space<vmem>>
      %dma_start3A_856 = tpu.memref_squeeze %dma_start3A_855 : memref<1x16x128xf32, #tpu.memory_space<vmem>> -> memref<16x128xf32, #tpu.memory_space<vmem>>
      %dma_start3A_857 = arith.constant 0 : i32
      %dma_start3A_858 = tpu.memref_slice %arg5[%dma_start3A_857, %multiple_of3A_832] : memref<16x1000000xf32, #tpu.memory_space<hbm>> -> memref<16x128xf32, #tpu.memory_space<hbm>>
      tpu.enqueue_dma source(%dma_start3A_858 : memref<16x128xf32, #tpu.memory_space<hbm>>) target(%dma_start3A_856 : memref<16x128xf32, #tpu.memory_space<vmem>>) target_semaphore(%arg15 : memref<!tpu.dma_semaphore, #tpu.memory_space<semaphore_mem>>)
      %slice3A_859 = vector.extract_strided_slice %get3A_686 {offsets = [2], sizes = [1], strides = [1]} : vector<16xi32> to vector<1xi32>
      %squeeze3A_860 = vector.extract %slice3A_859[0] : i32 from vector<1xi32>
      %jit3A_861 = arith.constant 128 : i32
      %div3A_862 = arith.divsi %squeeze3A_860, %jit3A_861 : i32
      %sign3A_863 = arith.constant 0 : i32
      %sign3A_864 = arith.cmpi sgt, %squeeze3A_860, %sign3A_863 : i32
      %sign3A_865 = arith.extui %sign3A_864 : i1 to i32
      %sign3A_866 = arith.constant 0 : i32
      %sign3A_867 = arith.cmpi slt, %squeeze3A_860, %sign3A_866 : i32
      %sign3A_868 = arith.extui %sign3A_867 : i1 to i32
      %sign3A_869 = arith.subi %sign3A_865, %sign3A_868 : i32
      %sign3A_870 = arith.constant 0 : i32
      %sign3A_871 = arith.cmpi sgt, %jit3A_861, %sign3A_870 : i32
      %sign3A_872 = arith.extui %sign3A_871 : i1 to i32
      %sign3A_873 = arith.constant 0 : i32
      %sign3A_874 = arith.cmpi slt, %jit3A_861, %sign3A_873 : i32
      %sign3A_875 = arith.extui %sign3A_874 : i1 to i32
      %sign3A_876 = arith.subi %sign3A_872, %sign3A_875 : i32
      %ne3A_877 = arith.cmpi ne, %sign3A_869, %sign3A_876 : i32
      %rem3A_878 = arith.remsi %squeeze3A_860, %jit3A_861 : i32
      %ne3A_879 = arith.constant 0 : i32
      %ne3A_880 = arith.cmpi ne, %rem3A_878, %ne3A_879 : i32
      %and3A_881 = arith.andi %ne3A_877, %ne3A_880 : i1
      %sub3A_882 = arith.constant 1 : i32
      %sub3A_883 = arith.subi %div3A_862, %sub3A_882 : i32
      %select_n3A_884 = arith.select %and3A_881, %sub3A_883, %div3A_862 : i32
      %mul3A_885 = arith.constant 128 : i32
      %mul3A_886 = arith.muli %select_n3A_884, %mul3A_885 : i32
      %multiple_of3A_887 = tpu.assume_multiple %mul3A_886, 128 : i32
      %slice3A_888 = vector.extract_strided_slice %get3A_690 {offsets = [2], sizes = [1], strides = [1]} : vector<16xi32> to vector<1xi32>
      %squeeze3A_889 = vector.extract %slice3A_888[0] : i32 from vector<1xi32>
      %jit3A_890 = arith.constant 128 : i32
      %div3A_891 = arith.divsi %squeeze3A_889, %jit3A_890 : i32
      %sign3A_892 = arith.constant 0 : i32
      %sign3A_893 = arith.cmpi sgt, %squeeze3A_889, %sign3A_892 : i32
      %sign3A_894 = arith.extui %sign3A_893 : i1 to i32
      %sign3A_895 = arith.constant 0 : i32
      %sign3A_896 = arith.cmpi slt, %squeeze3A_889, %sign3A_895 : i32
      %sign3A_897 = arith.extui %sign3A_896 : i1 to i32
      %sign3A_898 = arith.subi %sign3A_894, %sign3A_897 : i32
      %sign3A_899 = arith.constant 0 : i32
      %sign3A_900 = arith.cmpi sgt, %jit3A_890, %sign3A_899 : i32
      %sign3A_901 = arith.extui %sign3A_900 : i1 to i32
      %sign3A_902 = arith.constant 0 : i32
      %sign3A_903 = arith.cmpi slt, %jit3A_890, %sign3A_902 : i32
      %sign3A_904 = arith.extui %sign3A_903 : i1 to i32
      %sign3A_905 = arith.subi %sign3A_901, %sign3A_904 : i32
      %ne3A_906 = arith.cmpi ne, %sign3A_898, %sign3A_905 : i32
      %rem3A_907 = arith.remsi %squeeze3A_889, %jit3A_890 : i32
      %ne3A_908 = arith.constant 0 : i32
      %ne3A_909 = arith.cmpi ne, %rem3A_907, %ne3A_908 : i32
      %and3A_910 = arith.andi %ne3A_906, %ne3A_909 : i1
      %sub3A_911 = arith.constant 1 : i32
      %sub3A_912 = arith.subi %div3A_891, %sub3A_911 : i32
      %select_n3A_913 = arith.select %and3A_910, %sub3A_912, %div3A_891 : i32
      %mul3A_914 = arith.constant 128 : i32
      %mul3A_915 = arith.muli %select_n3A_913, %mul3A_914 : i32
      %multiple_of3A_916 = tpu.assume_multiple %mul3A_915, 128 : i32
      %dma_start3A_917 = arith.constant 2 : i32
      %dma_start3A_918 = arith.constant 0 : i32
      %dma_start3A_919 = arith.constant 0 : i32
      %dma_start3A_920 = tpu.memref_slice %arg11[%dma_start3A_917, %dma_start3A_918, %dma_start3A_919] : memref<8x16x128xf32, #tpu.memory_space<vmem>> -> memref<1x16x128xf32, #tpu.memory_space<vmem>>
      %dma_start3A_921 = tpu.memref_squeeze %dma_start3A_920 : memref<1x16x128xf32, #tpu.memory_space<vmem>> -> memref<16x128xf32, #tpu.memory_space<vmem>>
      %dma_start3A_922 = arith.constant 0 : i32
      %dma_start3A_923 = tpu.memref_slice %arg4[%dma_start3A_922, %multiple_of3A_887] : memref<16x1000000xf32, #tpu.memory_space<hbm>> -> memref<16x128xf32, #tpu.memory_space<hbm>>
      %dma_start3A_924 = arith.constant 0 : i32
      %dma_start3A_925 = arith.constant 0 : i32
      %dma_start3A_926 = tpu.memref_slice %arg11[%dma_start3A_917, %dma_start3A_924, %dma_start3A_925] : memref<8x16x128xf32, #tpu.memory_space<vmem>> -> memref<1x16x128xf32, #tpu.memory_space<vmem>>
      %dma_start3A_927 = tpu.memref_squeeze %dma_start3A_926 : memref<1x16x128xf32, #tpu.memory_space<vmem>> -> memref<16x128xf32, #tpu.memory_space<vmem>>
      %dma_start3A_928 = arith.constant 0 : i32
      %dma_start3A_929 = tpu.memref_slice %arg4[%dma_start3A_928, %multiple_of3A_887] : memref<16x1000000xf32, #tpu.memory_space<hbm>> -> memref<16x128xf32, #tpu.memory_space<hbm>>
      tpu.enqueue_dma source(%dma_start3A_929 : memref<16x128xf32, #tpu.memory_space<hbm>>) target(%dma_start3A_927 : memref<16x128xf32, #tpu.memory_space<vmem>>) target_semaphore(%arg15 : memref<!tpu.dma_semaphore, #tpu.memory_space<semaphore_mem>>)
      %dma_start3A_930 = arith.constant 2 : i32
      %dma_start3A_931 = arith.constant 0 : i32
      %dma_start3A_932 = arith.constant 0 : i32
      %dma_start3A_933 = tpu.memref_slice %arg12[%dma_start3A_930, %dma_start3A_931, %dma_start3A_932] : memref<8x16x128xf32, #tpu.memory_space<vmem>> -> memref<1x16x128xf32, #tpu.memory_space<vmem>>
      %dma_start3A_934 = tpu.memref_squeeze %dma_start3A_933 : memref<1x16x128xf32, #tpu.memory_space<vmem>> -> memref<16x128xf32, #tpu.memory_space<vmem>>
      %dma_start3A_935 = arith.constant 0 : i32
      %dma_start3A_936 = tpu.memref_slice %arg5[%dma_start3A_935, %multiple_of3A_916] : memref<16x1000000xf32, #tpu.memory_space<hbm>> -> memref<16x128xf32, #tpu.memory_space<hbm>>
      %dma_start3A_937 = arith.constant 0 : i32
      %dma_start3A_938 = arith.constant 0 : i32
      %dma_start3A_939 = tpu.memref_slice %arg12[%dma_start3A_930, %dma_start3A_937, %dma_start3A_938] : memref<8x16x128xf32, #tpu.memory_space<vmem>> -> memref<1x16x128xf32, #tpu.memory_space<vmem>>
      %dma_start3A_940 = tpu.memref_squeeze %dma_start3A_939 : memref<1x16x128xf32, #tpu.memory_space<vmem>> -> memref<16x128xf32, #tpu.memory_space<vmem>>
      %dma_start3A_941 = arith.constant 0 : i32
      %dma_start3A_942 = tpu.memref_slice %arg5[%dma_start3A_941, %multiple_of3A_916] : memref<16x1000000xf32, #tpu.memory_space<hbm>> -> memref<16x128xf32, #tpu.memory_space<hbm>>
      tpu.enqueue_dma source(%dma_start3A_942 : memref<16x128xf32, #tpu.memory_space<hbm>>) target(%dma_start3A_940 : memref<16x128xf32, #tpu.memory_space<vmem>>) target_semaphore(%arg15 : memref<!tpu.dma_semaphore, #tpu.memory_space<semaphore_mem>>)
      %slice3A_943 = vector.extract_strided_slice %get3A_686 {offsets = [3], sizes = [1], strides = [1]} : vector<16xi32> to vector<1xi32>
      %squeeze3A_944 = vector.extract %slice3A_943[0] : i32 from vector<1xi32>
      %jit3A_945 = arith.constant 128 : i32
      %div3A_946 = arith.divsi %squeeze3A_944, %jit3A_945 : i32
      %sign3A_947 = arith.constant 0 : i32
      %sign3A_948 = arith.cmpi sgt, %squeeze3A_944, %sign3A_947 : i32
      %sign3A_949 = arith.extui %sign3A_948 : i1 to i32
      %sign3A_950 = arith.constant 0 : i32
      %sign3A_951 = arith.cmpi slt, %squeeze3A_944, %sign3A_950 : i32
      %sign3A_952 = arith.extui %sign3A_951 : i1 to i32
      %sign3A_953 = arith.subi %sign3A_949, %sign3A_952 : i32
      %sign3A_954 = arith.constant 0 : i32
      %sign3A_955 = arith.cmpi sgt, %jit3A_945, %sign3A_954 : i32
      %sign3A_956 = arith.extui %sign3A_955 : i1 to i32
      %sign3A_957 = arith.constant 0 : i32
      %sign3A_958 = arith.cmpi slt, %jit3A_945, %sign3A_957 : i32
      %sign3A_959 = arith.extui %sign3A_958 : i1 to i32
      %sign3A_960 = arith.subi %sign3A_956, %sign3A_959 : i32
      %ne3A_961 = arith.cmpi ne, %sign3A_953, %sign3A_960 : i32
      %rem3A_962 = arith.remsi %squeeze3A_944, %jit3A_945 : i32
      %ne3A_963 = arith.constant 0 : i32
      %ne3A_964 = arith.cmpi ne, %rem3A_962, %ne3A_963 : i32
      %and3A_965 = arith.andi %ne3A_961, %ne3A_964 : i1
      %sub3A_966 = arith.constant 1 : i32
      %sub3A_967 = arith.subi %div3A_946, %sub3A_966 : i32
      %select_n3A_968 = arith.select %and3A_965, %sub3A_967, %div3A_946 : i32
      %mul3A_969 = arith.constant 128 : i32
      %mul3A_970 = arith.muli %select_n3A_968, %mul3A_969 : i32
      %multiple_of3A_971 = tpu.assume_multiple %mul3A_970, 128 : i32
      %slice3A_972 = vector.extract_strided_slice %get3A_690 {offsets = [3], sizes = [1], strides = [1]} : vector<16xi32> to vector<1xi32>
      %squeeze3A_973 = vector.extract %slice3A_972[0] : i32 from vector<1xi32>
      %jit3A_974 = arith.constant 128 : i32
      %div3A_975 = arith.divsi %squeeze3A_973, %jit3A_974 : i32
      %sign3A_976 = arith.constant 0 : i32
      %sign3A_977 = arith.cmpi sgt, %squeeze3A_973, %sign3A_976 : i32
      %sign3A_978 = arith.extui %sign3A_977 : i1 to i32
      %sign3A_979 = arith.constant 0 : i32
      %sign3A_980 = arith.cmpi slt, %squeeze3A_973, %sign3A_979 : i32
      %sign3A_981 = arith.extui %sign3A_980 : i1 to i32
      %sign3A_982 = arith.subi %sign3A_978, %sign3A_981 : i32
      %sign3A_983 = arith.constant 0 : i32
      %sign3A_984 = arith.cmpi sgt, %jit3A_974, %sign3A_983 : i32
      %sign3A_985 = arith.extui %sign3A_984 : i1 to i32
      %sign3A_986 = arith.constant 0 : i32
      %sign3A_987 = arith.cmpi slt, %jit3A_974, %sign3A_986 : i32
      %sign3A_988 = arith.extui %sign3A_987 : i1 to i32
      %sign3A_989 = arith.subi %sign3A_985, %sign3A_988 : i32
      %ne3A_990 = arith.cmpi ne, %sign3A_982, %sign3A_989 : i32
      %rem3A_991 = arith.remsi %squeeze3A_973, %jit3A_974 : i32
      %ne3A_992 = arith.constant 0 : i32
      %ne3A_993 = arith.cmpi ne, %rem3A_991, %ne3A_992 : i32
      %and3A_994 = arith.andi %ne3A_990, %ne3A_993 : i1
      %sub3A_995 = arith.constant 1 : i32
      %sub3A_996 = arith.subi %div3A_975, %sub3A_995 : i32
      %select_n3A_997 = arith.select %and3A_994, %sub3A_996, %div3A_975 : i32
      %mul3A_998 = arith.constant 128 : i32
      %mul3A_999 = arith.muli %select_n3A_997, %mul3A_998 : i32
      %multiple_of3A_1000 = tpu.assume_multiple %mul3A_999, 128 : i32
      %dma_start3A_1001 = arith.constant 3 : i32
      %dma_start3A_1002 = arith.constant 0 : i32
      %dma_start3A_1003 = arith.constant 0 : i32
      %dma_start3A_1004 = tpu.memref_slice %arg11[%dma_start3A_1001, %dma_start3A_1002, %dma_start3A_1003] : memref<8x16x128xf32, #tpu.memory_space<vmem>> -> memref<1x16x128xf32, #tpu.memory_space<vmem>>
      %dma_start3A_1005 = tpu.memref_squeeze %dma_start3A_1004 : memref<1x16x128xf32, #tpu.memory_space<vmem>> -> memref<16x128xf32, #tpu.memory_space<vmem>>
      %dma_start3A_1006 = arith.constant 0 : i32
      %dma_start3A_1007 = tpu.memref_slice %arg4[%dma_start3A_1006, %multiple_of3A_971] : memref<16x1000000xf32, #tpu.memory_space<hbm>> -> memref<16x128xf32, #tpu.memory_space<hbm>>
      %dma_start3A_1008 = arith.constant 0 : i32
      %dma_start3A_1009 = arith.constant 0 : i32
      %dma_start3A_1010 = tpu.memref_slice %arg11[%dma_start3A_1001, %dma_start3A_1008, %dma_start3A_1009] : memref<8x16x128xf32, #tpu.memory_space<vmem>> -> memref<1x16x128xf32, #tpu.memory_space<vmem>>
      %dma_start3A_1011 = tpu.memref_squeeze %dma_start3A_1010 : memref<1x16x128xf32, #tpu.memory_space<vmem>> -> memref<16x128xf32, #tpu.memory_space<vmem>>
      %dma_start3A_1012 = arith.constant 0 : i32
      %dma_start3A_1013 = tpu.memref_slice %arg4[%dma_start3A_1012, %multiple_of3A_971] : memref<16x1000000xf32, #tpu.memory_space<hbm>> -> memref<16x128xf32, #tpu.memory_space<hbm>>
      tpu.enqueue_dma source(%dma_start3A_1013 : memref<16x128xf32, #tpu.memory_space<hbm>>) target(%dma_start3A_1011 : memref<16x128xf32, #tpu.memory_space<vmem>>) target_semaphore(%arg15 : memref<!tpu.dma_semaphore, #tpu.memory_space<semaphore_mem>>)
      %dma_start3A_1014 = arith.constant 3 : i32
      %dma_start3A_1015 = arith.constant 0 : i32
      %dma_start3A_1016 = arith.constant 0 : i32
      %dma_start3A_1017 = tpu.memref_slice %arg12[%dma_start3A_1014, %dma_start3A_1015, %dma_start3A_1016] : memref<8x16x128xf32, #tpu.memory_space<vmem>> -> memref<1x16x128xf32, #tpu.memory_space<vmem>>
      %dma_start3A_1018 = tpu.memref_squeeze %dma_start3A_1017 : memref<1x16x128xf32, #tpu.memory_space<vmem>> -> memref<16x128xf32, #tpu.memory_space<vmem>>
      %dma_start3A_1019 = arith.constant 0 : i32
      %dma_start3A_1020 = tpu.memref_slice %arg5[%dma_start3A_1019, %multiple_of3A_1000] : memref<16x1000000xf32, #tpu.memory_space<hbm>> -> memref<16x128xf32, #tpu.memory_space<hbm>>
      %dma_start3A_1021 = arith.constant 0 : i32
      %dma_start3A_1022 = arith.constant 0 : i32
      %dma_start3A_1023 = tpu.memref_slice %arg12[%dma_start3A_1014, %dma_start3A_1021, %dma_start3A_1022] : memref<8x16x128xf32, #tpu.memory_space<vmem>> -> memref<1x16x128xf32, #tpu.memory_space<vmem>>
      %dma_start3A_1024 = tpu.memref_squeeze %dma_start3A_1023 : memref<1x16x128xf32, #tpu.memory_space<vmem>> -> memref<16x128xf32, #tpu.memory_space<vmem>>
      %dma_start3A_1025 = arith.constant 0 : i32
      %dma_start3A_1026 = tpu.memref_slice %arg5[%dma_start3A_1025, %multiple_of3A_1000] : memref<16x1000000xf32, #tpu.memory_space<hbm>> -> memref<16x128xf32, #tpu.memory_space<hbm>>
      tpu.enqueue_dma source(%dma_start3A_1026 : memref<16x128xf32, #tpu.memory_space<hbm>>) target(%dma_start3A_1024 : memref<16x128xf32, #tpu.memory_space<vmem>>) target_semaphore(%arg15 : memref<!tpu.dma_semaphore, #tpu.memory_space<semaphore_mem>>)
      %slice3A_1027 = vector.extract_strided_slice %get3A_686 {offsets = [4], sizes = [1], strides = [1]} : vector<16xi32> to vector<1xi32>
      %squeeze3A_1028 = vector.extract %slice3A_1027[0] : i32 from vector<1xi32>
      %jit3A_1029 = arith.constant 128 : i32
      %div3A_1030 = arith.divsi %squeeze3A_1028, %jit3A_1029 : i32
      %sign3A_1031 = arith.constant 0 : i32
      %sign3A_1032 = arith.cmpi sgt, %squeeze3A_1028, %sign3A_1031 : i32
      %sign3A_1033 = arith.extui %sign3A_1032 : i1 to i32
      %sign3A_1034 = arith.constant 0 : i32
      %sign3A_1035 = arith.cmpi slt, %squeeze3A_1028, %sign3A_1034 : i32
      %sign3A_1036 = arith.extui %sign3A_1035 : i1 to i32
      %sign3A_1037 = arith.subi %sign3A_1033, %sign3A_1036 : i32
      %sign3A_1038 = arith.constant 0 : i32
      %sign3A_1039 = arith.cmpi sgt, %jit3A_1029, %sign3A_1038 : i32
      %sign3A_1040 = arith.extui %sign3A_1039 : i1 to i32
      %sign3A_1041 = arith.constant 0 : i32
      %sign3A_1042 = arith.cmpi slt, %jit3A_1029, %sign3A_1041 : i32
      %sign3A_1043 = arith.extui %sign3A_1042 : i1 to i32
      %sign3A_1044 = arith.subi %sign3A_1040, %sign3A_1043 : i32
      %ne3A_1045 = arith.cmpi ne, %sign3A_1037, %sign3A_1044 : i32
      %rem3A_1046 = arith.remsi %squeeze3A_1028, %jit3A_1029 : i32
      %ne3A_1047 = arith.constant 0 : i32
      %ne3A_1048 = arith.cmpi ne, %rem3A_1046, %ne3A_1047 : i32
      %and3A_1049 = arith.andi %ne3A_1045, %ne3A_1048 : i1
      %sub3A_1050 = arith.constant 1 : i32
      %sub3A_1051 = arith.subi %div3A_1030, %sub3A_1050 : i32
      %select_n3A_1052 = arith.select %and3A_1049, %sub3A_1051, %div3A_1030 : i32
      %mul3A_1053 = arith.constant 128 : i32
      %mul3A_1054 = arith.muli %select_n3A_1052, %mul3A_1053 : i32
      %multiple_of3A_1055 = tpu.assume_multiple %mul3A_1054, 128 : i32
      %slice3A_1056 = vector.extract_strided_slice %get3A_690 {offsets = [4], sizes = [1], strides = [1]} : vector<16xi32> to vector<1xi32>
      %squeeze3A_1057 = vector.extract %slice3A_1056[0] : i32 from vector<1xi32>
      %jit3A_1058 = arith.constant 128 : i32
      %div3A_1059 = arith.divsi %squeeze3A_1057, %jit3A_1058 : i32
      %sign3A_1060 = arith.constant 0 : i32
      %sign3A_1061 = arith.cmpi sgt, %squeeze3A_1057, %sign3A_1060 : i32
      %sign3A_1062 = arith.extui %sign3A_1061 : i1 to i32
      %sign3A_1063 = arith.constant 0 : i32
      %sign3A_1064 = arith.cmpi slt, %squeeze3A_1057, %sign3A_1063 : i32
      %sign3A_1065 = arith.extui %sign3A_1064 : i1 to i32
      %sign3A_1066 = arith.subi %sign3A_1062, %sign3A_1065 : i32
      %sign3A_1067 = arith.constant 0 : i32
      %sign3A_1068 = arith.cmpi sgt, %jit3A_1058, %sign3A_1067 : i32
      %sign3A_1069 = arith.extui %sign3A_1068 : i1 to i32
      %sign3A_1070 = arith.constant 0 : i32
      %sign3A_1071 = arith.cmpi slt, %jit3A_1058, %sign3A_1070 : i32
      %sign3A_1072 = arith.extui %sign3A_1071 : i1 to i32
      %sign3A_1073 = arith.subi %sign3A_1069, %sign3A_1072 : i32
      %ne3A_1074 = arith.cmpi ne, %sign3A_1066, %sign3A_1073 : i32
      %rem3A_1075 = arith.remsi %squeeze3A_1057, %jit3A_1058 : i32
      %ne3A_1076 = arith.constant 0 : i32
      %ne3A_1077 = arith.cmpi ne, %rem3A_1075, %ne3A_1076 : i32
      %and3A_1078 = arith.andi %ne3A_1074, %ne3A_1077 : i1
      %sub3A_1079 = arith.constant 1 : i32
      %sub3A_1080 = arith.subi %div3A_1059, %sub3A_1079 : i32
      %select_n3A_1081 = arith.select %and3A_1078, %sub3A_1080, %div3A_1059 : i32
      %mul3A_1082 = arith.constant 128 : i32
      %mul3A_1083 = arith.muli %select_n3A_1081, %mul3A_1082 : i32
      %multiple_of3A_1084 = tpu.assume_multiple %mul3A_1083, 128 : i32
      %dma_start3A_1085 = arith.constant 4 : i32
      %dma_start3A_1086 = arith.constant 0 : i32
      %dma_start3A_1087 = arith.constant 0 : i32
      %dma_start3A_1088 = tpu.memref_slice %arg11[%dma_start3A_1085, %dma_start3A_1086, %dma_start3A_1087] : memref<8x16x128xf32, #tpu.memory_space<vmem>> -> memref<1x16x128xf32, #tpu.memory_space<vmem>>
      %dma_start3A_1089 = tpu.memref_squeeze %dma_start3A_1088 : memref<1x16x128xf32, #tpu.memory_space<vmem>> -> memref<16x128xf32, #tpu.memory_space<vmem>>
      %dma_start3A_1090 = arith.constant 0 : i32
      %dma_start3A_1091 = tpu.memref_slice %arg4[%dma_start3A_1090, %multiple_of3A_1055] : memref<16x1000000xf32, #tpu.memory_space<hbm>> -> memref<16x128xf32, #tpu.memory_space<hbm>>
      %dma_start3A_1092 = arith.constant 0 : i32
      %dma_start3A_1093 = arith.constant 0 : i32
      %dma_start3A_1094 = tpu.memref_slice %arg11[%dma_start3A_1085, %dma_start3A_1092, %dma_start3A_1093] : memref<8x16x128xf32, #tpu.memory_space<vmem>> -> memref<1x16x128xf32, #tpu.memory_space<vmem>>
      %dma_start3A_1095 = tpu.memref_squeeze %dma_start3A_1094 : memref<1x16x128xf32, #tpu.memory_space<vmem>> -> memref<16x128xf32, #tpu.memory_space<vmem>>
      %dma_start3A_1096 = arith.constant 0 : i32
      %dma_start3A_1097 = tpu.memref_slice %arg4[%dma_start3A_1096, %multiple_of3A_1055] : memref<16x1000000xf32, #tpu.memory_space<hbm>> -> memref<16x128xf32, #tpu.memory_space<hbm>>
      tpu.enqueue_dma source(%dma_start3A_1097 : memref<16x128xf32, #tpu.memory_space<hbm>>) target(%dma_start3A_1095 : memref<16x128xf32, #tpu.memory_space<vmem>>) target_semaphore(%arg15 : memref<!tpu.dma_semaphore, #tpu.memory_space<semaphore_mem>>)
      %dma_start3A_1098 = arith.constant 4 : i32
      %dma_start3A_1099 = arith.constant 0 : i32
      %dma_start3A_1100 = arith.constant 0 : i32
      %dma_start3A_1101 = tpu.memref_slice %arg12[%dma_start3A_1098, %dma_start3A_1099, %dma_start3A_1100] : memref<8x16x128xf32, #tpu.memory_space<vmem>> -> memref<1x16x128xf32, #tpu.memory_space<vmem>>
      %dma_start3A_1102 = tpu.memref_squeeze %dma_start3A_1101 : memref<1x16x128xf32, #tpu.memory_space<vmem>> -> memref<16x128xf32, #tpu.memory_space<vmem>>
      %dma_start3A_1103 = arith.constant 0 : i32
      %dma_start3A_1104 = tpu.memref_slice %arg5[%dma_start3A_1103, %multiple_of3A_1084] : memref<16x1000000xf32, #tpu.memory_space<hbm>> -> memref<16x128xf32, #tpu.memory_space<hbm>>
      %dma_start3A_1105 = arith.constant 0 : i32
      %dma_start3A_1106 = arith.constant 0 : i32
      %dma_start3A_1107 = tpu.memref_slice %arg12[%dma_start3A_1098, %dma_start3A_1105, %dma_start3A_1106] : memref<8x16x128xf32, #tpu.memory_space<vmem>> -> memref<1x16x128xf32, #tpu.memory_space<vmem>>
      %dma_start3A_1108 = tpu.memref_squeeze %dma_start3A_1107 : memref<1x16x128xf32, #tpu.memory_space<vmem>> -> memref<16x128xf32, #tpu.memory_space<vmem>>
      %dma_start3A_1109 = arith.constant 0 : i32
      %dma_start3A_1110 = tpu.memref_slice %arg5[%dma_start3A_1109, %multiple_of3A_1084] : memref<16x1000000xf32, #tpu.memory_space<hbm>> -> memref<16x128xf32, #tpu.memory_space<hbm>>
      tpu.enqueue_dma source(%dma_start3A_1110 : memref<16x128xf32, #tpu.memory_space<hbm>>) target(%dma_start3A_1108 : memref<16x128xf32, #tpu.memory_space<vmem>>) target_semaphore(%arg15 : memref<!tpu.dma_semaphore, #tpu.memory_space<semaphore_mem>>)
      %slice3A_1111 = vector.extract_strided_slice %get3A_686 {offsets = [5], sizes = [1], strides = [1]} : vector<16xi32> to vector<1xi32>
      %squeeze3A_1112 = vector.extract %slice3A_1111[0] : i32 from vector<1xi32>
      %jit3A_1113 = arith.constant 128 : i32
      %div3A_1114 = arith.divsi %squeeze3A_1112, %jit3A_1113 : i32
      %sign3A_1115 = arith.constant 0 : i32
      %sign3A_1116 = arith.cmpi sgt, %squeeze3A_1112, %sign3A_1115 : i32
      %sign3A_1117 = arith.extui %sign3A_1116 : i1 to i32
      %sign3A_1118 = arith.constant 0 : i32
      %sign3A_1119 = arith.cmpi slt, %squeeze3A_1112, %sign3A_1118 : i32
      %sign3A_1120 = arith.extui %sign3A_1119 : i1 to i32
      %sign3A_1121 = arith.subi %sign3A_1117, %sign3A_1120 : i32
      %sign3A_1122 = arith.constant 0 : i32
      %sign3A_1123 = arith.cmpi sgt, %jit3A_1113, %sign3A_1122 : i32
      %sign3A_1124 = arith.extui %sign3A_1123 : i1 to i32
      %sign3A_1125 = arith.constant 0 : i32
      %sign3A_1126 = arith.cmpi slt, %jit3A_1113, %sign3A_1125 : i32
      %sign3A_1127 = arith.extui %sign3A_1126 : i1 to i32
      %sign3A_1128 = arith.subi %sign3A_1124, %sign3A_1127 : i32
      %ne3A_1129 = arith.cmpi ne, %sign3A_1121, %sign3A_1128 : i32
      %rem3A_1130 = arith.remsi %squeeze3A_1112, %jit3A_1113 : i32
      %ne3A_1131 = arith.constant 0 : i32
      %ne3A_1132 = arith.cmpi ne, %rem3A_1130, %ne3A_1131 : i32
      %and3A_1133 = arith.andi %ne3A_1129, %ne3A_1132 : i1
      %sub3A_1134 = arith.constant 1 : i32
      %sub3A_1135 = arith.subi %div3A_1114, %sub3A_1134 : i32
      %select_n3A_1136 = arith.select %and3A_1133, %sub3A_1135, %div3A_1114 : i32
      %mul3A_1137 = arith.constant 128 : i32
      %mul3A_1138 = arith.muli %select_n3A_1136, %mul3A_1137 : i32
      %multiple_of3A_1139 = tpu.assume_multiple %mul3A_1138, 128 : i32
      %slice3A_1140 = vector.extract_strided_slice %get3A_690 {offsets = [5], sizes = [1], strides = [1]} : vector<16xi32> to vector<1xi32>
      %squeeze3A_1141 = vector.extract %slice3A_1140[0] : i32 from vector<1xi32>
      %jit3A_1142 = arith.constant 128 : i32
      %div3A_1143 = arith.divsi %squeeze3A_1141, %jit3A_1142 : i32
      %sign3A_1144 = arith.constant 0 : i32
      %sign3A_1145 = arith.cmpi sgt, %squeeze3A_1141, %sign3A_1144 : i32
      %sign3A_1146 = arith.extui %sign3A_1145 : i1 to i32
      %sign3A_1147 = arith.constant 0 : i32
      %sign3A_1148 = arith.cmpi slt, %squeeze3A_1141, %sign3A_1147 : i32
      %sign3A_1149 = arith.extui %sign3A_1148 : i1 to i32
      %sign3A_1150 = arith.subi %sign3A_1146, %sign3A_1149 : i32
      %sign3A_1151 = arith.constant 0 : i32
      %sign3A_1152 = arith.cmpi sgt, %jit3A_1142, %sign3A_1151 : i32
      %sign3A_1153 = arith.extui %sign3A_1152 : i1 to i32
      %sign3A_1154 = arith.constant 0 : i32
      %sign3A_1155 = arith.cmpi slt, %jit3A_1142, %sign3A_1154 : i32
      %sign3A_1156 = arith.extui %sign3A_1155 : i1 to i32
      %sign3A_1157 = arith.subi %sign3A_1153, %sign3A_1156 : i32
      %ne3A_1158 = arith.cmpi ne, %sign3A_1150, %sign3A_1157 : i32
      %rem3A_1159 = arith.remsi %squeeze3A_1141, %jit3A_1142 : i32
      %ne3A_1160 = arith.constant 0 : i32
      %ne3A_1161 = arith.cmpi ne, %rem3A_1159, %ne3A_1160 : i32
      %and3A_1162 = arith.andi %ne3A_1158, %ne3A_1161 : i1
      %sub3A_1163 = arith.constant 1 : i32
      %sub3A_1164 = arith.subi %div3A_1143, %sub3A_1163 : i32
      %select_n3A_1165 = arith.select %and3A_1162, %sub3A_1164, %div3A_1143 : i32
      %mul3A_1166 = arith.constant 128 : i32
      %mul3A_1167 = arith.muli %select_n3A_1165, %mul3A_1166 : i32
      %multiple_of3A_1168 = tpu.assume_multiple %mul3A_1167, 128 : i32
      %dma_start3A_1169 = arith.constant 5 : i32
      %dma_start3A_1170 = arith.constant 0 : i32
      %dma_start3A_1171 = arith.constant 0 : i32
      %dma_start3A_1172 = tpu.memref_slice %arg11[%dma_start3A_1169, %dma_start3A_1170, %dma_start3A_1171] : memref<8x16x128xf32, #tpu.memory_space<vmem>> -> memref<1x16x128xf32, #tpu.memory_space<vmem>>
      %dma_start3A_1173 = tpu.memref_squeeze %dma_start3A_1172 : memref<1x16x128xf32, #tpu.memory_space<vmem>> -> memref<16x128xf32, #tpu.memory_space<vmem>>
      %dma_start3A_1174 = arith.constant 0 : i32
      %dma_start3A_1175 = tpu.memref_slice %arg4[%dma_start3A_1174, %multiple_of3A_1139] : memref<16x1000000xf32, #tpu.memory_space<hbm>> -> memref<16x128xf32, #tpu.memory_space<hbm>>
      %dma_start3A_1176 = arith.constant 0 : i32
      %dma_start3A_1177 = arith.constant 0 : i32
      %dma_start3A_1178 = tpu.memref_slice %arg11[%dma_start3A_1169, %dma_start3A_1176, %dma_start3A_1177] : memref<8x16x128xf32, #tpu.memory_space<vmem>> -> memref<1x16x128xf32, #tpu.memory_space<vmem>>
      %dma_start3A_1179 = tpu.memref_squeeze %dma_start3A_1178 : memref<1x16x128xf32, #tpu.memory_space<vmem>> -> memref<16x128xf32, #tpu.memory_space<vmem>>
      %dma_start3A_1180 = arith.constant 0 : i32
      %dma_start3A_1181 = tpu.memref_slice %arg4[%dma_start3A_1180, %multiple_of3A_1139] : memref<16x1000000xf32, #tpu.memory_space<hbm>> -> memref<16x128xf32, #tpu.memory_space<hbm>>
      tpu.enqueue_dma source(%dma_start3A_1181 : memref<16x128xf32, #tpu.memory_space<hbm>>) target(%dma_start3A_1179 : memref<16x128xf32, #tpu.memory_space<vmem>>) target_semaphore(%arg15 : memref<!tpu.dma_semaphore, #tpu.memory_space<semaphore_mem>>)
      %dma_start3A_1182 = arith.constant 5 : i32
      %dma_start3A_1183 = arith.constant 0 : i32
      %dma_start3A_1184 = arith.constant 0 : i32
      %dma_start3A_1185 = tpu.memref_slice %arg12[%dma_start3A_1182, %dma_start3A_1183, %dma_start3A_1184] : memref<8x16x128xf32, #tpu.memory_space<vmem>> -> memref<1x16x128xf32, #tpu.memory_space<vmem>>
      %dma_start3A_1186 = tpu.memref_squeeze %dma_start3A_1185 : memref<1x16x128xf32, #tpu.memory_space<vmem>> -> memref<16x128xf32, #tpu.memory_space<vmem>>
      %dma_start3A_1187 = arith.constant 0 : i32
      %dma_start3A_1188 = tpu.memref_slice %arg5[%dma_start3A_1187, %multiple_of3A_1168] : memref<16x1000000xf32, #tpu.memory_space<hbm>> -> memref<16x128xf32, #tpu.memory_space<hbm>>
      %dma_start3A_1189 = arith.constant 0 : i32
      %dma_start3A_1190 = arith.constant 0 : i32
      %dma_start3A_1191 = tpu.memref_slice %arg12[%dma_start3A_1182, %dma_start3A_1189, %dma_start3A_1190] : memref<8x16x128xf32, #tpu.memory_space<vmem>> -> memref<1x16x128xf32, #tpu.memory_space<vmem>>
      %dma_start3A_1192 = tpu.memref_squeeze %dma_start3A_1191 : memref<1x16x128xf32, #tpu.memory_space<vmem>> -> memref<16x128xf32, #tpu.memory_space<vmem>>
      %dma_start3A_1193 = arith.constant 0 : i32
      %dma_start3A_1194 = tpu.memref_slice %arg5[%dma_start3A_1193, %multiple_of3A_1168] : memref<16x1000000xf32, #tpu.memory_space<hbm>> -> memref<16x128xf32, #tpu.memory_space<hbm>>
      tpu.enqueue_dma source(%dma_start3A_1194 : memref<16x128xf32, #tpu.memory_space<hbm>>) target(%dma_start3A_1192 : memref<16x128xf32, #tpu.memory_space<vmem>>) target_semaphore(%arg15 : memref<!tpu.dma_semaphore, #tpu.memory_space<semaphore_mem>>)
      %slice3A_1195 = vector.extract_strided_slice %get3A_686 {offsets = [6], sizes = [1], strides = [1]} : vector<16xi32> to vector<1xi32>
      %squeeze3A_1196 = vector.extract %slice3A_1195[0] : i32 from vector<1xi32>
      %jit3A_1197 = arith.constant 128 : i32
      %div3A_1198 = arith.divsi %squeeze3A_1196, %jit3A_1197 : i32
      %sign3A_1199 = arith.constant 0 : i32
      %sign3A_1200 = arith.cmpi sgt, %squeeze3A_1196, %sign3A_1199 : i32
      %sign3A_1201 = arith.extui %sign3A_1200 : i1 to i32
      %sign3A_1202 = arith.constant 0 : i32
      %sign3A_1203 = arith.cmpi slt, %squeeze3A_1196, %sign3A_1202 : i32
      %sign3A_1204 = arith.extui %sign3A_1203 : i1 to i32
      %sign3A_1205 = arith.subi %sign3A_1201, %sign3A_1204 : i32
      %sign3A_1206 = arith.constant 0 : i32
      %sign3A_1207 = arith.cmpi sgt, %jit3A_1197, %sign3A_1206 : i32
      %sign3A_1208 = arith.extui %sign3A_1207 : i1 to i32
      %sign3A_1209 = arith.constant 0 : i32
      %sign3A_1210 = arith.cmpi slt, %jit3A_1197, %sign3A_1209 : i32
      %sign3A_1211 = arith.extui %sign3A_1210 : i1 to i32
      %sign3A_1212 = arith.subi %sign3A_1208, %sign3A_1211 : i32
      %ne3A_1213 = arith.cmpi ne, %sign3A_1205, %sign3A_1212 : i32
      %rem3A_1214 = arith.remsi %squeeze3A_1196, %jit3A_1197 : i32
      %ne3A_1215 = arith.constant 0 : i32
      %ne3A_1216 = arith.cmpi ne, %rem3A_1214, %ne3A_1215 : i32
      %and3A_1217 = arith.andi %ne3A_1213, %ne3A_1216 : i1
      %sub3A_1218 = arith.constant 1 : i32
      %sub3A_1219 = arith.subi %div3A_1198, %sub3A_1218 : i32
      %select_n3A_1220 = arith.select %and3A_1217, %sub3A_1219, %div3A_1198 : i32
      %mul3A_1221 = arith.constant 128 : i32
      %mul3A_1222 = arith.muli %select_n3A_1220, %mul3A_1221 : i32
      %multiple_of3A_1223 = tpu.assume_multiple %mul3A_1222, 128 : i32
      %slice3A_1224 = vector.extract_strided_slice %get3A_690 {offsets = [6], sizes = [1], strides = [1]} : vector<16xi32> to vector<1xi32>
      %squeeze3A_1225 = vector.extract %slice3A_1224[0] : i32 from vector<1xi32>
      %jit3A_1226 = arith.constant 128 : i32
      %div3A_1227 = arith.divsi %squeeze3A_1225, %jit3A_1226 : i32
      %sign3A_1228 = arith.constant 0 : i32
      %sign3A_1229 = arith.cmpi sgt, %squeeze3A_1225, %sign3A_1228 : i32
      %sign3A_1230 = arith.extui %sign3A_1229 : i1 to i32
      %sign3A_1231 = arith.constant 0 : i32
      %sign3A_1232 = arith.cmpi slt, %squeeze3A_1225, %sign3A_1231 : i32
      %sign3A_1233 = arith.extui %sign3A_1232 : i1 to i32
      %sign3A_1234 = arith.subi %sign3A_1230, %sign3A_1233 : i32
      %sign3A_1235 = arith.constant 0 : i32
      %sign3A_1236 = arith.cmpi sgt, %jit3A_1226, %sign3A_1235 : i32
      %sign3A_1237 = arith.extui %sign3A_1236 : i1 to i32
      %sign3A_1238 = arith.constant 0 : i32
      %sign3A_1239 = arith.cmpi slt, %jit3A_1226, %sign3A_1238 : i32
      %sign3A_1240 = arith.extui %sign3A_1239 : i1 to i32
      %sign3A_1241 = arith.subi %sign3A_1237, %sign3A_1240 : i32
      %ne3A_1242 = arith.cmpi ne, %sign3A_1234, %sign3A_1241 : i32
      %rem3A_1243 = arith.remsi %squeeze3A_1225, %jit3A_1226 : i32
      %ne3A_1244 = arith.constant 0 : i32
      %ne3A_1245 = arith.cmpi ne, %rem3A_1243, %ne3A_1244 : i32
      %and3A_1246 = arith.andi %ne3A_1242, %ne3A_1245 : i1
      %sub3A_1247 = arith.constant 1 : i32
      %sub3A_1248 = arith.subi %div3A_1227, %sub3A_1247 : i32
      %select_n3A_1249 = arith.select %and3A_1246, %sub3A_1248, %div3A_1227 : i32
      %mul3A_1250 = arith.constant 128 : i32
      %mul3A_1251 = arith.muli %select_n3A_1249, %mul3A_1250 : i32
      %multiple_of3A_1252 = tpu.assume_multiple %mul3A_1251, 128 : i32
      %dma_start3A_1253 = arith.constant 6 : i32
      %dma_start3A_1254 = arith.constant 0 : i32
      %dma_start3A_1255 = arith.constant 0 : i32
      %dma_start3A_1256 = tpu.memref_slice %arg11[%dma_start3A_1253, %dma_start3A_1254, %dma_start3A_1255] : memref<8x16x128xf32, #tpu.memory_space<vmem>> -> memref<1x16x128xf32, #tpu.memory_space<vmem>>
      %dma_start3A_1257 = tpu.memref_squeeze %dma_start3A_1256 : memref<1x16x128xf32, #tpu.memory_space<vmem>> -> memref<16x128xf32, #tpu.memory_space<vmem>>
      %dma_start3A_1258 = arith.constant 0 : i32
      %dma_start3A_1259 = tpu.memref_slice %arg4[%dma_start3A_1258, %multiple_of3A_1223] : memref<16x1000000xf32, #tpu.memory_space<hbm>> -> memref<16x128xf32, #tpu.memory_space<hbm>>
      %dma_start3A_1260 = arith.constant 0 : i32
      %dma_start3A_1261 = arith.constant 0 : i32
      %dma_start3A_1262 = tpu.memref_slice %arg11[%dma_start3A_1253, %dma_start3A_1260, %dma_start3A_1261] : memref<8x16x128xf32, #tpu.memory_space<vmem>> -> memref<1x16x128xf32, #tpu.memory_space<vmem>>
      %dma_start3A_1263 = tpu.memref_squeeze %dma_start3A_1262 : memref<1x16x128xf32, #tpu.memory_space<vmem>> -> memref<16x128xf32, #tpu.memory_space<vmem>>
      %dma_start3A_1264 = arith.constant 0 : i32
      %dma_start3A_1265 = tpu.memref_slice %arg4[%dma_start3A_1264, %multiple_of3A_1223] : memref<16x1000000xf32, #tpu.memory_space<hbm>> -> memref<16x128xf32, #tpu.memory_space<hbm>>
      tpu.enqueue_dma source(%dma_start3A_1265 : memref<16x128xf32, #tpu.memory_space<hbm>>) target(%dma_start3A_1263 : memref<16x128xf32, #tpu.memory_space<vmem>>) target_semaphore(%arg15 : memref<!tpu.dma_semaphore, #tpu.memory_space<semaphore_mem>>)
      %dma_start3A_1266 = arith.constant 6 : i32
      %dma_start3A_1267 = arith.constant 0 : i32
      %dma_start3A_1268 = arith.constant 0 : i32
      %dma_start3A_1269 = tpu.memref_slice %arg12[%dma_start3A_1266, %dma_start3A_1267, %dma_start3A_1268] : memref<8x16x128xf32, #tpu.memory_space<vmem>> -> memref<1x16x128xf32, #tpu.memory_space<vmem>>
      %dma_start3A_1270 = tpu.memref_squeeze %dma_start3A_1269 : memref<1x16x128xf32, #tpu.memory_space<vmem>> -> memref<16x128xf32, #tpu.memory_space<vmem>>
      %dma_start3A_1271 = arith.constant 0 : i32
      %dma_start3A_1272 = tpu.memref_slice %arg5[%dma_start3A_1271, %multiple_of3A_1252] : memref<16x1000000xf32, #tpu.memory_space<hbm>> -> memref<16x128xf32, #tpu.memory_space<hbm>>
      %dma_start3A_1273 = arith.constant 0 : i32
      %dma_start3A_1274 = arith.constant 0 : i32
      %dma_start3A_1275 = tpu.memref_slice %arg12[%dma_start3A_1266, %dma_start3A_1273, %dma_start3A_1274] : memref<8x16x128xf32, #tpu.memory_space<vmem>> -> memref<1x16x128xf32, #tpu.memory_space<vmem>>
      %dma_start3A_1276 = tpu.memref_squeeze %dma_start3A_1275 : memref<1x16x128xf32, #tpu.memory_space<vmem>> -> memref<16x128xf32, #tpu.memory_space<vmem>>
      %dma_start3A_1277 = arith.constant 0 : i32
      %dma_start3A_1278 = tpu.memref_slice %arg5[%dma_start3A_1277, %multiple_of3A_1252] : memref<16x1000000xf32, #tpu.memory_space<hbm>> -> memref<16x128xf32, #tpu.memory_space<hbm>>
      tpu.enqueue_dma source(%dma_start3A_1278 : memref<16x128xf32, #tpu.memory_space<hbm>>) target(%dma_start3A_1276 : memref<16x128xf32, #tpu.memory_space<vmem>>) target_semaphore(%arg15 : memref<!tpu.dma_semaphore, #tpu.memory_space<semaphore_mem>>)
      %slice3A_1279 = vector.extract_strided_slice %get3A_686 {offsets = [7], sizes = [1], strides = [1]} : vector<16xi32> to vector<1xi32>
      %squeeze3A_1280 = vector.extract %slice3A_1279[0] : i32 from vector<1xi32>
      %jit3A_1281 = arith.constant 128 : i32
      %div3A_1282 = arith.divsi %squeeze3A_1280, %jit3A_1281 : i32
      %sign3A_1283 = arith.constant 0 : i32
      %sign3A_1284 = arith.cmpi sgt, %squeeze3A_1280, %sign3A_1283 : i32
      %sign3A_1285 = arith.extui %sign3A_1284 : i1 to i32
      %sign3A_1286 = arith.constant 0 : i32
      %sign3A_1287 = arith.cmpi slt, %squeeze3A_1280, %sign3A_1286 : i32
      %sign3A_1288 = arith.extui %sign3A_1287 : i1 to i32
      %sign3A_1289 = arith.subi %sign3A_1285, %sign3A_1288 : i32
      %sign3A_1290 = arith.constant 0 : i32
      %sign3A_1291 = arith.cmpi sgt, %jit3A_1281, %sign3A_1290 : i32
      %sign3A_1292 = arith.extui %sign3A_1291 : i1 to i32
      %sign3A_1293 = arith.constant 0 : i32
      %sign3A_1294 = arith.cmpi slt, %jit3A_1281, %sign3A_1293 : i32
      %sign3A_1295 = arith.extui %sign3A_1294 : i1 to i32
      %sign3A_1296 = arith.subi %sign3A_1292, %sign3A_1295 : i32
      %ne3A_1297 = arith.cmpi ne, %sign3A_1289, %sign3A_1296 : i32
      %rem3A_1298 = arith.remsi %squeeze3A_1280, %jit3A_1281 : i32
      %ne3A_1299 = arith.constant 0 : i32
      %ne3A_1300 = arith.cmpi ne, %rem3A_1298, %ne3A_1299 : i32
      %and3A_1301 = arith.andi %ne3A_1297, %ne3A_1300 : i1
      %sub3A_1302 = arith.constant 1 : i32
      %sub3A_1303 = arith.subi %div3A_1282, %sub3A_1302 : i32
      %select_n3A_1304 = arith.select %and3A_1301, %sub3A_1303, %div3A_1282 : i32
      %mul3A_1305 = arith.constant 128 : i32
      %mul3A_1306 = arith.muli %select_n3A_1304, %mul3A_1305 : i32
      %multiple_of3A_1307 = tpu.assume_multiple %mul3A_1306, 128 : i32
      %slice3A_1308 = vector.extract_strided_slice %get3A_690 {offsets = [7], sizes = [1], strides = [1]} : vector<16xi32> to vector<1xi32>
      %squeeze3A_1309 = vector.extract %slice3A_1308[0] : i32 from vector<1xi32>
      %jit3A_1310 = arith.constant 128 : i32
      %div3A_1311 = arith.divsi %squeeze3A_1309, %jit3A_1310 : i32
      %sign3A_1312 = arith.constant 0 : i32
      %sign3A_1313 = arith.cmpi sgt, %squeeze3A_1309, %sign3A_1312 : i32
      %sign3A_1314 = arith.extui %sign3A_1313 : i1 to i32
      %sign3A_1315 = arith.constant 0 : i32
      %sign3A_1316 = arith.cmpi slt, %squeeze3A_1309, %sign3A_1315 : i32
      %sign3A_1317 = arith.extui %sign3A_1316 : i1 to i32
      %sign3A_1318 = arith.subi %sign3A_1314, %sign3A_1317 : i32
      %sign3A_1319 = arith.constant 0 : i32
      %sign3A_1320 = arith.cmpi sgt, %jit3A_1310, %sign3A_1319 : i32
      %sign3A_1321 = arith.extui %sign3A_1320 : i1 to i32
      %sign3A_1322 = arith.constant 0 : i32
      %sign3A_1323 = arith.cmpi slt, %jit3A_1310, %sign3A_1322 : i32
      %sign3A_1324 = arith.extui %sign3A_1323 : i1 to i32
      %sign3A_1325 = arith.subi %sign3A_1321, %sign3A_1324 : i32
      %ne3A_1326 = arith.cmpi ne, %sign3A_1318, %sign3A_1325 : i32
      %rem3A_1327 = arith.remsi %squeeze3A_1309, %jit3A_1310 : i32
      %ne3A_1328 = arith.constant 0 : i32
      %ne3A_1329 = arith.cmpi ne, %rem3A_1327, %ne3A_1328 : i32
      %and3A_1330 = arith.andi %ne3A_1326, %ne3A_1329 : i1
      %sub3A_1331 = arith.constant 1 : i32
      %sub3A_1332 = arith.subi %div3A_1311, %sub3A_1331 : i32
      %select_n3A_1333 = arith.select %and3A_1330, %sub3A_1332, %div3A_1311 : i32
      %mul3A_1334 = arith.constant 128 : i32
      %mul3A_1335 = arith.muli %select_n3A_1333, %mul3A_1334 : i32
      %multiple_of3A_1336 = tpu.assume_multiple %mul3A_1335, 128 : i32
      %dma_start3A_1337 = arith.constant 7 : i32
      %dma_start3A_1338 = arith.constant 0 : i32
      %dma_start3A_1339 = arith.constant 0 : i32
      %dma_start3A_1340 = tpu.memref_slice %arg11[%dma_start3A_1337, %dma_start3A_1338, %dma_start3A_1339] : memref<8x16x128xf32, #tpu.memory_space<vmem>> -> memref<1x16x128xf32, #tpu.memory_space<vmem>>
      %dma_start3A_1341 = tpu.memref_squeeze %dma_start3A_1340 : memref<1x16x128xf32, #tpu.memory_space<vmem>> -> memref<16x128xf32, #tpu.memory_space<vmem>>
      %dma_start3A_1342 = arith.constant 0 : i32
      %dma_start3A_1343 = tpu.memref_slice %arg4[%dma_start3A_1342, %multiple_of3A_1307] : memref<16x1000000xf32, #tpu.memory_space<hbm>> -> memref<16x128xf32, #tpu.memory_space<hbm>>
      %dma_start3A_1344 = arith.constant 0 : i32
      %dma_start3A_1345 = arith.constant 0 : i32
      %dma_start3A_1346 = tpu.memref_slice %arg11[%dma_start3A_1337, %dma_start3A_1344, %dma_start3A_1345] : memref<8x16x128xf32, #tpu.memory_space<vmem>> -> memref<1x16x128xf32, #tpu.memory_space<vmem>>
      %dma_start3A_1347 = tpu.memref_squeeze %dma_start3A_1346 : memref<1x16x128xf32, #tpu.memory_space<vmem>> -> memref<16x128xf32, #tpu.memory_space<vmem>>
      %dma_start3A_1348 = arith.constant 0 : i32
      %dma_start3A_1349 = tpu.memref_slice %arg4[%dma_start3A_1348, %multiple_of3A_1307] : memref<16x1000000xf32, #tpu.memory_space<hbm>> -> memref<16x128xf32, #tpu.memory_space<hbm>>
      tpu.enqueue_dma source(%dma_start3A_1349 : memref<16x128xf32, #tpu.memory_space<hbm>>) target(%dma_start3A_1347 : memref<16x128xf32, #tpu.memory_space<vmem>>) target_semaphore(%arg15 : memref<!tpu.dma_semaphore, #tpu.memory_space<semaphore_mem>>)
      %dma_start3A_1350 = arith.constant 7 : i32
      %dma_start3A_1351 = arith.constant 0 : i32
      %dma_start3A_1352 = arith.constant 0 : i32
      %dma_start3A_1353 = tpu.memref_slice %arg12[%dma_start3A_1350, %dma_start3A_1351, %dma_start3A_1352] : memref<8x16x128xf32, #tpu.memory_space<vmem>> -> memref<1x16x128xf32, #tpu.memory_space<vmem>>
      %dma_start3A_1354 = tpu.memref_squeeze %dma_start3A_1353 : memref<1x16x128xf32, #tpu.memory_space<vmem>> -> memref<16x128xf32, #tpu.memory_space<vmem>>
      %dma_start3A_1355 = arith.constant 0 : i32
      %dma_start3A_1356 = tpu.memref_slice %arg5[%dma_start3A_1355, %multiple_of3A_1336] : memref<16x1000000xf32, #tpu.memory_space<hbm>> -> memref<16x128xf32, #tpu.memory_space<hbm>>
      %dma_start3A_1357 = arith.constant 0 : i32
      %dma_start3A_1358 = arith.constant 0 : i32
      %dma_start3A_1359 = tpu.memref_slice %arg12[%dma_start3A_1350, %dma_start3A_1357, %dma_start3A_1358] : memref<8x16x128xf32, #tpu.memory_space<vmem>> -> memref<1x16x128xf32, #tpu.memory_space<vmem>>
      %dma_start3A_1360 = tpu.memref_squeeze %dma_start3A_1359 : memref<1x16x128xf32, #tpu.memory_space<vmem>> -> memref<16x128xf32, #tpu.memory_space<vmem>>
      %dma_start3A_1361 = arith.constant 0 : i32
      %dma_start3A_1362 = tpu.memref_slice %arg5[%dma_start3A_1361, %multiple_of3A_1336] : memref<16x1000000xf32, #tpu.memory_space<hbm>> -> memref<16x128xf32, #tpu.memory_space<hbm>>
      tpu.enqueue_dma source(%dma_start3A_1362 : memref<16x128xf32, #tpu.memory_space<hbm>>) target(%dma_start3A_1360 : memref<16x128xf32, #tpu.memory_space<vmem>>) target_semaphore(%arg15 : memref<!tpu.dma_semaphore, #tpu.memory_space<semaphore_mem>>)
      %dma_wait3A = arith.constant 0 : i32
      %dma_wait3A_1363 = arith.constant 0 : i32
      %dma_wait3A_1364 = arith.constant 0 : i32
      %dma_wait3A_1365 = tpu.memref_slice %arg9[%dma_wait3A, %dma_wait3A_1363, %dma_wait3A_1364] : memref<8x16x128xf32, #tpu.memory_space<vmem>> -> memref<1x16x128xf32, #tpu.memory_space<vmem>>
      %dma_wait3A_1366 = tpu.memref_squeeze %dma_wait3A_1365 : memref<1x16x128xf32, #tpu.memory_space<vmem>> -> memref<16x128xf32, #tpu.memory_space<vmem>>
      %dma_wait3A_1367 = arith.constant 0 : i32
      %dma_wait3A_1368 = arith.constant 0 : i32
      %dma_wait3A_1369 = tpu.memref_slice %arg4[%dma_wait3A_1367, %dma_wait3A_1368] : memref<16x1000000xf32, #tpu.memory_space<hbm>> -> memref<16x128xf32, #tpu.memory_space<hbm>>
      %dma_wait3A_1370 = arith.constant 0 : i32
      %dma_wait3A_1371 = arith.constant 0 : i32
      %dma_wait3A_1372 = tpu.memref_slice %arg9[%dma_wait3A, %dma_wait3A_1370, %dma_wait3A_1371] : memref<8x16x128xf32, #tpu.memory_space<vmem>> -> memref<1x16x128xf32, #tpu.memory_space<vmem>>
      %dma_wait3A_1373 = tpu.memref_squeeze %dma_wait3A_1372 : memref<1x16x128xf32, #tpu.memory_space<vmem>> -> memref<16x128xf32, #tpu.memory_space<vmem>>
      %dma_wait3A_1374 = arith.constant 0 : i32
      %dma_wait3A_1375 = arith.constant 0 : i32
      %dma_wait3A_1376 = tpu.memref_slice %arg4[%dma_wait3A_1374, %dma_wait3A_1375] : memref<16x1000000xf32, #tpu.memory_space<hbm>> -> memref<16x128xf32, #tpu.memory_space<hbm>>
      tpu.wait_dma2 semaphore(%arg14 : memref<!tpu.dma_semaphore, #tpu.memory_space<semaphore_mem>>) src(%dma_wait3A_1376 : memref<16x128xf32, #tpu.memory_space<hbm>>) dst(%dma_wait3A_1373 : memref<16x128xf32, #tpu.memory_space<vmem>>)
      %dma_wait3A_1377 = arith.constant 0 : i32
      %dma_wait3A_1378 = arith.constant 0 : i32
      %dma_wait3A_1379 = arith.constant 0 : i32
      %dma_wait3A_1380 = tpu.memref_slice %arg10[%dma_wait3A_1377, %dma_wait3A_1378, %dma_wait3A_1379] : memref<8x16x128xf32, #tpu.memory_space<vmem>> -> memref<1x16x128xf32, #tpu.memory_space<vmem>>
      %dma_wait3A_1381 = tpu.memref_squeeze %dma_wait3A_1380 : memref<1x16x128xf32, #tpu.memory_space<vmem>> -> memref<16x128xf32, #tpu.memory_space<vmem>>
      %dma_wait3A_1382 = arith.constant 0 : i32
      %dma_wait3A_1383 = arith.constant 0 : i32
      %dma_wait3A_1384 = tpu.memref_slice %arg5[%dma_wait3A_1382, %dma_wait3A_1383] : memref<16x1000000xf32, #tpu.memory_space<hbm>> -> memref<16x128xf32, #tpu.memory_space<hbm>>
      %dma_wait3A_1385 = arith.constant 0 : i32
      %dma_wait3A_1386 = arith.constant 0 : i32
      %dma_wait3A_1387 = tpu.memref_slice %arg10[%dma_wait3A_1377, %dma_wait3A_1385, %dma_wait3A_1386] : memref<8x16x128xf32, #tpu.memory_space<vmem>> -> memref<1x16x128xf32, #tpu.memory_space<vmem>>
      %dma_wait3A_1388 = tpu.memref_squeeze %dma_wait3A_1387 : memref<1x16x128xf32, #tpu.memory_space<vmem>> -> memref<16x128xf32, #tpu.memory_space<vmem>>
      %dma_wait3A_1389 = arith.constant 0 : i32
      %dma_wait3A_1390 = arith.constant 0 : i32
      %dma_wait3A_1391 = tpu.memref_slice %arg5[%dma_wait3A_1389, %dma_wait3A_1390] : memref<16x1000000xf32, #tpu.memory_space<hbm>> -> memref<16x128xf32, #tpu.memory_space<hbm>>
      tpu.wait_dma2 semaphore(%arg14 : memref<!tpu.dma_semaphore, #tpu.memory_space<semaphore_mem>>) src(%dma_wait3A_1391 : memref<16x128xf32, #tpu.memory_space<hbm>>) dst(%dma_wait3A_1388 : memref<16x128xf32, #tpu.memory_space<vmem>>)
      %dma_wait3A_1392 = arith.constant 1 : i32
      %dma_wait3A_1393 = arith.constant 0 : i32
      %dma_wait3A_1394 = arith.constant 0 : i32
      %dma_wait3A_1395 = tpu.memref_slice %arg9[%dma_wait3A_1392, %dma_wait3A_1393, %dma_wait3A_1394] : memref<8x16x128xf32, #tpu.memory_space<vmem>> -> memref<1x16x128xf32, #tpu.memory_space<vmem>>
      %dma_wait3A_1396 = tpu.memref_squeeze %dma_wait3A_1395 : memref<1x16x128xf32, #tpu.memory_space<vmem>> -> memref<16x128xf32, #tpu.memory_space<vmem>>
      %dma_wait3A_1397 = arith.constant 0 : i32
      %dma_wait3A_1398 = arith.constant 0 : i32
      %dma_wait3A_1399 = tpu.memref_slice %arg4[%dma_wait3A_1397, %dma_wait3A_1398] : memref<16x1000000xf32, #tpu.memory_space<hbm>> -> memref<16x128xf32, #tpu.memory_space<hbm>>
      %dma_wait3A_1400 = arith.constant 0 : i32
      %dma_wait3A_1401 = arith.constant 0 : i32
      %dma_wait3A_1402 = tpu.memref_slice %arg9[%dma_wait3A_1392, %dma_wait3A_1400, %dma_wait3A_1401] : memref<8x16x128xf32, #tpu.memory_space<vmem>> -> memref<1x16x128xf32, #tpu.memory_space<vmem>>
      %dma_wait3A_1403 = tpu.memref_squeeze %dma_wait3A_1402 : memref<1x16x128xf32, #tpu.memory_space<vmem>> -> memref<16x128xf32, #tpu.memory_space<vmem>>
      %dma_wait3A_1404 = arith.constant 0 : i32
      %dma_wait3A_1405 = arith.constant 0 : i32
      %dma_wait3A_1406 = tpu.memref_slice %arg4[%dma_wait3A_1404, %dma_wait3A_1405] : memref<16x1000000xf32, #tpu.memory_space<hbm>> -> memref<16x128xf32, #tpu.memory_space<hbm>>
      tpu.wait_dma2 semaphore(%arg14 : memref<!tpu.dma_semaphore, #tpu.memory_space<semaphore_mem>>) src(%dma_wait3A_1406 : memref<16x128xf32, #tpu.memory_space<hbm>>) dst(%dma_wait3A_1403 : memref<16x128xf32, #tpu.memory_space<vmem>>)
      %dma_wait3A_1407 = arith.constant 1 : i32
      %dma_wait3A_1408 = arith.constant 0 : i32
      %dma_wait3A_1409 = arith.constant 0 : i32
      %dma_wait3A_1410 = tpu.memref_slice %arg10[%dma_wait3A_1407, %dma_wait3A_1408, %dma_wait3A_1409] : memref<8x16x128xf32, #tpu.memory_space<vmem>> -> memref<1x16x128xf32, #tpu.memory_space<vmem>>
      %dma_wait3A_1411 = tpu.memref_squeeze %dma_wait3A_1410 : memref<1x16x128xf32, #tpu.memory_space<vmem>> -> memref<16x128xf32, #tpu.memory_space<vmem>>
      %dma_wait3A_1412 = arith.constant 0 : i32
      %dma_wait3A_1413 = arith.constant 0 : i32
      %dma_wait3A_1414 = tpu.memref_slice %arg5[%dma_wait3A_1412, %dma_wait3A_1413] : memref<16x1000000xf32, #tpu.memory_space<hbm>> -> memref<16x128xf32, #tpu.memory_space<hbm>>
      %dma_wait3A_1415 = arith.constant 0 : i32
      %dma_wait3A_1416 = arith.constant 0 : i32
      %dma_wait3A_1417 = tpu.memref_slice %arg10[%dma_wait3A_1407, %dma_wait3A_1415, %dma_wait3A_1416] : memref<8x16x128xf32, #tpu.memory_space<vmem>> -> memref<1x16x128xf32, #tpu.memory_space<vmem>>
      %dma_wait3A_1418 = tpu.memref_squeeze %dma_wait3A_1417 : memref<1x16x128xf32, #tpu.memory_space<vmem>> -> memref<16x128xf32, #tpu.memory_space<vmem>>
      %dma_wait3A_1419 = arith.constant 0 : i32
      %dma_wait3A_1420 = arith.constant 0 : i32
      %dma_wait3A_1421 = tpu.memref_slice %arg5[%dma_wait3A_1419, %dma_wait3A_1420] : memref<16x1000000xf32, #tpu.memory_space<hbm>> -> memref<16x128xf32, #tpu.memory_space<hbm>>
      tpu.wait_dma2 semaphore(%arg14 : memref<!tpu.dma_semaphore, #tpu.memory_space<semaphore_mem>>) src(%dma_wait3A_1421 : memref<16x128xf32, #tpu.memory_space<hbm>>) dst(%dma_wait3A_1418 : memref<16x128xf32, #tpu.memory_space<vmem>>)
      %dma_wait3A_1422 = arith.constant 2 : i32
      %dma_wait3A_1423 = arith.constant 0 : i32
      %dma_wait3A_1424 = arith.constant 0 : i32
      %dma_wait3A_1425 = tpu.memref_slice %arg9[%dma_wait3A_1422, %dma_wait3A_1423, %dma_wait3A_1424] : memref<8x16x128xf32, #tpu.memory_space<vmem>> -> memref<1x16x128xf32, #tpu.memory_space<vmem>>
      %dma_wait3A_1426 = tpu.memref_squeeze %dma_wait3A_1425 : memref<1x16x128xf32, #tpu.memory_space<vmem>> -> memref<16x128xf32, #tpu.memory_space<vmem>>
      %dma_wait3A_1427 = arith.constant 0 : i32
      %dma_wait3A_1428 = arith.constant 0 : i32
      %dma_wait3A_1429 = tpu.memref_slice %arg4[%dma_wait3A_1427, %dma_wait3A_1428] : memref<16x1000000xf32, #tpu.memory_space<hbm>> -> memref<16x128xf32, #tpu.memory_space<hbm>>
      %dma_wait3A_1430 = arith.constant 0 : i32
      %dma_wait3A_1431 = arith.constant 0 : i32
      %dma_wait3A_1432 = tpu.memref_slice %arg9[%dma_wait3A_1422, %dma_wait3A_1430, %dma_wait3A_1431] : memref<8x16x128xf32, #tpu.memory_space<vmem>> -> memref<1x16x128xf32, #tpu.memory_space<vmem>>
      %dma_wait3A_1433 = tpu.memref_squeeze %dma_wait3A_1432 : memref<1x16x128xf32, #tpu.memory_space<vmem>> -> memref<16x128xf32, #tpu.memory_space<vmem>>
      %dma_wait3A_1434 = arith.constant 0 : i32
      %dma_wait3A_1435 = arith.constant 0 : i32
      %dma_wait3A_1436 = tpu.memref_slice %arg4[%dma_wait3A_1434, %dma_wait3A_1435] : memref<16x1000000xf32, #tpu.memory_space<hbm>> -> memref<16x128xf32, #tpu.memory_space<hbm>>
      tpu.wait_dma2 semaphore(%arg14 : memref<!tpu.dma_semaphore, #tpu.memory_space<semaphore_mem>>) src(%dma_wait3A_1436 : memref<16x128xf32, #tpu.memory_space<hbm>>) dst(%dma_wait3A_1433 : memref<16x128xf32, #tpu.memory_space<vmem>>)
      %dma_wait3A_1437 = arith.constant 2 : i32
      %dma_wait3A_1438 = arith.constant 0 : i32
      %dma_wait3A_1439 = arith.constant 0 : i32
      %dma_wait3A_1440 = tpu.memref_slice %arg10[%dma_wait3A_1437, %dma_wait3A_1438, %dma_wait3A_1439] : memref<8x16x128xf32, #tpu.memory_space<vmem>> -> memref<1x16x128xf32, #tpu.memory_space<vmem>>
      %dma_wait3A_1441 = tpu.memref_squeeze %dma_wait3A_1440 : memref<1x16x128xf32, #tpu.memory_space<vmem>> -> memref<16x128xf32, #tpu.memory_space<vmem>>
      %dma_wait3A_1442 = arith.constant 0 : i32
      %dma_wait3A_1443 = arith.constant 0 : i32
      %dma_wait3A_1444 = tpu.memref_slice %arg5[%dma_wait3A_1442, %dma_wait3A_1443] : memref<16x1000000xf32, #tpu.memory_space<hbm>> -> memref<16x128xf32, #tpu.memory_space<hbm>>
      %dma_wait3A_1445 = arith.constant 0 : i32
      %dma_wait3A_1446 = arith.constant 0 : i32
      %dma_wait3A_1447 = tpu.memref_slice %arg10[%dma_wait3A_1437, %dma_wait3A_1445, %dma_wait3A_1446] : memref<8x16x128xf32, #tpu.memory_space<vmem>> -> memref<1x16x128xf32, #tpu.memory_space<vmem>>
      %dma_wait3A_1448 = tpu.memref_squeeze %dma_wait3A_1447 : memref<1x16x128xf32, #tpu.memory_space<vmem>> -> memref<16x128xf32, #tpu.memory_space<vmem>>
      %dma_wait3A_1449 = arith.constant 0 : i32
      %dma_wait3A_1450 = arith.constant 0 : i32
      %dma_wait3A_1451 = tpu.memref_slice %arg5[%dma_wait3A_1449, %dma_wait3A_1450] : memref<16x1000000xf32, #tpu.memory_space<hbm>> -> memref<16x128xf32, #tpu.memory_space<hbm>>
      tpu.wait_dma2 semaphore(%arg14 : memref<!tpu.dma_semaphore, #tpu.memory_space<semaphore_mem>>) src(%dma_wait3A_1451 : memref<16x128xf32, #tpu.memory_space<hbm>>) dst(%dma_wait3A_1448 : memref<16x128xf32, #tpu.memory_space<vmem>>)
      %dma_wait3A_1452 = arith.constant 3 : i32
      %dma_wait3A_1453 = arith.constant 0 : i32
      %dma_wait3A_1454 = arith.constant 0 : i32
      %dma_wait3A_1455 = tpu.memref_slice %arg9[%dma_wait3A_1452, %dma_wait3A_1453, %dma_wait3A_1454] : memref<8x16x128xf32, #tpu.memory_space<vmem>> -> memref<1x16x128xf32, #tpu.memory_space<vmem>>
      %dma_wait3A_1456 = tpu.memref_squeeze %dma_wait3A_1455 : memref<1x16x128xf32, #tpu.memory_space<vmem>> -> memref<16x128xf32, #tpu.memory_space<vmem>>
      %dma_wait3A_1457 = arith.constant 0 : i32
      %dma_wait3A_1458 = arith.constant 0 : i32
      %dma_wait3A_1459 = tpu.memref_slice %arg4[%dma_wait3A_1457, %dma_wait3A_1458] : memref<16x1000000xf32, #tpu.memory_space<hbm>> -> memref<16x128xf32, #tpu.memory_space<hbm>>
      %dma_wait3A_1460 = arith.constant 0 : i32
      %dma_wait3A_1461 = arith.constant 0 : i32
      %dma_wait3A_1462 = tpu.memref_slice %arg9[%dma_wait3A_1452, %dma_wait3A_1460, %dma_wait3A_1461] : memref<8x16x128xf32, #tpu.memory_space<vmem>> -> memref<1x16x128xf32, #tpu.memory_space<vmem>>
      %dma_wait3A_1463 = tpu.memref_squeeze %dma_wait3A_1462 : memref<1x16x128xf32, #tpu.memory_space<vmem>> -> memref<16x128xf32, #tpu.memory_space<vmem>>
      %dma_wait3A_1464 = arith.constant 0 : i32
      %dma_wait3A_1465 = arith.constant 0 : i32
      %dma_wait3A_1466 = tpu.memref_slice %arg4[%dma_wait3A_1464, %dma_wait3A_1465] : memref<16x1000000xf32, #tpu.memory_space<hbm>> -> memref<16x128xf32, #tpu.memory_space<hbm>>
      tpu.wait_dma2 semaphore(%arg14 : memref<!tpu.dma_semaphore, #tpu.memory_space<semaphore_mem>>) src(%dma_wait3A_1466 : memref<16x128xf32, #tpu.memory_space<hbm>>) dst(%dma_wait3A_1463 : memref<16x128xf32, #tpu.memory_space<vmem>>)
      %dma_wait3A_1467 = arith.constant 3 : i32
      %dma_wait3A_1468 = arith.constant 0 : i32
      %dma_wait3A_1469 = arith.constant 0 : i32
      %dma_wait3A_1470 = tpu.memref_slice %arg10[%dma_wait3A_1467, %dma_wait3A_1468, %dma_wait3A_1469] : memref<8x16x128xf32, #tpu.memory_space<vmem>> -> memref<1x16x128xf32, #tpu.memory_space<vmem>>
      %dma_wait3A_1471 = tpu.memref_squeeze %dma_wait3A_1470 : memref<1x16x128xf32, #tpu.memory_space<vmem>> -> memref<16x128xf32, #tpu.memory_space<vmem>>
      %dma_wait3A_1472 = arith.constant 0 : i32
      %dma_wait3A_1473 = arith.constant 0 : i32
      %dma_wait3A_1474 = tpu.memref_slice %arg5[%dma_wait3A_1472, %dma_wait3A_1473] : memref<16x1000000xf32, #tpu.memory_space<hbm>> -> memref<16x128xf32, #tpu.memory_space<hbm>>
      %dma_wait3A_1475 = arith.constant 0 : i32
      %dma_wait3A_1476 = arith.constant 0 : i32
      %dma_wait3A_1477 = tpu.memref_slice %arg10[%dma_wait3A_1467, %dma_wait3A_1475, %dma_wait3A_1476] : memref<8x16x128xf32, #tpu.memory_space<vmem>> -> memref<1x16x128xf32, #tpu.memory_space<vmem>>
      %dma_wait3A_1478 = tpu.memref_squeeze %dma_wait3A_1477 : memref<1x16x128xf32, #tpu.memory_space<vmem>> -> memref<16x128xf32, #tpu.memory_space<vmem>>
      %dma_wait3A_1479 = arith.constant 0 : i32
      %dma_wait3A_1480 = arith.constant 0 : i32
      %dma_wait3A_1481 = tpu.memref_slice %arg5[%dma_wait3A_1479, %dma_wait3A_1480] : memref<16x1000000xf32, #tpu.memory_space<hbm>> -> memref<16x128xf32, #tpu.memory_space<hbm>>
      tpu.wait_dma2 semaphore(%arg14 : memref<!tpu.dma_semaphore, #tpu.memory_space<semaphore_mem>>) src(%dma_wait3A_1481 : memref<16x128xf32, #tpu.memory_space<hbm>>) dst(%dma_wait3A_1478 : memref<16x128xf32, #tpu.memory_space<vmem>>)
      %dma_wait3A_1482 = arith.constant 4 : i32
      %dma_wait3A_1483 = arith.constant 0 : i32
      %dma_wait3A_1484 = arith.constant 0 : i32
      %dma_wait3A_1485 = tpu.memref_slice %arg9[%dma_wait3A_1482, %dma_wait3A_1483, %dma_wait3A_1484] : memref<8x16x128xf32, #tpu.memory_space<vmem>> -> memref<1x16x128xf32, #tpu.memory_space<vmem>>
      %dma_wait3A_1486 = tpu.memref_squeeze %dma_wait3A_1485 : memref<1x16x128xf32, #tpu.memory_space<vmem>> -> memref<16x128xf32, #tpu.memory_space<vmem>>
      %dma_wait3A_1487 = arith.constant 0 : i32
      %dma_wait3A_1488 = arith.constant 0 : i32
      %dma_wait3A_1489 = tpu.memref_slice %arg4[%dma_wait3A_1487, %dma_wait3A_1488] : memref<16x1000000xf32, #tpu.memory_space<hbm>> -> memref<16x128xf32, #tpu.memory_space<hbm>>
      %dma_wait3A_1490 = arith.constant 0 : i32
      %dma_wait3A_1491 = arith.constant 0 : i32
      %dma_wait3A_1492 = tpu.memref_slice %arg9[%dma_wait3A_1482, %dma_wait3A_1490, %dma_wait3A_1491] : memref<8x16x128xf32, #tpu.memory_space<vmem>> -> memref<1x16x128xf32, #tpu.memory_space<vmem>>
      %dma_wait3A_1493 = tpu.memref_squeeze %dma_wait3A_1492 : memref<1x16x128xf32, #tpu.memory_space<vmem>> -> memref<16x128xf32, #tpu.memory_space<vmem>>
      %dma_wait3A_1494 = arith.constant 0 : i32
      %dma_wait3A_1495 = arith.constant 0 : i32
      %dma_wait3A_1496 = tpu.memref_slice %arg4[%dma_wait3A_1494, %dma_wait3A_1495] : memref<16x1000000xf32, #tpu.memory_space<hbm>> -> memref<16x128xf32, #tpu.memory_space<hbm>>
      tpu.wait_dma2 semaphore(%arg14 : memref<!tpu.dma_semaphore, #tpu.memory_space<semaphore_mem>>) src(%dma_wait3A_1496 : memref<16x128xf32, #tpu.memory_space<hbm>>) dst(%dma_wait3A_1493 : memref<16x128xf32, #tpu.memory_space<vmem>>)
      %dma_wait3A_1497 = arith.constant 4 : i32
      %dma_wait3A_1498 = arith.constant 0 : i32
      %dma_wait3A_1499 = arith.constant 0 : i32
      %dma_wait3A_1500 = tpu.memref_slice %arg10[%dma_wait3A_1497, %dma_wait3A_1498, %dma_wait3A_1499] : memref<8x16x128xf32, #tpu.memory_space<vmem>> -> memref<1x16x128xf32, #tpu.memory_space<vmem>>
      %dma_wait3A_1501 = tpu.memref_squeeze %dma_wait3A_1500 : memref<1x16x128xf32, #tpu.memory_space<vmem>> -> memref<16x128xf32, #tpu.memory_space<vmem>>
      %dma_wait3A_1502 = arith.constant 0 : i32
      %dma_wait3A_1503 = arith.constant 0 : i32
      %dma_wait3A_1504 = tpu.memref_slice %arg5[%dma_wait3A_1502, %dma_wait3A_1503] : memref<16x1000000xf32, #tpu.memory_space<hbm>> -> memref<16x128xf32, #tpu.memory_space<hbm>>
      %dma_wait3A_1505 = arith.constant 0 : i32
      %dma_wait3A_1506 = arith.constant 0 : i32
      %dma_wait3A_1507 = tpu.memref_slice %arg10[%dma_wait3A_1497, %dma_wait3A_1505, %dma_wait3A_1506] : memref<8x16x128xf32, #tpu.memory_space<vmem>> -> memref<1x16x128xf32, #tpu.memory_space<vmem>>
      %dma_wait3A_1508 = tpu.memref_squeeze %dma_wait3A_1507 : memref<1x16x128xf32, #tpu.memory_space<vmem>> -> memref<16x128xf32, #tpu.memory_space<vmem>>
      %dma_wait3A_1509 = arith.constant 0 : i32
      %dma_wait3A_1510 = arith.constant 0 : i32
      %dma_wait3A_1511 = tpu.memref_slice %arg5[%dma_wait3A_1509, %dma_wait3A_1510] : memref<16x1000000xf32, #tpu.memory_space<hbm>> -> memref<16x128xf32, #tpu.memory_space<hbm>>
      tpu.wait_dma2 semaphore(%arg14 : memref<!tpu.dma_semaphore, #tpu.memory_space<semaphore_mem>>) src(%dma_wait3A_1511 : memref<16x128xf32, #tpu.memory_space<hbm>>) dst(%dma_wait3A_1508 : memref<16x128xf32, #tpu.memory_space<vmem>>)
      %dma_wait3A_1512 = arith.constant 5 : i32
      %dma_wait3A_1513 = arith.constant 0 : i32
      %dma_wait3A_1514 = arith.constant 0 : i32
      %dma_wait3A_1515 = tpu.memref_slice %arg9[%dma_wait3A_1512, %dma_wait3A_1513, %dma_wait3A_1514] : memref<8x16x128xf32, #tpu.memory_space<vmem>> -> memref<1x16x128xf32, #tpu.memory_space<vmem>>
      %dma_wait3A_1516 = tpu.memref_squeeze %dma_wait3A_1515 : memref<1x16x128xf32, #tpu.memory_space<vmem>> -> memref<16x128xf32, #tpu.memory_space<vmem>>
      %dma_wait3A_1517 = arith.constant 0 : i32
      %dma_wait3A_1518 = arith.constant 0 : i32
      %dma_wait3A_1519 = tpu.memref_slice %arg4[%dma_wait3A_1517, %dma_wait3A_1518] : memref<16x1000000xf32, #tpu.memory_space<hbm>> -> memref<16x128xf32, #tpu.memory_space<hbm>>
      %dma_wait3A_1520 = arith.constant 0 : i32
      %dma_wait3A_1521 = arith.constant 0 : i32
      %dma_wait3A_1522 = tpu.memref_slice %arg9[%dma_wait3A_1512, %dma_wait3A_1520, %dma_wait3A_1521] : memref<8x16x128xf32, #tpu.memory_space<vmem>> -> memref<1x16x128xf32, #tpu.memory_space<vmem>>
      %dma_wait3A_1523 = tpu.memref_squeeze %dma_wait3A_1522 : memref<1x16x128xf32, #tpu.memory_space<vmem>> -> memref<16x128xf32, #tpu.memory_space<vmem>>
      %dma_wait3A_1524 = arith.constant 0 : i32
      %dma_wait3A_1525 = arith.constant 0 : i32
      %dma_wait3A_1526 = tpu.memref_slice %arg4[%dma_wait3A_1524, %dma_wait3A_1525] : memref<16x1000000xf32, #tpu.memory_space<hbm>> -> memref<16x128xf32, #tpu.memory_space<hbm>>
      tpu.wait_dma2 semaphore(%arg14 : memref<!tpu.dma_semaphore, #tpu.memory_space<semaphore_mem>>) src(%dma_wait3A_1526 : memref<16x128xf32, #tpu.memory_space<hbm>>) dst(%dma_wait3A_1523 : memref<16x128xf32, #tpu.memory_space<vmem>>)
      %dma_wait3A_1527 = arith.constant 5 : i32
      %dma_wait3A_1528 = arith.constant 0 : i32
      %dma_wait3A_1529 = arith.constant 0 : i32
      %dma_wait3A_1530 = tpu.memref_slice %arg10[%dma_wait3A_1527, %dma_wait3A_1528, %dma_wait3A_1529] : memref<8x16x128xf32, #tpu.memory_space<vmem>> -> memref<1x16x128xf32, #tpu.memory_space<vmem>>
      %dma_wait3A_1531 = tpu.memref_squeeze %dma_wait3A_1530 : memref<1x16x128xf32, #tpu.memory_space<vmem>> -> memref<16x128xf32, #tpu.memory_space<vmem>>
      %dma_wait3A_1532 = arith.constant 0 : i32
      %dma_wait3A_1533 = arith.constant 0 : i32
      %dma_wait3A_1534 = tpu.memref_slice %arg5[%dma_wait3A_1532, %dma_wait3A_1533] : memref<16x1000000xf32, #tpu.memory_space<hbm>> -> memref<16x128xf32, #tpu.memory_space<hbm>>
      %dma_wait3A_1535 = arith.constant 0 : i32
      %dma_wait3A_1536 = arith.constant 0 : i32
      %dma_wait3A_1537 = tpu.memref_slice %arg10[%dma_wait3A_1527, %dma_wait3A_1535, %dma_wait3A_1536] : memref<8x16x128xf32, #tpu.memory_space<vmem>> -> memref<1x16x128xf32, #tpu.memory_space<vmem>>
      %dma_wait3A_1538 = tpu.memref_squeeze %dma_wait3A_1537 : memref<1x16x128xf32, #tpu.memory_space<vmem>> -> memref<16x128xf32, #tpu.memory_space<vmem>>
      %dma_wait3A_1539 = arith.constant 0 : i32
      %dma_wait3A_1540 = arith.constant 0 : i32
      %dma_wait3A_1541 = tpu.memref_slice %arg5[%dma_wait3A_1539, %dma_wait3A_1540] : memref<16x1000000xf32, #tpu.memory_space<hbm>> -> memref<16x128xf32, #tpu.memory_space<hbm>>
      tpu.wait_dma2 semaphore(%arg14 : memref<!tpu.dma_semaphore, #tpu.memory_space<semaphore_mem>>) src(%dma_wait3A_1541 : memref<16x128xf32, #tpu.memory_space<hbm>>) dst(%dma_wait3A_1538 : memref<16x128xf32, #tpu.memory_space<vmem>>)
      %dma_wait3A_1542 = arith.constant 6 : i32
      %dma_wait3A_1543 = arith.constant 0 : i32
      %dma_wait3A_1544 = arith.constant 0 : i32
      %dma_wait3A_1545 = tpu.memref_slice %arg9[%dma_wait3A_1542, %dma_wait3A_1543, %dma_wait3A_1544] : memref<8x16x128xf32, #tpu.memory_space<vmem>> -> memref<1x16x128xf32, #tpu.memory_space<vmem>>
      %dma_wait3A_1546 = tpu.memref_squeeze %dma_wait3A_1545 : memref<1x16x128xf32, #tpu.memory_space<vmem>> -> memref<16x128xf32, #tpu.memory_space<vmem>>
      %dma_wait3A_1547 = arith.constant 0 : i32
      %dma_wait3A_1548 = arith.constant 0 : i32
      %dma_wait3A_1549 = tpu.memref_slice %arg4[%dma_wait3A_1547, %dma_wait3A_1548] : memref<16x1000000xf32, #tpu.memory_space<hbm>> -> memref<16x128xf32, #tpu.memory_space<hbm>>
      %dma_wait3A_1550 = arith.constant 0 : i32
      %dma_wait3A_1551 = arith.constant 0 : i32
      %dma_wait3A_1552 = tpu.memref_slice %arg9[%dma_wait3A_1542, %dma_wait3A_1550, %dma_wait3A_1551] : memref<8x16x128xf32, #tpu.memory_space<vmem>> -> memref<1x16x128xf32, #tpu.memory_space<vmem>>
      %dma_wait3A_1553 = tpu.memref_squeeze %dma_wait3A_1552 : memref<1x16x128xf32, #tpu.memory_space<vmem>> -> memref<16x128xf32, #tpu.memory_space<vmem>>
      %dma_wait3A_1554 = arith.constant 0 : i32
      %dma_wait3A_1555 = arith.constant 0 : i32
      %dma_wait3A_1556 = tpu.memref_slice %arg4[%dma_wait3A_1554, %dma_wait3A_1555] : memref<16x1000000xf32, #tpu.memory_space<hbm>> -> memref<16x128xf32, #tpu.memory_space<hbm>>
      tpu.wait_dma2 semaphore(%arg14 : memref<!tpu.dma_semaphore, #tpu.memory_space<semaphore_mem>>) src(%dma_wait3A_1556 : memref<16x128xf32, #tpu.memory_space<hbm>>) dst(%dma_wait3A_1553 : memref<16x128xf32, #tpu.memory_space<vmem>>)
      %dma_wait3A_1557 = arith.constant 6 : i32
      %dma_wait3A_1558 = arith.constant 0 : i32
      %dma_wait3A_1559 = arith.constant 0 : i32
      %dma_wait3A_1560 = tpu.memref_slice %arg10[%dma_wait3A_1557, %dma_wait3A_1558, %dma_wait3A_1559] : memref<8x16x128xf32, #tpu.memory_space<vmem>> -> memref<1x16x128xf32, #tpu.memory_space<vmem>>
      %dma_wait3A_1561 = tpu.memref_squeeze %dma_wait3A_1560 : memref<1x16x128xf32, #tpu.memory_space<vmem>> -> memref<16x128xf32, #tpu.memory_space<vmem>>
      %dma_wait3A_1562 = arith.constant 0 : i32
      %dma_wait3A_1563 = arith.constant 0 : i32
      %dma_wait3A_1564 = tpu.memref_slice %arg5[%dma_wait3A_1562, %dma_wait3A_1563] : memref<16x1000000xf32, #tpu.memory_space<hbm>> -> memref<16x128xf32, #tpu.memory_space<hbm>>
      %dma_wait3A_1565 = arith.constant 0 : i32
      %dma_wait3A_1566 = arith.constant 0 : i32
      %dma_wait3A_1567 = tpu.memref_slice %arg10[%dma_wait3A_1557, %dma_wait3A_1565, %dma_wait3A_1566] : memref<8x16x128xf32, #tpu.memory_space<vmem>> -> memref<1x16x128xf32, #tpu.memory_space<vmem>>
      %dma_wait3A_1568 = tpu.memref_squeeze %dma_wait3A_1567 : memref<1x16x128xf32, #tpu.memory_space<vmem>> -> memref<16x128xf32, #tpu.memory_space<vmem>>
      %dma_wait3A_1569 = arith.constant 0 : i32
      %dma_wait3A_1570 = arith.constant 0 : i32
      %dma_wait3A_1571 = tpu.memref_slice %arg5[%dma_wait3A_1569, %dma_wait3A_1570] : memref<16x1000000xf32, #tpu.memory_space<hbm>> -> memref<16x128xf32, #tpu.memory_space<hbm>>
      tpu.wait_dma2 semaphore(%arg14 : memref<!tpu.dma_semaphore, #tpu.memory_space<semaphore_mem>>) src(%dma_wait3A_1571 : memref<16x128xf32, #tpu.memory_space<hbm>>) dst(%dma_wait3A_1568 : memref<16x128xf32, #tpu.memory_space<vmem>>)
      %dma_wait3A_1572 = arith.constant 7 : i32
      %dma_wait3A_1573 = arith.constant 0 : i32
      %dma_wait3A_1574 = arith.constant 0 : i32
      %dma_wait3A_1575 = tpu.memref_slice %arg9[%dma_wait3A_1572, %dma_wait3A_1573, %dma_wait3A_1574] : memref<8x16x128xf32, #tpu.memory_space<vmem>> -> memref<1x16x128xf32, #tpu.memory_space<vmem>>
      %dma_wait3A_1576 = tpu.memref_squeeze %dma_wait3A_1575 : memref<1x16x128xf32, #tpu.memory_space<vmem>> -> memref<16x128xf32, #tpu.memory_space<vmem>>
      %dma_wait3A_1577 = arith.constant 0 : i32
      %dma_wait3A_1578 = arith.constant 0 : i32
      %dma_wait3A_1579 = tpu.memref_slice %arg4[%dma_wait3A_1577, %dma_wait3A_1578] : memref<16x1000000xf32, #tpu.memory_space<hbm>> -> memref<16x128xf32, #tpu.memory_space<hbm>>
      %dma_wait3A_1580 = arith.constant 0 : i32
      %dma_wait3A_1581 = arith.constant 0 : i32
      %dma_wait3A_1582 = tpu.memref_slice %arg9[%dma_wait3A_1572, %dma_wait3A_1580, %dma_wait3A_1581] : memref<8x16x128xf32, #tpu.memory_space<vmem>> -> memref<1x16x128xf32, #tpu.memory_space<vmem>>
      %dma_wait3A_1583 = tpu.memref_squeeze %dma_wait3A_1582 : memref<1x16x128xf32, #tpu.memory_space<vmem>> -> memref<16x128xf32, #tpu.memory_space<vmem>>
      %dma_wait3A_1584 = arith.constant 0 : i32
      %dma_wait3A_1585 = arith.constant 0 : i32
      %dma_wait3A_1586 = tpu.memref_slice %arg4[%dma_wait3A_1584, %dma_wait3A_1585] : memref<16x1000000xf32, #tpu.memory_space<hbm>> -> memref<16x128xf32, #tpu.memory_space<hbm>>
      tpu.wait_dma2 semaphore(%arg14 : memref<!tpu.dma_semaphore, #tpu.memory_space<semaphore_mem>>) src(%dma_wait3A_1586 : memref<16x128xf32, #tpu.memory_space<hbm>>) dst(%dma_wait3A_1583 : memref<16x128xf32, #tpu.memory_space<vmem>>)
      %dma_wait3A_1587 = arith.constant 7 : i32
      %dma_wait3A_1588 = arith.constant 0 : i32
      %dma_wait3A_1589 = arith.constant 0 : i32
      %dma_wait3A_1590 = tpu.memref_slice %arg10[%dma_wait3A_1587, %dma_wait3A_1588, %dma_wait3A_1589] : memref<8x16x128xf32, #tpu.memory_space<vmem>> -> memref<1x16x128xf32, #tpu.memory_space<vmem>>
      %dma_wait3A_1591 = tpu.memref_squeeze %dma_wait3A_1590 : memref<1x16x128xf32, #tpu.memory_space<vmem>> -> memref<16x128xf32, #tpu.memory_space<vmem>>
      %dma_wait3A_1592 = arith.constant 0 : i32
      %dma_wait3A_1593 = arith.constant 0 : i32
      %dma_wait3A_1594 = tpu.memref_slice %arg5[%dma_wait3A_1592, %dma_wait3A_1593] : memref<16x1000000xf32, #tpu.memory_space<hbm>> -> memref<16x128xf32, #tpu.memory_space<hbm>>
      %dma_wait3A_1595 = arith.constant 0 : i32
      %dma_wait3A_1596 = arith.constant 0 : i32
      %dma_wait3A_1597 = tpu.memref_slice %arg10[%dma_wait3A_1587, %dma_wait3A_1595, %dma_wait3A_1596] : memref<8x16x128xf32, #tpu.memory_space<vmem>> -> memref<1x16x128xf32, #tpu.memory_space<vmem>>
      %dma_wait3A_1598 = tpu.memref_squeeze %dma_wait3A_1597 : memref<1x16x128xf32, #tpu.memory_space<vmem>> -> memref<16x128xf32, #tpu.memory_space<vmem>>
      %dma_wait3A_1599 = arith.constant 0 : i32
      %dma_wait3A_1600 = arith.constant 0 : i32
      %dma_wait3A_1601 = tpu.memref_slice %arg5[%dma_wait3A_1599, %dma_wait3A_1600] : memref<16x1000000xf32, #tpu.memory_space<hbm>> -> memref<16x128xf32, #tpu.memory_space<hbm>>
      tpu.wait_dma2 semaphore(%arg14 : memref<!tpu.dma_semaphore, #tpu.memory_space<semaphore_mem>>) src(%dma_wait3A_1601 : memref<16x128xf32, #tpu.memory_space<hbm>>) dst(%dma_wait3A_1598 : memref<16x128xf32, #tpu.memory_space<vmem>>)
      %mul3A_1602 = arith.constant 8 : i32
      %mul3A_1603 = arith.muli %mul3A_678, %mul3A_1602 : i32
      %get3A_1604 = arith.index_cast %mul3A_1603 : i32 to index
      %get3A_1605 = tpu.vector_load %arg7[%get3A_1604] {strides = array<i32>} : memref<528xi32, #tpu.memory_space<vmem>>, vector<16xi32>,
      %mul3A_1606 = arith.constant 8 : i32
      %mul3A_1607 = arith.muli %mul3A_678, %mul3A_1606 : i32
      %get3A_1608 = arith.index_cast %mul3A_1607 : i32 to index
      %get3A_1609 = tpu.vector_load %arg8[%get3A_1608] {strides = array<i32>} : memref<528xi32, #tpu.memory_space<vmem>>, vector<16xi32>,
      %rem3A_1610 = arith.remsi %get3A_1605, %broadcast_in_dim3A_7 : vector<16xi32>
      %rem3A_1611 = arith.remsi %get3A_1609, %broadcast_in_dim3A_7 : vector<16xi32>
      %broadcast_in_dim3A_1612 = arith.constant 0.000000e+00 : f32
      %broadcast_in_dim3A_1613 = vector.broadcast %broadcast_in_dim3A_1612 : f32 to vector<16xf32>
      %broadcast_in_dim3A_1614 = arith.constant 0 : i32
      %broadcast_in_dim3A_1615 = vector.broadcast %broadcast_in_dim3A_1614 : i32 to vector<16xi32>
      %gather3A = tpu.vector_load_idx %arg9[%rem3A, %broadcast_in_dim3A_1615, %rem3A_1610] : memref<8x16x128xf32, #tpu.memory_space<vmem>>[vector<16xi32>, vector<16xi32>, vector<16xi32>], vector<16xf32>,
      %gather3A_1616 = tpu.vector_load_idx %arg10[%rem3A, %broadcast_in_dim3A_1615, %rem3A_1611] : memref<8x16x128xf32, #tpu.memory_space<vmem>>[vector<16xi32>, vector<16xi32>, vector<16xi32>], vector<16xf32>,
      %mul3A_1617 = arith.mulf %gather3A, %gather3A_1616 : vector<16xf32>
      %add3A_1618 = arith.addf %broadcast_in_dim3A_1613, %mul3A_1617 : vector<16xf32>
      %broadcast_in_dim3A_1619 = arith.constant 1 : i32
      %broadcast_in_dim3A_1620 = vector.broadcast %broadcast_in_dim3A_1619 : i32 to vector<16xi32>
      %gather3A_1621 = tpu.vector_load_idx %arg9[%rem3A, %broadcast_in_dim3A_1620, %rem3A_1610] : memref<8x16x128xf32, #tpu.memory_space<vmem>>[vector<16xi32>, vector<16xi32>, vector<16xi32>], vector<16xf32>,
      %gather3A_1622 = tpu.vector_load_idx %arg10[%rem3A, %broadcast_in_dim3A_1620, %rem3A_1611] : memref<8x16x128xf32, #tpu.memory_space<vmem>>[vector<16xi32>, vector<16xi32>, vector<16xi32>], vector<16xf32>,
      %mul3A_1623 = arith.mulf %gather3A_1621, %gather3A_1622 : vector<16xf32>
      %add3A_1624 = arith.addf %add3A_1618, %mul3A_1623 : vector<16xf32>
      %broadcast_in_dim3A_1625 = arith.constant 2 : i32
      %broadcast_in_dim3A_1626 = vector.broadcast %broadcast_in_dim3A_1625 : i32 to vector<16xi32>
      %gather3A_1627 = tpu.vector_load_idx %arg9[%rem3A, %broadcast_in_dim3A_1626, %rem3A_1610] : memref<8x16x128xf32, #tpu.memory_space<vmem>>[vector<16xi32>, vector<16xi32>, vector<16xi32>], vector<16xf32>,
      %gather3A_1628 = tpu.vector_load_idx %arg10[%rem3A, %broadcast_in_dim3A_1626, %rem3A_1611] : memref<8x16x128xf32, #tpu.memory_space<vmem>>[vector<16xi32>, vector<16xi32>, vector<16xi32>], vector<16xf32>,
      %mul3A_1629 = arith.mulf %gather3A_1627, %gather3A_1628 : vector<16xf32>
      %add3A_1630 = arith.addf %add3A_1624, %mul3A_1629 : vector<16xf32>
      %broadcast_in_dim3A_1631 = arith.constant 3 : i32
      %broadcast_in_dim3A_1632 = vector.broadcast %broadcast_in_dim3A_1631 : i32 to vector<16xi32>
      %gather3A_1633 = tpu.vector_load_idx %arg9[%rem3A, %broadcast_in_dim3A_1632, %rem3A_1610] : memref<8x16x128xf32, #tpu.memory_space<vmem>>[vector<16xi32>, vector<16xi32>, vector<16xi32>], vector<16xf32>,
      %gather3A_1634 = tpu.vector_load_idx %arg10[%rem3A, %broadcast_in_dim3A_1632, %rem3A_1611] : memref<8x16x128xf32, #tpu.memory_space<vmem>>[vector<16xi32>, vector<16xi32>, vector<16xi32>], vector<16xf32>,
      %mul3A_1635 = arith.mulf %gather3A_1633, %gather3A_1634 : vector<16xf32>
      %add3A_1636 = arith.addf %add3A_1630, %mul3A_1635 : vector<16xf32>
      %broadcast_in_dim3A_1637 = arith.constant 4 : i32
      %broadcast_in_dim3A_1638 = vector.broadcast %broadcast_in_dim3A_1637 : i32 to vector<16xi32>
      %gather3A_1639 = tpu.vector_load_idx %arg9[%rem3A, %broadcast_in_dim3A_1638, %rem3A_1610] : memref<8x16x128xf32, #tpu.memory_space<vmem>>[vector<16xi32>, vector<16xi32>, vector<16xi32>], vector<16xf32>,
      %gather3A_1640 = tpu.vector_load_idx %arg10[%rem3A, %broadcast_in_dim3A_1638, %rem3A_1611] : memref<8x16x128xf32, #tpu.memory_space<vmem>>[vector<16xi32>, vector<16xi32>, vector<16xi32>], vector<16xf32>,
      %mul3A_1641 = arith.mulf %gather3A_1639, %gather3A_1640 : vector<16xf32>
      %add3A_1642 = arith.addf %add3A_1636, %mul3A_1641 : vector<16xf32>
      %broadcast_in_dim3A_1643 = arith.constant 5 : i32
      %broadcast_in_dim3A_1644 = vector.broadcast %broadcast_in_dim3A_1643 : i32 to vector<16xi32>
      %gather3A_1645 = tpu.vector_load_idx %arg9[%rem3A, %broadcast_in_dim3A_1644, %rem3A_1610] : memref<8x16x128xf32, #tpu.memory_space<vmem>>[vector<16xi32>, vector<16xi32>, vector<16xi32>], vector<16xf32>,
      %gather3A_1646 = tpu.vector_load_idx %arg10[%rem3A, %broadcast_in_dim3A_1644, %rem3A_1611] : memref<8x16x128xf32, #tpu.memory_space<vmem>>[vector<16xi32>, vector<16xi32>, vector<16xi32>], vector<16xf32>,
      %mul3A_1647 = arith.mulf %gather3A_1645, %gather3A_1646 : vector<16xf32>
      %add3A_1648 = arith.addf %add3A_1642, %mul3A_1647 : vector<16xf32>
      %broadcast_in_dim3A_1649 = arith.constant 6 : i32
      %broadcast_in_dim3A_1650 = vector.broadcast %broadcast_in_dim3A_1649 : i32 to vector<16xi32>
      %gather3A_1651 = tpu.vector_load_idx %arg9[%rem3A, %broadcast_in_dim3A_1650, %rem3A_1610] : memref<8x16x128xf32, #tpu.memory_space<vmem>>[vector<16xi32>, vector<16xi32>, vector<16xi32>], vector<16xf32>,
      %gather3A_1652 = tpu.vector_load_idx %arg10[%rem3A, %broadcast_in_dim3A_1650, %rem3A_1611] : memref<8x16x128xf32, #tpu.memory_space<vmem>>[vector<16xi32>, vector<16xi32>, vector<16xi32>], vector<16xf32>,
      %mul3A_1653 = arith.mulf %gather3A_1651, %gather3A_1652 : vector<16xf32>
      %add3A_1654 = arith.addf %add3A_1648, %mul3A_1653 : vector<16xf32>
      %broadcast_in_dim3A_1655 = arith.constant 7 : i32
      %broadcast_in_dim3A_1656 = vector.broadcast %broadcast_in_dim3A_1655 : i32 to vector<16xi32>
      %gather3A_1657 = tpu.vector_load_idx %arg9[%rem3A, %broadcast_in_dim3A_1656, %rem3A_1610] : memref<8x16x128xf32, #tpu.memory_space<vmem>>[vector<16xi32>, vector<16xi32>, vector<16xi32>], vector<16xf32>,
      %gather3A_1658 = tpu.vector_load_idx %arg10[%rem3A, %broadcast_in_dim3A_1656, %rem3A_1611] : memref<8x16x128xf32, #tpu.memory_space<vmem>>[vector<16xi32>, vector<16xi32>, vector<16xi32>], vector<16xf32>,
      %mul3A_1659 = arith.mulf %gather3A_1657, %gather3A_1658 : vector<16xf32>
      %add3A_1660 = arith.addf %add3A_1654, %mul3A_1659 : vector<16xf32>
      %broadcast_in_dim3A_1661 = arith.constant 8 : i32
      %broadcast_in_dim3A_1662 = vector.broadcast %broadcast_in_dim3A_1661 : i32 to vector<16xi32>
      %gather3A_1663 = tpu.vector_load_idx %arg9[%rem3A, %broadcast_in_dim3A_1662, %rem3A_1610] : memref<8x16x128xf32, #tpu.memory_space<vmem>>[vector<16xi32>, vector<16xi32>, vector<16xi32>], vector<16xf32>,
      %gather3A_1664 = tpu.vector_load_idx %arg10[%rem3A, %broadcast_in_dim3A_1662, %rem3A_1611] : memref<8x16x128xf32, #tpu.memory_space<vmem>>[vector<16xi32>, vector<16xi32>, vector<16xi32>], vector<16xf32>,
      %mul3A_1665 = arith.mulf %gather3A_1663, %gather3A_1664 : vector<16xf32>
      %add3A_1666 = arith.addf %add3A_1660, %mul3A_1665 : vector<16xf32>
      %broadcast_in_dim3A_1667 = arith.constant 9 : i32
      %broadcast_in_dim3A_1668 = vector.broadcast %broadcast_in_dim3A_1667 : i32 to vector<16xi32>
      %gather3A_1669 = tpu.vector_load_idx %arg9[%rem3A, %broadcast_in_dim3A_1668, %rem3A_1610] : memref<8x16x128xf32, #tpu.memory_space<vmem>>[vector<16xi32>, vector<16xi32>, vector<16xi32>], vector<16xf32>,
      %gather3A_1670 = tpu.vector_load_idx %arg10[%rem3A, %broadcast_in_dim3A_1668, %rem3A_1611] : memref<8x16x128xf32, #tpu.memory_space<vmem>>[vector<16xi32>, vector<16xi32>, vector<16xi32>], vector<16xf32>,
      %mul3A_1671 = arith.mulf %gather3A_1669, %gather3A_1670 : vector<16xf32>
      %add3A_1672 = arith.addf %add3A_1666, %mul3A_1671 : vector<16xf32>
      %broadcast_in_dim3A_1673 = arith.constant 10 : i32
      %broadcast_in_dim3A_1674 = vector.broadcast %broadcast_in_dim3A_1673 : i32 to vector<16xi32>
      %gather3A_1675 = tpu.vector_load_idx %arg9[%rem3A, %broadcast_in_dim3A_1674, %rem3A_1610] : memref<8x16x128xf32, #tpu.memory_space<vmem>>[vector<16xi32>, vector<16xi32>, vector<16xi32>], vector<16xf32>,
      %gather3A_1676 = tpu.vector_load_idx %arg10[%rem3A, %broadcast_in_dim3A_1674, %rem3A_1611] : memref<8x16x128xf32, #tpu.memory_space<vmem>>[vector<16xi32>, vector<16xi32>, vector<16xi32>], vector<16xf32>,
      %mul3A_1677 = arith.mulf %gather3A_1675, %gather3A_1676 : vector<16xf32>
      %add3A_1678 = arith.addf %add3A_1672, %mul3A_1677 : vector<16xf32>
      %broadcast_in_dim3A_1679 = arith.constant 11 : i32
      %broadcast_in_dim3A_1680 = vector.broadcast %broadcast_in_dim3A_1679 : i32 to vector<16xi32>
      %gather3A_1681 = tpu.vector_load_idx %arg9[%rem3A, %broadcast_in_dim3A_1680, %rem3A_1610] : memref<8x16x128xf32, #tpu.memory_space<vmem>>[vector<16xi32>, vector<16xi32>, vector<16xi32>], vector<16xf32>,
      %gather3A_1682 = tpu.vector_load_idx %arg10[%rem3A, %broadcast_in_dim3A_1680, %rem3A_1611] : memref<8x16x128xf32, #tpu.memory_space<vmem>>[vector<16xi32>, vector<16xi32>, vector<16xi32>], vector<16xf32>,
      %mul3A_1683 = arith.mulf %gather3A_1681, %gather3A_1682 : vector<16xf32>
      %add3A_1684 = arith.addf %add3A_1678, %mul3A_1683 : vector<16xf32>
      %broadcast_in_dim3A_1685 = arith.constant 12 : i32
      %broadcast_in_dim3A_1686 = vector.broadcast %broadcast_in_dim3A_1685 : i32 to vector<16xi32>
      %gather3A_1687 = tpu.vector_load_idx %arg9[%rem3A, %broadcast_in_dim3A_1686, %rem3A_1610] : memref<8x16x128xf32, #tpu.memory_space<vmem>>[vector<16xi32>, vector<16xi32>, vector<16xi32>], vector<16xf32>,
      %gather3A_1688 = tpu.vector_load_idx %arg10[%rem3A, %broadcast_in_dim3A_1686, %rem3A_1611] : memref<8x16x128xf32, #tpu.memory_space<vmem>>[vector<16xi32>, vector<16xi32>, vector<16xi32>], vector<16xf32>,
      %mul3A_1689 = arith.mulf %gather3A_1687, %gather3A_1688 : vector<16xf32>
      %add3A_1690 = arith.addf %add3A_1684, %mul3A_1689 : vector<16xf32>
      %broadcast_in_dim3A_1691 = arith.constant 13 : i32
      %broadcast_in_dim3A_1692 = vector.broadcast %broadcast_in_dim3A_1691 : i32 to vector<16xi32>
      %gather3A_1693 = tpu.vector_load_idx %arg9[%rem3A, %broadcast_in_dim3A_1692, %rem3A_1610] : memref<8x16x128xf32, #tpu.memory_space<vmem>>[vector<16xi32>, vector<16xi32>, vector<16xi32>], vector<16xf32>,
      %gather3A_1694 = tpu.vector_load_idx %arg10[%rem3A, %broadcast_in_dim3A_1692, %rem3A_1611] : memref<8x16x128xf32, #tpu.memory_space<vmem>>[vector<16xi32>, vector<16xi32>, vector<16xi32>], vector<16xf32>,
      %mul3A_1695 = arith.mulf %gather3A_1693, %gather3A_1694 : vector<16xf32>
      %add3A_1696 = arith.addf %add3A_1690, %mul3A_1695 : vector<16xf32>
      %broadcast_in_dim3A_1697 = arith.constant 14 : i32
      %broadcast_in_dim3A_1698 = vector.broadcast %broadcast_in_dim3A_1697 : i32 to vector<16xi32>
      %gather3A_1699 = tpu.vector_load_idx %arg9[%rem3A, %broadcast_in_dim3A_1698, %rem3A_1610] : memref<8x16x128xf32, #tpu.memory_space<vmem>>[vector<16xi32>, vector<16xi32>, vector<16xi32>], vector<16xf32>,
      %gather3A_1700 = tpu.vector_load_idx %arg10[%rem3A, %broadcast_in_dim3A_1698, %rem3A_1611] : memref<8x16x128xf32, #tpu.memory_space<vmem>>[vector<16xi32>, vector<16xi32>, vector<16xi32>], vector<16xf32>,
      %mul3A_1701 = arith.mulf %gather3A_1699, %gather3A_1700 : vector<16xf32>
      %add3A_1702 = arith.addf %add3A_1696, %mul3A_1701 : vector<16xf32>
      %broadcast_in_dim3A_1703 = arith.constant 15 : i32
      %broadcast_in_dim3A_1704 = vector.broadcast %broadcast_in_dim3A_1703 : i32 to vector<16xi32>
      %gather3A_1705 = tpu.vector_load_idx %arg9[%rem3A, %broadcast_in_dim3A_1704, %rem3A_1610] : memref<8x16x128xf32, #tpu.memory_space<vmem>>[vector<16xi32>, vector<16xi32>, vector<16xi32>], vector<16xf32>,
      %gather3A_1706 = tpu.vector_load_idx %arg10[%rem3A, %broadcast_in_dim3A_1704, %rem3A_1611] : memref<8x16x128xf32, #tpu.memory_space<vmem>>[vector<16xi32>, vector<16xi32>, vector<16xi32>], vector<16xf32>,
      %mul3A_1707 = arith.mulf %gather3A_1705, %gather3A_1706 : vector<16xf32>
      %add3A_1708 = arith.addf %add3A_1702, %mul3A_1707 : vector<16xf32>
      %neg3A = arith.constant 0.000000e+00 : f32
      %neg3A_1709 = vector.broadcast %neg3A : f32 to vector<16xf32>
      %neg3A_1710 = arith.subf %neg3A_1709, %add3A_1708 : vector<16xf32>
      %exp3A = math.exp %neg3A_1710 : vector<16xf32>
      %add3A_1711 = arith.constant 1.000000e+00 : f32
      %add3A_1712 = vector.broadcast %add3A_1711 : f32 to vector<16xf32>
      %add3A_1713 = arith.addf %add3A_1712, %exp3A : vector<16xf32>
      %div3A_1714 = arith.constant 1.000000e+00 : f32
      %div3A_1715 = vector.broadcast %div3A_1714 : f32 to vector<16xf32>
      %div3A_1716 = arith.divf %div3A_1715, %add3A_1713 : vector<16xf32>
      %mul3A_1717 = arith.constant 8 : i32
      %mul3A_1718 = arith.muli %mul3A_678, %mul3A_1717 : i32
      %broadcast_in_dim3A_1719 = vector.broadcast %mul3A_1718 : i32 to vector<16xi32>
      %add3A_1720 = arith.addi %broadcast_in_dim3A_1719, %iota3A : vector<16xi32>
      tpu.vector_store_idx %arg13[%add3A_1720], %div3A_1716 masked %lt3A : memref<512xf32, #tpu.memory_space<vmem>>[vector<16xi32>], vector<16xf32>, vector<16xi1>
      %lt3A_1721 = arith.constant 31 : i32
      %lt3A_1722 = arith.cmpi slt, %scan3A_676, %lt3A_1721 : i32
      %convert_element_type3A = arith.extui %lt3A_1722 : i1 to i32
      %cond3A = arith.constant 0 : i32
      %cond3A_1723 = arith.cmpi ne, %convert_element_type3A, %cond3A : i32
      scf.if %cond3A_1723 {
        %add3A_2086 = arith.constant 1 : i32
        %add3A_2087 = arith.addi %add3A_682, %add3A_2086 : i32
        %mul3A_2088 = arith.constant 8 : i32
        %mul3A_2089 = arith.muli %add3A_2087, %mul3A_2088 : i32
        %get3A_2090 = arith.index_cast %mul3A_2089 : i32 to index
        %get3A_2091 = tpu.vector_load %arg7[%get3A_2090] {strides = array<i32>} : memref<528xi32, #tpu.memory_space<vmem>>, vector<16xi32>,
        %mul3A_2092 = arith.constant 8 : i32
        %mul3A_2093 = arith.muli %add3A_2087, %mul3A_2092 : i32
        %get3A_2094 = arith.index_cast %mul3A_2093 : i32 to index
        %get3A_2095 = tpu.vector_load %arg8[%get3A_2094] {strides = array<i32>} : memref<528xi32, #tpu.memory_space<vmem>>, vector<16xi32>,
        %slice3A_2096 = vector.extract_strided_slice %get3A_2091 {offsets = [0], sizes = [1], strides = [1]} : vector<16xi32> to vector<1xi32>
        %squeeze3A_2097 = vector.extract %slice3A_2096[0] : i32 from vector<1xi32>
        %jit3A_2098 = arith.constant 128 : i32
        %div3A_2099 = arith.divsi %squeeze3A_2097, %jit3A_2098 : i32
        %sign3A_2100 = arith.constant 0 : i32
        %sign3A_2101 = arith.cmpi sgt, %squeeze3A_2097, %sign3A_2100 : i32
        %sign3A_2102 = arith.extui %sign3A_2101 : i1 to i32
        %sign3A_2103 = arith.constant 0 : i32
        %sign3A_2104 = arith.cmpi slt, %squeeze3A_2097, %sign3A_2103 : i32
        %sign3A_2105 = arith.extui %sign3A_2104 : i1 to i32
        %sign3A_2106 = arith.subi %sign3A_2102, %sign3A_2105 : i32
        %sign3A_2107 = arith.constant 0 : i32
        %sign3A_2108 = arith.cmpi sgt, %jit3A_2098, %sign3A_2107 : i32
        %sign3A_2109 = arith.extui %sign3A_2108 : i1 to i32
        %sign3A_2110 = arith.constant 0 : i32
        %sign3A_2111 = arith.cmpi slt, %jit3A_2098, %sign3A_2110 : i32
        %sign3A_2112 = arith.extui %sign3A_2111 : i1 to i32
        %sign3A_2113 = arith.subi %sign3A_2109, %sign3A_2112 : i32
        %ne3A_2114 = arith.cmpi ne, %sign3A_2106, %sign3A_2113 : i32
        %rem3A_2115 = arith.remsi %squeeze3A_2097, %jit3A_2098 : i32
        %ne3A_2116 = arith.constant 0 : i32
        %ne3A_2117 = arith.cmpi ne, %rem3A_2115, %ne3A_2116 : i32
        %and3A_2118 = arith.andi %ne3A_2114, %ne3A_2117 : i1
        %sub3A_2119 = arith.constant 1 : i32
        %sub3A_2120 = arith.subi %div3A_2099, %sub3A_2119 : i32
        %select_n3A_2121 = arith.select %and3A_2118, %sub3A_2120, %div3A_2099 : i32
        %mul3A_2122 = arith.constant 128 : i32
        %mul3A_2123 = arith.muli %select_n3A_2121, %mul3A_2122 : i32
        %multiple_of3A_2124 = tpu.assume_multiple %mul3A_2123, 128 : i32
        %slice3A_2125 = vector.extract_strided_slice %get3A_2095 {offsets = [0], sizes = [1], strides = [1]} : vector<16xi32> to vector<1xi32>
        %squeeze3A_2126 = vector.extract %slice3A_2125[0] : i32 from vector<1xi32>
        %jit3A_2127 = arith.constant 128 : i32
        %div3A_2128 = arith.divsi %squeeze3A_2126, %jit3A_2127 : i32
        %sign3A_2129 = arith.constant 0 : i32
        %sign3A_2130 = arith.cmpi sgt, %squeeze3A_2126, %sign3A_2129 : i32
        %sign3A_2131 = arith.extui %sign3A_2130 : i1 to i32
        %sign3A_2132 = arith.constant 0 : i32
        %sign3A_2133 = arith.cmpi slt, %squeeze3A_2126, %sign3A_2132 : i32
        %sign3A_2134 = arith.extui %sign3A_2133 : i1 to i32
        %sign3A_2135 = arith.subi %sign3A_2131, %sign3A_2134 : i32
        %sign3A_2136 = arith.constant 0 : i32
        %sign3A_2137 = arith.cmpi sgt, %jit3A_2127, %sign3A_2136 : i32
        %sign3A_2138 = arith.extui %sign3A_2137 : i1 to i32
        %sign3A_2139 = arith.constant 0 : i32
        %sign3A_2140 = arith.cmpi slt, %jit3A_2127, %sign3A_2139 : i32
        %sign3A_2141 = arith.extui %sign3A_2140 : i1 to i32
        %sign3A_2142 = arith.subi %sign3A_2138, %sign3A_2141 : i32
        %ne3A_2143 = arith.cmpi ne, %sign3A_2135, %sign3A_2142 : i32
        %rem3A_2144 = arith.remsi %squeeze3A_2126, %jit3A_2127 : i32
        %ne3A_2145 = arith.constant 0 : i32
        %ne3A_2146 = arith.cmpi ne, %rem3A_2144, %ne3A_2145 : i32
        %and3A_2147 = arith.andi %ne3A_2143, %ne3A_2146 : i1
        %sub3A_2148 = arith.constant 1 : i32
        %sub3A_2149 = arith.subi %div3A_2128, %sub3A_2148 : i32
        %select_n3A_2150 = arith.select %and3A_2147, %sub3A_2149, %div3A_2128 : i32
        %mul3A_2151 = arith.constant 128 : i32
        %mul3A_2152 = arith.muli %select_n3A_2150, %mul3A_2151 : i32
        %multiple_of3A_2153 = tpu.assume_multiple %mul3A_2152, 128 : i32
        %dma_start3A_2154 = arith.constant 0 : i32
        %dma_start3A_2155 = arith.constant 0 : i32
        %dma_start3A_2156 = arith.constant 0 : i32
        %dma_start3A_2157 = tpu.memref_slice %arg9[%dma_start3A_2154, %dma_start3A_2155, %dma_start3A_2156] : memref<8x16x128xf32, #tpu.memory_space<vmem>> -> memref<1x16x128xf32, #tpu.memory_space<vmem>>
        %dma_start3A_2158 = tpu.memref_squeeze %dma_start3A_2157 : memref<1x16x128xf32, #tpu.memory_space<vmem>> -> memref<16x128xf32, #tpu.memory_space<vmem>>
        %dma_start3A_2159 = arith.constant 0 : i32
        %dma_start3A_2160 = tpu.memref_slice %arg4[%dma_start3A_2159, %multiple_of3A_2124] : memref<16x1000000xf32, #tpu.memory_space<hbm>> -> memref<16x128xf32, #tpu.memory_space<hbm>>
        %dma_start3A_2161 = arith.constant 0 : i32
        %dma_start3A_2162 = arith.constant 0 : i32
        %dma_start3A_2163 = tpu.memref_slice %arg9[%dma_start3A_2154, %dma_start3A_2161, %dma_start3A_2162] : memref<8x16x128xf32, #tpu.memory_space<vmem>> -> memref<1x16x128xf32, #tpu.memory_space<vmem>>
        %dma_start3A_2164 = tpu.memref_squeeze %dma_start3A_2163 : memref<1x16x128xf32, #tpu.memory_space<vmem>> -> memref<16x128xf32, #tpu.memory_space<vmem>>
        %dma_start3A_2165 = arith.constant 0 : i32
        %dma_start3A_2166 = tpu.memref_slice %arg4[%dma_start3A_2165, %multiple_of3A_2124] : memref<16x1000000xf32, #tpu.memory_space<hbm>> -> memref<16x128xf32, #tpu.memory_space<hbm>>
        tpu.enqueue_dma source(%dma_start3A_2166 : memref<16x128xf32, #tpu.memory_space<hbm>>) target(%dma_start3A_2164 : memref<16x128xf32, #tpu.memory_space<vmem>>) target_semaphore(%arg14 : memref<!tpu.dma_semaphore, #tpu.memory_space<semaphore_mem>>)
        %dma_start3A_2167 = arith.constant 0 : i32
        %dma_start3A_2168 = arith.constant 0 : i32
        %dma_start3A_2169 = arith.constant 0 : i32
        %dma_start3A_2170 = tpu.memref_slice %arg10[%dma_start3A_2167, %dma_start3A_2168, %dma_start3A_2169] : memref<8x16x128xf32, #tpu.memory_space<vmem>> -> memref<1x16x128xf32, #tpu.memory_space<vmem>>
        %dma_start3A_2171 = tpu.memref_squeeze %dma_start3A_2170 : memref<1x16x128xf32, #tpu.memory_space<vmem>> -> memref<16x128xf32, #tpu.memory_space<vmem>>
        %dma_start3A_2172 = arith.constant 0 : i32
        %dma_start3A_2173 = tpu.memref_slice %arg5[%dma_start3A_2172, %multiple_of3A_2153] : memref<16x1000000xf32, #tpu.memory_space<hbm>> -> memref<16x128xf32, #tpu.memory_space<hbm>>
        %dma_start3A_2174 = arith.constant 0 : i32
        %dma_start3A_2175 = arith.constant 0 : i32
        %dma_start3A_2176 = tpu.memref_slice %arg10[%dma_start3A_2167, %dma_start3A_2174, %dma_start3A_2175] : memref<8x16x128xf32, #tpu.memory_space<vmem>> -> memref<1x16x128xf32, #tpu.memory_space<vmem>>
        %dma_start3A_2177 = tpu.memref_squeeze %dma_start3A_2176 : memref<1x16x128xf32, #tpu.memory_space<vmem>> -> memref<16x128xf32, #tpu.memory_space<vmem>>
        %dma_start3A_2178 = arith.constant 0 : i32
        %dma_start3A_2179 = tpu.memref_slice %arg5[%dma_start3A_2178, %multiple_of3A_2153] : memref<16x1000000xf32, #tpu.memory_space<hbm>> -> memref<16x128xf32, #tpu.memory_space<hbm>>
        tpu.enqueue_dma source(%dma_start3A_2179 : memref<16x128xf32, #tpu.memory_space<hbm>>) target(%dma_start3A_2177 : memref<16x128xf32, #tpu.memory_space<vmem>>) target_semaphore(%arg14 : memref<!tpu.dma_semaphore, #tpu.memory_space<semaphore_mem>>)
        %slice3A_2180 = vector.extract_strided_slice %get3A_2091 {offsets = [1], sizes = [1], strides = [1]} : vector<16xi32> to vector<1xi32>
        %squeeze3A_2181 = vector.extract %slice3A_2180[0] : i32 from vector<1xi32>
        %jit3A_2182 = arith.constant 128 : i32
        %div3A_2183 = arith.divsi %squeeze3A_2181, %jit3A_2182 : i32
        %sign3A_2184 = arith.constant 0 : i32
        %sign3A_2185 = arith.cmpi sgt, %squeeze3A_2181, %sign3A_2184 : i32
        %sign3A_2186 = arith.extui %sign3A_2185 : i1 to i32
        %sign3A_2187 = arith.constant 0 : i32
        %sign3A_2188 = arith.cmpi slt, %squeeze3A_2181, %sign3A_2187 : i32
        %sign3A_2189 = arith.extui %sign3A_2188 : i1 to i32
        %sign3A_2190 = arith.subi %sign3A_2186, %sign3A_2189 : i32
        %sign3A_2191 = arith.constant 0 : i32
        %sign3A_2192 = arith.cmpi sgt, %jit3A_2182, %sign3A_2191 : i32
        %sign3A_2193 = arith.extui %sign3A_2192 : i1 to i32
        %sign3A_2194 = arith.constant 0 : i32
        %sign3A_2195 = arith.cmpi slt, %jit3A_2182, %sign3A_2194 : i32
        %sign3A_2196 = arith.extui %sign3A_2195 : i1 to i32
        %sign3A_2197 = arith.subi %sign3A_2193, %sign3A_2196 : i32
        %ne3A_2198 = arith.cmpi ne, %sign3A_2190, %sign3A_2197 : i32
        %rem3A_2199 = arith.remsi %squeeze3A_2181, %jit3A_2182 : i32
        %ne3A_2200 = arith.constant 0 : i32
        %ne3A_2201 = arith.cmpi ne, %rem3A_2199, %ne3A_2200 : i32
        %and3A_2202 = arith.andi %ne3A_2198, %ne3A_2201 : i1
        %sub3A_2203 = arith.constant 1 : i32
        %sub3A_2204 = arith.subi %div3A_2183, %sub3A_2203 : i32
        %select_n3A_2205 = arith.select %and3A_2202, %sub3A_2204, %div3A_2183 : i32
        %mul3A_2206 = arith.constant 128 : i32
        %mul3A_2207 = arith.muli %select_n3A_2205, %mul3A_2206 : i32
        %multiple_of3A_2208 = tpu.assume_multiple %mul3A_2207, 128 : i32
        %slice3A_2209 = vector.extract_strided_slice %get3A_2095 {offsets = [1], sizes = [1], strides = [1]} : vector<16xi32> to vector<1xi32>
        %squeeze3A_2210 = vector.extract %slice3A_2209[0] : i32 from vector<1xi32>
        %jit3A_2211 = arith.constant 128 : i32
        %div3A_2212 = arith.divsi %squeeze3A_2210, %jit3A_2211 : i32
        %sign3A_2213 = arith.constant 0 : i32
        %sign3A_2214 = arith.cmpi sgt, %squeeze3A_2210, %sign3A_2213 : i32
        %sign3A_2215 = arith.extui %sign3A_2214 : i1 to i32
        %sign3A_2216 = arith.constant 0 : i32
        %sign3A_2217 = arith.cmpi slt, %squeeze3A_2210, %sign3A_2216 : i32
        %sign3A_2218 = arith.extui %sign3A_2217 : i1 to i32
        %sign3A_2219 = arith.subi %sign3A_2215, %sign3A_2218 : i32
        %sign3A_2220 = arith.constant 0 : i32
        %sign3A_2221 = arith.cmpi sgt, %jit3A_2211, %sign3A_2220 : i32
        %sign3A_2222 = arith.extui %sign3A_2221 : i1 to i32
        %sign3A_2223 = arith.constant 0 : i32
        %sign3A_2224 = arith.cmpi slt, %jit3A_2211, %sign3A_2223 : i32
        %sign3A_2225 = arith.extui %sign3A_2224 : i1 to i32
        %sign3A_2226 = arith.subi %sign3A_2222, %sign3A_2225 : i32
        %ne3A_2227 = arith.cmpi ne, %sign3A_2219, %sign3A_2226 : i32
        %rem3A_2228 = arith.remsi %squeeze3A_2210, %jit3A_2211 : i32
        %ne3A_2229 = arith.constant 0 : i32
        %ne3A_2230 = arith.cmpi ne, %rem3A_2228, %ne3A_2229 : i32
        %and3A_2231 = arith.andi %ne3A_2227, %ne3A_2230 : i1
        %sub3A_2232 = arith.constant 1 : i32
        %sub3A_2233 = arith.subi %div3A_2212, %sub3A_2232 : i32
        %select_n3A_2234 = arith.select %and3A_2231, %sub3A_2233, %div3A_2212 : i32
        %mul3A_2235 = arith.constant 128 : i32
        %mul3A_2236 = arith.muli %select_n3A_2234, %mul3A_2235 : i32
        %multiple_of3A_2237 = tpu.assume_multiple %mul3A_2236, 128 : i32
        %dma_start3A_2238 = arith.constant 1 : i32
        %dma_start3A_2239 = arith.constant 0 : i32
        %dma_start3A_2240 = arith.constant 0 : i32
        %dma_start3A_2241 = tpu.memref_slice %arg9[%dma_start3A_2238, %dma_start3A_2239, %dma_start3A_2240] : memref<8x16x128xf32, #tpu.memory_space<vmem>> -> memref<1x16x128xf32, #tpu.memory_space<vmem>>
        %dma_start3A_2242 = tpu.memref_squeeze %dma_start3A_2241 : memref<1x16x128xf32, #tpu.memory_space<vmem>> -> memref<16x128xf32, #tpu.memory_space<vmem>>
        %dma_start3A_2243 = arith.constant 0 : i32
        %dma_start3A_2244 = tpu.memref_slice %arg4[%dma_start3A_2243, %multiple_of3A_2208] : memref<16x1000000xf32, #tpu.memory_space<hbm>> -> memref<16x128xf32, #tpu.memory_space<hbm>>
        %dma_start3A_2245 = arith.constant 0 : i32
        %dma_start3A_2246 = arith.constant 0 : i32
        %dma_start3A_2247 = tpu.memref_slice %arg9[%dma_start3A_2238, %dma_start3A_2245, %dma_start3A_2246] : memref<8x16x128xf32, #tpu.memory_space<vmem>> -> memref<1x16x128xf32, #tpu.memory_space<vmem>>
        %dma_start3A_2248 = tpu.memref_squeeze %dma_start3A_2247 : memref<1x16x128xf32, #tpu.memory_space<vmem>> -> memref<16x128xf32, #tpu.memory_space<vmem>>
        %dma_start3A_2249 = arith.constant 0 : i32
        %dma_start3A_2250 = tpu.memref_slice %arg4[%dma_start3A_2249, %multiple_of3A_2208] : memref<16x1000000xf32, #tpu.memory_space<hbm>> -> memref<16x128xf32, #tpu.memory_space<hbm>>
        tpu.enqueue_dma source(%dma_start3A_2250 : memref<16x128xf32, #tpu.memory_space<hbm>>) target(%dma_start3A_2248 : memref<16x128xf32, #tpu.memory_space<vmem>>) target_semaphore(%arg14 : memref<!tpu.dma_semaphore, #tpu.memory_space<semaphore_mem>>)
        %dma_start3A_2251 = arith.constant 1 : i32
        %dma_start3A_2252 = arith.constant 0 : i32
        %dma_start3A_2253 = arith.constant 0 : i32
        %dma_start3A_2254 = tpu.memref_slice %arg10[%dma_start3A_2251, %dma_start3A_2252, %dma_start3A_2253] : memref<8x16x128xf32, #tpu.memory_space<vmem>> -> memref<1x16x128xf32, #tpu.memory_space<vmem>>
        %dma_start3A_2255 = tpu.memref_squeeze %dma_start3A_2254 : memref<1x16x128xf32, #tpu.memory_space<vmem>> -> memref<16x128xf32, #tpu.memory_space<vmem>>
        %dma_start3A_2256 = arith.constant 0 : i32
        %dma_start3A_2257 = tpu.memref_slice %arg5[%dma_start3A_2256, %multiple_of3A_2237] : memref<16x1000000xf32, #tpu.memory_space<hbm>> -> memref<16x128xf32, #tpu.memory_space<hbm>>
        %dma_start3A_2258 = arith.constant 0 : i32
        %dma_start3A_2259 = arith.constant 0 : i32
        %dma_start3A_2260 = tpu.memref_slice %arg10[%dma_start3A_2251, %dma_start3A_2258, %dma_start3A_2259] : memref<8x16x128xf32, #tpu.memory_space<vmem>> -> memref<1x16x128xf32, #tpu.memory_space<vmem>>
        %dma_start3A_2261 = tpu.memref_squeeze %dma_start3A_2260 : memref<1x16x128xf32, #tpu.memory_space<vmem>> -> memref<16x128xf32, #tpu.memory_space<vmem>>
        %dma_start3A_2262 = arith.constant 0 : i32
        %dma_start3A_2263 = tpu.memref_slice %arg5[%dma_start3A_2262, %multiple_of3A_2237] : memref<16x1000000xf32, #tpu.memory_space<hbm>> -> memref<16x128xf32, #tpu.memory_space<hbm>>
        tpu.enqueue_dma source(%dma_start3A_2263 : memref<16x128xf32, #tpu.memory_space<hbm>>) target(%dma_start3A_2261 : memref<16x128xf32, #tpu.memory_space<vmem>>) target_semaphore(%arg14 : memref<!tpu.dma_semaphore, #tpu.memory_space<semaphore_mem>>)
        %slice3A_2264 = vector.extract_strided_slice %get3A_2091 {offsets = [2], sizes = [1], strides = [1]} : vector<16xi32> to vector<1xi32>
        %squeeze3A_2265 = vector.extract %slice3A_2264[0] : i32 from vector<1xi32>
        %jit3A_2266 = arith.constant 128 : i32
        %div3A_2267 = arith.divsi %squeeze3A_2265, %jit3A_2266 : i32
        %sign3A_2268 = arith.constant 0 : i32
        %sign3A_2269 = arith.cmpi sgt, %squeeze3A_2265, %sign3A_2268 : i32
        %sign3A_2270 = arith.extui %sign3A_2269 : i1 to i32
        %sign3A_2271 = arith.constant 0 : i32
        %sign3A_2272 = arith.cmpi slt, %squeeze3A_2265, %sign3A_2271 : i32
        %sign3A_2273 = arith.extui %sign3A_2272 : i1 to i32
        %sign3A_2274 = arith.subi %sign3A_2270, %sign3A_2273 : i32
        %sign3A_2275 = arith.constant 0 : i32
        %sign3A_2276 = arith.cmpi sgt, %jit3A_2266, %sign3A_2275 : i32
        %sign3A_2277 = arith.extui %sign3A_2276 : i1 to i32
        %sign3A_2278 = arith.constant 0 : i32
        %sign3A_2279 = arith.cmpi slt, %jit3A_2266, %sign3A_2278 : i32
        %sign3A_2280 = arith.extui %sign3A_2279 : i1 to i32
        %sign3A_2281 = arith.subi %sign3A_2277, %sign3A_2280 : i32
        %ne3A_2282 = arith.cmpi ne, %sign3A_2274, %sign3A_2281 : i32
        %rem3A_2283 = arith.remsi %squeeze3A_2265, %jit3A_2266 : i32
        %ne3A_2284 = arith.constant 0 : i32
        %ne3A_2285 = arith.cmpi ne, %rem3A_2283, %ne3A_2284 : i32
        %and3A_2286 = arith.andi %ne3A_2282, %ne3A_2285 : i1
        %sub3A_2287 = arith.constant 1 : i32
        %sub3A_2288 = arith.subi %div3A_2267, %sub3A_2287 : i32
        %select_n3A_2289 = arith.select %and3A_2286, %sub3A_2288, %div3A_2267 : i32
        %mul3A_2290 = arith.constant 128 : i32
        %mul3A_2291 = arith.muli %select_n3A_2289, %mul3A_2290 : i32
        %multiple_of3A_2292 = tpu.assume_multiple %mul3A_2291, 128 : i32
        %slice3A_2293 = vector.extract_strided_slice %get3A_2095 {offsets = [2], sizes = [1], strides = [1]} : vector<16xi32> to vector<1xi32>
        %squeeze3A_2294 = vector.extract %slice3A_2293[0] : i32 from vector<1xi32>
        %jit3A_2295 = arith.constant 128 : i32
        %div3A_2296 = arith.divsi %squeeze3A_2294, %jit3A_2295 : i32
        %sign3A_2297 = arith.constant 0 : i32
        %sign3A_2298 = arith.cmpi sgt, %squeeze3A_2294, %sign3A_2297 : i32
        %sign3A_2299 = arith.extui %sign3A_2298 : i1 to i32
        %sign3A_2300 = arith.constant 0 : i32
        %sign3A_2301 = arith.cmpi slt, %squeeze3A_2294, %sign3A_2300 : i32
        %sign3A_2302 = arith.extui %sign3A_2301 : i1 to i32
        %sign3A_2303 = arith.subi %sign3A_2299, %sign3A_2302 : i32
        %sign3A_2304 = arith.constant 0 : i32
        %sign3A_2305 = arith.cmpi sgt, %jit3A_2295, %sign3A_2304 : i32
        %sign3A_2306 = arith.extui %sign3A_2305 : i1 to i32
        %sign3A_2307 = arith.constant 0 : i32
        %sign3A_2308 = arith.cmpi slt, %jit3A_2295, %sign3A_2307 : i32
        %sign3A_2309 = arith.extui %sign3A_2308 : i1 to i32
        %sign3A_2310 = arith.subi %sign3A_2306, %sign3A_2309 : i32
        %ne3A_2311 = arith.cmpi ne, %sign3A_2303, %sign3A_2310 : i32
        %rem3A_2312 = arith.remsi %squeeze3A_2294, %jit3A_2295 : i32
        %ne3A_2313 = arith.constant 0 : i32
        %ne3A_2314 = arith.cmpi ne, %rem3A_2312, %ne3A_2313 : i32
        %and3A_2315 = arith.andi %ne3A_2311, %ne3A_2314 : i1
        %sub3A_2316 = arith.constant 1 : i32
        %sub3A_2317 = arith.subi %div3A_2296, %sub3A_2316 : i32
        %select_n3A_2318 = arith.select %and3A_2315, %sub3A_2317, %div3A_2296 : i32
        %mul3A_2319 = arith.constant 128 : i32
        %mul3A_2320 = arith.muli %select_n3A_2318, %mul3A_2319 : i32
        %multiple_of3A_2321 = tpu.assume_multiple %mul3A_2320, 128 : i32
        %dma_start3A_2322 = arith.constant 2 : i32
        %dma_start3A_2323 = arith.constant 0 : i32
        %dma_start3A_2324 = arith.constant 0 : i32
        %dma_start3A_2325 = tpu.memref_slice %arg9[%dma_start3A_2322, %dma_start3A_2323, %dma_start3A_2324] : memref<8x16x128xf32, #tpu.memory_space<vmem>> -> memref<1x16x128xf32, #tpu.memory_space<vmem>>
        %dma_start3A_2326 = tpu.memref_squeeze %dma_start3A_2325 : memref<1x16x128xf32, #tpu.memory_space<vmem>> -> memref<16x128xf32, #tpu.memory_space<vmem>>
        %dma_start3A_2327 = arith.constant 0 : i32
        %dma_start3A_2328 = tpu.memref_slice %arg4[%dma_start3A_2327, %multiple_of3A_2292] : memref<16x1000000xf32, #tpu.memory_space<hbm>> -> memref<16x128xf32, #tpu.memory_space<hbm>>
        %dma_start3A_2329 = arith.constant 0 : i32
        %dma_start3A_2330 = arith.constant 0 : i32
        %dma_start3A_2331 = tpu.memref_slice %arg9[%dma_start3A_2322, %dma_start3A_2329, %dma_start3A_2330] : memref<8x16x128xf32, #tpu.memory_space<vmem>> -> memref<1x16x128xf32, #tpu.memory_space<vmem>>
        %dma_start3A_2332 = tpu.memref_squeeze %dma_start3A_2331 : memref<1x16x128xf32, #tpu.memory_space<vmem>> -> memref<16x128xf32, #tpu.memory_space<vmem>>
        %dma_start3A_2333 = arith.constant 0 : i32
        %dma_start3A_2334 = tpu.memref_slice %arg4[%dma_start3A_2333, %multiple_of3A_2292] : memref<16x1000000xf32, #tpu.memory_space<hbm>> -> memref<16x128xf32, #tpu.memory_space<hbm>>
        tpu.enqueue_dma source(%dma_start3A_2334 : memref<16x128xf32, #tpu.memory_space<hbm>>) target(%dma_start3A_2332 : memref<16x128xf32, #tpu.memory_space<vmem>>) target_semaphore(%arg14 : memref<!tpu.dma_semaphore, #tpu.memory_space<semaphore_mem>>)
        %dma_start3A_2335 = arith.constant 2 : i32
        %dma_start3A_2336 = arith.constant 0 : i32
        %dma_start3A_2337 = arith.constant 0 : i32
        %dma_start3A_2338 = tpu.memref_slice %arg10[%dma_start3A_2335, %dma_start3A_2336, %dma_start3A_2337] : memref<8x16x128xf32, #tpu.memory_space<vmem>> -> memref<1x16x128xf32, #tpu.memory_space<vmem>>
        %dma_start3A_2339 = tpu.memref_squeeze %dma_start3A_2338 : memref<1x16x128xf32, #tpu.memory_space<vmem>> -> memref<16x128xf32, #tpu.memory_space<vmem>>
        %dma_start3A_2340 = arith.constant 0 : i32
        %dma_start3A_2341 = tpu.memref_slice %arg5[%dma_start3A_2340, %multiple_of3A_2321] : memref<16x1000000xf32, #tpu.memory_space<hbm>> -> memref<16x128xf32, #tpu.memory_space<hbm>>
        %dma_start3A_2342 = arith.constant 0 : i32
        %dma_start3A_2343 = arith.constant 0 : i32
        %dma_start3A_2344 = tpu.memref_slice %arg10[%dma_start3A_2335, %dma_start3A_2342, %dma_start3A_2343] : memref<8x16x128xf32, #tpu.memory_space<vmem>> -> memref<1x16x128xf32, #tpu.memory_space<vmem>>
        %dma_start3A_2345 = tpu.memref_squeeze %dma_start3A_2344 : memref<1x16x128xf32, #tpu.memory_space<vmem>> -> memref<16x128xf32, #tpu.memory_space<vmem>>
        %dma_start3A_2346 = arith.constant 0 : i32
        %dma_start3A_2347 = tpu.memref_slice %arg5[%dma_start3A_2346, %multiple_of3A_2321] : memref<16x1000000xf32, #tpu.memory_space<hbm>> -> memref<16x128xf32, #tpu.memory_space<hbm>>
        tpu.enqueue_dma source(%dma_start3A_2347 : memref<16x128xf32, #tpu.memory_space<hbm>>) target(%dma_start3A_2345 : memref<16x128xf32, #tpu.memory_space<vmem>>) target_semaphore(%arg14 : memref<!tpu.dma_semaphore, #tpu.memory_space<semaphore_mem>>)
        %slice3A_2348 = vector.extract_strided_slice %get3A_2091 {offsets = [3], sizes = [1], strides = [1]} : vector<16xi32> to vector<1xi32>
        %squeeze3A_2349 = vector.extract %slice3A_2348[0] : i32 from vector<1xi32>
        %jit3A_2350 = arith.constant 128 : i32
        %div3A_2351 = arith.divsi %squeeze3A_2349, %jit3A_2350 : i32
        %sign3A_2352 = arith.constant 0 : i32
        %sign3A_2353 = arith.cmpi sgt, %squeeze3A_2349, %sign3A_2352 : i32
        %sign3A_2354 = arith.extui %sign3A_2353 : i1 to i32
        %sign3A_2355 = arith.constant 0 : i32
        %sign3A_2356 = arith.cmpi slt, %squeeze3A_2349, %sign3A_2355 : i32
        %sign3A_2357 = arith.extui %sign3A_2356 : i1 to i32
        %sign3A_2358 = arith.subi %sign3A_2354, %sign3A_2357 : i32
        %sign3A_2359 = arith.constant 0 : i32
        %sign3A_2360 = arith.cmpi sgt, %jit3A_2350, %sign3A_2359 : i32
        %sign3A_2361 = arith.extui %sign3A_2360 : i1 to i32
        %sign3A_2362 = arith.constant 0 : i32
        %sign3A_2363 = arith.cmpi slt, %jit3A_2350, %sign3A_2362 : i32
        %sign3A_2364 = arith.extui %sign3A_2363 : i1 to i32
        %sign3A_2365 = arith.subi %sign3A_2361, %sign3A_2364 : i32
        %ne3A_2366 = arith.cmpi ne, %sign3A_2358, %sign3A_2365 : i32
        %rem3A_2367 = arith.remsi %squeeze3A_2349, %jit3A_2350 : i32
        %ne3A_2368 = arith.constant 0 : i32
        %ne3A_2369 = arith.cmpi ne, %rem3A_2367, %ne3A_2368 : i32
        %and3A_2370 = arith.andi %ne3A_2366, %ne3A_2369 : i1
        %sub3A_2371 = arith.constant 1 : i32
        %sub3A_2372 = arith.subi %div3A_2351, %sub3A_2371 : i32
        %select_n3A_2373 = arith.select %and3A_2370, %sub3A_2372, %div3A_2351 : i32
        %mul3A_2374 = arith.constant 128 : i32
        %mul3A_2375 = arith.muli %select_n3A_2373, %mul3A_2374 : i32
        %multiple_of3A_2376 = tpu.assume_multiple %mul3A_2375, 128 : i32
        %slice3A_2377 = vector.extract_strided_slice %get3A_2095 {offsets = [3], sizes = [1], strides = [1]} : vector<16xi32> to vector<1xi32>
        %squeeze3A_2378 = vector.extract %slice3A_2377[0] : i32 from vector<1xi32>
        %jit3A_2379 = arith.constant 128 : i32
        %div3A_2380 = arith.divsi %squeeze3A_2378, %jit3A_2379 : i32
        %sign3A_2381 = arith.constant 0 : i32
        %sign3A_2382 = arith.cmpi sgt, %squeeze3A_2378, %sign3A_2381 : i32
        %sign3A_2383 = arith.extui %sign3A_2382 : i1 to i32
        %sign3A_2384 = arith.constant 0 : i32
        %sign3A_2385 = arith.cmpi slt, %squeeze3A_2378, %sign3A_2384 : i32
        %sign3A_2386 = arith.extui %sign3A_2385 : i1 to i32
        %sign3A_2387 = arith.subi %sign3A_2383, %sign3A_2386 : i32
        %sign3A_2388 = arith.constant 0 : i32
        %sign3A_2389 = arith.cmpi sgt, %jit3A_2379, %sign3A_2388 : i32
        %sign3A_2390 = arith.extui %sign3A_2389 : i1 to i32
        %sign3A_2391 = arith.constant 0 : i32
        %sign3A_2392 = arith.cmpi slt, %jit3A_2379, %sign3A_2391 : i32
        %sign3A_2393 = arith.extui %sign3A_2392 : i1 to i32
        %sign3A_2394 = arith.subi %sign3A_2390, %sign3A_2393 : i32
        %ne3A_2395 = arith.cmpi ne, %sign3A_2387, %sign3A_2394 : i32
        %rem3A_2396 = arith.remsi %squeeze3A_2378, %jit3A_2379 : i32
        %ne3A_2397 = arith.constant 0 : i32
        %ne3A_2398 = arith.cmpi ne, %rem3A_2396, %ne3A_2397 : i32
        %and3A_2399 = arith.andi %ne3A_2395, %ne3A_2398 : i1
        %sub3A_2400 = arith.constant 1 : i32
        %sub3A_2401 = arith.subi %div3A_2380, %sub3A_2400 : i32
        %select_n3A_2402 = arith.select %and3A_2399, %sub3A_2401, %div3A_2380 : i32
        %mul3A_2403 = arith.constant 128 : i32
        %mul3A_2404 = arith.muli %select_n3A_2402, %mul3A_2403 : i32
        %multiple_of3A_2405 = tpu.assume_multiple %mul3A_2404, 128 : i32
        %dma_start3A_2406 = arith.constant 3 : i32
        %dma_start3A_2407 = arith.constant 0 : i32
        %dma_start3A_2408 = arith.constant 0 : i32
        %dma_start3A_2409 = tpu.memref_slice %arg9[%dma_start3A_2406, %dma_start3A_2407, %dma_start3A_2408] : memref<8x16x128xf32, #tpu.memory_space<vmem>> -> memref<1x16x128xf32, #tpu.memory_space<vmem>>
        %dma_start3A_2410 = tpu.memref_squeeze %dma_start3A_2409 : memref<1x16x128xf32, #tpu.memory_space<vmem>> -> memref<16x128xf32, #tpu.memory_space<vmem>>
        %dma_start3A_2411 = arith.constant 0 : i32
        %dma_start3A_2412 = tpu.memref_slice %arg4[%dma_start3A_2411, %multiple_of3A_2376] : memref<16x1000000xf32, #tpu.memory_space<hbm>> -> memref<16x128xf32, #tpu.memory_space<hbm>>
        %dma_start3A_2413 = arith.constant 0 : i32
        %dma_start3A_2414 = arith.constant 0 : i32
        %dma_start3A_2415 = tpu.memref_slice %arg9[%dma_start3A_2406, %dma_start3A_2413, %dma_start3A_2414] : memref<8x16x128xf32, #tpu.memory_space<vmem>> -> memref<1x16x128xf32, #tpu.memory_space<vmem>>
        %dma_start3A_2416 = tpu.memref_squeeze %dma_start3A_2415 : memref<1x16x128xf32, #tpu.memory_space<vmem>> -> memref<16x128xf32, #tpu.memory_space<vmem>>
        %dma_start3A_2417 = arith.constant 0 : i32
        %dma_start3A_2418 = tpu.memref_slice %arg4[%dma_start3A_2417, %multiple_of3A_2376] : memref<16x1000000xf32, #tpu.memory_space<hbm>> -> memref<16x128xf32, #tpu.memory_space<hbm>>
        tpu.enqueue_dma source(%dma_start3A_2418 : memref<16x128xf32, #tpu.memory_space<hbm>>) target(%dma_start3A_2416 : memref<16x128xf32, #tpu.memory_space<vmem>>) target_semaphore(%arg14 : memref<!tpu.dma_semaphore, #tpu.memory_space<semaphore_mem>>)
        %dma_start3A_2419 = arith.constant 3 : i32
        %dma_start3A_2420 = arith.constant 0 : i32
        %dma_start3A_2421 = arith.constant 0 : i32
        %dma_start3A_2422 = tpu.memref_slice %arg10[%dma_start3A_2419, %dma_start3A_2420, %dma_start3A_2421] : memref<8x16x128xf32, #tpu.memory_space<vmem>> -> memref<1x16x128xf32, #tpu.memory_space<vmem>>
        %dma_start3A_2423 = tpu.memref_squeeze %dma_start3A_2422 : memref<1x16x128xf32, #tpu.memory_space<vmem>> -> memref<16x128xf32, #tpu.memory_space<vmem>>
        %dma_start3A_2424 = arith.constant 0 : i32
        %dma_start3A_2425 = tpu.memref_slice %arg5[%dma_start3A_2424, %multiple_of3A_2405] : memref<16x1000000xf32, #tpu.memory_space<hbm>> -> memref<16x128xf32, #tpu.memory_space<hbm>>
        %dma_start3A_2426 = arith.constant 0 : i32
        %dma_start3A_2427 = arith.constant 0 : i32
        %dma_start3A_2428 = tpu.memref_slice %arg10[%dma_start3A_2419, %dma_start3A_2426, %dma_start3A_2427] : memref<8x16x128xf32, #tpu.memory_space<vmem>> -> memref<1x16x128xf32, #tpu.memory_space<vmem>>
        %dma_start3A_2429 = tpu.memref_squeeze %dma_start3A_2428 : memref<1x16x128xf32, #tpu.memory_space<vmem>> -> memref<16x128xf32, #tpu.memory_space<vmem>>
        %dma_start3A_2430 = arith.constant 0 : i32
        %dma_start3A_2431 = tpu.memref_slice %arg5[%dma_start3A_2430, %multiple_of3A_2405] : memref<16x1000000xf32, #tpu.memory_space<hbm>> -> memref<16x128xf32, #tpu.memory_space<hbm>>
        tpu.enqueue_dma source(%dma_start3A_2431 : memref<16x128xf32, #tpu.memory_space<hbm>>) target(%dma_start3A_2429 : memref<16x128xf32, #tpu.memory_space<vmem>>) target_semaphore(%arg14 : memref<!tpu.dma_semaphore, #tpu.memory_space<semaphore_mem>>)
        %slice3A_2432 = vector.extract_strided_slice %get3A_2091 {offsets = [4], sizes = [1], strides = [1]} : vector<16xi32> to vector<1xi32>
        %squeeze3A_2433 = vector.extract %slice3A_2432[0] : i32 from vector<1xi32>
        %jit3A_2434 = arith.constant 128 : i32
        %div3A_2435 = arith.divsi %squeeze3A_2433, %jit3A_2434 : i32
        %sign3A_2436 = arith.constant 0 : i32
        %sign3A_2437 = arith.cmpi sgt, %squeeze3A_2433, %sign3A_2436 : i32
        %sign3A_2438 = arith.extui %sign3A_2437 : i1 to i32
        %sign3A_2439 = arith.constant 0 : i32
        %sign3A_2440 = arith.cmpi slt, %squeeze3A_2433, %sign3A_2439 : i32
        %sign3A_2441 = arith.extui %sign3A_2440 : i1 to i32
        %sign3A_2442 = arith.subi %sign3A_2438, %sign3A_2441 : i32
        %sign3A_2443 = arith.constant 0 : i32
        %sign3A_2444 = arith.cmpi sgt, %jit3A_2434, %sign3A_2443 : i32
        %sign3A_2445 = arith.extui %sign3A_2444 : i1 to i32
        %sign3A_2446 = arith.constant 0 : i32
        %sign3A_2447 = arith.cmpi slt, %jit3A_2434, %sign3A_2446 : i32
        %sign3A_2448 = arith.extui %sign3A_2447 : i1 to i32
        %sign3A_2449 = arith.subi %sign3A_2445, %sign3A_2448 : i32
        %ne3A_2450 = arith.cmpi ne, %sign3A_2442, %sign3A_2449 : i32
        %rem3A_2451 = arith.remsi %squeeze3A_2433, %jit3A_2434 : i32
        %ne3A_2452 = arith.constant 0 : i32
        %ne3A_2453 = arith.cmpi ne, %rem3A_2451, %ne3A_2452 : i32
        %and3A_2454 = arith.andi %ne3A_2450, %ne3A_2453 : i1
        %sub3A_2455 = arith.constant 1 : i32
        %sub3A_2456 = arith.subi %div3A_2435, %sub3A_2455 : i32
        %select_n3A_2457 = arith.select %and3A_2454, %sub3A_2456, %div3A_2435 : i32
        %mul3A_2458 = arith.constant 128 : i32
        %mul3A_2459 = arith.muli %select_n3A_2457, %mul3A_2458 : i32
        %multiple_of3A_2460 = tpu.assume_multiple %mul3A_2459, 128 : i32
        %slice3A_2461 = vector.extract_strided_slice %get3A_2095 {offsets = [4], sizes = [1], strides = [1]} : vector<16xi32> to vector<1xi32>
        %squeeze3A_2462 = vector.extract %slice3A_2461[0] : i32 from vector<1xi32>
        %jit3A_2463 = arith.constant 128 : i32
        %div3A_2464 = arith.divsi %squeeze3A_2462, %jit3A_2463 : i32
        %sign3A_2465 = arith.constant 0 : i32
        %sign3A_2466 = arith.cmpi sgt, %squeeze3A_2462, %sign3A_2465 : i32
        %sign3A_2467 = arith.extui %sign3A_2466 : i1 to i32
        %sign3A_2468 = arith.constant 0 : i32
        %sign3A_2469 = arith.cmpi slt, %squeeze3A_2462, %sign3A_2468 : i32
        %sign3A_2470 = arith.extui %sign3A_2469 : i1 to i32
        %sign3A_2471 = arith.subi %sign3A_2467, %sign3A_2470 : i32
        %sign3A_2472 = arith.constant 0 : i32
        %sign3A_2473 = arith.cmpi sgt, %jit3A_2463, %sign3A_2472 : i32
        %sign3A_2474 = arith.extui %sign3A_2473 : i1 to i32
        %sign3A_2475 = arith.constant 0 : i32
        %sign3A_2476 = arith.cmpi slt, %jit3A_2463, %sign3A_2475 : i32
        %sign3A_2477 = arith.extui %sign3A_2476 : i1 to i32
        %sign3A_2478 = arith.subi %sign3A_2474, %sign3A_2477 : i32
        %ne3A_2479 = arith.cmpi ne, %sign3A_2471, %sign3A_2478 : i32
        %rem3A_2480 = arith.remsi %squeeze3A_2462, %jit3A_2463 : i32
        %ne3A_2481 = arith.constant 0 : i32
        %ne3A_2482 = arith.cmpi ne, %rem3A_2480, %ne3A_2481 : i32
        %and3A_2483 = arith.andi %ne3A_2479, %ne3A_2482 : i1
        %sub3A_2484 = arith.constant 1 : i32
        %sub3A_2485 = arith.subi %div3A_2464, %sub3A_2484 : i32
        %select_n3A_2486 = arith.select %and3A_2483, %sub3A_2485, %div3A_2464 : i32
        %mul3A_2487 = arith.constant 128 : i32
        %mul3A_2488 = arith.muli %select_n3A_2486, %mul3A_2487 : i32
        %multiple_of3A_2489 = tpu.assume_multiple %mul3A_2488, 128 : i32
        %dma_start3A_2490 = arith.constant 4 : i32
        %dma_start3A_2491 = arith.constant 0 : i32
        %dma_start3A_2492 = arith.constant 0 : i32
        %dma_start3A_2493 = tpu.memref_slice %arg9[%dma_start3A_2490, %dma_start3A_2491, %dma_start3A_2492] : memref<8x16x128xf32, #tpu.memory_space<vmem>> -> memref<1x16x128xf32, #tpu.memory_space<vmem>>
        %dma_start3A_2494 = tpu.memref_squeeze %dma_start3A_2493 : memref<1x16x128xf32, #tpu.memory_space<vmem>> -> memref<16x128xf32, #tpu.memory_space<vmem>>
        %dma_start3A_2495 = arith.constant 0 : i32
        %dma_start3A_2496 = tpu.memref_slice %arg4[%dma_start3A_2495, %multiple_of3A_2460] : memref<16x1000000xf32, #tpu.memory_space<hbm>> -> memref<16x128xf32, #tpu.memory_space<hbm>>
        %dma_start3A_2497 = arith.constant 0 : i32
        %dma_start3A_2498 = arith.constant 0 : i32
        %dma_start3A_2499 = tpu.memref_slice %arg9[%dma_start3A_2490, %dma_start3A_2497, %dma_start3A_2498] : memref<8x16x128xf32, #tpu.memory_space<vmem>> -> memref<1x16x128xf32, #tpu.memory_space<vmem>>
        %dma_start3A_2500 = tpu.memref_squeeze %dma_start3A_2499 : memref<1x16x128xf32, #tpu.memory_space<vmem>> -> memref<16x128xf32, #tpu.memory_space<vmem>>
        %dma_start3A_2501 = arith.constant 0 : i32
        %dma_start3A_2502 = tpu.memref_slice %arg4[%dma_start3A_2501, %multiple_of3A_2460] : memref<16x1000000xf32, #tpu.memory_space<hbm>> -> memref<16x128xf32, #tpu.memory_space<hbm>>
        tpu.enqueue_dma source(%dma_start3A_2502 : memref<16x128xf32, #tpu.memory_space<hbm>>) target(%dma_start3A_2500 : memref<16x128xf32, #tpu.memory_space<vmem>>) target_semaphore(%arg14 : memref<!tpu.dma_semaphore, #tpu.memory_space<semaphore_mem>>)
        %dma_start3A_2503 = arith.constant 4 : i32
        %dma_start3A_2504 = arith.constant 0 : i32
        %dma_start3A_2505 = arith.constant 0 : i32
        %dma_start3A_2506 = tpu.memref_slice %arg10[%dma_start3A_2503, %dma_start3A_2504, %dma_start3A_2505] : memref<8x16x128xf32, #tpu.memory_space<vmem>> -> memref<1x16x128xf32, #tpu.memory_space<vmem>>
        %dma_start3A_2507 = tpu.memref_squeeze %dma_start3A_2506 : memref<1x16x128xf32, #tpu.memory_space<vmem>> -> memref<16x128xf32, #tpu.memory_space<vmem>>
        %dma_start3A_2508 = arith.constant 0 : i32
        %dma_start3A_2509 = tpu.memref_slice %arg5[%dma_start3A_2508, %multiple_of3A_2489] : memref<16x1000000xf32, #tpu.memory_space<hbm>> -> memref<16x128xf32, #tpu.memory_space<hbm>>
        %dma_start3A_2510 = arith.constant 0 : i32
        %dma_start3A_2511 = arith.constant 0 : i32
        %dma_start3A_2512 = tpu.memref_slice %arg10[%dma_start3A_2503, %dma_start3A_2510, %dma_start3A_2511] : memref<8x16x128xf32, #tpu.memory_space<vmem>> -> memref<1x16x128xf32, #tpu.memory_space<vmem>>
        %dma_start3A_2513 = tpu.memref_squeeze %dma_start3A_2512 : memref<1x16x128xf32, #tpu.memory_space<vmem>> -> memref<16x128xf32, #tpu.memory_space<vmem>>
        %dma_start3A_2514 = arith.constant 0 : i32
        %dma_start3A_2515 = tpu.memref_slice %arg5[%dma_start3A_2514, %multiple_of3A_2489] : memref<16x1000000xf32, #tpu.memory_space<hbm>> -> memref<16x128xf32, #tpu.memory_space<hbm>>
        tpu.enqueue_dma source(%dma_start3A_2515 : memref<16x128xf32, #tpu.memory_space<hbm>>) target(%dma_start3A_2513 : memref<16x128xf32, #tpu.memory_space<vmem>>) target_semaphore(%arg14 : memref<!tpu.dma_semaphore, #tpu.memory_space<semaphore_mem>>)
        %slice3A_2516 = vector.extract_strided_slice %get3A_2091 {offsets = [5], sizes = [1], strides = [1]} : vector<16xi32> to vector<1xi32>
        %squeeze3A_2517 = vector.extract %slice3A_2516[0] : i32 from vector<1xi32>
        %jit3A_2518 = arith.constant 128 : i32
        %div3A_2519 = arith.divsi %squeeze3A_2517, %jit3A_2518 : i32
        %sign3A_2520 = arith.constant 0 : i32
        %sign3A_2521 = arith.cmpi sgt, %squeeze3A_2517, %sign3A_2520 : i32
        %sign3A_2522 = arith.extui %sign3A_2521 : i1 to i32
        %sign3A_2523 = arith.constant 0 : i32
        %sign3A_2524 = arith.cmpi slt, %squeeze3A_2517, %sign3A_2523 : i32
        %sign3A_2525 = arith.extui %sign3A_2524 : i1 to i32
        %sign3A_2526 = arith.subi %sign3A_2522, %sign3A_2525 : i32
        %sign3A_2527 = arith.constant 0 : i32
        %sign3A_2528 = arith.cmpi sgt, %jit3A_2518, %sign3A_2527 : i32
        %sign3A_2529 = arith.extui %sign3A_2528 : i1 to i32
        %sign3A_2530 = arith.constant 0 : i32
        %sign3A_2531 = arith.cmpi slt, %jit3A_2518, %sign3A_2530 : i32
        %sign3A_2532 = arith.extui %sign3A_2531 : i1 to i32
        %sign3A_2533 = arith.subi %sign3A_2529, %sign3A_2532 : i32
        %ne3A_2534 = arith.cmpi ne, %sign3A_2526, %sign3A_2533 : i32
        %rem3A_2535 = arith.remsi %squeeze3A_2517, %jit3A_2518 : i32
        %ne3A_2536 = arith.constant 0 : i32
        %ne3A_2537 = arith.cmpi ne, %rem3A_2535, %ne3A_2536 : i32
        %and3A_2538 = arith.andi %ne3A_2534, %ne3A_2537 : i1
        %sub3A_2539 = arith.constant 1 : i32
        %sub3A_2540 = arith.subi %div3A_2519, %sub3A_2539 : i32
        %select_n3A_2541 = arith.select %and3A_2538, %sub3A_2540, %div3A_2519 : i32
        %mul3A_2542 = arith.constant 128 : i32
        %mul3A_2543 = arith.muli %select_n3A_2541, %mul3A_2542 : i32
        %multiple_of3A_2544 = tpu.assume_multiple %mul3A_2543, 128 : i32
        %slice3A_2545 = vector.extract_strided_slice %get3A_2095 {offsets = [5], sizes = [1], strides = [1]} : vector<16xi32> to vector<1xi32>
        %squeeze3A_2546 = vector.extract %slice3A_2545[0] : i32 from vector<1xi32>
        %jit3A_2547 = arith.constant 128 : i32
        %div3A_2548 = arith.divsi %squeeze3A_2546, %jit3A_2547 : i32
        %sign3A_2549 = arith.constant 0 : i32
        %sign3A_2550 = arith.cmpi sgt, %squeeze3A_2546, %sign3A_2549 : i32
        %sign3A_2551 = arith.extui %sign3A_2550 : i1 to i32
        %sign3A_2552 = arith.constant 0 : i32
        %sign3A_2553 = arith.cmpi slt, %squeeze3A_2546, %sign3A_2552 : i32
        %sign3A_2554 = arith.extui %sign3A_2553 : i1 to i32
        %sign3A_2555 = arith.subi %sign3A_2551, %sign3A_2554 : i32
        %sign3A_2556 = arith.constant 0 : i32
        %sign3A_2557 = arith.cmpi sgt, %jit3A_2547, %sign3A_2556 : i32
        %sign3A_2558 = arith.extui %sign3A_2557 : i1 to i32
        %sign3A_2559 = arith.constant 0 : i32
        %sign3A_2560 = arith.cmpi slt, %jit3A_2547, %sign3A_2559 : i32
        %sign3A_2561 = arith.extui %sign3A_2560 : i1 to i32
        %sign3A_2562 = arith.subi %sign3A_2558, %sign3A_2561 : i32
        %ne3A_2563 = arith.cmpi ne, %sign3A_2555, %sign3A_2562 : i32
        %rem3A_2564 = arith.remsi %squeeze3A_2546, %jit3A_2547 : i32
        %ne3A_2565 = arith.constant 0 : i32
        %ne3A_2566 = arith.cmpi ne, %rem3A_2564, %ne3A_2565 : i32
        %and3A_2567 = arith.andi %ne3A_2563, %ne3A_2566 : i1
        %sub3A_2568 = arith.constant 1 : i32
        %sub3A_2569 = arith.subi %div3A_2548, %sub3A_2568 : i32
        %select_n3A_2570 = arith.select %and3A_2567, %sub3A_2569, %div3A_2548 : i32
        %mul3A_2571 = arith.constant 128 : i32
        %mul3A_2572 = arith.muli %select_n3A_2570, %mul3A_2571 : i32
        %multiple_of3A_2573 = tpu.assume_multiple %mul3A_2572, 128 : i32
        %dma_start3A_2574 = arith.constant 5 : i32
        %dma_start3A_2575 = arith.constant 0 : i32
        %dma_start3A_2576 = arith.constant 0 : i32
        %dma_start3A_2577 = tpu.memref_slice %arg9[%dma_start3A_2574, %dma_start3A_2575, %dma_start3A_2576] : memref<8x16x128xf32, #tpu.memory_space<vmem>> -> memref<1x16x128xf32, #tpu.memory_space<vmem>>
        %dma_start3A_2578 = tpu.memref_squeeze %dma_start3A_2577 : memref<1x16x128xf32, #tpu.memory_space<vmem>> -> memref<16x128xf32, #tpu.memory_space<vmem>>
        %dma_start3A_2579 = arith.constant 0 : i32
        %dma_start3A_2580 = tpu.memref_slice %arg4[%dma_start3A_2579, %multiple_of3A_2544] : memref<16x1000000xf32, #tpu.memory_space<hbm>> -> memref<16x128xf32, #tpu.memory_space<hbm>>
        %dma_start3A_2581 = arith.constant 0 : i32
        %dma_start3A_2582 = arith.constant 0 : i32
        %dma_start3A_2583 = tpu.memref_slice %arg9[%dma_start3A_2574, %dma_start3A_2581, %dma_start3A_2582] : memref<8x16x128xf32, #tpu.memory_space<vmem>> -> memref<1x16x128xf32, #tpu.memory_space<vmem>>
        %dma_start3A_2584 = tpu.memref_squeeze %dma_start3A_2583 : memref<1x16x128xf32, #tpu.memory_space<vmem>> -> memref<16x128xf32, #tpu.memory_space<vmem>>
        %dma_start3A_2585 = arith.constant 0 : i32
        %dma_start3A_2586 = tpu.memref_slice %arg4[%dma_start3A_2585, %multiple_of3A_2544] : memref<16x1000000xf32, #tpu.memory_space<hbm>> -> memref<16x128xf32, #tpu.memory_space<hbm>>
        tpu.enqueue_dma source(%dma_start3A_2586 : memref<16x128xf32, #tpu.memory_space<hbm>>) target(%dma_start3A_2584 : memref<16x128xf32, #tpu.memory_space<vmem>>) target_semaphore(%arg14 : memref<!tpu.dma_semaphore, #tpu.memory_space<semaphore_mem>>)
        %dma_start3A_2587 = arith.constant 5 : i32
        %dma_start3A_2588 = arith.constant 0 : i32
        %dma_start3A_2589 = arith.constant 0 : i32
        %dma_start3A_2590 = tpu.memref_slice %arg10[%dma_start3A_2587, %dma_start3A_2588, %dma_start3A_2589] : memref<8x16x128xf32, #tpu.memory_space<vmem>> -> memref<1x16x128xf32, #tpu.memory_space<vmem>>
        %dma_start3A_2591 = tpu.memref_squeeze %dma_start3A_2590 : memref<1x16x128xf32, #tpu.memory_space<vmem>> -> memref<16x128xf32, #tpu.memory_space<vmem>>
        %dma_start3A_2592 = arith.constant 0 : i32
        %dma_start3A_2593 = tpu.memref_slice %arg5[%dma_start3A_2592, %multiple_of3A_2573] : memref<16x1000000xf32, #tpu.memory_space<hbm>> -> memref<16x128xf32, #tpu.memory_space<hbm>>
        %dma_start3A_2594 = arith.constant 0 : i32
        %dma_start3A_2595 = arith.constant 0 : i32
        %dma_start3A_2596 = tpu.memref_slice %arg10[%dma_start3A_2587, %dma_start3A_2594, %dma_start3A_2595] : memref<8x16x128xf32, #tpu.memory_space<vmem>> -> memref<1x16x128xf32, #tpu.memory_space<vmem>>
        %dma_start3A_2597 = tpu.memref_squeeze %dma_start3A_2596 : memref<1x16x128xf32, #tpu.memory_space<vmem>> -> memref<16x128xf32, #tpu.memory_space<vmem>>
        %dma_start3A_2598 = arith.constant 0 : i32
        %dma_start3A_2599 = tpu.memref_slice %arg5[%dma_start3A_2598, %multiple_of3A_2573] : memref<16x1000000xf32, #tpu.memory_space<hbm>> -> memref<16x128xf32, #tpu.memory_space<hbm>>
        tpu.enqueue_dma source(%dma_start3A_2599 : memref<16x128xf32, #tpu.memory_space<hbm>>) target(%dma_start3A_2597 : memref<16x128xf32, #tpu.memory_space<vmem>>) target_semaphore(%arg14 : memref<!tpu.dma_semaphore, #tpu.memory_space<semaphore_mem>>)
        %slice3A_2600 = vector.extract_strided_slice %get3A_2091 {offsets = [6], sizes = [1], strides = [1]} : vector<16xi32> to vector<1xi32>
        %squeeze3A_2601 = vector.extract %slice3A_2600[0] : i32 from vector<1xi32>
        %jit3A_2602 = arith.constant 128 : i32
        %div3A_2603 = arith.divsi %squeeze3A_2601, %jit3A_2602 : i32
        %sign3A_2604 = arith.constant 0 : i32
        %sign3A_2605 = arith.cmpi sgt, %squeeze3A_2601, %sign3A_2604 : i32
        %sign3A_2606 = arith.extui %sign3A_2605 : i1 to i32
        %sign3A_2607 = arith.constant 0 : i32
        %sign3A_2608 = arith.cmpi slt, %squeeze3A_2601, %sign3A_2607 : i32
        %sign3A_2609 = arith.extui %sign3A_2608 : i1 to i32
        %sign3A_2610 = arith.subi %sign3A_2606, %sign3A_2609 : i32
        %sign3A_2611 = arith.constant 0 : i32
        %sign3A_2612 = arith.cmpi sgt, %jit3A_2602, %sign3A_2611 : i32
        %sign3A_2613 = arith.extui %sign3A_2612 : i1 to i32
        %sign3A_2614 = arith.constant 0 : i32
        %sign3A_2615 = arith.cmpi slt, %jit3A_2602, %sign3A_2614 : i32
        %sign3A_2616 = arith.extui %sign3A_2615 : i1 to i32
        %sign3A_2617 = arith.subi %sign3A_2613, %sign3A_2616 : i32
        %ne3A_2618 = arith.cmpi ne, %sign3A_2610, %sign3A_2617 : i32
        %rem3A_2619 = arith.remsi %squeeze3A_2601, %jit3A_2602 : i32
        %ne3A_2620 = arith.constant 0 : i32
        %ne3A_2621 = arith.cmpi ne, %rem3A_2619, %ne3A_2620 : i32
        %and3A_2622 = arith.andi %ne3A_2618, %ne3A_2621 : i1
        %sub3A_2623 = arith.constant 1 : i32
        %sub3A_2624 = arith.subi %div3A_2603, %sub3A_2623 : i32
        %select_n3A_2625 = arith.select %and3A_2622, %sub3A_2624, %div3A_2603 : i32
        %mul3A_2626 = arith.constant 128 : i32
        %mul3A_2627 = arith.muli %select_n3A_2625, %mul3A_2626 : i32
        %multiple_of3A_2628 = tpu.assume_multiple %mul3A_2627, 128 : i32
        %slice3A_2629 = vector.extract_strided_slice %get3A_2095 {offsets = [6], sizes = [1], strides = [1]} : vector<16xi32> to vector<1xi32>
        %squeeze3A_2630 = vector.extract %slice3A_2629[0] : i32 from vector<1xi32>
        %jit3A_2631 = arith.constant 128 : i32
        %div3A_2632 = arith.divsi %squeeze3A_2630, %jit3A_2631 : i32
        %sign3A_2633 = arith.constant 0 : i32
        %sign3A_2634 = arith.cmpi sgt, %squeeze3A_2630, %sign3A_2633 : i32
        %sign3A_2635 = arith.extui %sign3A_2634 : i1 to i32
        %sign3A_2636 = arith.constant 0 : i32
        %sign3A_2637 = arith.cmpi slt, %squeeze3A_2630, %sign3A_2636 : i32
        %sign3A_2638 = arith.extui %sign3A_2637 : i1 to i32
        %sign3A_2639 = arith.subi %sign3A_2635, %sign3A_2638 : i32
        %sign3A_2640 = arith.constant 0 : i32
        %sign3A_2641 = arith.cmpi sgt, %jit3A_2631, %sign3A_2640 : i32
        %sign3A_2642 = arith.extui %sign3A_2641 : i1 to i32
        %sign3A_2643 = arith.constant 0 : i32
        %sign3A_2644 = arith.cmpi slt, %jit3A_2631, %sign3A_2643 : i32
        %sign3A_2645 = arith.extui %sign3A_2644 : i1 to i32
        %sign3A_2646 = arith.subi %sign3A_2642, %sign3A_2645 : i32
        %ne3A_2647 = arith.cmpi ne, %sign3A_2639, %sign3A_2646 : i32
        %rem3A_2648 = arith.remsi %squeeze3A_2630, %jit3A_2631 : i32
        %ne3A_2649 = arith.constant 0 : i32
        %ne3A_2650 = arith.cmpi ne, %rem3A_2648, %ne3A_2649 : i32
        %and3A_2651 = arith.andi %ne3A_2647, %ne3A_2650 : i1
        %sub3A_2652 = arith.constant 1 : i32
        %sub3A_2653 = arith.subi %div3A_2632, %sub3A_2652 : i32
        %select_n3A_2654 = arith.select %and3A_2651, %sub3A_2653, %div3A_2632 : i32
        %mul3A_2655 = arith.constant 128 : i32
        %mul3A_2656 = arith.muli %select_n3A_2654, %mul3A_2655 : i32
        %multiple_of3A_2657 = tpu.assume_multiple %mul3A_2656, 128 : i32
        %dma_start3A_2658 = arith.constant 6 : i32
        %dma_start3A_2659 = arith.constant 0 : i32
        %dma_start3A_2660 = arith.constant 0 : i32
        %dma_start3A_2661 = tpu.memref_slice %arg9[%dma_start3A_2658, %dma_start3A_2659, %dma_start3A_2660] : memref<8x16x128xf32, #tpu.memory_space<vmem>> -> memref<1x16x128xf32, #tpu.memory_space<vmem>>
        %dma_start3A_2662 = tpu.memref_squeeze %dma_start3A_2661 : memref<1x16x128xf32, #tpu.memory_space<vmem>> -> memref<16x128xf32, #tpu.memory_space<vmem>>
        %dma_start3A_2663 = arith.constant 0 : i32
        %dma_start3A_2664 = tpu.memref_slice %arg4[%dma_start3A_2663, %multiple_of3A_2628] : memref<16x1000000xf32, #tpu.memory_space<hbm>> -> memref<16x128xf32, #tpu.memory_space<hbm>>
        %dma_start3A_2665 = arith.constant 0 : i32
        %dma_start3A_2666 = arith.constant 0 : i32
        %dma_start3A_2667 = tpu.memref_slice %arg9[%dma_start3A_2658, %dma_start3A_2665, %dma_start3A_2666] : memref<8x16x128xf32, #tpu.memory_space<vmem>> -> memref<1x16x128xf32, #tpu.memory_space<vmem>>
        %dma_start3A_2668 = tpu.memref_squeeze %dma_start3A_2667 : memref<1x16x128xf32, #tpu.memory_space<vmem>> -> memref<16x128xf32, #tpu.memory_space<vmem>>
        %dma_start3A_2669 = arith.constant 0 : i32
        %dma_start3A_2670 = tpu.memref_slice %arg4[%dma_start3A_2669, %multiple_of3A_2628] : memref<16x1000000xf32, #tpu.memory_space<hbm>> -> memref<16x128xf32, #tpu.memory_space<hbm>>
        tpu.enqueue_dma source(%dma_start3A_2670 : memref<16x128xf32, #tpu.memory_space<hbm>>) target(%dma_start3A_2668 : memref<16x128xf32, #tpu.memory_space<vmem>>) target_semaphore(%arg14 : memref<!tpu.dma_semaphore, #tpu.memory_space<semaphore_mem>>)
        %dma_start3A_2671 = arith.constant 6 : i32
        %dma_start3A_2672 = arith.constant 0 : i32
        %dma_start3A_2673 = arith.constant 0 : i32
        %dma_start3A_2674 = tpu.memref_slice %arg10[%dma_start3A_2671, %dma_start3A_2672, %dma_start3A_2673] : memref<8x16x128xf32, #tpu.memory_space<vmem>> -> memref<1x16x128xf32, #tpu.memory_space<vmem>>
        %dma_start3A_2675 = tpu.memref_squeeze %dma_start3A_2674 : memref<1x16x128xf32, #tpu.memory_space<vmem>> -> memref<16x128xf32, #tpu.memory_space<vmem>>
        %dma_start3A_2676 = arith.constant 0 : i32
        %dma_start3A_2677 = tpu.memref_slice %arg5[%dma_start3A_2676, %multiple_of3A_2657] : memref<16x1000000xf32, #tpu.memory_space<hbm>> -> memref<16x128xf32, #tpu.memory_space<hbm>>
        %dma_start3A_2678 = arith.constant 0 : i32
        %dma_start3A_2679 = arith.constant 0 : i32
        %dma_start3A_2680 = tpu.memref_slice %arg10[%dma_start3A_2671, %dma_start3A_2678, %dma_start3A_2679] : memref<8x16x128xf32, #tpu.memory_space<vmem>> -> memref<1x16x128xf32, #tpu.memory_space<vmem>>
        %dma_start3A_2681 = tpu.memref_squeeze %dma_start3A_2680 : memref<1x16x128xf32, #tpu.memory_space<vmem>> -> memref<16x128xf32, #tpu.memory_space<vmem>>
        %dma_start3A_2682 = arith.constant 0 : i32
        %dma_start3A_2683 = tpu.memref_slice %arg5[%dma_start3A_2682, %multiple_of3A_2657] : memref<16x1000000xf32, #tpu.memory_space<hbm>> -> memref<16x128xf32, #tpu.memory_space<hbm>>
        tpu.enqueue_dma source(%dma_start3A_2683 : memref<16x128xf32, #tpu.memory_space<hbm>>) target(%dma_start3A_2681 : memref<16x128xf32, #tpu.memory_space<vmem>>) target_semaphore(%arg14 : memref<!tpu.dma_semaphore, #tpu.memory_space<semaphore_mem>>)
        %slice3A_2684 = vector.extract_strided_slice %get3A_2091 {offsets = [7], sizes = [1], strides = [1]} : vector<16xi32> to vector<1xi32>
        %squeeze3A_2685 = vector.extract %slice3A_2684[0] : i32 from vector<1xi32>
        %jit3A_2686 = arith.constant 128 : i32
        %div3A_2687 = arith.divsi %squeeze3A_2685, %jit3A_2686 : i32
        %sign3A_2688 = arith.constant 0 : i32
        %sign3A_2689 = arith.cmpi sgt, %squeeze3A_2685, %sign3A_2688 : i32
        %sign3A_2690 = arith.extui %sign3A_2689 : i1 to i32
        %sign3A_2691 = arith.constant 0 : i32
        %sign3A_2692 = arith.cmpi slt, %squeeze3A_2685, %sign3A_2691 : i32
        %sign3A_2693 = arith.extui %sign3A_2692 : i1 to i32
        %sign3A_2694 = arith.subi %sign3A_2690, %sign3A_2693 : i32
        %sign3A_2695 = arith.constant 0 : i32
        %sign3A_2696 = arith.cmpi sgt, %jit3A_2686, %sign3A_2695 : i32
        %sign3A_2697 = arith.extui %sign3A_2696 : i1 to i32
        %sign3A_2698 = arith.constant 0 : i32
        %sign3A_2699 = arith.cmpi slt, %jit3A_2686, %sign3A_2698 : i32
        %sign3A_2700 = arith.extui %sign3A_2699 : i1 to i32
        %sign3A_2701 = arith.subi %sign3A_2697, %sign3A_2700 : i32
        %ne3A_2702 = arith.cmpi ne, %sign3A_2694, %sign3A_2701 : i32
        %rem3A_2703 = arith.remsi %squeeze3A_2685, %jit3A_2686 : i32
        %ne3A_2704 = arith.constant 0 : i32
        %ne3A_2705 = arith.cmpi ne, %rem3A_2703, %ne3A_2704 : i32
        %and3A_2706 = arith.andi %ne3A_2702, %ne3A_2705 : i1
        %sub3A_2707 = arith.constant 1 : i32
        %sub3A_2708 = arith.subi %div3A_2687, %sub3A_2707 : i32
        %select_n3A_2709 = arith.select %and3A_2706, %sub3A_2708, %div3A_2687 : i32
        %mul3A_2710 = arith.constant 128 : i32
        %mul3A_2711 = arith.muli %select_n3A_2709, %mul3A_2710 : i32
        %multiple_of3A_2712 = tpu.assume_multiple %mul3A_2711, 128 : i32
        %slice3A_2713 = vector.extract_strided_slice %get3A_2095 {offsets = [7], sizes = [1], strides = [1]} : vector<16xi32> to vector<1xi32>
        %squeeze3A_2714 = vector.extract %slice3A_2713[0] : i32 from vector<1xi32>
        %jit3A_2715 = arith.constant 128 : i32
        %div3A_2716 = arith.divsi %squeeze3A_2714, %jit3A_2715 : i32
        %sign3A_2717 = arith.constant 0 : i32
        %sign3A_2718 = arith.cmpi sgt, %squeeze3A_2714, %sign3A_2717 : i32
        %sign3A_2719 = arith.extui %sign3A_2718 : i1 to i32
        %sign3A_2720 = arith.constant 0 : i32
        %sign3A_2721 = arith.cmpi slt, %squeeze3A_2714, %sign3A_2720 : i32
        %sign3A_2722 = arith.extui %sign3A_2721 : i1 to i32
        %sign3A_2723 = arith.subi %sign3A_2719, %sign3A_2722 : i32
        %sign3A_2724 = arith.constant 0 : i32
        %sign3A_2725 = arith.cmpi sgt, %jit3A_2715, %sign3A_2724 : i32
        %sign3A_2726 = arith.extui %sign3A_2725 : i1 to i32
        %sign3A_2727 = arith.constant 0 : i32
        %sign3A_2728 = arith.cmpi slt, %jit3A_2715, %sign3A_2727 : i32
        %sign3A_2729 = arith.extui %sign3A_2728 : i1 to i32
        %sign3A_2730 = arith.subi %sign3A_2726, %sign3A_2729 : i32
        %ne3A_2731 = arith.cmpi ne, %sign3A_2723, %sign3A_2730 : i32
        %rem3A_2732 = arith.remsi %squeeze3A_2714, %jit3A_2715 : i32
        %ne3A_2733 = arith.constant 0 : i32
        %ne3A_2734 = arith.cmpi ne, %rem3A_2732, %ne3A_2733 : i32
        %and3A_2735 = arith.andi %ne3A_2731, %ne3A_2734 : i1
        %sub3A_2736 = arith.constant 1 : i32
        %sub3A_2737 = arith.subi %div3A_2716, %sub3A_2736 : i32
        %select_n3A_2738 = arith.select %and3A_2735, %sub3A_2737, %div3A_2716 : i32
        %mul3A_2739 = arith.constant 128 : i32
        %mul3A_2740 = arith.muli %select_n3A_2738, %mul3A_2739 : i32
        %multiple_of3A_2741 = tpu.assume_multiple %mul3A_2740, 128 : i32
        %dma_start3A_2742 = arith.constant 7 : i32
        %dma_start3A_2743 = arith.constant 0 : i32
        %dma_start3A_2744 = arith.constant 0 : i32
        %dma_start3A_2745 = tpu.memref_slice %arg9[%dma_start3A_2742, %dma_start3A_2743, %dma_start3A_2744] : memref<8x16x128xf32, #tpu.memory_space<vmem>> -> memref<1x16x128xf32, #tpu.memory_space<vmem>>
        %dma_start3A_2746 = tpu.memref_squeeze %dma_start3A_2745 : memref<1x16x128xf32, #tpu.memory_space<vmem>> -> memref<16x128xf32, #tpu.memory_space<vmem>>
        %dma_start3A_2747 = arith.constant 0 : i32
        %dma_start3A_2748 = tpu.memref_slice %arg4[%dma_start3A_2747, %multiple_of3A_2712] : memref<16x1000000xf32, #tpu.memory_space<hbm>> -> memref<16x128xf32, #tpu.memory_space<hbm>>
        %dma_start3A_2749 = arith.constant 0 : i32
        %dma_start3A_2750 = arith.constant 0 : i32
        %dma_start3A_2751 = tpu.memref_slice %arg9[%dma_start3A_2742, %dma_start3A_2749, %dma_start3A_2750] : memref<8x16x128xf32, #tpu.memory_space<vmem>> -> memref<1x16x128xf32, #tpu.memory_space<vmem>>
        %dma_start3A_2752 = tpu.memref_squeeze %dma_start3A_2751 : memref<1x16x128xf32, #tpu.memory_space<vmem>> -> memref<16x128xf32, #tpu.memory_space<vmem>>
        %dma_start3A_2753 = arith.constant 0 : i32
        %dma_start3A_2754 = tpu.memref_slice %arg4[%dma_start3A_2753, %multiple_of3A_2712] : memref<16x1000000xf32, #tpu.memory_space<hbm>> -> memref<16x128xf32, #tpu.memory_space<hbm>>
        tpu.enqueue_dma source(%dma_start3A_2754 : memref<16x128xf32, #tpu.memory_space<hbm>>) target(%dma_start3A_2752 : memref<16x128xf32, #tpu.memory_space<vmem>>) target_semaphore(%arg14 : memref<!tpu.dma_semaphore, #tpu.memory_space<semaphore_mem>>)
        %dma_start3A_2755 = arith.constant 7 : i32
        %dma_start3A_2756 = arith.constant 0 : i32
        %dma_start3A_2757 = arith.constant 0 : i32
        %dma_start3A_2758 = tpu.memref_slice %arg10[%dma_start3A_2755, %dma_start3A_2756, %dma_start3A_2757] : memref<8x16x128xf32, #tpu.memory_space<vmem>> -> memref<1x16x128xf32, #tpu.memory_space<vmem>>
        %dma_start3A_2759 = tpu.memref_squeeze %dma_start3A_2758 : memref<1x16x128xf32, #tpu.memory_space<vmem>> -> memref<16x128xf32, #tpu.memory_space<vmem>>
        %dma_start3A_2760 = arith.constant 0 : i32
        %dma_start3A_2761 = tpu.memref_slice %arg5[%dma_start3A_2760, %multiple_of3A_2741] : memref<16x1000000xf32, #tpu.memory_space<hbm>> -> memref<16x128xf32, #tpu.memory_space<hbm>>
        %dma_start3A_2762 = arith.constant 0 : i32
        %dma_start3A_2763 = arith.constant 0 : i32
        %dma_start3A_2764 = tpu.memref_slice %arg10[%dma_start3A_2755, %dma_start3A_2762, %dma_start3A_2763] : memref<8x16x128xf32, #tpu.memory_space<vmem>> -> memref<1x16x128xf32, #tpu.memory_space<vmem>>
        %dma_start3A_2765 = tpu.memref_squeeze %dma_start3A_2764 : memref<1x16x128xf32, #tpu.memory_space<vmem>> -> memref<16x128xf32, #tpu.memory_space<vmem>>
        %dma_start3A_2766 = arith.constant 0 : i32
        %dma_start3A_2767 = tpu.memref_slice %arg5[%dma_start3A_2766, %multiple_of3A_2741] : memref<16x1000000xf32, #tpu.memory_space<hbm>> -> memref<16x128xf32, #tpu.memory_space<hbm>>
        tpu.enqueue_dma source(%dma_start3A_2767 : memref<16x128xf32, #tpu.memory_space<hbm>>) target(%dma_start3A_2765 : memref<16x128xf32, #tpu.memory_space<vmem>>) target_semaphore(%arg14 : memref<!tpu.dma_semaphore, #tpu.memory_space<semaphore_mem>>)
      } else {
      }
      %dma_wait3A_1724 = arith.constant 0 : i32
      %dma_wait3A_1725 = arith.constant 0 : i32
      %dma_wait3A_1726 = arith.constant 0 : i32
      %dma_wait3A_1727 = tpu.memref_slice %arg11[%dma_wait3A_1724, %dma_wait3A_1725, %dma_wait3A_1726] : memref<8x16x128xf32, #tpu.memory_space<vmem>> -> memref<1x16x128xf32, #tpu.memory_space<vmem>>
      %dma_wait3A_1728 = tpu.memref_squeeze %dma_wait3A_1727 : memref<1x16x128xf32, #tpu.memory_space<vmem>> -> memref<16x128xf32, #tpu.memory_space<vmem>>
      %dma_wait3A_1729 = arith.constant 0 : i32
      %dma_wait3A_1730 = arith.constant 0 : i32
      %dma_wait3A_1731 = tpu.memref_slice %arg4[%dma_wait3A_1729, %dma_wait3A_1730] : memref<16x1000000xf32, #tpu.memory_space<hbm>> -> memref<16x128xf32, #tpu.memory_space<hbm>>
      %dma_wait3A_1732 = arith.constant 0 : i32
      %dma_wait3A_1733 = arith.constant 0 : i32
      %dma_wait3A_1734 = tpu.memref_slice %arg11[%dma_wait3A_1724, %dma_wait3A_1732, %dma_wait3A_1733] : memref<8x16x128xf32, #tpu.memory_space<vmem>> -> memref<1x16x128xf32, #tpu.memory_space<vmem>>
      %dma_wait3A_1735 = tpu.memref_squeeze %dma_wait3A_1734 : memref<1x16x128xf32, #tpu.memory_space<vmem>> -> memref<16x128xf32, #tpu.memory_space<vmem>>
      %dma_wait3A_1736 = arith.constant 0 : i32
      %dma_wait3A_1737 = arith.constant 0 : i32
      %dma_wait3A_1738 = tpu.memref_slice %arg4[%dma_wait3A_1736, %dma_wait3A_1737] : memref<16x1000000xf32, #tpu.memory_space<hbm>> -> memref<16x128xf32, #tpu.memory_space<hbm>>
      tpu.wait_dma2 semaphore(%arg15 : memref<!tpu.dma_semaphore, #tpu.memory_space<semaphore_mem>>) src(%dma_wait3A_1738 : memref<16x128xf32, #tpu.memory_space<hbm>>) dst(%dma_wait3A_1735 : memref<16x128xf32, #tpu.memory_space<vmem>>)
      %dma_wait3A_1739 = arith.constant 0 : i32
      %dma_wait3A_1740 = arith.constant 0 : i32
      %dma_wait3A_1741 = arith.constant 0 : i32
      %dma_wait3A_1742 = tpu.memref_slice %arg12[%dma_wait3A_1739, %dma_wait3A_1740, %dma_wait3A_1741] : memref<8x16x128xf32, #tpu.memory_space<vmem>> -> memref<1x16x128xf32, #tpu.memory_space<vmem>>
      %dma_wait3A_1743 = tpu.memref_squeeze %dma_wait3A_1742 : memref<1x16x128xf32, #tpu.memory_space<vmem>> -> memref<16x128xf32, #tpu.memory_space<vmem>>
      %dma_wait3A_1744 = arith.constant 0 : i32
      %dma_wait3A_1745 = arith.constant 0 : i32
      %dma_wait3A_1746 = tpu.memref_slice %arg5[%dma_wait3A_1744, %dma_wait3A_1745] : memref<16x1000000xf32, #tpu.memory_space<hbm>> -> memref<16x128xf32, #tpu.memory_space<hbm>>
      %dma_wait3A_1747 = arith.constant 0 : i32
      %dma_wait3A_1748 = arith.constant 0 : i32
      %dma_wait3A_1749 = tpu.memref_slice %arg12[%dma_wait3A_1739, %dma_wait3A_1747, %dma_wait3A_1748] : memref<8x16x128xf32, #tpu.memory_space<vmem>> -> memref<1x16x128xf32, #tpu.memory_space<vmem>>
      %dma_wait3A_1750 = tpu.memref_squeeze %dma_wait3A_1749 : memref<1x16x128xf32, #tpu.memory_space<vmem>> -> memref<16x128xf32, #tpu.memory_space<vmem>>
      %dma_wait3A_1751 = arith.constant 0 : i32
      %dma_wait3A_1752 = arith.constant 0 : i32
      %dma_wait3A_1753 = tpu.memref_slice %arg5[%dma_wait3A_1751, %dma_wait3A_1752] : memref<16x1000000xf32, #tpu.memory_space<hbm>> -> memref<16x128xf32, #tpu.memory_space<hbm>>
      tpu.wait_dma2 semaphore(%arg15 : memref<!tpu.dma_semaphore, #tpu.memory_space<semaphore_mem>>) src(%dma_wait3A_1753 : memref<16x128xf32, #tpu.memory_space<hbm>>) dst(%dma_wait3A_1750 : memref<16x128xf32, #tpu.memory_space<vmem>>)
      %dma_wait3A_1754 = arith.constant 1 : i32
      %dma_wait3A_1755 = arith.constant 0 : i32
      %dma_wait3A_1756 = arith.constant 0 : i32
      %dma_wait3A_1757 = tpu.memref_slice %arg11[%dma_wait3A_1754, %dma_wait3A_1755, %dma_wait3A_1756] : memref<8x16x128xf32, #tpu.memory_space<vmem>> -> memref<1x16x128xf32, #tpu.memory_space<vmem>>
      %dma_wait3A_1758 = tpu.memref_squeeze %dma_wait3A_1757 : memref<1x16x128xf32, #tpu.memory_space<vmem>> -> memref<16x128xf32, #tpu.memory_space<vmem>>
      %dma_wait3A_1759 = arith.constant 0 : i32
      %dma_wait3A_1760 = arith.constant 0 : i32
      %dma_wait3A_1761 = tpu.memref_slice %arg4[%dma_wait3A_1759, %dma_wait3A_1760] : memref<16x1000000xf32, #tpu.memory_space<hbm>> -> memref<16x128xf32, #tpu.memory_space<hbm>>
      %dma_wait3A_1762 = arith.constant 0 : i32
      %dma_wait3A_1763 = arith.constant 0 : i32
      %dma_wait3A_1764 = tpu.memref_slice %arg11[%dma_wait3A_1754, %dma_wait3A_1762, %dma_wait3A_1763] : memref<8x16x128xf32, #tpu.memory_space<vmem>> -> memref<1x16x128xf32, #tpu.memory_space<vmem>>
      %dma_wait3A_1765 = tpu.memref_squeeze %dma_wait3A_1764 : memref<1x16x128xf32, #tpu.memory_space<vmem>> -> memref<16x128xf32, #tpu.memory_space<vmem>>
      %dma_wait3A_1766 = arith.constant 0 : i32
      %dma_wait3A_1767 = arith.constant 0 : i32
      %dma_wait3A_1768 = tpu.memref_slice %arg4[%dma_wait3A_1766, %dma_wait3A_1767] : memref<16x1000000xf32, #tpu.memory_space<hbm>> -> memref<16x128xf32, #tpu.memory_space<hbm>>
      tpu.wait_dma2 semaphore(%arg15 : memref<!tpu.dma_semaphore, #tpu.memory_space<semaphore_mem>>) src(%dma_wait3A_1768 : memref<16x128xf32, #tpu.memory_space<hbm>>) dst(%dma_wait3A_1765 : memref<16x128xf32, #tpu.memory_space<vmem>>)
      %dma_wait3A_1769 = arith.constant 1 : i32
      %dma_wait3A_1770 = arith.constant 0 : i32
      %dma_wait3A_1771 = arith.constant 0 : i32
      %dma_wait3A_1772 = tpu.memref_slice %arg12[%dma_wait3A_1769, %dma_wait3A_1770, %dma_wait3A_1771] : memref<8x16x128xf32, #tpu.memory_space<vmem>> -> memref<1x16x128xf32, #tpu.memory_space<vmem>>
      %dma_wait3A_1773 = tpu.memref_squeeze %dma_wait3A_1772 : memref<1x16x128xf32, #tpu.memory_space<vmem>> -> memref<16x128xf32, #tpu.memory_space<vmem>>
      %dma_wait3A_1774 = arith.constant 0 : i32
      %dma_wait3A_1775 = arith.constant 0 : i32
      %dma_wait3A_1776 = tpu.memref_slice %arg5[%dma_wait3A_1774, %dma_wait3A_1775] : memref<16x1000000xf32, #tpu.memory_space<hbm>> -> memref<16x128xf32, #tpu.memory_space<hbm>>
      %dma_wait3A_1777 = arith.constant 0 : i32
      %dma_wait3A_1778 = arith.constant 0 : i32
      %dma_wait3A_1779 = tpu.memref_slice %arg12[%dma_wait3A_1769, %dma_wait3A_1777, %dma_wait3A_1778] : memref<8x16x128xf32, #tpu.memory_space<vmem>> -> memref<1x16x128xf32, #tpu.memory_space<vmem>>
      %dma_wait3A_1780 = tpu.memref_squeeze %dma_wait3A_1779 : memref<1x16x128xf32, #tpu.memory_space<vmem>> -> memref<16x128xf32, #tpu.memory_space<vmem>>
      %dma_wait3A_1781 = arith.constant 0 : i32
      %dma_wait3A_1782 = arith.constant 0 : i32
      %dma_wait3A_1783 = tpu.memref_slice %arg5[%dma_wait3A_1781, %dma_wait3A_1782] : memref<16x1000000xf32, #tpu.memory_space<hbm>> -> memref<16x128xf32, #tpu.memory_space<hbm>>
      tpu.wait_dma2 semaphore(%arg15 : memref<!tpu.dma_semaphore, #tpu.memory_space<semaphore_mem>>) src(%dma_wait3A_1783 : memref<16x128xf32, #tpu.memory_space<hbm>>) dst(%dma_wait3A_1780 : memref<16x128xf32, #tpu.memory_space<vmem>>)
      %dma_wait3A_1784 = arith.constant 2 : i32
      %dma_wait3A_1785 = arith.constant 0 : i32
      %dma_wait3A_1786 = arith.constant 0 : i32
      %dma_wait3A_1787 = tpu.memref_slice %arg11[%dma_wait3A_1784, %dma_wait3A_1785, %dma_wait3A_1786] : memref<8x16x128xf32, #tpu.memory_space<vmem>> -> memref<1x16x128xf32, #tpu.memory_space<vmem>>
      %dma_wait3A_1788 = tpu.memref_squeeze %dma_wait3A_1787 : memref<1x16x128xf32, #tpu.memory_space<vmem>> -> memref<16x128xf32, #tpu.memory_space<vmem>>
      %dma_wait3A_1789 = arith.constant 0 : i32
      %dma_wait3A_1790 = arith.constant 0 : i32
      %dma_wait3A_1791 = tpu.memref_slice %arg4[%dma_wait3A_1789, %dma_wait3A_1790] : memref<16x1000000xf32, #tpu.memory_space<hbm>> -> memref<16x128xf32, #tpu.memory_space<hbm>>
      %dma_wait3A_1792 = arith.constant 0 : i32
      %dma_wait3A_1793 = arith.constant 0 : i32
      %dma_wait3A_1794 = tpu.memref_slice %arg11[%dma_wait3A_1784, %dma_wait3A_1792, %dma_wait3A_1793] : memref<8x16x128xf32, #tpu.memory_space<vmem>> -> memref<1x16x128xf32, #tpu.memory_space<vmem>>
      %dma_wait3A_1795 = tpu.memref_squeeze %dma_wait3A_1794 : memref<1x16x128xf32, #tpu.memory_space<vmem>> -> memref<16x128xf32, #tpu.memory_space<vmem>>
      %dma_wait3A_1796 = arith.constant 0 : i32
      %dma_wait3A_1797 = arith.constant 0 : i32
      %dma_wait3A_1798 = tpu.memref_slice %arg4[%dma_wait3A_1796, %dma_wait3A_1797] : memref<16x1000000xf32, #tpu.memory_space<hbm>> -> memref<16x128xf32, #tpu.memory_space<hbm>>
      tpu.wait_dma2 semaphore(%arg15 : memref<!tpu.dma_semaphore, #tpu.memory_space<semaphore_mem>>) src(%dma_wait3A_1798 : memref<16x128xf32, #tpu.memory_space<hbm>>) dst(%dma_wait3A_1795 : memref<16x128xf32, #tpu.memory_space<vmem>>)
      %dma_wait3A_1799 = arith.constant 2 : i32
      %dma_wait3A_1800 = arith.constant 0 : i32
      %dma_wait3A_1801 = arith.constant 0 : i32
      %dma_wait3A_1802 = tpu.memref_slice %arg12[%dma_wait3A_1799, %dma_wait3A_1800, %dma_wait3A_1801] : memref<8x16x128xf32, #tpu.memory_space<vmem>> -> memref<1x16x128xf32, #tpu.memory_space<vmem>>
      %dma_wait3A_1803 = tpu.memref_squeeze %dma_wait3A_1802 : memref<1x16x128xf32, #tpu.memory_space<vmem>> -> memref<16x128xf32, #tpu.memory_space<vmem>>
      %dma_wait3A_1804 = arith.constant 0 : i32
      %dma_wait3A_1805 = arith.constant 0 : i32
      %dma_wait3A_1806 = tpu.memref_slice %arg5[%dma_wait3A_1804, %dma_wait3A_1805] : memref<16x1000000xf32, #tpu.memory_space<hbm>> -> memref<16x128xf32, #tpu.memory_space<hbm>>
      %dma_wait3A_1807 = arith.constant 0 : i32
      %dma_wait3A_1808 = arith.constant 0 : i32
      %dma_wait3A_1809 = tpu.memref_slice %arg12[%dma_wait3A_1799, %dma_wait3A_1807, %dma_wait3A_1808] : memref<8x16x128xf32, #tpu.memory_space<vmem>> -> memref<1x16x128xf32, #tpu.memory_space<vmem>>
      %dma_wait3A_1810 = tpu.memref_squeeze %dma_wait3A_1809 : memref<1x16x128xf32, #tpu.memory_space<vmem>> -> memref<16x128xf32, #tpu.memory_space<vmem>>
      %dma_wait3A_1811 = arith.constant 0 : i32
      %dma_wait3A_1812 = arith.constant 0 : i32
      %dma_wait3A_1813 = tpu.memref_slice %arg5[%dma_wait3A_1811, %dma_wait3A_1812] : memref<16x1000000xf32, #tpu.memory_space<hbm>> -> memref<16x128xf32, #tpu.memory_space<hbm>>
      tpu.wait_dma2 semaphore(%arg15 : memref<!tpu.dma_semaphore, #tpu.memory_space<semaphore_mem>>) src(%dma_wait3A_1813 : memref<16x128xf32, #tpu.memory_space<hbm>>) dst(%dma_wait3A_1810 : memref<16x128xf32, #tpu.memory_space<vmem>>)
      %dma_wait3A_1814 = arith.constant 3 : i32
      %dma_wait3A_1815 = arith.constant 0 : i32
      %dma_wait3A_1816 = arith.constant 0 : i32
      %dma_wait3A_1817 = tpu.memref_slice %arg11[%dma_wait3A_1814, %dma_wait3A_1815, %dma_wait3A_1816] : memref<8x16x128xf32, #tpu.memory_space<vmem>> -> memref<1x16x128xf32, #tpu.memory_space<vmem>>
      %dma_wait3A_1818 = tpu.memref_squeeze %dma_wait3A_1817 : memref<1x16x128xf32, #tpu.memory_space<vmem>> -> memref<16x128xf32, #tpu.memory_space<vmem>>
      %dma_wait3A_1819 = arith.constant 0 : i32
      %dma_wait3A_1820 = arith.constant 0 : i32
      %dma_wait3A_1821 = tpu.memref_slice %arg4[%dma_wait3A_1819, %dma_wait3A_1820] : memref<16x1000000xf32, #tpu.memory_space<hbm>> -> memref<16x128xf32, #tpu.memory_space<hbm>>
      %dma_wait3A_1822 = arith.constant 0 : i32
      %dma_wait3A_1823 = arith.constant 0 : i32
      %dma_wait3A_1824 = tpu.memref_slice %arg11[%dma_wait3A_1814, %dma_wait3A_1822, %dma_wait3A_1823] : memref<8x16x128xf32, #tpu.memory_space<vmem>> -> memref<1x16x128xf32, #tpu.memory_space<vmem>>
      %dma_wait3A_1825 = tpu.memref_squeeze %dma_wait3A_1824 : memref<1x16x128xf32, #tpu.memory_space<vmem>> -> memref<16x128xf32, #tpu.memory_space<vmem>>
      %dma_wait3A_1826 = arith.constant 0 : i32
      %dma_wait3A_1827 = arith.constant 0 : i32
      %dma_wait3A_1828 = tpu.memref_slice %arg4[%dma_wait3A_1826, %dma_wait3A_1827] : memref<16x1000000xf32, #tpu.memory_space<hbm>> -> memref<16x128xf32, #tpu.memory_space<hbm>>
      tpu.wait_dma2 semaphore(%arg15 : memref<!tpu.dma_semaphore, #tpu.memory_space<semaphore_mem>>) src(%dma_wait3A_1828 : memref<16x128xf32, #tpu.memory_space<hbm>>) dst(%dma_wait3A_1825 : memref<16x128xf32, #tpu.memory_space<vmem>>)
      %dma_wait3A_1829 = arith.constant 3 : i32
      %dma_wait3A_1830 = arith.constant 0 : i32
      %dma_wait3A_1831 = arith.constant 0 : i32
      %dma_wait3A_1832 = tpu.memref_slice %arg12[%dma_wait3A_1829, %dma_wait3A_1830, %dma_wait3A_1831] : memref<8x16x128xf32, #tpu.memory_space<vmem>> -> memref<1x16x128xf32, #tpu.memory_space<vmem>>
      %dma_wait3A_1833 = tpu.memref_squeeze %dma_wait3A_1832 : memref<1x16x128xf32, #tpu.memory_space<vmem>> -> memref<16x128xf32, #tpu.memory_space<vmem>>
      %dma_wait3A_1834 = arith.constant 0 : i32
      %dma_wait3A_1835 = arith.constant 0 : i32
      %dma_wait3A_1836 = tpu.memref_slice %arg5[%dma_wait3A_1834, %dma_wait3A_1835] : memref<16x1000000xf32, #tpu.memory_space<hbm>> -> memref<16x128xf32, #tpu.memory_space<hbm>>
      %dma_wait3A_1837 = arith.constant 0 : i32
      %dma_wait3A_1838 = arith.constant 0 : i32
      %dma_wait3A_1839 = tpu.memref_slice %arg12[%dma_wait3A_1829, %dma_wait3A_1837, %dma_wait3A_1838] : memref<8x16x128xf32, #tpu.memory_space<vmem>> -> memref<1x16x128xf32, #tpu.memory_space<vmem>>
      %dma_wait3A_1840 = tpu.memref_squeeze %dma_wait3A_1839 : memref<1x16x128xf32, #tpu.memory_space<vmem>> -> memref<16x128xf32, #tpu.memory_space<vmem>>
      %dma_wait3A_1841 = arith.constant 0 : i32
      %dma_wait3A_1842 = arith.constant 0 : i32
      %dma_wait3A_1843 = tpu.memref_slice %arg5[%dma_wait3A_1841, %dma_wait3A_1842] : memref<16x1000000xf32, #tpu.memory_space<hbm>> -> memref<16x128xf32, #tpu.memory_space<hbm>>
      tpu.wait_dma2 semaphore(%arg15 : memref<!tpu.dma_semaphore, #tpu.memory_space<semaphore_mem>>) src(%dma_wait3A_1843 : memref<16x128xf32, #tpu.memory_space<hbm>>) dst(%dma_wait3A_1840 : memref<16x128xf32, #tpu.memory_space<vmem>>)
      %dma_wait3A_1844 = arith.constant 4 : i32
      %dma_wait3A_1845 = arith.constant 0 : i32
      %dma_wait3A_1846 = arith.constant 0 : i32
      %dma_wait3A_1847 = tpu.memref_slice %arg11[%dma_wait3A_1844, %dma_wait3A_1845, %dma_wait3A_1846] : memref<8x16x128xf32, #tpu.memory_space<vmem>> -> memref<1x16x128xf32, #tpu.memory_space<vmem>>
      %dma_wait3A_1848 = tpu.memref_squeeze %dma_wait3A_1847 : memref<1x16x128xf32, #tpu.memory_space<vmem>> -> memref<16x128xf32, #tpu.memory_space<vmem>>
      %dma_wait3A_1849 = arith.constant 0 : i32
      %dma_wait3A_1850 = arith.constant 0 : i32
      %dma_wait3A_1851 = tpu.memref_slice %arg4[%dma_wait3A_1849, %dma_wait3A_1850] : memref<16x1000000xf32, #tpu.memory_space<hbm>> -> memref<16x128xf32, #tpu.memory_space<hbm>>
      %dma_wait3A_1852 = arith.constant 0 : i32
      %dma_wait3A_1853 = arith.constant 0 : i32
      %dma_wait3A_1854 = tpu.memref_slice %arg11[%dma_wait3A_1844, %dma_wait3A_1852, %dma_wait3A_1853] : memref<8x16x128xf32, #tpu.memory_space<vmem>> -> memref<1x16x128xf32, #tpu.memory_space<vmem>>
      %dma_wait3A_1855 = tpu.memref_squeeze %dma_wait3A_1854 : memref<1x16x128xf32, #tpu.memory_space<vmem>> -> memref<16x128xf32, #tpu.memory_space<vmem>>
      %dma_wait3A_1856 = arith.constant 0 : i32
      %dma_wait3A_1857 = arith.constant 0 : i32
      %dma_wait3A_1858 = tpu.memref_slice %arg4[%dma_wait3A_1856, %dma_wait3A_1857] : memref<16x1000000xf32, #tpu.memory_space<hbm>> -> memref<16x128xf32, #tpu.memory_space<hbm>>
      tpu.wait_dma2 semaphore(%arg15 : memref<!tpu.dma_semaphore, #tpu.memory_space<semaphore_mem>>) src(%dma_wait3A_1858 : memref<16x128xf32, #tpu.memory_space<hbm>>) dst(%dma_wait3A_1855 : memref<16x128xf32, #tpu.memory_space<vmem>>)
      %dma_wait3A_1859 = arith.constant 4 : i32
      %dma_wait3A_1860 = arith.constant 0 : i32
      %dma_wait3A_1861 = arith.constant 0 : i32
      %dma_wait3A_1862 = tpu.memref_slice %arg12[%dma_wait3A_1859, %dma_wait3A_1860, %dma_wait3A_1861] : memref<8x16x128xf32, #tpu.memory_space<vmem>> -> memref<1x16x128xf32, #tpu.memory_space<vmem>>
      %dma_wait3A_1863 = tpu.memref_squeeze %dma_wait3A_1862 : memref<1x16x128xf32, #tpu.memory_space<vmem>> -> memref<16x128xf32, #tpu.memory_space<vmem>>
      %dma_wait3A_1864 = arith.constant 0 : i32
      %dma_wait3A_1865 = arith.constant 0 : i32
      %dma_wait3A_1866 = tpu.memref_slice %arg5[%dma_wait3A_1864, %dma_wait3A_1865] : memref<16x1000000xf32, #tpu.memory_space<hbm>> -> memref<16x128xf32, #tpu.memory_space<hbm>>
      %dma_wait3A_1867 = arith.constant 0 : i32
      %dma_wait3A_1868 = arith.constant 0 : i32
      %dma_wait3A_1869 = tpu.memref_slice %arg12[%dma_wait3A_1859, %dma_wait3A_1867, %dma_wait3A_1868] : memref<8x16x128xf32, #tpu.memory_space<vmem>> -> memref<1x16x128xf32, #tpu.memory_space<vmem>>
      %dma_wait3A_1870 = tpu.memref_squeeze %dma_wait3A_1869 : memref<1x16x128xf32, #tpu.memory_space<vmem>> -> memref<16x128xf32, #tpu.memory_space<vmem>>
      %dma_wait3A_1871 = arith.constant 0 : i32
      %dma_wait3A_1872 = arith.constant 0 : i32
      %dma_wait3A_1873 = tpu.memref_slice %arg5[%dma_wait3A_1871, %dma_wait3A_1872] : memref<16x1000000xf32, #tpu.memory_space<hbm>> -> memref<16x128xf32, #tpu.memory_space<hbm>>
      tpu.wait_dma2 semaphore(%arg15 : memref<!tpu.dma_semaphore, #tpu.memory_space<semaphore_mem>>) src(%dma_wait3A_1873 : memref<16x128xf32, #tpu.memory_space<hbm>>) dst(%dma_wait3A_1870 : memref<16x128xf32, #tpu.memory_space<vmem>>)
      %dma_wait3A_1874 = arith.constant 5 : i32
      %dma_wait3A_1875 = arith.constant 0 : i32
      %dma_wait3A_1876 = arith.constant 0 : i32
      %dma_wait3A_1877 = tpu.memref_slice %arg11[%dma_wait3A_1874, %dma_wait3A_1875, %dma_wait3A_1876] : memref<8x16x128xf32, #tpu.memory_space<vmem>> -> memref<1x16x128xf32, #tpu.memory_space<vmem>>
      %dma_wait3A_1878 = tpu.memref_squeeze %dma_wait3A_1877 : memref<1x16x128xf32, #tpu.memory_space<vmem>> -> memref<16x128xf32, #tpu.memory_space<vmem>>
      %dma_wait3A_1879 = arith.constant 0 : i32
      %dma_wait3A_1880 = arith.constant 0 : i32
      %dma_wait3A_1881 = tpu.memref_slice %arg4[%dma_wait3A_1879, %dma_wait3A_1880] : memref<16x1000000xf32, #tpu.memory_space<hbm>> -> memref<16x128xf32, #tpu.memory_space<hbm>>
      %dma_wait3A_1882 = arith.constant 0 : i32
      %dma_wait3A_1883 = arith.constant 0 : i32
      %dma_wait3A_1884 = tpu.memref_slice %arg11[%dma_wait3A_1874, %dma_wait3A_1882, %dma_wait3A_1883] : memref<8x16x128xf32, #tpu.memory_space<vmem>> -> memref<1x16x128xf32, #tpu.memory_space<vmem>>
      %dma_wait3A_1885 = tpu.memref_squeeze %dma_wait3A_1884 : memref<1x16x128xf32, #tpu.memory_space<vmem>> -> memref<16x128xf32, #tpu.memory_space<vmem>>
      %dma_wait3A_1886 = arith.constant 0 : i32
      %dma_wait3A_1887 = arith.constant 0 : i32
      %dma_wait3A_1888 = tpu.memref_slice %arg4[%dma_wait3A_1886, %dma_wait3A_1887] : memref<16x1000000xf32, #tpu.memory_space<hbm>> -> memref<16x128xf32, #tpu.memory_space<hbm>>
      tpu.wait_dma2 semaphore(%arg15 : memref<!tpu.dma_semaphore, #tpu.memory_space<semaphore_mem>>) src(%dma_wait3A_1888 : memref<16x128xf32, #tpu.memory_space<hbm>>) dst(%dma_wait3A_1885 : memref<16x128xf32, #tpu.memory_space<vmem>>)
      %dma_wait3A_1889 = arith.constant 5 : i32
      %dma_wait3A_1890 = arith.constant 0 : i32
      %dma_wait3A_1891 = arith.constant 0 : i32
      %dma_wait3A_1892 = tpu.memref_slice %arg12[%dma_wait3A_1889, %dma_wait3A_1890, %dma_wait3A_1891] : memref<8x16x128xf32, #tpu.memory_space<vmem>> -> memref<1x16x128xf32, #tpu.memory_space<vmem>>
      %dma_wait3A_1893 = tpu.memref_squeeze %dma_wait3A_1892 : memref<1x16x128xf32, #tpu.memory_space<vmem>> -> memref<16x128xf32, #tpu.memory_space<vmem>>
      %dma_wait3A_1894 = arith.constant 0 : i32
      %dma_wait3A_1895 = arith.constant 0 : i32
      %dma_wait3A_1896 = tpu.memref_slice %arg5[%dma_wait3A_1894, %dma_wait3A_1895] : memref<16x1000000xf32, #tpu.memory_space<hbm>> -> memref<16x128xf32, #tpu.memory_space<hbm>>
      %dma_wait3A_1897 = arith.constant 0 : i32
      %dma_wait3A_1898 = arith.constant 0 : i32
      %dma_wait3A_1899 = tpu.memref_slice %arg12[%dma_wait3A_1889, %dma_wait3A_1897, %dma_wait3A_1898] : memref<8x16x128xf32, #tpu.memory_space<vmem>> -> memref<1x16x128xf32, #tpu.memory_space<vmem>>
      %dma_wait3A_1900 = tpu.memref_squeeze %dma_wait3A_1899 : memref<1x16x128xf32, #tpu.memory_space<vmem>> -> memref<16x128xf32, #tpu.memory_space<vmem>>
      %dma_wait3A_1901 = arith.constant 0 : i32
      %dma_wait3A_1902 = arith.constant 0 : i32
      %dma_wait3A_1903 = tpu.memref_slice %arg5[%dma_wait3A_1901, %dma_wait3A_1902] : memref<16x1000000xf32, #tpu.memory_space<hbm>> -> memref<16x128xf32, #tpu.memory_space<hbm>>
      tpu.wait_dma2 semaphore(%arg15 : memref<!tpu.dma_semaphore, #tpu.memory_space<semaphore_mem>>) src(%dma_wait3A_1903 : memref<16x128xf32, #tpu.memory_space<hbm>>) dst(%dma_wait3A_1900 : memref<16x128xf32, #tpu.memory_space<vmem>>)
      %dma_wait3A_1904 = arith.constant 6 : i32
      %dma_wait3A_1905 = arith.constant 0 : i32
      %dma_wait3A_1906 = arith.constant 0 : i32
      %dma_wait3A_1907 = tpu.memref_slice %arg11[%dma_wait3A_1904, %dma_wait3A_1905, %dma_wait3A_1906] : memref<8x16x128xf32, #tpu.memory_space<vmem>> -> memref<1x16x128xf32, #tpu.memory_space<vmem>>
      %dma_wait3A_1908 = tpu.memref_squeeze %dma_wait3A_1907 : memref<1x16x128xf32, #tpu.memory_space<vmem>> -> memref<16x128xf32, #tpu.memory_space<vmem>>
      %dma_wait3A_1909 = arith.constant 0 : i32
      %dma_wait3A_1910 = arith.constant 0 : i32
      %dma_wait3A_1911 = tpu.memref_slice %arg4[%dma_wait3A_1909, %dma_wait3A_1910] : memref<16x1000000xf32, #tpu.memory_space<hbm>> -> memref<16x128xf32, #tpu.memory_space<hbm>>
      %dma_wait3A_1912 = arith.constant 0 : i32
      %dma_wait3A_1913 = arith.constant 0 : i32
      %dma_wait3A_1914 = tpu.memref_slice %arg11[%dma_wait3A_1904, %dma_wait3A_1912, %dma_wait3A_1913] : memref<8x16x128xf32, #tpu.memory_space<vmem>> -> memref<1x16x128xf32, #tpu.memory_space<vmem>>
      %dma_wait3A_1915 = tpu.memref_squeeze %dma_wait3A_1914 : memref<1x16x128xf32, #tpu.memory_space<vmem>> -> memref<16x128xf32, #tpu.memory_space<vmem>>
      %dma_wait3A_1916 = arith.constant 0 : i32
      %dma_wait3A_1917 = arith.constant 0 : i32
      %dma_wait3A_1918 = tpu.memref_slice %arg4[%dma_wait3A_1916, %dma_wait3A_1917] : memref<16x1000000xf32, #tpu.memory_space<hbm>> -> memref<16x128xf32, #tpu.memory_space<hbm>>
      tpu.wait_dma2 semaphore(%arg15 : memref<!tpu.dma_semaphore, #tpu.memory_space<semaphore_mem>>) src(%dma_wait3A_1918 : memref<16x128xf32, #tpu.memory_space<hbm>>) dst(%dma_wait3A_1915 : memref<16x128xf32, #tpu.memory_space<vmem>>)
      %dma_wait3A_1919 = arith.constant 6 : i32
      %dma_wait3A_1920 = arith.constant 0 : i32
      %dma_wait3A_1921 = arith.constant 0 : i32
      %dma_wait3A_1922 = tpu.memref_slice %arg12[%dma_wait3A_1919, %dma_wait3A_1920, %dma_wait3A_1921] : memref<8x16x128xf32, #tpu.memory_space<vmem>> -> memref<1x16x128xf32, #tpu.memory_space<vmem>>
      %dma_wait3A_1923 = tpu.memref_squeeze %dma_wait3A_1922 : memref<1x16x128xf32, #tpu.memory_space<vmem>> -> memref<16x128xf32, #tpu.memory_space<vmem>>
      %dma_wait3A_1924 = arith.constant 0 : i32
      %dma_wait3A_1925 = arith.constant 0 : i32
      %dma_wait3A_1926 = tpu.memref_slice %arg5[%dma_wait3A_1924, %dma_wait3A_1925] : memref<16x1000000xf32, #tpu.memory_space<hbm>> -> memref<16x128xf32, #tpu.memory_space<hbm>>
      %dma_wait3A_1927 = arith.constant 0 : i32
      %dma_wait3A_1928 = arith.constant 0 : i32
      %dma_wait3A_1929 = tpu.memref_slice %arg12[%dma_wait3A_1919, %dma_wait3A_1927, %dma_wait3A_1928] : memref<8x16x128xf32, #tpu.memory_space<vmem>> -> memref<1x16x128xf32, #tpu.memory_space<vmem>>
      %dma_wait3A_1930 = tpu.memref_squeeze %dma_wait3A_1929 : memref<1x16x128xf32, #tpu.memory_space<vmem>> -> memref<16x128xf32, #tpu.memory_space<vmem>>
      %dma_wait3A_1931 = arith.constant 0 : i32
      %dma_wait3A_1932 = arith.constant 0 : i32
      %dma_wait3A_1933 = tpu.memref_slice %arg5[%dma_wait3A_1931, %dma_wait3A_1932] : memref<16x1000000xf32, #tpu.memory_space<hbm>> -> memref<16x128xf32, #tpu.memory_space<hbm>>
      tpu.wait_dma2 semaphore(%arg15 : memref<!tpu.dma_semaphore, #tpu.memory_space<semaphore_mem>>) src(%dma_wait3A_1933 : memref<16x128xf32, #tpu.memory_space<hbm>>) dst(%dma_wait3A_1930 : memref<16x128xf32, #tpu.memory_space<vmem>>)
      %dma_wait3A_1934 = arith.constant 7 : i32
      %dma_wait3A_1935 = arith.constant 0 : i32
      %dma_wait3A_1936 = arith.constant 0 : i32
      %dma_wait3A_1937 = tpu.memref_slice %arg11[%dma_wait3A_1934, %dma_wait3A_1935, %dma_wait3A_1936] : memref<8x16x128xf32, #tpu.memory_space<vmem>> -> memref<1x16x128xf32, #tpu.memory_space<vmem>>
      %dma_wait3A_1938 = tpu.memref_squeeze %dma_wait3A_1937 : memref<1x16x128xf32, #tpu.memory_space<vmem>> -> memref<16x128xf32, #tpu.memory_space<vmem>>
      %dma_wait3A_1939 = arith.constant 0 : i32
      %dma_wait3A_1940 = arith.constant 0 : i32
      %dma_wait3A_1941 = tpu.memref_slice %arg4[%dma_wait3A_1939, %dma_wait3A_1940] : memref<16x1000000xf32, #tpu.memory_space<hbm>> -> memref<16x128xf32, #tpu.memory_space<hbm>>
      %dma_wait3A_1942 = arith.constant 0 : i32
      %dma_wait3A_1943 = arith.constant 0 : i32
      %dma_wait3A_1944 = tpu.memref_slice %arg11[%dma_wait3A_1934, %dma_wait3A_1942, %dma_wait3A_1943] : memref<8x16x128xf32, #tpu.memory_space<vmem>> -> memref<1x16x128xf32, #tpu.memory_space<vmem>>
      %dma_wait3A_1945 = tpu.memref_squeeze %dma_wait3A_1944 : memref<1x16x128xf32, #tpu.memory_space<vmem>> -> memref<16x128xf32, #tpu.memory_space<vmem>>
      %dma_wait3A_1946 = arith.constant 0 : i32
      %dma_wait3A_1947 = arith.constant 0 : i32
      %dma_wait3A_1948 = tpu.memref_slice %arg4[%dma_wait3A_1946, %dma_wait3A_1947] : memref<16x1000000xf32, #tpu.memory_space<hbm>> -> memref<16x128xf32, #tpu.memory_space<hbm>>
      tpu.wait_dma2 semaphore(%arg15 : memref<!tpu.dma_semaphore, #tpu.memory_space<semaphore_mem>>) src(%dma_wait3A_1948 : memref<16x128xf32, #tpu.memory_space<hbm>>) dst(%dma_wait3A_1945 : memref<16x128xf32, #tpu.memory_space<vmem>>)
      %dma_wait3A_1949 = arith.constant 7 : i32
      %dma_wait3A_1950 = arith.constant 0 : i32
      %dma_wait3A_1951 = arith.constant 0 : i32
      %dma_wait3A_1952 = tpu.memref_slice %arg12[%dma_wait3A_1949, %dma_wait3A_1950, %dma_wait3A_1951] : memref<8x16x128xf32, #tpu.memory_space<vmem>> -> memref<1x16x128xf32, #tpu.memory_space<vmem>>
      %dma_wait3A_1953 = tpu.memref_squeeze %dma_wait3A_1952 : memref<1x16x128xf32, #tpu.memory_space<vmem>> -> memref<16x128xf32, #tpu.memory_space<vmem>>
      %dma_wait3A_1954 = arith.constant 0 : i32
      %dma_wait3A_1955 = arith.constant 0 : i32
      %dma_wait3A_1956 = tpu.memref_slice %arg5[%dma_wait3A_1954, %dma_wait3A_1955] : memref<16x1000000xf32, #tpu.memory_space<hbm>> -> memref<16x128xf32, #tpu.memory_space<hbm>>
      %dma_wait3A_1957 = arith.constant 0 : i32
      %dma_wait3A_1958 = arith.constant 0 : i32
      %dma_wait3A_1959 = tpu.memref_slice %arg12[%dma_wait3A_1949, %dma_wait3A_1957, %dma_wait3A_1958] : memref<8x16x128xf32, #tpu.memory_space<vmem>> -> memref<1x16x128xf32, #tpu.memory_space<vmem>>
      %dma_wait3A_1960 = tpu.memref_squeeze %dma_wait3A_1959 : memref<1x16x128xf32, #tpu.memory_space<vmem>> -> memref<16x128xf32, #tpu.memory_space<vmem>>
      %dma_wait3A_1961 = arith.constant 0 : i32
      %dma_wait3A_1962 = arith.constant 0 : i32
      %dma_wait3A_1963 = tpu.memref_slice %arg5[%dma_wait3A_1961, %dma_wait3A_1962] : memref<16x1000000xf32, #tpu.memory_space<hbm>> -> memref<16x128xf32, #tpu.memory_space<hbm>>
      tpu.wait_dma2 semaphore(%arg15 : memref<!tpu.dma_semaphore, #tpu.memory_space<semaphore_mem>>) src(%dma_wait3A_1963 : memref<16x128xf32, #tpu.memory_space<hbm>>) dst(%dma_wait3A_1960 : memref<16x128xf32, #tpu.memory_space<vmem>>)
      %mul3A_1964 = arith.constant 8 : i32
      %mul3A_1965 = arith.muli %add3A_682, %mul3A_1964 : i32
      %get3A_1966 = arith.index_cast %mul3A_1965 : i32 to index
      %get3A_1967 = tpu.vector_load %arg7[%get3A_1966] {strides = array<i32>} : memref<528xi32, #tpu.memory_space<vmem>>, vector<16xi32>,
      %mul3A_1968 = arith.constant 8 : i32
      %mul3A_1969 = arith.muli %add3A_682, %mul3A_1968 : i32
      %get3A_1970 = arith.index_cast %mul3A_1969 : i32 to index
      %get3A_1971 = tpu.vector_load %arg8[%get3A_1970] {strides = array<i32>} : memref<528xi32, #tpu.memory_space<vmem>>, vector<16xi32>,
      %rem3A_1972 = arith.remsi %get3A_1967, %broadcast_in_dim3A_7 : vector<16xi32>
      %rem3A_1973 = arith.remsi %get3A_1971, %broadcast_in_dim3A_7 : vector<16xi32>
      %broadcast_in_dim3A_1974 = arith.constant 0.000000e+00 : f32
      %broadcast_in_dim3A_1975 = vector.broadcast %broadcast_in_dim3A_1974 : f32 to vector<16xf32>
      %broadcast_in_dim3A_1976 = arith.constant 0 : i32
      %broadcast_in_dim3A_1977 = vector.broadcast %broadcast_in_dim3A_1976 : i32 to vector<16xi32>
      %gather3A_1978 = tpu.vector_load_idx %arg11[%rem3A, %broadcast_in_dim3A_1977, %rem3A_1972] : memref<8x16x128xf32, #tpu.memory_space<vmem>>[vector<16xi32>, vector<16xi32>, vector<16xi32>], vector<16xf32>,
      %gather3A_1979 = tpu.vector_load_idx %arg12[%rem3A, %broadcast_in_dim3A_1977, %rem3A_1973] : memref<8x16x128xf32, #tpu.memory_space<vmem>>[vector<16xi32>, vector<16xi32>, vector<16xi32>], vector<16xf32>,
      %mul3A_1980 = arith.mulf %gather3A_1978, %gather3A_1979 : vector<16xf32>
      %add3A_1981 = arith.addf %broadcast_in_dim3A_1975, %mul3A_1980 : vector<16xf32>
      %broadcast_in_dim3A_1982 = arith.constant 1 : i32
      %broadcast_in_dim3A_1983 = vector.broadcast %broadcast_in_dim3A_1982 : i32 to vector<16xi32>
      %gather3A_1984 = tpu.vector_load_idx %arg11[%rem3A, %broadcast_in_dim3A_1983, %rem3A_1972] : memref<8x16x128xf32, #tpu.memory_space<vmem>>[vector<16xi32>, vector<16xi32>, vector<16xi32>], vector<16xf32>,
      %gather3A_1985 = tpu.vector_load_idx %arg12[%rem3A, %broadcast_in_dim3A_1983, %rem3A_1973] : memref<8x16x128xf32, #tpu.memory_space<vmem>>[vector<16xi32>, vector<16xi32>, vector<16xi32>], vector<16xf32>,
      %mul3A_1986 = arith.mulf %gather3A_1984, %gather3A_1985 : vector<16xf32>
      %add3A_1987 = arith.addf %add3A_1981, %mul3A_1986 : vector<16xf32>
      %broadcast_in_dim3A_1988 = arith.constant 2 : i32
      %broadcast_in_dim3A_1989 = vector.broadcast %broadcast_in_dim3A_1988 : i32 to vector<16xi32>
      %gather3A_1990 = tpu.vector_load_idx %arg11[%rem3A, %broadcast_in_dim3A_1989, %rem3A_1972] : memref<8x16x128xf32, #tpu.memory_space<vmem>>[vector<16xi32>, vector<16xi32>, vector<16xi32>], vector<16xf32>,
      %gather3A_1991 = tpu.vector_load_idx %arg12[%rem3A, %broadcast_in_dim3A_1989, %rem3A_1973] : memref<8x16x128xf32, #tpu.memory_space<vmem>>[vector<16xi32>, vector<16xi32>, vector<16xi32>], vector<16xf32>,
      %mul3A_1992 = arith.mulf %gather3A_1990, %gather3A_1991 : vector<16xf32>
      %add3A_1993 = arith.addf %add3A_1987, %mul3A_1992 : vector<16xf32>
      %broadcast_in_dim3A_1994 = arith.constant 3 : i32
      %broadcast_in_dim3A_1995 = vector.broadcast %broadcast_in_dim3A_1994 : i32 to vector<16xi32>
      %gather3A_1996 = tpu.vector_load_idx %arg11[%rem3A, %broadcast_in_dim3A_1995, %rem3A_1972] : memref<8x16x128xf32, #tpu.memory_space<vmem>>[vector<16xi32>, vector<16xi32>, vector<16xi32>], vector<16xf32>,
      %gather3A_1997 = tpu.vector_load_idx %arg12[%rem3A, %broadcast_in_dim3A_1995, %rem3A_1973] : memref<8x16x128xf32, #tpu.memory_space<vmem>>[vector<16xi32>, vector<16xi32>, vector<16xi32>], vector<16xf32>,
      %mul3A_1998 = arith.mulf %gather3A_1996, %gather3A_1997 : vector<16xf32>
      %add3A_1999 = arith.addf %add3A_1993, %mul3A_1998 : vector<16xf32>
      %broadcast_in_dim3A_2000 = arith.constant 4 : i32
      %broadcast_in_dim3A_2001 = vector.broadcast %broadcast_in_dim3A_2000 : i32 to vector<16xi32>
      %gather3A_2002 = tpu.vector_load_idx %arg11[%rem3A, %broadcast_in_dim3A_2001, %rem3A_1972] : memref<8x16x128xf32, #tpu.memory_space<vmem>>[vector<16xi32>, vector<16xi32>, vector<16xi32>], vector<16xf32>,
      %gather3A_2003 = tpu.vector_load_idx %arg12[%rem3A, %broadcast_in_dim3A_2001, %rem3A_1973] : memref<8x16x128xf32, #tpu.memory_space<vmem>>[vector<16xi32>, vector<16xi32>, vector<16xi32>], vector<16xf32>,
      %mul3A_2004 = arith.mulf %gather3A_2002, %gather3A_2003 : vector<16xf32>
      %add3A_2005 = arith.addf %add3A_1999, %mul3A_2004 : vector<16xf32>
      %broadcast_in_dim3A_2006 = arith.constant 5 : i32
      %broadcast_in_dim3A_2007 = vector.broadcast %broadcast_in_dim3A_2006 : i32 to vector<16xi32>
      %gather3A_2008 = tpu.vector_load_idx %arg11[%rem3A, %broadcast_in_dim3A_2007, %rem3A_1972] : memref<8x16x128xf32, #tpu.memory_space<vmem>>[vector<16xi32>, vector<16xi32>, vector<16xi32>], vector<16xf32>,
      %gather3A_2009 = tpu.vector_load_idx %arg12[%rem3A, %broadcast_in_dim3A_2007, %rem3A_1973] : memref<8x16x128xf32, #tpu.memory_space<vmem>>[vector<16xi32>, vector<16xi32>, vector<16xi32>], vector<16xf32>,
      %mul3A_2010 = arith.mulf %gather3A_2008, %gather3A_2009 : vector<16xf32>
      %add3A_2011 = arith.addf %add3A_2005, %mul3A_2010 : vector<16xf32>
      %broadcast_in_dim3A_2012 = arith.constant 6 : i32
      %broadcast_in_dim3A_2013 = vector.broadcast %broadcast_in_dim3A_2012 : i32 to vector<16xi32>
      %gather3A_2014 = tpu.vector_load_idx %arg11[%rem3A, %broadcast_in_dim3A_2013, %rem3A_1972] : memref<8x16x128xf32, #tpu.memory_space<vmem>>[vector<16xi32>, vector<16xi32>, vector<16xi32>], vector<16xf32>,
      %gather3A_2015 = tpu.vector_load_idx %arg12[%rem3A, %broadcast_in_dim3A_2013, %rem3A_1973] : memref<8x16x128xf32, #tpu.memory_space<vmem>>[vector<16xi32>, vector<16xi32>, vector<16xi32>], vector<16xf32>,
      %mul3A_2016 = arith.mulf %gather3A_2014, %gather3A_2015 : vector<16xf32>
      %add3A_2017 = arith.addf %add3A_2011, %mul3A_2016 : vector<16xf32>
      %broadcast_in_dim3A_2018 = arith.constant 7 : i32
      %broadcast_in_dim3A_2019 = vector.broadcast %broadcast_in_dim3A_2018 : i32 to vector<16xi32>
      %gather3A_2020 = tpu.vector_load_idx %arg11[%rem3A, %broadcast_in_dim3A_2019, %rem3A_1972] : memref<8x16x128xf32, #tpu.memory_space<vmem>>[vector<16xi32>, vector<16xi32>, vector<16xi32>], vector<16xf32>,
      %gather3A_2021 = tpu.vector_load_idx %arg12[%rem3A, %broadcast_in_dim3A_2019, %rem3A_1973] : memref<8x16x128xf32, #tpu.memory_space<vmem>>[vector<16xi32>, vector<16xi32>, vector<16xi32>], vector<16xf32>,
      %mul3A_2022 = arith.mulf %gather3A_2020, %gather3A_2021 : vector<16xf32>
      %add3A_2023 = arith.addf %add3A_2017, %mul3A_2022 : vector<16xf32>
      %broadcast_in_dim3A_2024 = arith.constant 8 : i32
      %broadcast_in_dim3A_2025 = vector.broadcast %broadcast_in_dim3A_2024 : i32 to vector<16xi32>
      %gather3A_2026 = tpu.vector_load_idx %arg11[%rem3A, %broadcast_in_dim3A_2025, %rem3A_1972] : memref<8x16x128xf32, #tpu.memory_space<vmem>>[vector<16xi32>, vector<16xi32>, vector<16xi32>], vector<16xf32>,
      %gather3A_2027 = tpu.vector_load_idx %arg12[%rem3A, %broadcast_in_dim3A_2025, %rem3A_1973] : memref<8x16x128xf32, #tpu.memory_space<vmem>>[vector<16xi32>, vector<16xi32>, vector<16xi32>], vector<16xf32>,
      %mul3A_2028 = arith.mulf %gather3A_2026, %gather3A_2027 : vector<16xf32>
      %add3A_2029 = arith.addf %add3A_2023, %mul3A_2028 : vector<16xf32>
      %broadcast_in_dim3A_2030 = arith.constant 9 : i32
      %broadcast_in_dim3A_2031 = vector.broadcast %broadcast_in_dim3A_2030 : i32 to vector<16xi32>
      %gather3A_2032 = tpu.vector_load_idx %arg11[%rem3A, %broadcast_in_dim3A_2031, %rem3A_1972] : memref<8x16x128xf32, #tpu.memory_space<vmem>>[vector<16xi32>, vector<16xi32>, vector<16xi32>], vector<16xf32>,
      %gather3A_2033 = tpu.vector_load_idx %arg12[%rem3A, %broadcast_in_dim3A_2031, %rem3A_1973] : memref<8x16x128xf32, #tpu.memory_space<vmem>>[vector<16xi32>, vector<16xi32>, vector<16xi32>], vector<16xf32>,
      %mul3A_2034 = arith.mulf %gather3A_2032, %gather3A_2033 : vector<16xf32>
      %add3A_2035 = arith.addf %add3A_2029, %mul3A_2034 : vector<16xf32>
      %broadcast_in_dim3A_2036 = arith.constant 10 : i32
      %broadcast_in_dim3A_2037 = vector.broadcast %broadcast_in_dim3A_2036 : i32 to vector<16xi32>
      %gather3A_2038 = tpu.vector_load_idx %arg11[%rem3A, %broadcast_in_dim3A_2037, %rem3A_1972] : memref<8x16x128xf32, #tpu.memory_space<vmem>>[vector<16xi32>, vector<16xi32>, vector<16xi32>], vector<16xf32>,
      %gather3A_2039 = tpu.vector_load_idx %arg12[%rem3A, %broadcast_in_dim3A_2037, %rem3A_1973] : memref<8x16x128xf32, #tpu.memory_space<vmem>>[vector<16xi32>, vector<16xi32>, vector<16xi32>], vector<16xf32>,
      %mul3A_2040 = arith.mulf %gather3A_2038, %gather3A_2039 : vector<16xf32>
      %add3A_2041 = arith.addf %add3A_2035, %mul3A_2040 : vector<16xf32>
      %broadcast_in_dim3A_2042 = arith.constant 11 : i32
      %broadcast_in_dim3A_2043 = vector.broadcast %broadcast_in_dim3A_2042 : i32 to vector<16xi32>
      %gather3A_2044 = tpu.vector_load_idx %arg11[%rem3A, %broadcast_in_dim3A_2043, %rem3A_1972] : memref<8x16x128xf32, #tpu.memory_space<vmem>>[vector<16xi32>, vector<16xi32>, vector<16xi32>], vector<16xf32>,
      %gather3A_2045 = tpu.vector_load_idx %arg12[%rem3A, %broadcast_in_dim3A_2043, %rem3A_1973] : memref<8x16x128xf32, #tpu.memory_space<vmem>>[vector<16xi32>, vector<16xi32>, vector<16xi32>], vector<16xf32>,
      %mul3A_2046 = arith.mulf %gather3A_2044, %gather3A_2045 : vector<16xf32>
      %add3A_2047 = arith.addf %add3A_2041, %mul3A_2046 : vector<16xf32>
      %broadcast_in_dim3A_2048 = arith.constant 12 : i32
      %broadcast_in_dim3A_2049 = vector.broadcast %broadcast_in_dim3A_2048 : i32 to vector<16xi32>
      %gather3A_2050 = tpu.vector_load_idx %arg11[%rem3A, %broadcast_in_dim3A_2049, %rem3A_1972] : memref<8x16x128xf32, #tpu.memory_space<vmem>>[vector<16xi32>, vector<16xi32>, vector<16xi32>], vector<16xf32>,
      %gather3A_2051 = tpu.vector_load_idx %arg12[%rem3A, %broadcast_in_dim3A_2049, %rem3A_1973] : memref<8x16x128xf32, #tpu.memory_space<vmem>>[vector<16xi32>, vector<16xi32>, vector<16xi32>], vector<16xf32>,
      %mul3A_2052 = arith.mulf %gather3A_2050, %gather3A_2051 : vector<16xf32>
      %add3A_2053 = arith.addf %add3A_2047, %mul3A_2052 : vector<16xf32>
      %broadcast_in_dim3A_2054 = arith.constant 13 : i32
      %broadcast_in_dim3A_2055 = vector.broadcast %broadcast_in_dim3A_2054 : i32 to vector<16xi32>
      %gather3A_2056 = tpu.vector_load_idx %arg11[%rem3A, %broadcast_in_dim3A_2055, %rem3A_1972] : memref<8x16x128xf32, #tpu.memory_space<vmem>>[vector<16xi32>, vector<16xi32>, vector<16xi32>], vector<16xf32>,
      %gather3A_2057 = tpu.vector_load_idx %arg12[%rem3A, %broadcast_in_dim3A_2055, %rem3A_1973] : memref<8x16x128xf32, #tpu.memory_space<vmem>>[vector<16xi32>, vector<16xi32>, vector<16xi32>], vector<16xf32>,
      %mul3A_2058 = arith.mulf %gather3A_2056, %gather3A_2057 : vector<16xf32>
      %add3A_2059 = arith.addf %add3A_2053, %mul3A_2058 : vector<16xf32>
      %broadcast_in_dim3A_2060 = arith.constant 14 : i32
      %broadcast_in_dim3A_2061 = vector.broadcast %broadcast_in_dim3A_2060 : i32 to vector<16xi32>
      %gather3A_2062 = tpu.vector_load_idx %arg11[%rem3A, %broadcast_in_dim3A_2061, %rem3A_1972] : memref<8x16x128xf32, #tpu.memory_space<vmem>>[vector<16xi32>, vector<16xi32>, vector<16xi32>], vector<16xf32>,
      %gather3A_2063 = tpu.vector_load_idx %arg12[%rem3A, %broadcast_in_dim3A_2061, %rem3A_1973] : memref<8x16x128xf32, #tpu.memory_space<vmem>>[vector<16xi32>, vector<16xi32>, vector<16xi32>], vector<16xf32>,
      %mul3A_2064 = arith.mulf %gather3A_2062, %gather3A_2063 : vector<16xf32>
      %add3A_2065 = arith.addf %add3A_2059, %mul3A_2064 : vector<16xf32>
      %broadcast_in_dim3A_2066 = arith.constant 15 : i32
      %broadcast_in_dim3A_2067 = vector.broadcast %broadcast_in_dim3A_2066 : i32 to vector<16xi32>
      %gather3A_2068 = tpu.vector_load_idx %arg11[%rem3A, %broadcast_in_dim3A_2067, %rem3A_1972] : memref<8x16x128xf32, #tpu.memory_space<vmem>>[vector<16xi32>, vector<16xi32>, vector<16xi32>], vector<16xf32>,
      %gather3A_2069 = tpu.vector_load_idx %arg12[%rem3A, %broadcast_in_dim3A_2067, %rem3A_1973] : memref<8x16x128xf32, #tpu.memory_space<vmem>>[vector<16xi32>, vector<16xi32>, vector<16xi32>], vector<16xf32>,
      %mul3A_2070 = arith.mulf %gather3A_2068, %gather3A_2069 : vector<16xf32>
      %add3A_2071 = arith.addf %add3A_2065, %mul3A_2070 : vector<16xf32>
      %neg3A_2072 = arith.constant 0.000000e+00 : f32
      %neg3A_2073 = vector.broadcast %neg3A_2072 : f32 to vector<16xf32>
      %neg3A_2074 = arith.subf %neg3A_2073, %add3A_2071 : vector<16xf32>
      %exp3A_2075 = math.exp %neg3A_2074 : vector<16xf32>
      %add3A_2076 = arith.constant 1.000000e+00 : f32
      %add3A_2077 = vector.broadcast %add3A_2076 : f32 to vector<16xf32>
      %add3A_2078 = arith.addf %add3A_2077, %exp3A_2075 : vector<16xf32>
      %div3A_2079 = arith.constant 1.000000e+00 : f32
      %div3A_2080 = vector.broadcast %div3A_2079 : f32 to vector<16xf32>
      %div3A_2081 = arith.divf %div3A_2080, %add3A_2078 : vector<16xf32>
      %mul3A_2082 = arith.constant 8 : i32
      %mul3A_2083 = arith.muli %add3A_682, %mul3A_2082 : i32
      %broadcast_in_dim3A_2084 = vector.broadcast %mul3A_2083 : i32 to vector<16xi32>
      %add3A_2085 = arith.addi %broadcast_in_dim3A_2084, %iota3A : vector<16xi32>
      tpu.vector_store_idx %arg13[%add3A_2085], %div3A_2081 masked %lt3A : memref<512xf32, #tpu.memory_space<vmem>>[vector<16xi32>], vector<16xf32>, vector<16xi1>
    }
    %scan3A_675 = arith.constant 32 : i32
    "tpu.region"() ({
      %run_scoped3A = tpu.sem_alloc : memref<!tpu.dma_semaphore, #tpu.memory_space<semaphore_mem>>
      %dma_start3A_676 = tpu.memref_slice %arg6[%mul3A_2] : memref<16384xf32, #tpu.memory_space<hbm>> -> memref<512xf32, #tpu.memory_space<hbm>>
      %dma_start3A_677 = tpu.memref_slice %arg6[%mul3A_2] : memref<16384xf32, #tpu.memory_space<hbm>> -> memref<512xf32, #tpu.memory_space<hbm>>
      tpu.enqueue_dma source(%arg13 : memref<512xf32, #tpu.memory_space<vmem>>) target(%dma_start3A_677 : memref<512xf32, #tpu.memory_space<hbm>>) target_semaphore(%run_scoped3A : memref<!tpu.dma_semaphore, #tpu.memory_space<semaphore_mem>>)
      %dma_wait3A = tpu.memref_slice %arg6[%mul3A_2] : memref<16384xf32, #tpu.memory_space<hbm>> -> memref<512xf32, #tpu.memory_space<hbm>>
      %dma_wait3A_678 = tpu.memref_slice %arg6[%mul3A_2] : memref<16384xf32, #tpu.memory_space<hbm>> -> memref<512xf32, #tpu.memory_space<hbm>>
      tpu.wait_dma2 semaphore(%run_scoped3A : memref<!tpu.dma_semaphore, #tpu.memory_space<semaphore_mem>>) src(%arg13 : memref<512xf32, #tpu.memory_space<vmem>>) dst(%dma_wait3A_678 : memref<512xf32, #tpu.memory_space<hbm>>)
      tpu.yield
    }) : () -> ()
    return
  }
}

</mosaic_0001>

<sc_bundles>
// kernel: kernel.3.cloned.1.call-start
scs
__scs_entry_jumppad:
0x0: {  	(pc) =	sbr.rel $0x88, $3  }
0x1: {  	(tag) =	ssettag $0x0;
	lr =	simm.s32 $0x1  }
0x2: {  	[smem:$0x3F9E] =	sst lr;
	_ =	strace $0xD0000000  }
0x3: {  	_ = 	snop  }
0x4: {  	_ = 	snop  }
0x5: {  	_ = 	snop  }
0x6: {  	_ = 	snop  }
0x7: {  	_ = 	snop  }
__scs_overlays_trampoline_lowered:
0x8: {  	[smem:$0x3FAD] =	sst s0  }
0x9: {  	[smem:$0x3FAE] =	sst s1  }
0xa: {  	[smem:$0x3FAF] =	sst s2  }
0xb: {  	[smem:$0x3FB0] =	sst s3  }
0xc: {  	[smem:$0x3FB1] =	sst s4  }
0xd: {  	[smem:$0x3FB2] =	sst s5  }
0xe: {  	[smem:$0x3FB3] =	sst s6  }
0xf: {  	[smem:$0x3FB4] =	sst s7  }
0x10: {  	[smem:$0x3FB5] =	sst s8  }
0x11: {  	[smem:$0x3FB6] =	sst s9;
	s0 =	simm.s32 @!p0 $0x0  }
0x12: {  	s1 =	sld [smem:$0x3F9C];
	s0 =	simm.s32 @p0 $0x1  }
0x13: {  	[smem:$0x3FB7] =	sst s0;
	s0 =	simm.s32 @!p1 $0x0  }
0x14: {  	s2 =	sld [smem:$0x3F9B];
	s0 =	simm.s32 @p1 $0x1  }
0x15: {  	[smem:$0x3FB8] =	sst s0;
	s0 =	simm.s32 @!p2 $0x0  }
0x16: {  	s3 =	sld [smem:$0x3FDB];
	s0 =	simm.s32 @p2 $0x1  }
0x17: {  	s4 =	simm.s32 $0x1BF5;
	[smem:$0x3FBA] =	sst s0  }
0x18: {  	s0 =	sld [smem:$0x3F9D];
	_ =	swait.ge [sflag:s4], $0x0  }
0x19: {  	s7 =	sld [smem:$0x3F9E]  }
0x1a: {  	s8 =	sadd.s32 $0xFFFFE003, lr  }
0x1b: {  	s9 =	sadd.s32 $0xFFFFFEF7, lr;
	s5 =	simm.s32 $0xFFFFFFFF;
	p2 =	slt.u32 s8, $0xFFFFF086  }
0x1c: {  	p1 =	slt.u32 s9, $0xF7A;
	s5 =	simm.s32 @!p2 $0x0  }
0x1d: {  	s5 =	simm.s32 @p1 $0x1;
	p0 =	seq.s32 s7, s2  }
0x1e: {  	s7 =	smul.u32 @!p0 $0xF7A, s2;
	p2 =	seq.s32 @!p0 s5, $0x0  }
0x1f: {  	s9 =	smul.u32 $0xF7A, s1;
	s8 =	simm.s32 @!p0 $0x1BF5;
	p2 =	por !p2, p0  }
0x20: {  	[sflag:s8] =	ssyncset.s32 @!p0 $0xFFFFF086;
	s6 =	sadd.s32 @!p0 s3, s7;
	s7 =	simm.s32 @!p0 $0x108  }
0x21: {  	s3 =	sadd.s32 s3, s9;
	s6 =	sadd.s32 @!p0 $0x88, s6;
	s7 =	simm.s32 @p2 $0x1082  }
0x22: {  	[simem:s7], [sflag:s8] =	dma.local @!p0 [hbm:s6], $0xF7A  }
0x23: {  	s9 =	sor.u32 $0xD0000000, s2;
	s6 =	simm.s32 $0x108;
	_ =	swait.ge @!p0 [sflag:s8], $0x0  }
0x24: {  	s3 =	sadd.s32 $0x88, s3;
	s6 =	simm.s32 @!p1 $0x1082;
	[sflag:s4] =	ssyncset.s32 $0xFFFFF086  }
0x25: {  	[simem:s6], [sflag:s4] =	dma.local [hbm:s3], $0xF7A  }
0x26: {  	[smem:$0x3F9E] =	sst s1;
	(tag) =	ssettag s2;
	_ =	strace s9  }
0x27: {  	s1 =	sld [smem:$0x3FAE]  }
0x28: {  	s2 =	sld [smem:$0x3FAF]  }
0x29: {  	s4 =	sld [smem:$0x3FB1]  }
0x2a: {  	p0 =	seq.s32 s5, $0x0;
	s5 =	sld [smem:$0x3FB2]  }
0x2b: {  	s6 =	sld [smem:$0x3FB3]  }
0x2c: {  	s7 =	sld [smem:$0x3FB4]  }
0x2d: {  	s3 =	simm.s32 $0x108;
	s8 =	sld [smem:$0x3FB5]  }
0x2e: {  	s3 =	simm.s32 @!p0 $0x1082;
	s9 =	sld [smem:$0x3FB6]  }
0x2f: {  	lr =	sadd.s32 s0, s3;
	s0 =	sld [smem:$0x3FAD]  }
0x30: {  	s3 =	sld [smem:$0x3FB0]  }
0x31: {  	[smem:$0x3FB9] =	sst s10  }
0x32: {  	s10 =	sld [smem:$0x3FB7];
	_ =	sdelay $0x3  }
0x33: {  	p0 =	seq.s32 s10, $0x1;
	s10 =	sld [smem:$0x3FB9];
	_ =	sdelay $0x3  }
0x34: {  	[smem:$0x3FB9] =	sst s10  }
0x35: {  	s10 =	sld [smem:$0x3FB8];
	_ =	sdelay $0x3  }
0x36: {  	p1 =	seq.s32 s10, $0x1;
	s10 =	sld [smem:$0x3FB9];
	_ =	sdelay $0x3  }
0x37: {  	[smem:$0x3FB9] =	sst s10  }
0x38: {  	s10 =	sld [smem:$0x3FBA]  }
0x39: {  	_ = 	snop;
	(pc) =	sbr.ind lr, $3  }
0x3a: {  	_ = 	snop  }
0x3b: {  	_ = 	snop  }
0x3c: {  	p2 =	seq.s32 s10, $0x1;
	s10 =	sld [smem:$0x3FB9]  }
0x3d: {  	_ =	shalt  }
0x3e: {  	_ =	shalt  }
0x3f: {  	_ =	shalt  }
0x40: {  	_ =	shalt  }
0x41: {  	_ =	shalt  }
0x42: {  	_ =	shalt  }
0x43: {  	_ =	shalt  }
0x44: {  	_ =	shalt  }
0x45: {  	_ =	shalt  }
0x46: {  	_ =	shalt  }
0x47: {  	_ =	shalt  }
0x48: {  	_ =	shalt  }
0x49: {  	_ =	shalt  }
0x4a: {  	_ =	shalt  }
0x4b: {  	_ =	shalt  }
0x4c: {  	_ =	shalt  }
0x4d: {  	_ =	shalt  }
0x4e: {  	_ =	shalt  }
0x4f: {  	_ =	shalt  }
0x50: {  	_ =	shalt  }
0x51: {  	_ =	shalt  }
0x52: {  	_ =	shalt  }
0x53: {  	_ =	shalt  }
0x54: {  	_ =	shalt  }
0x55: {  	_ =	shalt  }
0x56: {  	_ =	shalt  }
0x57: {  	_ =	shalt  }
0x58: {  	_ =	shalt  }
0x59: {  	_ =	shalt  }
0x5a: {  	_ =	shalt  }
0x5b: {  	_ =	shalt  }
0x5c: {  	_ =	shalt  }
0x5d: {  	_ =	shalt  }
0x5e: {  	_ =	shalt  }
0x5f: {  	_ =	shalt  }
0x60: {  	_ =	shalt  }
0x61: {  	_ =	shalt  }
0x62: {  	_ =	shalt  }
0x63: {  	_ =	shalt  }
0x64: {  	_ =	shalt  }
0x65: {  	_ =	shalt  }
0x66: {  	_ =	shalt  }
0x67: {  	_ =	shalt  }
0x68: {  	_ =	shalt  }
0x69: {  	_ =	shalt  }
0x6a: {  	_ =	shalt  }
0x6b: {  	_ =	shalt  }
0x6c: {  	_ =	shalt  }
0x6d: {  	_ =	shalt  }
0x6e: {  	_ =	shalt  }
0x6f: {  	_ =	shalt  }
0x70: {  	_ =	shalt  }
0x71: {  	_ =	shalt  }
0x72: {  	_ =	shalt  }
0x73: {  	_ =	shalt  }
0x74: {  	_ =	shalt  }
0x75: {  	_ =	shalt  }
0x76: {  	_ =	shalt  }
0x77: {  	_ =	shalt  }
0x78: {  	_ =	shalt  }
0x79: {  	_ =	shalt  }
0x7a: {  	_ =	shalt  }
0x7b: {  	_ =	shalt  }
0x7c: {  	_ =	shalt  }
0x7d: {  	_ =	shalt  }
0x7e: {  	_ =	shalt  }
0x7f: {  	_ =	shalt  }
0x80: {  	_ =	shalt  }
0x81: {  	_ =	shalt  }
0x82: {  	_ =	shalt  }
0x83: {  	_ =	shalt  }
0x84: {  	_ =	shalt  }
0x85: {  	_ =	shalt  }
0x86: {  	_ =	shalt  }
0x87: {  	_ =	shalt  }
.Lfunc_end0:
.L_simem_size_0:
called_computation_lowered:
.L_overlay_start_0:
0x88: {  	s2 =	sld [smem:$0x3FD9]  }
0x89: {  	s3 =	sld [smem:$0x3FFE];
	_ =	sdelay $0x1  }
0x8a: {  	s1 =	srdreg.scid  }
0x8b: {  	s0 =	sand.u32 $0x1, s1  }
0x8c: {  	s17 =	sshll.u32 s0, $0xA;
	s2 =	sadd.s32 s3, s2  }
0x8d: {  	s2 =	sadd.s32 s2, s17  }
0x8e: {  	[smem:$0x3FC5] =	sst s2  }
0x8f: {  	_ = 	snop  }
0x90: {  	s2 =	sld [smem:$0x3FC8]  }
0x91: {  	s18 =	sld [smem:$0x3FC7]  }
0x92: {  	s4 =	sld [smem:$0x3FD0];
	(tm) =	ssettm $0x1  }
0x93: {  	s5 =	sld [smem:$0x3FFB];
	_ =	sdelay $0x3  }
0x94: {  	_ =	strace s5  }
0x95: {  	s5 =	sld [smem:$0x3FFC];
	_ =	sdelay $0x3  }
0x96: {  	_ =	strace s5  }
0x97: {  	s5 =	sld [smem:$0x3FFD];
	_ =	sdelay $0x3  }
0x98: {  	_ =	strace s5  }
0x99: {  	_ =	strace $0x8FFFFFFF  }
0x9a: {  	s19 =	sld [smem:$0x3FDB];
	_ =	sdelay $0x1  }
0x9b: {  	s6 =	simm.s32 $_scs_section_size  }
0x9c: {  	s7 =	simm.s32 $_size__tile_overlayer_lowered;
	s8 =	simm.s32 $_tile_overlayer_lowered  }
0x9d: {  	s22 =	simm.s32 $0x1BFF;
	s21 =	sshll.u32 s8, $0x1;
	s5 =	sadd.s32 s6, s19  }
0x9e: {  	s9 =	simm.s32 $0x0;
	s20 =	sshll.u32 s7, $0x1;
	s7 =	sadd.s32 s21, s5  }
0x9f: {  	[timem:s9], [sflag:s22] =	dma.local [hbm:s7], s20  }
0xa0: {  	_ =	swait.ge [sflag:s22], s20  }
0xa1: {  	s6 =	ssub.s32 $0x0, s20;
	[sflag:s22] =	ssyncset.done $0x0  }
0xa2: {  	[sflag:s22] =	ssyncadd.s32 s6;
	_ =	sdelay $0x1  }
0xa3: {  	s23 =	simm.s32 $0x1B8B  }
0xa4: {  	_ =	swait.ge [sflag:s23], $0x1  }
0xa5: {  	[sflag:s23] =	ssyncset.done $0x0  }
0xa6: {  	s25 =	simm.s32 $0x1B8E;
	s24 =	sld [smem:$0x3FFE];
	[sflag:s23] =	ssyncadd.s32 $0xFFFFFFFF  }
0xa7: {  	s26 =	simm.s32 $execute0_lowered;
	[smem:$0x3FD2] =	sst s25  }
0xa8: {  	s7 =	sshll.u32 s26, $0x1;
	_ =	strace $0x80000046;
	[dreg:$0x1] =	wrdreg $0xFFFFFFFF  }
0xa9: {  	s28 =	simm.s32 $_size_execute0_lowered;
	s5 =	sadd.s32 s5, s7;
	[dreg:$0x0] =	wrdreg $0x0  }
0xaa: {  	s7 =	sshll.u32 s28, $0x1;
	[dreg:$0x2] =	wrdreg s5  }
0xab: {  	[dreg:$0x3] =	wrdreg s7  }
0xac: {  	[dreg:$0x4] =	wrdreg $0xC0  }
0xad: {  	_ =	task [dreg:s9], $0x5FFFF  }
0xae: {  	[dreg:$0x1] =	wrdreg $0xFFFFFFFF  }
0xaf: {  	[dreg:$0x0] =	wrdreg $0x60  }
0xb0: {  	[dreg:$0x2] =	wrdreg s24  }
0xb1: {  	[dreg:$0x3] =	wrdreg s2  }
0xb2: {  	[dreg:$0x4] =	wrdreg s18  }
0xb3: {  	[dreg:$0x5] =	wrdreg s4  }
0xb4: {  	[dreg:$0x6] =	wrdreg $0x9  }
0xb5: {  	_ =	task.clear_ibuf [dreg:s9], $0x7FFFF;
	_ =	strace $0x90000046  }
0xb6: {  	s29 =	simm.s32 $0x9;
	_ =	strace $0x80000048  }
0xb7: {  	_ =	swait.ge [sflag:s29], $0x1  }
0xb8: {  	[sflag:s29] =	ssyncadd.s32 $0xFFFFFFFF  }
0xb9: {  	_ =	strace $0x90000048  }
0xba: {  	_ =	sfence  }
0xbb: {  	s30 =	sld [smem:$0x0];
	_ =	sdelay $0x2  }
0xbc: {  	s31 =	sshll.u32 s1, $0xD;
	s1 =	sshrl.u32 s1, $0x2  }
0xbd: {  	s3 =	sand.u32 $0x4000, s31;
	s1 =	sadd.s32 s1, s30  }
0xbe: {  	s0 =	sor.u32 s3, s0;
	s1 =	sshll.u32 s1, $0x11  }
0xbf: {  	s0 =	sor.u32 s1, s0  }
0xc0: {  	s0 =	sadd.s32 $0x8F2B, s0  }
0xc1: {  	[sflag:s0] =	ssyncadd.remote.s32 $0x1  }
0xc2: {  	_ =	sfence.sel $0xFFFF  }
0xc3: {  	[dreg:$0x0] =	wrdreg $0xFFFFFFFF;
	(pc) =	sbr.abs _section_cstart, $3  }
0xc4: {  	[dreg:$0x1] =	wrdreg $0xFFFFFFFF  }
0xc5: {  	_ =	task.clear_ibuf [dreg:s9], $0x2FFFF;
	_ =	strace $0x9FFFFFFF  }
0xc6: {  	(tm) =	ssettm $0x7FFFFFFF  }
0xc7: {  	_ =	shalt  }
tec
execute0_lowered:
.L_overlay_start_1:
0x0: {  	(tag) =	ssettag $0x1  }
0x1: {  	s0 =	rddreg [dreg:$0x0]  }
0x2: {  	s1 =	rddreg [dreg:$0x1]  }
0x3: {  	s3 =	rddreg [dreg:$0x2]  }
0x4: {  	s2 =	rddreg [dreg:$0x3];
	s4 =	srdreg.scid  }
0x5: {  	s5 =	stileid.u32;
	s24 =	simm.s32 $0x0;
	s25 =	simm.s32 $0x3  }
0x6: {  	s11 =	simm.s32 $0x1;
	s12 =	simm.s32 $0x400;
	s13 =	simm.s32 $0x7A1400  }
0x7: {  	s14 =	simm.s32 $0x500;
	s15 =	simm.s32 $0x4500;
	s31 =	simm.s32 $0x8500  }
0x8: {  	s10 =	simm.s32 $0xCD00;
	s7 =	simm.s32 $0x9D00;
	s8 =	simm.s32 $0xDD00  }
0x9: {  	s9 =	simm.s32 $0xE500;
	s16 =	simm.s32 $0xAD00;
	s17 =	simm.s32 $0xED00  }
0xa: {  	s18 =	simm.s32 $0xB500;
	s19 =	simm.s32 $0xF500;
	s20 =	simm.s32 $0xBD00  }
0xb: {  	v0 =	vlaneseq.u32;
	s21 =	simm.s32 $0xFD00;
	s22 =	simm.s32 $0x10500;
	s23 =	simm.s32 $0x2  }
0xc: {  	s4 =	sand.u32 $0x1, s4;
	s5 =	sshll.u32 s5, $0x7;
	[smem:$0x7FF] =	sst s24;
	v1 =	vand.u32 $0x7, v0  }
0xd: {  	s6 =	sshll.u32 s4, $0x6;
	s4 =	ssub.s32 $0x2, s4;
	_ =	strace $0x80000047;
	v1 =	vmul.u32 $0x800, v1  }
0xe: {  	s5 =	sor.u32 s6, s5;
	s26 =	sshrl.u32 s4, $0x1;
	s6 =	simm.s32 $0xD500  }
.Ltmp0:
0xf: {  	s0 =	sadd.s32 s5, s0;
	s29 =	sadd.s32 s2, s5;
	v2 =	vor.u32 $0x80, v1;
	v3 =	vor.u32 $0x100, v1;
	v4 =	vor.u32 $0x180, v1;
	(pc) =	sbr.rel .LBB2_1-.Ltmp0, $4  }
0x10: {  	s4 =	ssub.s32 s4, s26;
	v5 =	vor.u32 $0x200, v1;
	v6 =	vor.u32 $0x280, v1;
	v7 =	vor.u32 $0x300, v1;
	s28 =	sadd.s32 $0xE00, s0;
	[dreg:$0x7] =	wrdreg s29  }
0x11: {  	s5 =	simm.s32 $0x9500;
	v8 =	vor.u32 $0x380, v1;
	v9 =	vor.u32 $0x400, v1;
	v10 =	vor.u32 $0x480, v1;
	s0 =	sadd.s32 $0x600, s0;
	[dreg:$0x5] =	wrdreg s28  }
0x12: {  	v11 =	vor.u32 $0x500, v1;
	v12 =	vor.u32 $0x580, v1;
	v13 =	vor.u32 $0x600, v1;
	s26 =	simm.s32 $0x0;
	s30 =	smax.u32 s4, $0x1;
	[dreg:$0x6] =	wrdreg s0  }
0x13: {  	v14 =	vor.u32 $0x680, v1;
	v15 =	vor.u32 $0x700, v1;
	v16 =	vor.u32 $0x780, v1;
	s4 =	simm.s32 $0xA500;
	[dreg:$0x8] =	wrdreg s30;
	s0 =	simm.s32 $0xC500  }
.LBB2_5:
0x14: {  	s24 =	simm.s32 $0x0;
	s2 =	rddreg [dreg:$0x7];
	s25 =	simm.s32 $0x3  }
0x15: {  	[hbm4b:s2+s24] =	stream.linear.scatter [tilespmem:s22], [sflag:$0x3], $0x200, $0x38;
	[tilespmem:$0x10700] =	vst v63  }
0x16: {  	_ =	swait.ge [sflag:s25], $0x200  }
0x17: {  	s26 =	rddreg [dreg:$0x9]  }
0x18: {  	s30 =	rddreg [dreg:$0x8];
	s26 =	sadd.s32 $0x1, s26  }
0x19: {  	p0 =	sne.s32 s26, s30  }
.Ltmp1:
0x1a: {  	_ = 	snop;
	(pc) =	sbr.rel @!p0 .LBB2_6-.Ltmp1, $3  }
0x1b: {  	_ =	sdelay $0x1  }
0x1c: {  	[sflag:s25] =	ssyncset.done $0x0  }
0x1d: {  	[sflag:s25] =	ssyncadd.s32 $0xFFFFFE00  }
.LBB2_1:
0x1e: {  	[dreg:$0x9] =	wrdreg s26  }
0x1f: {  	s2 =	rddreg [dreg:$0x5]  }
0x20: {  	[tilespmem:s24], [sflag:$0x3] =	stream.linear.gather [hbm4b:s2+s24], $0x200, $0x38;
	[tilespmem:$0x10700] =	vst v63  }
0x21: {  	_ =	swait.ge [sflag:s25], $0x200  }
0x22: {  	[sflag:s25] =	ssyncset.done $0x0  }
0x23: {  	s29 =	simm.s32 $0x280;
	s28 =	rddreg [dreg:$0x6];
	[sflag:s25] =	ssyncadd.s32 $0xFFFFFE00  }
0x24: {  	[tilespmem:s29], [sflag:$0x3] =	stream.linear.gather [hbm4b:s28+s24], $0x200, $0x38;
	[tilespmem:$0x10700] =	vst v63  }
0x25: {  	_ =	swait.ge [sflag:s25], $0x200  }
0x26: {  	[sflag:s25] =	ssyncset.done $0x0  }
0x27: {  	[sflag:s25] =	ssyncadd.s32 $0xFFFFFE00  }
0x28: {  	v18 =	vld [tilespmem:$0x280];
	_ =	sdelay $0x2  }
0x29: {  	v17 =	vld [tilespmem:$0x0];
	_ =	sdelay $0x1  }
0x2a: {  	(v2sf) =	vpush v18, $0x0;
	_ =	sdelay $0x2  }
0x2b: {  	(v2sf) =	vpush v17, $0x0;
	_ =	sdelay $0xa  }
0x2c: {  	(v2sf) =	vpush v18, $0x1  }
0x2d: {  	s24 =	spop (v2sf);
	(v2sf) =	vpush v17, $0x1;
	_ =	sdelay $0x2  }
0x2e: {  	s30 =	sand.u32 $0x7F, s24;
	s2 =	spop (v2sf)  }
0x2f: {  	s26 =	simm.s32 $0x1;
	p0 =	sne.s32 s30, $0x0;
	s29 =	sand.u32 $0x7F, s2  }
0x30: {  	s30 =	sshra.s32 s2, $0x1F;
	p2 =	slt.s32 s2, $0x1;
	p1 =	sne.s32 s29, $0x0  }
0x31: {  	s28 =	sshra.s32 s24, $0x1F;
	s25 =	sshrl.u32 s30, $0x19;
	p1 =	por !p2, !p1  }
0x32: {  	p6 =	slt.s32 s24, $0x1;
	s25 =	sadd.s32 s25, s2;
	p1 =	por !p1, !p1  }
0x33: {  	s28 =	sshrl.u32 s28, $0x19;
	s25 =	sshrl.u32 s25, $0x7;
	s26 =	simm.s32 @!p1 $0x0  }
0x34: {  	s24 =	sadd.s32 s28, s24;
	p0 =	por !p6, !p0;
	s25 =	ssub.s32 s25, s26  }
0x35: {  	p0 =	por !p0, !p0;
	s26 =	simm.s32 $0x1;
	s25 =	sshll.u32 s25, $0x7  }
0x36: {  	s24 =	sshrl.u32 s24, $0x7;
	s26 =	simm.s32 @!p0 $0x0;
	s25 =	sand.u32 $0x1FFFFF80, s25  }
0x37: {  	(v2sf) =	vpush v18, $0x2;
	s24 =	ssub.s32 s24, s26;
	s25 =	sadd.s32 s1, s25  }
0x38: {  	[tilespmem:s14], [sflag:$0x1] =	stream.strided.gather [hbm4b:s25+s12], $0x800, s13, s12, $0x38;
	[tilespmem:$0x10700] =	vst v63  }
0x39: {  	s24 =	sshll.u32 s24, $0x7;
	s25 =	spop (v2sf)  }
0x3a: {  	s24 =	sand.u32 $0x1FFFFF80, s24;
	s26 =	spop (v2sf);
	(v2sf) =	vpush v17, $0x2  }
0x3b: {  	s24 =	sadd.s32 s3, s24  }
0x3c: {  	s2 =	sand.u32 $0x7F, s25;
	s29 =	sshra.s32 s25, $0x1F;
	p6 =	slt.s32 s25, $0x1  }
0x3d: {  	[tilespmem:s15], [sflag:$0x1] =	stream.strided.gather [hbm4b:s24+s12], $0x800, s13, s12, $0x38;
	[tilespmem:$0x10700] =	vst v63  }
0x3e: {  	p3 =	sne.s32 s2, $0x0;
	s28 =	sshrl.u32 s29, $0x19;
	s30 =	sand.u32 $0x7F, s26  }
0x3f: {  	s2 =	sshra.s32 s26, $0x1F;
	p5 =	slt.s32 s26, $0x1;
	p4 =	sne.s32 s30, $0x0  }
0x40: {  	s25 =	sadd.s32 s28, s25;
	s24 =	sshrl.u32 s2, $0x19;
	p1 =	por !p5, !p4  }
0x41: {  	s24 =	sadd.s32 s24, s26;
	s26 =	simm.s32 $0x1;
	p1 =	por !p1, !p1  }
0x42: {  	p0 =	por !p6, !p3;
	s24 =	sshrl.u32 s24, $0x7;
	s26 =	simm.s32 @!p1 $0x0  }
0x43: {  	p0 =	por !p0, !p0;
	s24 =	ssub.s32 s24, s26;
	s26 =	simm.s32 $0x1  }
0x44: {  	s25 =	sshrl.u32 s25, $0x7;
	s26 =	simm.s32 @!p0 $0x0  }
0x45: {  	s24 =	sshll.u32 s24, $0x7;
	s25 =	ssub.s32 s25, s26  }
0x46: {  	s24 =	sand.u32 $0x1FFFFF80, s24;
	s29 =	sshll.u32 s25, $0x7;
	s25 =	spop (v2sf);
	(v2sf) =	vpush v18, $0x3  }
0x47: {  	s28 =	simm.s32 $0xD00;
	s24 =	sadd.s32 s1, s24  }
0x48: {  	[tilespmem:s28], [sflag:$0x1] =	stream.strided.gather [hbm4b:s24+s12], $0x800, s13, s12, $0x38;
	[tilespmem:$0x10700] =	vst v63  }
0x49: {  	s26 =	spop (v2sf);
	(v2sf) =	vpush v17, $0x3  }
0x4a: {  	s30 =	simm.s32 $0x4D00;
	s24 =	sand.u32 $0x1FFFFF80, s29;
	s2 =	sand.u32 $0x7F, s25  }
0x4b: {  	s29 =	sshra.s32 s25, $0x1F;
	p6 =	slt.s32 s25, $0x1;
	s24 =	sadd.s32 s3, s24  }
0x4c: {  	[tilespmem:s30], [sflag:$0x1] =	stream.strided.gather [hbm4b:s24+s12], $0x800, s13, s12, $0x38;
	[tilespmem:$0x10700] =	vst v63  }
0x4d: {  	p3 =	sne.s32 s2, $0x0;
	s28 =	sshrl.u32 s29, $0x19;
	s30 =	sand.u32 $0x7F, s26  }
0x4e: {  	s2 =	sshra.s32 s26, $0x1F;
	p5 =	slt.s32 s26, $0x1;
	p4 =	sne.s32 s30, $0x0  }
0x4f: {  	s25 =	sadd.s32 s28, s25;
	s24 =	sshrl.u32 s2, $0x19;
	p1 =	por !p5, !p4  }
0x50: {  	s24 =	sadd.s32 s24, s26;
	s26 =	simm.s32 $0x1;
	p1 =	por !p1, !p1  }
0x51: {  	p0 =	por !p6, !p3;
	s24 =	sshrl.u32 s24, $0x7;
	s26 =	simm.s32 @!p1 $0x0  }
0x52: {  	p0 =	por !p0, !p0;
	s24 =	ssub.s32 s24, s26;
	s26 =	simm.s32 $0x1  }
0x53: {  	s25 =	sshrl.u32 s25, $0x7;
	s26 =	simm.s32 @!p0 $0x0  }
0x54: {  	s24 =	sshll.u32 s24, $0x7;
	s25 =	ssub.s32 s25, s26  }
0x55: {  	s24 =	sand.u32 $0x1FFFFF80, s24;
	s29 =	sshll.u32 s25, $0x7;
	s25 =	spop (v2sf);
	(v2sf) =	vpush v18, $0x4  }
0x56: {  	s28 =	simm.s32 $0x1500;
	s24 =	sadd.s32 s1, s24  }
0x57: {  	[tilespmem:s28], [sflag:$0x1] =	stream.strided.gather [hbm4b:s24+s12], $0x800, s13, s12, $0x38;
	[tilespmem:$0x10700] =	vst v63  }
0x58: {  	s26 =	spop (v2sf);
	(v2sf) =	vpush v17, $0x4  }
0x59: {  	s30 =	simm.s32 $0x5500;
	s24 =	sand.u32 $0x1FFFFF80, s29;
	s2 =	sand.u32 $0x7F, s25  }
0x5a: {  	s29 =	sshra.s32 s25, $0x1F;
	p6 =	slt.s32 s25, $0x1;
	s24 =	sadd.s32 s3, s24  }
0x5b: {  	[tilespmem:s30], [sflag:$0x1] =	stream.strided.gather [hbm4b:s24+s12], $0x800, s13, s12, $0x38;
	[tilespmem:$0x10700] =	vst v63  }
0x5c: {  	p3 =	sne.s32 s2, $0x0;
	s28 =	sshrl.u32 s29, $0x19;
	s30 =	sand.u32 $0x7F, s26  }
0x5d: {  	s2 =	sshra.s32 s26, $0x1F;
	p5 =	slt.s32 s26, $0x1;
	p4 =	sne.s32 s30, $0x0  }
0x5e: {  	s25 =	sadd.s32 s28, s25;
	s24 =	sshrl.u32 s2, $0x19;
	p1 =	por !p5, !p4  }
0x5f: {  	s24 =	sadd.s32 s24, s26;
	s26 =	simm.s32 $0x1;
	p1 =	por !p1, !p1  }
0x60: {  	p0 =	por !p6, !p3;
	s24 =	sshrl.u32 s24, $0x7;
	s26 =	simm.s32 @!p1 $0x0  }
0x61: {  	p0 =	por !p0, !p0;
	s24 =	ssub.s32 s24, s26;
	s26 =	simm.s32 $0x1  }
0x62: {  	s25 =	sshrl.u32 s25, $0x7;
	s26 =	simm.s32 @!p0 $0x0  }
0x63: {  	s24 =	sshll.u32 s24, $0x7;
	s25 =	ssub.s32 s25, s26  }
0x64: {  	s24 =	sand.u32 $0x1FFFFF80, s24;
	s29 =	sshll.u32 s25, $0x7;
	s25 =	spop (v2sf);
	(v2sf) =	vpush v18, $0x5  }
0x65: {  	s28 =	simm.s32 $0x1D00;
	s24 =	sadd.s32 s1, s24  }
0x66: {  	[tilespmem:s28], [sflag:$0x1] =	stream.strided.gather [hbm4b:s24+s12], $0x800, s13, s12, $0x38;
	[tilespmem:$0x10700] =	vst v63  }
0x67: {  	s26 =	spop (v2sf);
	(v2sf) =	vpush v17, $0x5  }
0x68: {  	s30 =	simm.s32 $0x5D00;
	s24 =	sand.u32 $0x1FFFFF80, s29;
	s2 =	sand.u32 $0x7F, s25  }
0x69: {  	s29 =	sshra.s32 s25, $0x1F;
	p6 =	slt.s32 s25, $0x1;
	s24 =	sadd.s32 s3, s24  }
0x6a: {  	[tilespmem:s30], [sflag:$0x1] =	stream.strided.gather [hbm4b:s24+s12], $0x800, s13, s12, $0x38;
	[tilespmem:$0x10700] =	vst v63  }
0x6b: {  	p3 =	sne.s32 s2, $0x0;
	s28 =	sshrl.u32 s29, $0x19;
	s30 =	sand.u32 $0x7F, s26  }
0x6c: {  	s2 =	sshra.s32 s26, $0x1F;
	p5 =	slt.s32 s26, $0x1;
	p4 =	sne.s32 s30, $0x0  }
0x6d: {  	s25 =	sadd.s32 s28, s25;
	s24 =	sshrl.u32 s2, $0x19;
	p1 =	por !p5, !p4  }
0x6e: {  	s24 =	sadd.s32 s24, s26;
	s26 =	simm.s32 $0x1;
	p1 =	por !p1, !p1  }
0x6f: {  	p0 =	por !p6, !p3;
	s24 =	sshrl.u32 s24, $0x7;
	s26 =	simm.s32 @!p1 $0x0  }
0x70: {  	p0 =	por !p0, !p0;
	s24 =	ssub.s32 s24, s26;
	s26 =	simm.s32 $0x1  }
0x71: {  	s25 =	sshrl.u32 s25, $0x7;
	s26 =	simm.s32 @!p0 $0x0  }
0x72: {  	s24 =	sshll.u32 s24, $0x7;
	s25 =	ssub.s32 s25, s26  }
0x73: {  	s24 =	sand.u32 $0x1FFFFF80, s24;
	s29 =	sshll.u32 s25, $0x7;
	s25 =	spop (v2sf);
	(v2sf) =	vpush v18, $0x6  }
0x74: {  	s28 =	simm.s32 $0x2500;
	s24 =	sadd.s32 s1, s24  }
0x75: {  	[tilespmem:s28], [sflag:$0x1] =	stream.strided.gather [hbm4b:s24+s12], $0x800, s13, s12, $0x38;
	[tilespmem:$0x10700] =	vst v63  }
0x76: {  	s30 =	simm.s32 $0x6500;
	s26 =	spop (v2sf);
	(v2sf) =	vpush v17, $0x6  }
0x77: {  	s24 =	sand.u32 $0x1FFFFF80, s29;
	s2 =	sand.u32 $0x7F, s25;
	s29 =	sshra.s32 s25, $0x1F  }
0x78: {  	p6 =	slt.s32 s25, $0x1;
	s24 =	sadd.s32 s3, s24;
	s28 =	sshrl.u32 s29, $0x19  }
0x79: {  	[tilespmem:s30], [sflag:$0x1] =	stream.strided.gather [hbm4b:s24+s12], $0x800, s13, s12, $0x38;
	[tilespmem:$0x10700] =	vst v63  }
0x7a: {  	p3 =	sne.s32 s2, $0x0;
	s25 =	sadd.s32 s28, s25;
	s30 =	sand.u32 $0x7F, s26  }
0x7b: {  	s2 =	sshra.s32 s26, $0x1F;
	p5 =	slt.s32 s26, $0x1;
	p4 =	sne.s32 s30, $0x0  }
0x7c: {  	p0 =	por !p6, !p3;
	s24 =	sshrl.u32 s2, $0x19;
	p1 =	por !p5, !p4  }
0x7d: {  	s24 =	sadd.s32 s24, s26;
	s26 =	simm.s32 $0x1;
	p1 =	por !p1, !p1  }
0x7e: {  	s28 =	simm.s32 $0x2D00;
	s24 =	sshrl.u32 s24, $0x7;
	s26 =	simm.s32 @!p1 $0x0  }
0x7f: {  	p0 =	por !p0, !p0;
	s24 =	ssub.s32 s24, s26;
	s26 =	simm.s32 $0x1  }
0x80: {  	s25 =	sshrl.u32 s25, $0x7;
	s24 =	sshll.u32 s24, $0x7;
	s26 =	simm.s32 @!p0 $0x0  }
0x81: {  	s30 =	simm.s32 $0x6D00;
	s24 =	sand.u32 $0x1FFFFF80, s24;
	s25 =	ssub.s32 s25, s26  }
0x82: {  	s24 =	sadd.s32 s1, s24;
	s29 =	sshll.u32 s25, $0x7;
	s25 =	spop (v2sf)  }
0x83: {  	(v2sf) =	vpush v18, $0x7;
	[tilespmem:s28], [sflag:$0x1] =	stream.strided.gather [hbm4b:s24+s12], $0x800, s13, s12, $0x38;
	[tilespmem:$0x10700] =	vst v63  }
0x84: {  	s24 =	sand.u32 $0x1FFFFF80, s29;
	s2 =	sand.u32 $0x7F, s25;
	s29 =	sshra.s32 s25, $0x1F  }
0x85: {  	p6 =	slt.s32 s25, $0x1;
	s24 =	sadd.s32 s3, s24;
	s26 =	spop (v2sf);
	(v2sf) =	vpush v17, $0x7  }
0x86: {  	[tilespmem:s30], [sflag:$0x1] =	stream.strided.gather [hbm4b:s24+s12], $0x800, s13, s12, $0x38;
	[tilespmem:$0x10700] =	vst v63  }
0x87: {  	p3 =	sne.s32 s2, $0x0;
	s28 =	sshrl.u32 s29, $0x19;
	s30 =	sand.u32 $0x7F, s26  }
0x88: {  	s2 =	sshra.s32 s26, $0x1F;
	p5 =	slt.s32 s26, $0x1;
	p4 =	sne.s32 s30, $0x0  }
0x89: {  	s25 =	sadd.s32 s28, s25;
	s24 =	sshrl.u32 s2, $0x19;
	p1 =	por !p5, !p4  }
0x8a: {  	s24 =	sadd.s32 s24, s26;
	s26 =	simm.s32 $0x1;
	p1 =	por !p1, !p1  }
0x8b: {  	p0 =	por !p6, !p3;
	s24 =	sshrl.u32 s24, $0x7;
	s26 =	simm.s32 @!p1 $0x0  }
0x8c: {  	p0 =	por !p0, !p0;
	s24 =	ssub.s32 s24, s26;
	s26 =	simm.s32 $0x1  }
0x8d: {  	s25 =	sshrl.u32 s25, $0x7;
	s24 =	sshll.u32 s24, $0x7;
	s26 =	simm.s32 @!p0 $0x0  }
0x8e: {  	s24 =	sand.u32 $0x1FFFFF80, s24;
	s25 =	ssub.s32 s25, s26  }
0x8f: {  	s28 =	simm.s32 $0x3500;
	s24 =	sadd.s32 s1, s24;
	s29 =	sshll.u32 s25, $0x7  }
0x90: {  	[tilespmem:s28], [sflag:$0x1] =	stream.strided.gather [hbm4b:s24+s12], $0x800, s13, s12, $0x38;
	[tilespmem:$0x10700] =	vst v63  }
0x91: {  	s24 =	sand.u32 $0x1FFFFF80, s29  }
0x92: {  	s30 =	simm.s32 $0x7500;
	s25 =	spop (v2sf);
	s24 =	sadd.s32 s3, s24  }
0x93: {  	[tilespmem:s30], [sflag:$0x1] =	stream.strided.gather [hbm4b:s24+s12], $0x800, s13, s12, $0x38;
	[tilespmem:$0x10700] =	vst v63  }
0x94: {  	s2 =	sand.u32 $0x7F, s25;
	s26 =	spop (v2sf)  }
0x95: {  	s29 =	sshra.s32 s25, $0x1F;
	p3 =	sne.s32 s2, $0x0;
	s30 =	sand.u32 $0x7F, s26  }
0x96: {  	s2 =	sshra.s32 s26, $0x1F;
	p5 =	slt.s32 s26, $0x1;
	p4 =	sne.s32 s30, $0x0  }
0x97: {  	p6 =	slt.s32 s25, $0x1;
	s24 =	sshrl.u32 s2, $0x19;
	p1 =	por !p5, !p4  }
0x98: {  	s24 =	sadd.s32 s24, s26;
	s26 =	simm.s32 $0x1;
	p1 =	por !p1, !p1  }
0x99: {  	s28 =	sshrl.u32 s29, $0x19;
	s24 =	sshrl.u32 s24, $0x7;
	s26 =	simm.s32 @!p1 $0x0  }
0x9a: {  	s25 =	sadd.s32 s28, s25;
	p0 =	por !p6, !p3;
	s24 =	ssub.s32 s24, s26  }
0x9b: {  	p0 =	por !p0, !p0;
	s26 =	simm.s32 $0x1;
	s24 =	sshll.u32 s24, $0x7  }
0x9c: {  	s25 =	sshrl.u32 s25, $0x7;
	s26 =	simm.s32 @!p0 $0x0;
	s24 =	sand.u32 $0x1FFFFF80, s24  }
0x9d: {  	s28 =	simm.s32 $0x3D00;
	s25 =	ssub.s32 s25, s26;
	s24 =	sadd.s32 s1, s24  }
0x9e: {  	[tilespmem:s28], [sflag:$0x1] =	stream.strided.gather [hbm4b:s24+s12], $0x800, s13, s12, $0x38;
	[tilespmem:$0x10700] =	vst v63  }
.Ltmp2:
0x9f: {  	s29 =	sshll.u32 s25, $0x7;
	(pc) =	sbr.rel .LBB2_2-.Ltmp2, $4  }
0xa0: {  	s24 =	sand.u32 $0x1FFFFF80, s29  }
0xa1: {  	s30 =	simm.s32 $0x7D00;
	s24 =	sadd.s32 s3, s24  }
0xa2: {  	[tilespmem:s30], [sflag:$0x1] =	stream.strided.gather [hbm4b:s24+s12], $0x800, s13, s12, $0x38;
	[tilespmem:$0x10700] =	vst v63  }
0xa3: {  	s26 =	simm.s32 $0x0;
	s25 =	simm.s32 $0x8;
	s24 =	simm.s32 $0x288  }
.LBB2_4:
0xa4: {  	_ =	swait.ge [sflag:s23], $0x800  }
0xa5: {  	[sflag:s23] =	ssyncset.done $0x0  }
0xa6: {  	[sflag:s23] =	ssyncadd.s32 $0xFFFFF800  }
0xa7: {  	_ =	swait.ge [sflag:s23], $0x800  }
0xa8: {  	[sflag:s23] =	ssyncset.done $0x0  }
0xa9: {  	[sflag:s23] =	ssyncadd.s32 $0xFFFFF800  }
0xaa: {  	_ =	swait.ge [sflag:s23], $0x800  }
0xab: {  	[sflag:s23] =	ssyncset.done $0x0  }
0xac: {  	[sflag:s23] =	ssyncadd.s32 $0xFFFFF800  }
0xad: {  	_ =	swait.ge [sflag:s23], $0x800  }
0xae: {  	[sflag:s23] =	ssyncset.done $0x0  }
0xaf: {  	[sflag:s23] =	ssyncadd.s32 $0xFFFFF800  }
0xb0: {  	_ =	swait.ge [sflag:s23], $0x800  }
0xb1: {  	[sflag:s23] =	ssyncset.done $0x0  }
0xb2: {  	[sflag:s23] =	ssyncadd.s32 $0xFFFFF800  }
0xb3: {  	_ =	swait.ge [sflag:s23], $0x800  }
0xb4: {  	[sflag:s23] =	ssyncset.done $0x0  }
0xb5: {  	[sflag:s23] =	ssyncadd.s32 $0xFFFFF800  }
0xb6: {  	_ =	swait.ge [sflag:s23], $0x800  }
0xb7: {  	[sflag:s23] =	ssyncset.done $0x0  }
0xb8: {  	[sflag:s23] =	ssyncadd.s32 $0xFFFFF800  }
0xb9: {  	_ =	swait.ge [sflag:s23], $0x800  }
0xba: {  	[sflag:s23] =	ssyncset.done $0x0  }
0xbb: {  	[sflag:s23] =	ssyncadd.s32 $0xFFFFF800  }
0xbc: {  	_ =	swait.ge [sflag:s23], $0x800  }
0xbd: {  	[sflag:s23] =	ssyncset.done $0x0  }
0xbe: {  	[sflag:s23] =	ssyncadd.s32 $0xFFFFF800  }
0xbf: {  	_ =	swait.ge [sflag:s23], $0x800  }
0xc0: {  	[sflag:s23] =	ssyncset.done $0x0  }
0xc1: {  	[sflag:s23] =	ssyncadd.s32 $0xFFFFF800  }
0xc2: {  	_ =	swait.ge [sflag:s23], $0x800  }
0xc3: {  	[sflag:s23] =	ssyncset.done $0x0  }
0xc4: {  	[sflag:s23] =	ssyncadd.s32 $0xFFFFF800  }
0xc5: {  	_ =	swait.ge [sflag:s23], $0x800  }
0xc6: {  	[sflag:s23] =	ssyncset.done $0x0  }
0xc7: {  	[sflag:s23] =	ssyncadd.s32 $0xFFFFF800  }
0xc8: {  	_ =	swait.ge [sflag:s23], $0x800  }
0xc9: {  	[sflag:s23] =	ssyncset.done $0x0  }
0xca: {  	[sflag:s23] =	ssyncadd.s32 $0xFFFFF800  }
0xcb: {  	_ =	swait.ge [sflag:s23], $0x800  }
0xcc: {  	[sflag:s23] =	ssyncset.done $0x0  }
0xcd: {  	[sflag:s23] =	ssyncadd.s32 $0xFFFFF800  }
0xce: {  	_ =	swait.ge [sflag:s23], $0x800  }
0xcf: {  	[sflag:s23] =	ssyncset.done $0x0  }
0xd0: {  	[sflag:s23] =	ssyncadd.s32 $0xFFFFF800  }
0xd1: {  	_ =	swait.ge [sflag:s23], $0x800  }
0xd2: {  	[sflag:s23] =	ssyncset.done $0x0  }
0xd3: {  	[sflag:s23] =	ssyncadd.s32 $0xFFFFF800  }
0xd4: {  	v17 =	vld [tilespmem:s25+$0x0]  }
0xd5: {  	v18 =	vld [tilespmem:s24+$0x0];
	_ =	sdelay $0x3  }
0xd6: {  	v19 =	vshra.s32 v17, $0x1F  }
0xd7: {  	v20 =	vshra.s32 v18, $0x1F;
	v19 =	vshrl.u32 v19, $0x19  }
0xd8: {  	v20 =	vshrl.u32 v20, $0x19;
	v19 =	vadd.s32 v19, v17  }
0xd9: {  	v20 =	vadd.s32 v20, v18;
	v19 =	vshrl.u32 v19, $0x7  }
0xda: {  	v20 =	vshrl.u32 v20, $0x7;
	v19 =	vshll.u32 v19, $0x7  }
0xdb: {  	v17 =	vsub.s32 v17, v19;
	v19 =	vshll.u32 v20, $0x7  }
0xdc: {  	v18 =	vsub.s32 v18, v19;
	v19 =	vadd.s32 v1, v17  }
0xdd: {  	v51 =	vadd.s32 v1, v18  }
0xde: {  	v21 =	vadd.s32 v2, v17  }
0xdf: {  	v22 =	vadd.s32 v2, v18  }
0xe0: {  	v23 =	vadd.s32 v3, v17  }
0xe1: {  	v24 =	vadd.s32 v3, v18;
	v19 =	vld.idx.msk [tilespmem:v19+s31+$0x0], $0xffff  }
0xe2: {  	v25 =	vadd.s32 v4, v17;
	v20 =	vld.idx.msk [tilespmem:v51+s0+$0x0], $0xffff  }
0xe3: {  	v26 =	vadd.s32 v4, v18;
	v21 =	vld.idx.msk [tilespmem:v21+s31+$0x0], $0xffff  }
0xe4: {  	v27 =	vadd.s32 v5, v17;
	v22 =	vld.idx.msk [tilespmem:v22+s0+$0x0], $0xffff  }
0xe5: {  	v28 =	vadd.s32 v5, v18;
	v23 =	vld.idx.msk [tilespmem:v23+s31+$0x0], $0xffff  }
0xe6: {  	v29 =	vadd.s32 v6, v17;
	v24 =	vld.idx.msk [tilespmem:v24+s0+$0x0], $0xffff  }
0xe7: {  	v53 =	vadd.s32 v6, v18;
	v52 =	vld.idx.msk [tilespmem:v25+s31+$0x0], $0xffff;
	v19 =	vmul.f32 v20, v19  }
0xe8: {  	v30 =	vadd.s32 v7, v17;
	v26 =	vld.idx.msk [tilespmem:v26+s0+$0x0], $0xffff  }
0xe9: {  	v55 =	vadd.s32 v7, v18;
	v54 =	vld.idx.msk [tilespmem:v27+s31+$0x0], $0xffff;
	v21 =	vmul.f32 v22, v21;
	v19 =	vadd.f32 $0.0e+00, v19  }
0xea: {  	v31 =	vadd.s32 v8, v17;
	v28 =	vld.idx.msk [tilespmem:v28+s0+$0x0], $0xffff  }
0xeb: {  	v58 =	vadd.s32 v8, v18;
	v57 =	vld.idx.msk [tilespmem:v29+s31+$0x0], $0xffff;
	v56 =	vmul.f32 v24, v23;
	v19 =	vadd.f32 v21, v19  }
0xec: {  	v59 =	vadd.s32 v9, v17;
	v25 =	vld.idx.msk [tilespmem:v53+s0+$0x0], $0xffff  }
0xed: {  	v61 =	vadd.s32 v9, v18;
	v60 =	vld.idx.msk [tilespmem:v30+s31+$0x0], $0xffff;
	v20 =	vmul.f32 v26, v52;
	v19 =	vadd.f32 v56, v19  }
0xee: {  	v62 =	vadd.s32 v10, v17;
	v27 =	vld.idx.msk [tilespmem:v55+s0+$0x0], $0xffff  }
0xef: {  	v34 =	vadd.s32 v10, v18;
	v33 =	vld.idx.msk [tilespmem:v31+s31+$0x0], $0xffff;
	v63 =	vmul.f32 v28, v54;
	v19 =	vadd.f32 v20, v19  }
0xf0: {  	v35 =	vadd.s32 v11, v17;
	v24 =	vld.idx.msk [tilespmem:v58+s0+$0x0], $0xffff  }
0xf1: {  	v38 =	vadd.s32 v11, v18;
	v37 =	vld.idx.msk [tilespmem:v59+s31+$0x0], $0xffff;
	v36 =	vmul.f32 v25, v57;
	v19 =	vadd.f32 v63, v19  }
0xf2: {  	v39 =	vadd.s32 v12, v17;
	v26 =	vld.idx.msk [tilespmem:v61+s0+$0x0], $0xffff  }
0xf3: {  	v42 =	vadd.s32 v12, v18;
	v41 =	vld.idx.msk [tilespmem:v62+s31+$0x0], $0xffff;
	v40 =	vmul.f32 v27, v60;
	v19 =	vadd.f32 v36, v19  }
0xf4: {  	v43 =	vadd.s32 v13, v17;
	v28 =	vld.idx.msk [tilespmem:v34+s0+$0x0], $0xffff  }
0xf5: {  	v46 =	vadd.s32 v13, v18;
	v45 =	vld.idx.msk [tilespmem:v35+s31+$0x0], $0xffff;
	v44 =	vmul.f32 v24, v33;
	v19 =	vadd.f32 v40, v19  }
0xf6: {  	v50 =	vadd.s32 v14, v18;
	v25 =	vld.idx.msk [tilespmem:v38+s0+$0x0], $0xffff  }
0xf7: {  	v47 =	vadd.s32 v14, v17;
	v49 =	vld.idx.msk [tilespmem:v39+s31+$0x0], $0xffff;
	v48 =	vmul.f32 v26, v37;
	v19 =	vadd.f32 v44, v19  }
0xf8: {  	v51 =	vadd.s32 v15, v17;
	v27 =	vld.idx.msk [tilespmem:v42+s0+$0x0], $0xffff  }
0xf9: {  	v53 =	vld.idx.msk [tilespmem:v43+s31+$0x0], $0xffff;
	v54 =	vadd.s32 v15, v18;
	v52 =	vmul.f32 v28, v41;
	v19 =	vadd.f32 v48, v19  }
0xfa: {  	v17 =	vadd.s32 v16, v17;
	v24 =	vld.idx.msk [tilespmem:v46+s0+$0x0], $0xffff  }
0xfb: {  	v18 =	vadd.s32 v16, v18;
	v57 =	vld.idx.msk [tilespmem:v50+s0+$0x0], $0xffff;
	v55 =	vmul.f32 v25, v45;
	v19 =	vadd.f32 v52, v19  }
0xfc: {  	v56 =	vld.idx.msk [tilespmem:v47+s31+$0x0], $0xffff  }
0xfd: {  	v59 =	vld.idx.msk [tilespmem:v51+s31+$0x0], $0xffff;
	v58 =	vmul.f32 v27, v49;
	v19 =	vadd.f32 v55, v19  }
0xfe: {  	v60 =	vld.idx.msk [tilespmem:v54+s0+$0x0], $0xffff  }
0xff: {  	v17 =	vld.idx.msk [tilespmem:v17+s31+$0x0], $0xffff;
	v61 =	vmul.f32 v24, v53;
	v19 =	vadd.f32 v58, v19  }
0x100: {  	v18 =	vld.idx.msk [tilespmem:v18+s0+$0x0], $0xffff  }
0x101: {  	v62 =	vmul.f32 v57, v56;
	v19 =	vadd.f32 v61, v19;
	_ =	sdelay $0x1  }
0x102: {  	v63 =	vmul.f32 v60, v59;
	v19 =	vadd.f32 v62, v19;
	_ =	sdelay $0x1  }
0x103: {  	v17 =	vmul.f32 v18, v17;
	v19 =	vadd.f32 v63, v19;
	_ =	sdelay $0x1  }
0x104: {  	v17 =	vadd.f32 v17, v19;
	_ =	sdelay $0x1  }
0x105: {  	v17 =	vsub.f32 $0.0e+00, v17;
	_ =	sdelay $0x1  }
0x106: {  	v17 =	vmul.f32 $1.442695020e+00, v17;
	_ =	sdelay $0x1  }
0x107: {  	(erf) = vpow2.f32 v17;
	_ =	sdelay $0x8  }
0x108: {  	v17 =	vpop (erf)  }
0x109: {  	v17 =	vadd.f32 $1.000000000e+00, v17;
	_ =	sdelay $0x1  }
0x10a: {  	(erf) = vrcp.f32 v17;
	_ =	sdelay $0x3  }
0x10b: {  	s2 =	sadd.s32 $0x8, s26;
	s26 =	sadd.s32 $0x10, s26  }
0x10c: {  	p0 =	sne.s32 s26, $0x200;
	v17 =	vadd.s32 s2, v0  }
.Ltmp3:
0x10d: {  	_ = 	snop;
	(pc) =	sbr.rel @!p0 .LBB2_5-.Ltmp3, $3  }
0x10e: {  	_ =	sdelay $0x1  }
0x10f: {  	v18 =	vpop (erf)  }
0x110: {  	s24 =	sadd.s32 $0x10, s24;
	s25 =	sadd.s32 $0x10, s25;
	[tilespmem:v17+s22+$0x0] =	vst.idx.msk $0xff, v18  }
.LBB2_2:
0x111: {  	v18 =	vld [tilespmem:s24+$0x0];
	_ =	sdelay $0x1  }
0x112: {  	v17 =	vld [tilespmem:s25+$0x0];
	_ =	sdelay $0x2  }
0x113: {  	(v2sf) =	vpush v18, $0x0;
	_ =	sdelay $0x1  }
0x114: {  	(v2sf) =	vpush v17, $0x0;
	_ =	sdelay $0xb  }
0x115: {  	(v2sf) =	vpush v18, $0x1  }
0x116: {  	s28 =	spop (v2sf)  }
0x117: {  	(v2sf) =	vpush v17, $0x1;
	s29 =	sand.u32 $0x7F, s28  }
0x118: {  	s30 =	spop (v2sf);
	s2 =	sshra.s32 s28, $0x1F;
	p6 =	slt.s32 s28, $0x1  }
0x119: {  	p0 =	sne.s32 s29, $0x0;
	s29 =	sand.u32 $0x7F, s30;
	p2 =	slt.s32 s30, $0x1  }
0x11a: {  	s2 =	sshrl.u32 s2, $0x19;
	p1 =	sne.s32 s29, $0x0;
	s29 =	sshra.s32 s30, $0x1F  }
0x11b: {  	s2 =	sadd.s32 s2, s28;
	s29 =	sshrl.u32 s29, $0x19;
	p1 =	por !p2, !p1  }
0x11c: {  	s29 =	sadd.s32 s29, s30;
	p1 =	por !p1, !p1;
	s30 =	simm.s32 $0x1  }
0x11d: {  	p0 =	por !p6, !p0;
	s29 =	sshrl.u32 s29, $0x7;
	s30 =	simm.s32 @!p1 $0x0  }
0x11e: {  	p0 =	por !p0, !p0;
	s30 =	ssub.s32 s29, s30;
	s29 =	simm.s32 $0x1  }
0x11f: {  	s2 =	sshrl.u32 s2, $0x7;
	s28 =	sshll.u32 s30, $0x7;
	s29 =	simm.s32 @!p0 $0x0  }
0x120: {  	s28 =	sand.u32 $0x1FFFFF80, s28;
	s2 =	ssub.s32 s2, s29  }
0x121: {  	s28 =	sadd.s32 s1, s28;
	s2 =	sshll.u32 s2, $0x7  }
0x122: {  	[tilespmem:s31], [sflag:$0x2] =	stream.strided.gather [hbm4b:s28+s12], $0x800, s13, s12, $0x38;
	[tilespmem:$0x10700] =	vst v63  }
0x123: {  	(v2sf) =	vpush v18, $0x2;
	s2 =	sand.u32 $0x1FFFFF80, s2  }
0x124: {  	s28 =	spop (v2sf);
	s2 =	sadd.s32 s3, s2  }
0x125: {  	[tilespmem:s0], [sflag:$0x2] =	stream.strided.gather [hbm4b:s2+s12], $0x800, s13, s12, $0x38;
	[tilespmem:$0x10700] =	vst v63  }
0x126: {  	s2 =	sand.u32 $0x7F, s28;
	s29 =	spop (v2sf);
	(v2sf) =	vpush v17, $0x2  }
0x127: {  	s30 =	sshra.s32 s28, $0x1F;
	p3 =	sne.s32 s2, $0x0;
	s2 =	sand.u32 $0x7F, s29  }
0x128: {  	p5 =	slt.s32 s29, $0x1;
	p4 =	sne.s32 s2, $0x0;
	s2 =	sshra.s32 s29, $0x1F  }
0x129: {  	p6 =	slt.s32 s28, $0x1;
	s2 =	sshrl.u32 s2, $0x19;
	p1 =	por !p5, !p4  }
0x12a: {  	s2 =	sadd.s32 s2, s29;
	p1 =	por !p1, !p1;
	s29 =	simm.s32 $0x1  }
0x12b: {  	s30 =	sshrl.u32 s30, $0x19;
	s2 =	sshrl.u32 s2, $0x7;
	s29 =	simm.s32 @!p1 $0x0  }
0x12c: {  	s28 =	sadd.s32 s30, s28;
	p0 =	por !p6, !p3;
	s2 =	ssub.s32 s2, s29  }
0x12d: {  	p0 =	por !p0, !p0;
	s29 =	simm.s32 $0x1;
	s2 =	sshll.u32 s2, $0x7  }
0x12e: {  	s28 =	sshrl.u32 s28, $0x7;
	s29 =	simm.s32 @!p0 $0x0;
	s2 =	sand.u32 $0x1FFFFF80, s2  }
0x12f: {  	s30 =	simm.s32 $0x8D00;
	s28 =	ssub.s32 s28, s29;
	s2 =	sadd.s32 s1, s2  }
0x130: {  	[tilespmem:s30], [sflag:$0x2] =	stream.strided.gather [hbm4b:s2+s12], $0x800, s13, s12, $0x38;
	[tilespmem:$0x10700] =	vst v63  }
0x131: {  	s30 =	sshll.u32 s28, $0x7  }
0x132: {  	s28 =	spop (v2sf);
	(v2sf) =	vpush v18, $0x3;
	s2 =	sand.u32 $0x1FFFFF80, s30  }
0x133: {  	s2 =	sadd.s32 s3, s2  }
0x134: {  	[tilespmem:s10], [sflag:$0x2] =	stream.strided.gather [hbm4b:s2+s12], $0x800, s13, s12, $0x38;
	[tilespmem:$0x10700] =	vst v63  }
0x135: {  	s29 =	spop (v2sf);
	(v2sf) =	vpush v17, $0x3  }
0x136: {  	s30 =	sshra.s32 s28, $0x1F;
	p6 =	slt.s32 s28, $0x1;
	s2 =	sand.u32 $0x7F, s28  }
0x137: {  	s30 =	sshrl.u32 s30, $0x19;
	p3 =	sne.s32 s2, $0x0;
	s2 =	sand.u32 $0x7F, s29  }
0x138: {  	p5 =	slt.s32 s29, $0x1;
	p4 =	sne.s32 s2, $0x0;
	s2 =	sshra.s32 s29, $0x1F  }
0x139: {  	s28 =	sadd.s32 s30, s28;
	s2 =	sshrl.u32 s2, $0x19;
	p1 =	por !p5, !p4  }
0x13a: {  	s2 =	sadd.s32 s2, s29;
	p1 =	por !p1, !p1;
	s29 =	simm.s32 $0x1  }
0x13b: {  	p0 =	por !p6, !p3;
	s2 =	sshrl.u32 s2, $0x7;
	s29 =	simm.s32 @!p1 $0x0  }
0x13c: {  	p0 =	por !p0, !p0;
	s2 =	ssub.s32 s2, s29;
	s29 =	simm.s32 $0x1  }
0x13d: {  	s28 =	sshrl.u32 s28, $0x7;
	s2 =	sshll.u32 s2, $0x7;
	s29 =	simm.s32 @!p0 $0x0  }
0x13e: {  	s2 =	sand.u32 $0x1FFFFF80, s2;
	s28 =	ssub.s32 s28, s29  }
0x13f: {  	s2 =	sadd.s32 s1, s2;
	s28 =	sshll.u32 s28, $0x7  }
0x140: {  	[tilespmem:s5], [sflag:$0x2] =	stream.strided.gather [hbm4b:s2+s12], $0x800, s13, s12, $0x38;
	[tilespmem:$0x10700] =	vst v63  }
0x141: {  	s2 =	sand.u32 $0x1FFFFF80, s28;
	s28 =	spop (v2sf);
	(v2sf) =	vpush v18, $0x4  }
0x142: {  	s2 =	sadd.s32 s3, s2  }
0x143: {  	[tilespmem:s6], [sflag:$0x2] =	stream.strided.gather [hbm4b:s2+s12], $0x800, s13, s12, $0x38;
	[tilespmem:$0x10700] =	vst v63  }
0x144: {  	s29 =	spop (v2sf);
	(v2sf) =	vpush v17, $0x4  }
0x145: {  	s30 =	sshra.s32 s28, $0x1F;
	p6 =	slt.s32 s28, $0x1;
	s2 =	sand.u32 $0x7F, s28  }
0x146: {  	s30 =	sshrl.u32 s30, $0x19;
	p3 =	sne.s32 s2, $0x0;
	s2 =	sand.u32 $0x7F, s29  }
0x147: {  	p5 =	slt.s32 s29, $0x1;
	p4 =	sne.s32 s2, $0x0;
	s2 =	sshra.s32 s29, $0x1F  }
0x148: {  	s28 =	sadd.s32 s30, s28;
	s2 =	sshrl.u32 s2, $0x19;
	p1 =	por !p5, !p4  }
0x149: {  	s2 =	sadd.s32 s2, s29;
	p1 =	por !p1, !p1;
	s29 =	simm.s32 $0x1  }
0x14a: {  	p0 =	por !p6, !p3;
	s2 =	sshrl.u32 s2, $0x7;
	s29 =	simm.s32 @!p1 $0x0  }
0x14b: {  	p0 =	por !p0, !p0;
	s2 =	ssub.s32 s2, s29;
	s29 =	simm.s32 $0x1  }
0x14c: {  	s28 =	sshrl.u32 s28, $0x7;
	s2 =	sshll.u32 s2, $0x7;
	s29 =	simm.s32 @!p0 $0x0  }
0x14d: {  	s2 =	sand.u32 $0x1FFFFF80, s2;
	s28 =	ssub.s32 s28, s29  }
0x14e: {  	s2 =	sadd.s32 s1, s2;
	s29 =	sshll.u32 s28, $0x7  }
0x14f: {  	[tilespmem:s7], [sflag:$0x2] =	stream.strided.gather [hbm4b:s2+s12], $0x800, s13, s12, $0x38;
	[tilespmem:$0x10700] =	vst v63  }
0x150: {  	s2 =	sand.u32 $0x1FFFFF80, s29;
	s28 =	spop (v2sf);
	(v2sf) =	vpush v18, $0x5  }
0x151: {  	s2 =	sadd.s32 s3, s2  }
0x152: {  	[tilespmem:s8], [sflag:$0x2] =	stream.strided.gather [hbm4b:s2+s12], $0x800, s13, s12, $0x38;
	[tilespmem:$0x10700] =	vst v63  }
0x153: {  	s29 =	spop (v2sf);
	(v2sf) =	vpush v17, $0x5  }
0x154: {  	s30 =	sshra.s32 s28, $0x1F;
	p6 =	slt.s32 s28, $0x1;
	s2 =	sand.u32 $0x7F, s28  }
0x155: {  	s30 =	sshrl.u32 s30, $0x19;
	p3 =	sne.s32 s2, $0x0;
	s2 =	sand.u32 $0x7F, s29  }
0x156: {  	p5 =	slt.s32 s29, $0x1;
	p4 =	sne.s32 s2, $0x0;
	s2 =	sshra.s32 s29, $0x1F  }
0x157: {  	s28 =	sadd.s32 s30, s28;
	s2 =	sshrl.u32 s2, $0x19;
	p1 =	por !p5, !p4  }
0x158: {  	s2 =	sadd.s32 s2, s29;
	p1 =	por !p1, !p1;
	s29 =	simm.s32 $0x1  }
0x159: {  	p0 =	por !p6, !p3;
	s2 =	sshrl.u32 s2, $0x7;
	s29 =	simm.s32 @!p1 $0x0  }
0x15a: {  	p0 =	por !p0, !p0;
	s2 =	ssub.s32 s2, s29;
	s29 =	simm.s32 $0x1  }
0x15b: {  	s28 =	sshrl.u32 s28, $0x7;
	s2 =	sshll.u32 s2, $0x7;
	s29 =	simm.s32 @!p0 $0x0  }
0x15c: {  	s2 =	sand.u32 $0x1FFFFF80, s2;
	s28 =	ssub.s32 s28, s29  }
0x15d: {  	s2 =	sadd.s32 s1, s2;
	s30 =	sshll.u32 s28, $0x7  }
0x15e: {  	[tilespmem:s4], [sflag:$0x2] =	stream.strided.gather [hbm4b:s2+s12], $0x800, s13, s12, $0x38;
	[tilespmem:$0x10700] =	vst v63  }
0x15f: {  	s2 =	sand.u32 $0x1FFFFF80, s30;
	s28 =	spop (v2sf);
	(v2sf) =	vpush v18, $0x6  }
0x160: {  	s2 =	sadd.s32 s3, s2  }
0x161: {  	[tilespmem:s9], [sflag:$0x2] =	stream.strided.gather [hbm4b:s2+s12], $0x800, s13, s12, $0x38;
	[tilespmem:$0x10700] =	vst v63  }
0x162: {  	s29 =	spop (v2sf);
	(v2sf) =	vpush v17, $0x6  }
0x163: {  	s30 =	sshra.s32 s28, $0x1F;
	p6 =	slt.s32 s28, $0x1;
	s2 =	sand.u32 $0x7F, s28  }
0x164: {  	s30 =	sshrl.u32 s30, $0x19;
	p3 =	sne.s32 s2, $0x0;
	s2 =	sand.u32 $0x7F, s29  }
0x165: {  	p5 =	slt.s32 s29, $0x1;
	p4 =	sne.s32 s2, $0x0;
	s2 =	sshra.s32 s29, $0x1F  }
0x166: {  	s28 =	sadd.s32 s30, s28;
	s2 =	sshrl.u32 s2, $0x19;
	p1 =	por !p5, !p4  }
0x167: {  	s2 =	sadd.s32 s2, s29;
	p1 =	por !p1, !p1;
	s29 =	simm.s32 $0x1  }
0x168: {  	p0 =	por !p6, !p3;
	s2 =	sshrl.u32 s2, $0x7;
	s29 =	simm.s32 @!p1 $0x0  }
0x169: {  	p0 =	por !p0, !p0;
	s2 =	ssub.s32 s2, s29;
	s29 =	simm.s32 $0x1  }
0x16a: {  	s28 =	sshrl.u32 s28, $0x7;
	s2 =	sshll.u32 s2, $0x7;
	s29 =	simm.s32 @!p0 $0x0  }
0x16b: {  	s2 =	sand.u32 $0x1FFFFF80, s2;
	s28 =	ssub.s32 s28, s29  }
0x16c: {  	s2 =	sadd.s32 s1, s2;
	s28 =	sshll.u32 s28, $0x7  }
0x16d: {  	[tilespmem:s16], [sflag:$0x2] =	stream.strided.gather [hbm4b:s2+s12], $0x800, s13, s12, $0x38;
	[tilespmem:$0x10700] =	vst v63  }
0x16e: {  	s2 =	sand.u32 $0x1FFFFF80, s28;
	s28 =	spop (v2sf);
	(v2sf) =	vpush v18, $0x7  }
0x16f: {  	s2 =	sadd.s32 s3, s2  }
0x170: {  	[tilespmem:s17], [sflag:$0x2] =	stream.strided.gather [hbm4b:s2+s12], $0x800, s13, s12, $0x38;
	[tilespmem:$0x10700] =	vst v63  }
0x171: {  	s29 =	spop (v2sf);
	(v2sf) =	vpush v17, $0x7  }
0x172: {  	s30 =	sshra.s32 s28, $0x1F;
	p6 =	slt.s32 s28, $0x1;
	s2 =	sand.u32 $0x7F, s28  }
0x173: {  	s30 =	sshrl.u32 s30, $0x19;
	p3 =	sne.s32 s2, $0x0;
	s2 =	sand.u32 $0x7F, s29  }
0x174: {  	p5 =	slt.s32 s29, $0x1;
	p4 =	sne.s32 s2, $0x0;
	s2 =	sshra.s32 s29, $0x1F  }
0x175: {  	s28 =	sadd.s32 s30, s28;
	s2 =	sshrl.u32 s2, $0x19;
	p1 =	por !p5, !p4  }
0x176: {  	s2 =	sadd.s32 s2, s29;
	p1 =	por !p1, !p1;
	s29 =	simm.s32 $0x1  }
0x177: {  	p0 =	por !p6, !p3;
	s2 =	sshrl.u32 s2, $0x7;
	s29 =	simm.s32 @!p1 $0x0  }
0x178: {  	p0 =	por !p0, !p0;
	s2 =	ssub.s32 s2, s29;
	s29 =	simm.s32 $0x1  }
0x179: {  	s28 =	sshrl.u32 s28, $0x7;
	s2 =	sshll.u32 s2, $0x7;
	s29 =	simm.s32 @!p0 $0x0  }
0x17a: {  	s2 =	sand.u32 $0x1FFFFF80, s2;
	s28 =	ssub.s32 s28, s29  }
0x17b: {  	s2 =	sadd.s32 s1, s2;
	s29 =	sshll.u32 s28, $0x7  }
0x17c: {  	[tilespmem:s18], [sflag:$0x2] =	stream.strided.gather [hbm4b:s2+s12], $0x800, s13, s12, $0x38;
	[tilespmem:$0x10700] =	vst v63  }
0x17d: {  	s2 =	sand.u32 $0x1FFFFF80, s29;
	s28 =	spop (v2sf)  }
0x17e: {  	s2 =	sadd.s32 s3, s2;
	s30 =	sshra.s32 s28, $0x1F  }
0x17f: {  	[tilespmem:s19], [sflag:$0x2] =	stream.strided.gather [hbm4b:s2+s12], $0x800, s13, s12, $0x38;
	[tilespmem:$0x10700] =	vst v63  }
0x180: {  	p6 =	slt.s32 s28, $0x1;
	s2 =	sand.u32 $0x7F, s28;
	s29 =	spop (v2sf)  }
0x181: {  	s30 =	sshrl.u32 s30, $0x19;
	p3 =	sne.s32 s2, $0x0;
	s2 =	sand.u32 $0x7F, s29  }
0x182: {  	p5 =	slt.s32 s29, $0x1;
	p4 =	sne.s32 s2, $0x0;
	s2 =	sshra.s32 s29, $0x1F  }
0x183: {  	s28 =	sadd.s32 s30, s28;
	p1 =	por !p5, !p4;
	s2 =	sshrl.u32 s2, $0x19  }
0x184: {  	s2 =	sadd.s32 s2, s29;
	p1 =	por !p1, !p1;
	s29 =	simm.s32 $0x1  }
0x185: {  	p0 =	por !p6, !p3;
	s29 =	simm.s32 @!p1 $0x0;
	s2 =	sshrl.u32 s2, $0x7  }
0x186: {  	p0 =	por !p0, !p0;
	s2 =	ssub.s32 s2, s29;
	s29 =	simm.s32 $0x1  }
0x187: {  	s28 =	sshrl.u32 s28, $0x7;
	s2 =	sshll.u32 s2, $0x7;
	s29 =	simm.s32 @!p0 $0x0  }
0x188: {  	s2 =	sand.u32 $0x1FFFFF80, s2;
	s28 =	ssub.s32 s28, s29  }
0x189: {  	s2 =	sadd.s32 s1, s2;
	s30 =	sshll.u32 s28, $0x7  }
0x18a: {  	[tilespmem:s20], [sflag:$0x2] =	stream.strided.gather [hbm4b:s2+s12], $0x800, s13, s12, $0x38;
	[tilespmem:$0x10700] =	vst v63  }
0x18b: {  	s2 =	sand.u32 $0x1FFFFF80, s30  }
0x18c: {  	s2 =	sadd.s32 s3, s2  }
0x18d: {  	[tilespmem:s21], [sflag:$0x2] =	stream.strided.gather [hbm4b:s2+s12], $0x800, s13, s12, $0x38;
	[tilespmem:$0x10700] =	vst v63  }
0x18e: {  	_ =	swait.ge [sflag:s11], $0x800  }
0x18f: {  	[sflag:s11] =	ssyncset.done $0x0  }
0x190: {  	[sflag:s11] =	ssyncadd.s32 $0xFFFFF800  }
0x191: {  	_ =	swait.ge [sflag:s11], $0x800  }
0x192: {  	[sflag:s11] =	ssyncset.done $0x0  }
0x193: {  	[sflag:s11] =	ssyncadd.s32 $0xFFFFF800  }
0x194: {  	_ =	swait.ge [sflag:s11], $0x800  }
0x195: {  	[sflag:s11] =	ssyncset.done $0x0  }
0x196: {  	[sflag:s11] =	ssyncadd.s32 $0xFFFFF800  }
0x197: {  	_ =	swait.ge [sflag:s11], $0x800  }
0x198: {  	[sflag:s11] =	ssyncset.done $0x0  }
0x199: {  	[sflag:s11] =	ssyncadd.s32 $0xFFFFF800  }
0x19a: {  	_ =	swait.ge [sflag:s11], $0x800  }
0x19b: {  	[sflag:s11] =	ssyncset.done $0x0  }
0x19c: {  	[sflag:s11] =	ssyncadd.s32 $0xFFFFF800  }
0x19d: {  	_ =	swait.ge [sflag:s11], $0x800  }
0x19e: {  	[sflag:s11] =	ssyncset.done $0x0  }
0x19f: {  	[sflag:s11] =	ssyncadd.s32 $0xFFFFF800  }
0x1a0: {  	_ =	swait.ge [sflag:s11], $0x800  }
0x1a1: {  	[sflag:s11] =	ssyncset.done $0x0  }
0x1a2: {  	[sflag:s11] =	ssyncadd.s32 $0xFFFFF800  }
0x1a3: {  	_ =	swait.ge [sflag:s11], $0x800  }
0x1a4: {  	[sflag:s11] =	ssyncset.done $0x0  }
0x1a5: {  	[sflag:s11] =	ssyncadd.s32 $0xFFFFF800  }
0x1a6: {  	_ =	swait.ge [sflag:s11], $0x800  }
0x1a7: {  	[sflag:s11] =	ssyncset.done $0x0  }
0x1a8: {  	[sflag:s11] =	ssyncadd.s32 $0xFFFFF800  }
0x1a9: {  	_ =	swait.ge [sflag:s11], $0x800  }
0x1aa: {  	[sflag:s11] =	ssyncset.done $0x0  }
0x1ab: {  	[sflag:s11] =	ssyncadd.s32 $0xFFFFF800  }
0x1ac: {  	_ =	swait.ge [sflag:s11], $0x800  }
0x1ad: {  	[sflag:s11] =	ssyncset.done $0x0  }
0x1ae: {  	[sflag:s11] =	ssyncadd.s32 $0xFFFFF800  }
0x1af: {  	_ =	swait.ge [sflag:s11], $0x800  }
0x1b0: {  	[sflag:s11] =	ssyncset.done $0x0  }
0x1b1: {  	[sflag:s11] =	ssyncadd.s32 $0xFFFFF800  }
0x1b2: {  	_ =	swait.ge [sflag:s11], $0x800  }
0x1b3: {  	[sflag:s11] =	ssyncset.done $0x0  }
0x1b4: {  	[sflag:s11] =	ssyncadd.s32 $0xFFFFF800  }
0x1b5: {  	_ =	swait.ge [sflag:s11], $0x800  }
0x1b6: {  	[sflag:s11] =	ssyncset.done $0x0  }
0x1b7: {  	[sflag:s11] =	ssyncadd.s32 $0xFFFFF800  }
0x1b8: {  	_ =	swait.ge [sflag:s11], $0x800  }
0x1b9: {  	[sflag:s11] =	ssyncset.done $0x0  }
0x1ba: {  	[sflag:s11] =	ssyncadd.s32 $0xFFFFF800  }
0x1bb: {  	_ =	swait.ge [sflag:s11], $0x800  }
0x1bc: {  	[sflag:s11] =	ssyncset.done $0x0  }
0x1bd: {  	[sflag:s11] =	ssyncadd.s32 $0xFFFFF800  }
0x1be: {  	v17 =	vld [tilespmem:s25+$0xFFFFFFF8]  }
0x1bf: {  	v18 =	vld [tilespmem:s24+$0xFFFFFFF8];
	_ =	sdelay $0x3  }
0x1c0: {  	v19 =	vshra.s32 v17, $0x1F  }
0x1c1: {  	v20 =	vshra.s32 v18, $0x1F;
	v19 =	vshrl.u32 v19, $0x19  }
0x1c2: {  	v20 =	vshrl.u32 v20, $0x19;
	v19 =	vadd.s32 v19, v17  }
0x1c3: {  	v20 =	vadd.s32 v20, v18;
	v19 =	vshrl.u32 v19, $0x7  }
0x1c4: {  	v20 =	vshrl.u32 v20, $0x7;
	v19 =	vshll.u32 v19, $0x7  }
0x1c5: {  	v17 =	vsub.s32 v17, v19;
	v19 =	vshll.u32 v20, $0x7  }
0x1c6: {  	v18 =	vsub.s32 v18, v19;
	v19 =	vadd.s32 v1, v17  }
0x1c7: {  	v51 =	vadd.s32 v1, v18  }
0x1c8: {  	v21 =	vadd.s32 v2, v17  }
0x1c9: {  	v22 =	vadd.s32 v2, v18  }
0x1ca: {  	v23 =	vadd.s32 v3, v17  }
0x1cb: {  	v24 =	vadd.s32 v3, v18;
	v19 =	vld.idx.msk [tilespmem:v19+s14+$0x0], $0xffff  }
0x1cc: {  	v25 =	vadd.s32 v4, v17;
	v20 =	vld.idx.msk [tilespmem:v51+s15+$0x0], $0xffff  }
0x1cd: {  	v26 =	vadd.s32 v4, v18;
	v21 =	vld.idx.msk [tilespmem:v21+s14+$0x0], $0xffff  }
0x1ce: {  	v27 =	vadd.s32 v5, v17;
	v22 =	vld.idx.msk [tilespmem:v22+s15+$0x0], $0xffff  }
0x1cf: {  	v28 =	vadd.s32 v5, v18;
	v23 =	vld.idx.msk [tilespmem:v23+s14+$0x0], $0xffff  }
0x1d0: {  	v29 =	vadd.s32 v6, v17;
	v24 =	vld.idx.msk [tilespmem:v24+s15+$0x0], $0xffff  }
0x1d1: {  	v53 =	vadd.s32 v6, v18;
	v52 =	vld.idx.msk [tilespmem:v25+s14+$0x0], $0xffff;
	v19 =	vmul.f32 v20, v19  }
0x1d2: {  	v30 =	vadd.s32 v7, v17;
	v26 =	vld.idx.msk [tilespmem:v26+s15+$0x0], $0xffff  }
0x1d3: {  	v55 =	vadd.s32 v7, v18;
	v54 =	vld.idx.msk [tilespmem:v27+s14+$0x0], $0xffff;
	v21 =	vmul.f32 v22, v21;
	v19 =	vadd.f32 $0.0e+00, v19  }
0x1d4: {  	v31 =	vadd.s32 v8, v17;
	v28 =	vld.idx.msk [tilespmem:v28+s15+$0x0], $0xffff  }
0x1d5: {  	v58 =	vadd.s32 v8, v18;
	v57 =	vld.idx.msk [tilespmem:v29+s14+$0x0], $0xffff;
	v56 =	vmul.f32 v24, v23;
	v19 =	vadd.f32 v21, v19  }
0x1d6: {  	v59 =	vadd.s32 v9, v17;
	v25 =	vld.idx.msk [tilespmem:v53+s15+$0x0], $0xffff  }
0x1d7: {  	v61 =	vadd.s32 v9, v18;
	v60 =	vld.idx.msk [tilespmem:v30+s14+$0x0], $0xffff;
	v20 =	vmul.f32 v26, v52;
	v19 =	vadd.f32 v56, v19  }
0x1d8: {  	v62 =	vadd.s32 v10, v17;
	v27 =	vld.idx.msk [tilespmem:v55+s15+$0x0], $0xffff  }
0x1d9: {  	v34 =	vadd.s32 v10, v18;
	v33 =	vld.idx.msk [tilespmem:v31+s14+$0x0], $0xffff;
	v63 =	vmul.f32 v28, v54;
	v19 =	vadd.f32 v20, v19  }
0x1da: {  	v35 =	vadd.s32 v11, v17;
	v24 =	vld.idx.msk [tilespmem:v58+s15+$0x0], $0xffff  }
0x1db: {  	v38 =	vadd.s32 v11, v18;
	v37 =	vld.idx.msk [tilespmem:v59+s14+$0x0], $0xffff;
	v36 =	vmul.f32 v25, v57;
	v19 =	vadd.f32 v63, v19  }
0x1dc: {  	v39 =	vadd.s32 v12, v17;
	v26 =	vld.idx.msk [tilespmem:v61+s15+$0x0], $0xffff  }
0x1dd: {  	v42 =	vadd.s32 v12, v18;
	v41 =	vld.idx.msk [tilespmem:v62+s14+$0x0], $0xffff;
	v40 =	vmul.f32 v27, v60;
	v19 =	vadd.f32 v36, v19  }
0x1de: {  	v43 =	vadd.s32 v13, v17;
	v28 =	vld.idx.msk [tilespmem:v34+s15+$0x0], $0xffff  }
0x1df: {  	v46 =	vadd.s32 v13, v18;
	v45 =	vld.idx.msk [tilespmem:v35+s14+$0x0], $0xffff;
	v44 =	vmul.f32 v24, v33;
	v19 =	vadd.f32 v40, v19  }
0x1e0: {  	v50 =	vadd.s32 v14, v18;
	v25 =	vld.idx.msk [tilespmem:v38+s15+$0x0], $0xffff  }
0x1e1: {  	v47 =	vadd.s32 v14, v17;
	v49 =	vld.idx.msk [tilespmem:v39+s14+$0x0], $0xffff;
	v48 =	vmul.f32 v26, v37;
	v19 =	vadd.f32 v44, v19  }
0x1e2: {  	v51 =	vadd.s32 v15, v17;
	v27 =	vld.idx.msk [tilespmem:v42+s15+$0x0], $0xffff  }
0x1e3: {  	v53 =	vld.idx.msk [tilespmem:v43+s14+$0x0], $0xffff;
	v54 =	vadd.s32 v15, v18;
	v52 =	vmul.f32 v28, v41;
	v19 =	vadd.f32 v48, v19  }
0x1e4: {  	v17 =	vadd.s32 v16, v17;
	v24 =	vld.idx.msk [tilespmem:v46+s15+$0x0], $0xffff  }
0x1e5: {  	v18 =	vadd.s32 v16, v18;
	v57 =	vld.idx.msk [tilespmem:v50+s15+$0x0], $0xffff;
	v55 =	vmul.f32 v25, v45;
	v19 =	vadd.f32 v52, v19  }
0x1e6: {  	v56 =	vld.idx.msk [tilespmem:v47+s14+$0x0], $0xffff  }
0x1e7: {  	v59 =	vld.idx.msk [tilespmem:v51+s14+$0x0], $0xffff;
	v58 =	vmul.f32 v27, v49;
	v19 =	vadd.f32 v55, v19  }
0x1e8: {  	v60 =	vld.idx.msk [tilespmem:v54+s15+$0x0], $0xffff  }
0x1e9: {  	v17 =	vld.idx.msk [tilespmem:v17+s14+$0x0], $0xffff;
	v61 =	vmul.f32 v24, v53;
	v19 =	vadd.f32 v58, v19  }
0x1ea: {  	v18 =	vld.idx.msk [tilespmem:v18+s15+$0x0], $0xffff  }
0x1eb: {  	v62 =	vmul.f32 v57, v56;
	v19 =	vadd.f32 v61, v19;
	_ =	sdelay $0x1  }
0x1ec: {  	v63 =	vmul.f32 v60, v59;
	v19 =	vadd.f32 v62, v19;
	_ =	sdelay $0x1  }
0x1ed: {  	v17 =	vmul.f32 v18, v17;
	v19 =	vadd.f32 v63, v19;
	_ =	sdelay $0x1  }
0x1ee: {  	v17 =	vadd.f32 v17, v19;
	_ =	sdelay $0x1  }
0x1ef: {  	v17 =	vsub.f32 $0.0e+00, v17;
	_ =	sdelay $0x1  }
0x1f0: {  	v17 =	vmul.f32 $1.442695020e+00, v17;
	_ =	sdelay $0x1  }
0x1f1: {  	(erf) = vpow2.f32 v17;
	_ =	sdelay $0x8  }
0x1f2: {  	v17 =	vpop (erf)  }
0x1f3: {  	v17 =	vadd.f32 $1.000000000e+00, v17;
	_ =	sdelay $0x1  }
0x1f4: {  	(erf) = vrcp.f32 v17;
	_ =	sdelay $0x4  }
0x1f5: {  	p0 =	seq.s32 s26, $0x1F0;
	v17 =	vor.u32 s26, v0  }
.Ltmp4:
0x1f6: {  	_ = 	snop;
	(pc) =	sbr.rel @p0 .LBB2_4-.Ltmp4, $3  }
0x1f7: {  	_ =	sdelay $0x1  }
0x1f8: {  	v18 =	vpop (erf)  }
0x1f9: {  	[tilespmem:v17+s22+$0x0] =	vst.idx.msk $0xff, v18  }
0x1fa: {  	v18 =	vld [tilespmem:s24+$0x8];
	_ =	sdelay $0x1  }
0x1fb: {  	v17 =	vld [tilespmem:s25+$0x8];
	_ =	sdelay $0x2  }
0x1fc: {  	(v2sf) =	vpush v18, $0x0;
	_ =	sdelay $0x1  }
0x1fd: {  	(v2sf) =	vpush v17, $0x0;
	_ =	sdelay $0xb  }
0x1fe: {  	(v2sf) =	vpush v18, $0x1  }
0x1ff: {  	s2 =	spop (v2sf)  }
0x200: {  	(v2sf) =	vpush v17, $0x1;
	s28 =	sand.u32 $0x7F, s2  }
0x201: {  	s29 =	spop (v2sf);
	s30 =	sshra.s32 s2, $0x1F;
	p6 =	slt.s32 s2, $0x1  }
0x202: {  	p0 =	sne.s32 s28, $0x0;
	s28 =	sand.u32 $0x7F, s29;
	p2 =	slt.s32 s29, $0x1  }
0x203: {  	s30 =	sshrl.u32 s30, $0x19;
	p1 =	sne.s32 s28, $0x0;
	s28 =	sshra.s32 s29, $0x1F  }
0x204: {  	s2 =	sadd.s32 s30, s2;
	s28 =	sshrl.u32 s28, $0x19;
	p1 =	por !p2, !p1  }
0x205: {  	s28 =	sadd.s32 s28, s29;
	p1 =	por !p1, !p1;
	s29 =	simm.s32 $0x1  }
0x206: {  	p0 =	por !p6, !p0;
	s28 =	sshrl.u32 s28, $0x7;
	s29 =	simm.s32 @!p1 $0x0  }
0x207: {  	p0 =	por !p0, !p0;
	s28 =	ssub.s32 s28, s29;
	s29 =	simm.s32 $0x1  }
0x208: {  	s2 =	sshrl.u32 s2, $0x7;
	s28 =	sshll.u32 s28, $0x7;
	s29 =	simm.s32 @!p0 $0x0  }
0x209: {  	s28 =	sand.u32 $0x1FFFFF80, s28;
	s2 =	ssub.s32 s2, s29  }
0x20a: {  	s28 =	sadd.s32 s1, s28;
	s2 =	sshll.u32 s2, $0x7  }
0x20b: {  	[tilespmem:s14], [sflag:$0x1] =	stream.strided.gather [hbm4b:s28+s12], $0x800, s13, s12, $0x38;
	[tilespmem:$0x10700] =	vst v63  }
0x20c: {  	(v2sf) =	vpush v18, $0x2;
	s2 =	sand.u32 $0x1FFFFF80, s2  }
0x20d: {  	s28 =	spop (v2sf);
	s2 =	sadd.s32 s3, s2  }
0x20e: {  	[tilespmem:s15], [sflag:$0x1] =	stream.strided.gather [hbm4b:s2+s12], $0x800, s13, s12, $0x38;
	[tilespmem:$0x10700] =	vst v63  }
0x20f: {  	s29 =	spop (v2sf);
	(v2sf) =	vpush v17, $0x2  }
0x210: {  	s30 =	sshra.s32 s28, $0x1F;
	p6 =	slt.s32 s28, $0x1;
	s2 =	sand.u32 $0x7F, s28  }
0x211: {  	s30 =	sshrl.u32 s30, $0x19;
	p3 =	sne.s32 s2, $0x0;
	s2 =	sand.u32 $0x7F, s29  }
0x212: {  	p5 =	slt.s32 s29, $0x1;
	p4 =	sne.s32 s2, $0x0;
	s2 =	sshra.s32 s29, $0x1F  }
0x213: {  	s28 =	sadd.s32 s30, s28;
	s2 =	sshrl.u32 s2, $0x19;
	p1 =	por !p5, !p4  }
0x214: {  	s2 =	sadd.s32 s2, s29;
	p1 =	por !p1, !p1;
	s29 =	simm.s32 $0x1  }
0x215: {  	p0 =	por !p6, !p3;
	s2 =	sshrl.u32 s2, $0x7;
	s29 =	simm.s32 @!p1 $0x0  }
0x216: {  	p0 =	por !p0, !p0;
	s2 =	ssub.s32 s2, s29;
	s29 =	simm.s32 $0x1  }
0x217: {  	s28 =	sshrl.u32 s28, $0x7;
	s2 =	sshll.u32 s2, $0x7;
	s29 =	simm.s32 @!p0 $0x0  }
0x218: {  	s2 =	sand.u32 $0x1FFFFF80, s2;
	s28 =	ssub.s32 s28, s29  }
0x219: {  	s30 =	simm.s32 $0xD00;
	s2 =	sadd.s32 s1, s2;
	s29 =	sshll.u32 s28, $0x7  }
0x21a: {  	[tilespmem:s30], [sflag:$0x1] =	stream.strided.gather [hbm4b:s2+s12], $0x800, s13, s12, $0x38;
	[tilespmem:$0x10700] =	vst v63  }
0x21b: {  	s28 =	spop (v2sf);
	(v2sf) =	vpush v18, $0x3;
	s2 =	sand.u32 $0x1FFFFF80, s29  }
0x21c: {  	s30 =	simm.s32 $0x4D00;
	s2 =	sadd.s32 s3, s2  }
0x21d: {  	[tilespmem:s30], [sflag:$0x1] =	stream.strided.gather [hbm4b:s2+s12], $0x800, s13, s12, $0x38;
	[tilespmem:$0x10700] =	vst v63  }
0x21e: {  	s29 =	spop (v2sf);
	(v2sf) =	vpush v17, $0x3  }
0x21f: {  	p6 =	slt.s32 s28, $0x1;
	s2 =	sand.u32 $0x7F, s28;
	s30 =	sshra.s32 s28, $0x1F  }
0x220: {  	p3 =	sne.s32 s2, $0x0;
	s30 =	sshrl.u32 s30, $0x19;
	s2 =	sand.u32 $0x7F, s29  }
0x221: {  	p5 =	slt.s32 s29, $0x1;
	p4 =	sne.s32 s2, $0x0;
	s2 =	sshra.s32 s29, $0x1F  }
0x222: {  	s28 =	sadd.s32 s30, s28;
	s2 =	sshrl.u32 s2, $0x19;
	p1 =	por !p5, !p4  }
0x223: {  	s2 =	sadd.s32 s2, s29;
	p1 =	por !p1, !p1;
	s29 =	simm.s32 $0x1  }
0x224: {  	p0 =	por !p6, !p3;
	s2 =	sshrl.u32 s2, $0x7;
	s29 =	simm.s32 @!p1 $0x0  }
0x225: {  	p0 =	por !p0, !p0;
	s2 =	ssub.s32 s2, s29;
	s29 =	simm.s32 $0x1  }
0x226: {  	s28 =	sshrl.u32 s28, $0x7;
	s2 =	sshll.u32 s2, $0x7;
	s29 =	simm.s32 @!p0 $0x0  }
0x227: {  	s2 =	sand.u32 $0x1FFFFF80, s2;
	s28 =	ssub.s32 s28, s29  }
0x228: {  	s30 =	simm.s32 $0x1500;
	s2 =	sadd.s32 s1, s2;
	s29 =	sshll.u32 s28, $0x7  }
0x229: {  	[tilespmem:s30], [sflag:$0x1] =	stream.strided.gather [hbm4b:s2+s12], $0x800, s13, s12, $0x38;
	[tilespmem:$0x10700] =	vst v63  }
0x22a: {  	s28 =	spop (v2sf);
	(v2sf) =	vpush v18, $0x4;
	s2 =	sand.u32 $0x1FFFFF80, s29  }
0x22b: {  	s30 =	simm.s32 $0x5500;
	s2 =	sadd.s32 s3, s2  }
0x22c: {  	[tilespmem:s30], [sflag:$0x1] =	stream.strided.gather [hbm4b:s2+s12], $0x800, s13, s12, $0x38;
	[tilespmem:$0x10700] =	vst v63  }
0x22d: {  	s29 =	spop (v2sf);
	(v2sf) =	vpush v17, $0x4  }
0x22e: {  	p6 =	slt.s32 s28, $0x1;
	s2 =	sand.u32 $0x7F, s28;
	s30 =	sshra.s32 s28, $0x1F  }
0x22f: {  	p3 =	sne.s32 s2, $0x0;
	s30 =	sshrl.u32 s30, $0x19;
	s2 =	sand.u32 $0x7F, s29  }
0x230: {  	p5 =	slt.s32 s29, $0x1;
	p4 =	sne.s32 s2, $0x0;
	s2 =	sshra.s32 s29, $0x1F  }
0x231: {  	s28 =	sadd.s32 s30, s28;
	s2 =	sshrl.u32 s2, $0x19;
	p1 =	por !p5, !p4  }
0x232: {  	s2 =	sadd.s32 s2, s29;
	p1 =	por !p1, !p1;
	s29 =	simm.s32 $0x1  }
0x233: {  	p0 =	por !p6, !p3;
	s2 =	sshrl.u32 s2, $0x7;
	s29 =	simm.s32 @!p1 $0x0  }
0x234: {  	p0 =	por !p0, !p0;
	s2 =	ssub.s32 s2, s29;
	s29 =	simm.s32 $0x1  }
0x235: {  	s28 =	sshrl.u32 s28, $0x7;
	s2 =	sshll.u32 s2, $0x7;
	s29 =	simm.s32 @!p0 $0x0  }
0x236: {  	s2 =	sand.u32 $0x1FFFFF80, s2;
	s28 =	ssub.s32 s28, s29  }
0x237: {  	s30 =	simm.s32 $0x1D00;
	s2 =	sadd.s32 s1, s2;
	s29 =	sshll.u32 s28, $0x7  }
0x238: {  	[tilespmem:s30], [sflag:$0x1] =	stream.strided.gather [hbm4b:s2+s12], $0x800, s13, s12, $0x38;
	[tilespmem:$0x10700] =	vst v63  }
0x239: {  	s28 =	spop (v2sf);
	(v2sf) =	vpush v18, $0x5;
	s2 =	sand.u32 $0x1FFFFF80, s29  }
0x23a: {  	s30 =	simm.s32 $0x5D00;
	s2 =	sadd.s32 s3, s2  }
0x23b: {  	[tilespmem:s30], [sflag:$0x1] =	stream.strided.gather [hbm4b:s2+s12], $0x800, s13, s12, $0x38;
	[tilespmem:$0x10700] =	vst v63  }
0x23c: {  	s29 =	spop (v2sf);
	(v2sf) =	vpush v17, $0x5  }
0x23d: {  	p6 =	slt.s32 s28, $0x1;
	s2 =	sand.u32 $0x7F, s28;
	s30 =	sshra.s32 s28, $0x1F  }
0x23e: {  	p3 =	sne.s32 s2, $0x0;
	s30 =	sshrl.u32 s30, $0x19;
	s2 =	sand.u32 $0x7F, s29  }
0x23f: {  	p5 =	slt.s32 s29, $0x1;
	p4 =	sne.s32 s2, $0x0;
	s2 =	sshra.s32 s29, $0x1F  }
0x240: {  	s28 =	sadd.s32 s30, s28;
	s2 =	sshrl.u32 s2, $0x19;
	p1 =	por !p5, !p4  }
0x241: {  	s2 =	sadd.s32 s2, s29;
	p1 =	por !p1, !p1;
	s29 =	simm.s32 $0x1  }
0x242: {  	p0 =	por !p6, !p3;
	s2 =	sshrl.u32 s2, $0x7;
	s29 =	simm.s32 @!p1 $0x0  }
0x243: {  	p0 =	por !p0, !p0;
	s2 =	ssub.s32 s2, s29;
	s29 =	simm.s32 $0x1  }
0x244: {  	s28 =	sshrl.u32 s28, $0x7;
	s2 =	sshll.u32 s2, $0x7;
	s29 =	simm.s32 @!p0 $0x0  }
0x245: {  	s2 =	sand.u32 $0x1FFFFF80, s2;
	s28 =	ssub.s32 s28, s29  }
0x246: {  	s30 =	simm.s32 $0x2500;
	s2 =	sadd.s32 s1, s2;
	s29 =	sshll.u32 s28, $0x7  }
0x247: {  	[tilespmem:s30], [sflag:$0x1] =	stream.strided.gather [hbm4b:s2+s12], $0x800, s13, s12, $0x38;
	[tilespmem:$0x10700] =	vst v63  }
0x248: {  	s28 =	spop (v2sf);
	(v2sf) =	vpush v18, $0x6;
	s2 =	sand.u32 $0x1FFFFF80, s29  }
0x249: {  	s30 =	simm.s32 $0x6500;
	s2 =	sadd.s32 s3, s2  }
0x24a: {  	[tilespmem:s30], [sflag:$0x1] =	stream.strided.gather [hbm4b:s2+s12], $0x800, s13, s12, $0x38;
	[tilespmem:$0x10700] =	vst v63  }
0x24b: {  	s29 =	spop (v2sf);
	(v2sf) =	vpush v17, $0x6  }
0x24c: {  	p6 =	slt.s32 s28, $0x1;
	s2 =	sand.u32 $0x7F, s28;
	s30 =	sshra.s32 s28, $0x1F  }
0x24d: {  	p3 =	sne.s32 s2, $0x0;
	s30 =	sshrl.u32 s30, $0x19;
	s2 =	sand.u32 $0x7F, s29  }
0x24e: {  	p5 =	slt.s32 s29, $0x1;
	p4 =	sne.s32 s2, $0x0;
	s2 =	sshra.s32 s29, $0x1F  }
0x24f: {  	s28 =	sadd.s32 s30, s28;
	s2 =	sshrl.u32 s2, $0x19;
	p1 =	por !p5, !p4  }
0x250: {  	s2 =	sadd.s32 s2, s29;
	p1 =	por !p1, !p1;
	s29 =	simm.s32 $0x1  }
0x251: {  	p0 =	por !p6, !p3;
	s2 =	sshrl.u32 s2, $0x7;
	s29 =	simm.s32 @!p1 $0x0  }
0x252: {  	p0 =	por !p0, !p0;
	s2 =	ssub.s32 s2, s29;
	s29 =	simm.s32 $0x1  }
0x253: {  	s28 =	sshrl.u32 s28, $0x7;
	s2 =	sshll.u32 s2, $0x7;
	s29 =	simm.s32 @!p0 $0x0  }
0x254: {  	s2 =	sand.u32 $0x1FFFFF80, s2;
	s28 =	ssub.s32 s28, s29  }
0x255: {  	s30 =	simm.s32 $0x2D00;
	s2 =	sadd.s32 s1, s2;
	s29 =	sshll.u32 s28, $0x7  }
0x256: {  	[tilespmem:s30], [sflag:$0x1] =	stream.strided.gather [hbm4b:s2+s12], $0x800, s13, s12, $0x38;
	[tilespmem:$0x10700] =	vst v63  }
0x257: {  	s28 =	spop (v2sf);
	(v2sf) =	vpush v18, $0x7;
	s2 =	sand.u32 $0x1FFFFF80, s29  }
0x258: {  	s30 =	simm.s32 $0x6D00;
	s2 =	sadd.s32 s3, s2  }
0x259: {  	[tilespmem:s30], [sflag:$0x1] =	stream.strided.gather [hbm4b:s2+s12], $0x800, s13, s12, $0x38;
	[tilespmem:$0x10700] =	vst v63  }
0x25a: {  	s29 =	spop (v2sf);
	(v2sf) =	vpush v17, $0x7  }
0x25b: {  	p6 =	slt.s32 s28, $0x1;
	s2 =	sand.u32 $0x7F, s28;
	s30 =	sshra.s32 s28, $0x1F  }
0x25c: {  	p3 =	sne.s32 s2, $0x0;
	s30 =	sshrl.u32 s30, $0x19;
	s2 =	sand.u32 $0x7F, s29  }
0x25d: {  	p5 =	slt.s32 s29, $0x1;
	p4 =	sne.s32 s2, $0x0;
	s2 =	sshra.s32 s29, $0x1F  }
0x25e: {  	s28 =	sadd.s32 s30, s28;
	s2 =	sshrl.u32 s2, $0x19;
	p1 =	por !p5, !p4  }
0x25f: {  	s2 =	sadd.s32 s2, s29;
	p1 =	por !p1, !p1;
	s29 =	simm.s32 $0x1  }
0x260: {  	p0 =	por !p6, !p3;
	s2 =	sshrl.u32 s2, $0x7;
	s29 =	simm.s32 @!p1 $0x0  }
0x261: {  	p0 =	por !p0, !p0;
	s2 =	ssub.s32 s2, s29;
	s29 =	simm.s32 $0x1  }
0x262: {  	s28 =	sshrl.u32 s28, $0x7;
	s2 =	sshll.u32 s2, $0x7;
	s29 =	simm.s32 @!p0 $0x0  }
0x263: {  	s2 =	sand.u32 $0x1FFFFF80, s2;
	s28 =	ssub.s32 s28, s29  }
0x264: {  	s30 =	simm.s32 $0x3500;
	s2 =	sadd.s32 s1, s2;
	s29 =	sshll.u32 s28, $0x7  }
0x265: {  	[tilespmem:s30], [sflag:$0x1] =	stream.strided.gather [hbm4b:s2+s12], $0x800, s13, s12, $0x38;
	[tilespmem:$0x10700] =	vst v63  }
0x266: {  	s28 =	spop (v2sf);
	s2 =	sand.u32 $0x1FFFFF80, s29  }
0x267: {  	s30 =	simm.s32 $0x7500;
	p6 =	slt.s32 s28, $0x1;
	s2 =	sadd.s32 s3, s2  }
0x268: {  	[tilespmem:s30], [sflag:$0x1] =	stream.strided.gather [hbm4b:s2+s12], $0x800, s13, s12, $0x38;
	[tilespmem:$0x10700] =	vst v63  }
0x269: {  	s2 =	sand.u32 $0x7F, s28;
	s30 =	sshra.s32 s28, $0x1F;
	s29 =	spop (v2sf)  }
0x26a: {  	p3 =	sne.s32 s2, $0x0;
	s30 =	sshrl.u32 s30, $0x19;
	s2 =	sand.u32 $0x7F, s29  }
0x26b: {  	p5 =	slt.s32 s29, $0x1;
	p4 =	sne.s32 s2, $0x0;
	s2 =	sshra.s32 s29, $0x1F  }
0x26c: {  	s28 =	sadd.s32 s30, s28;
	p1 =	por !p5, !p4;
	s2 =	sshrl.u32 s2, $0x19  }
0x26d: {  	s2 =	sadd.s32 s2, s29;
	p1 =	por !p1, !p1;
	s29 =	simm.s32 $0x1  }
0x26e: {  	p0 =	por !p6, !p3;
	s29 =	simm.s32 @!p1 $0x0;
	s2 =	sshrl.u32 s2, $0x7  }
0x26f: {  	p0 =	por !p0, !p0;
	s2 =	ssub.s32 s2, s29;
	s29 =	simm.s32 $0x1  }
0x270: {  	s28 =	sshrl.u32 s28, $0x7;
	s2 =	sshll.u32 s2, $0x7;
	s29 =	simm.s32 @!p0 $0x0  }
0x271: {  	s30 =	simm.s32 $0x3D00;
	s2 =	sand.u32 $0x1FFFFF80, s2;
	s28 =	ssub.s32 s28, s29  }
.Ltmp5:
0x272: {  	s2 =	sadd.s32 s1, s2;
	s29 =	sshll.u32 s28, $0x7;
	(pc) =	sbr.rel .LBB2_4-.Ltmp5, $4  }
0x273: {  	[tilespmem:s30], [sflag:$0x1] =	stream.strided.gather [hbm4b:s2+s12], $0x800, s13, s12, $0x38;
	[tilespmem:$0x10700] =	vst v63  }
0x274: {  	s2 =	sand.u32 $0x1FFFFF80, s29  }
0x275: {  	s30 =	simm.s32 $0x7D00;
	s2 =	sadd.s32 s3, s2  }
0x276: {  	[tilespmem:s30], [sflag:$0x1] =	stream.strided.gather [hbm4b:s2+s12], $0x800, s13, s12, $0x38;
	[tilespmem:$0x10700] =	vst v63  }
.LBB2_6:
0x277: {  	_ =	sfence.sel $0x180000  }
0x278: {  	[bflag:$0x0] =	sbarrier.arrive $0xFFFF  }
0x279: {  	_ =	strace $0x90000047  }
0x27a: {  	s0 =	stileid.u32;
	[bflag:$0x2] =	sbarrier.arrive $0xFFFF  }
0x27b: {  	p0 =	sne.s32 s0, $0x0;
	s0 =	rddreg [dreg:$0x4]  }
0x27c: {  	s0 =	sadd.s32 @!p0 $0x100000, s0  }
0x27d: {  	[sflag:s0] =	ssyncadd.tile.s32 @!p0 $0x1;
	_ =	shalt  }
.Lfunc_end2:
_tile_overlayer_lowered:
.L_overlay_start_2:
0x27e: {  	(tag) =	ssettag $0x2  }
0x27f: {  	s0 =	rddreg [dreg:$0x0];
	s2 =	stileid.u32  }
0x280: {  	s1 =	rddreg [dreg:$0x1];
	p0 =	sne.s32 s2, $0x0  }
0x281: {  	s3 =	rddreg [dreg:$0x2];
	[bflag:$0x3] =	sbarrier.arrive $0xFFFF;
	s2 =	simm.s32 @!p0 $0x1C03  }
0x282: {  	[timem:s3], [sflag:s2] =	dma.local @!p0 [hbm:s0], s1  }
0x283: {  	s0 =	simm.s32 @!p0 $0x3  }
0x284: {  	_ =	swait.ge @!p0 [sflag:s0], s1  }
0x285: {  	s1 =	ssub.s32 @!p0 $0x0, s1;
	[sflag:s0] =	ssyncset.done @!p0 $0x0  }
0x286: {  	[sflag:s0] =	ssyncadd.s32 @!p0 s1  }
0x287: {  	[bflag:$0x3] =	sbarrier.arrive $0xFFFF  }
0x288: {  	_ =	shalt  }

</sc_bundles>
